<compile_context>
chip_gen: v7x
topology: tpu7x:2x2x1
jax: 0.10.2.dev20260603
libtpu: 0.0.44.dev20260713+nightly
codegen_flags: <defaults>
</compile_context>

<pallas_src>
import functools

import jax
import jax.numpy as jnp
from jax import lax
from jax.experimental import pallas as pl
from jax.experimental.pallas import tpu as pltpu
from jax.experimental.pallas import tpu_sc as plsc

N = 10000
N2 = 10008
H = 128
E = 320000
C = 80
NW = 32
P = (E // C) // NW
PSTRIDE = 128
IDXW = 32
NPH = PSTRIDE // IDXW
NSUB = 16
RPT = 624
RPT_LAST = N2 - (NSUB - 1) * RPT
BR = 1000



def _sc_aggregate(m, src2, dst2, zeros_n):
    mesh = plsc.VectorSubcoreMesh(core_axis_name="c", subcore_axis_name="s")

    @functools.partial(
        pl.kernel,
        out_type=jax.ShapeDtypeStruct((2, N2, H), jnp.float32),
        mesh=mesh,
        scratch_types=[
            pltpu.VMEM((IDXW, C), jnp.int32),
            pltpu.VMEM((IDXW, C), jnp.int32),
            pltpu.VMEM((2, C, H), jnp.float32),
            pltpu.VMEM_SHARED((N2, H), jnp.float32),
            pltpu.SemaphoreType.DMA,
        ],
    )
    def agg(m_hbm, src_hbm, dst_hbm, z_hbm, o_hbm,
            src_v, dst_v, rows_v, acc_sh, sem):
        c = lax.axis_index("c")
        s = lax.axis_index("s")
        w = s * 2 + c

        @pl.when(s < NSUB - 1)
        def _():
            pltpu.sync_copy(z_hbm.at[pl.ds(s * RPT, RPT)],
                            acc_sh.at[pl.ds(s * RPT, RPT)])

        @pl.when(s == NSUB - 1)
        def _():
            pltpu.sync_copy(z_hbm.at[pl.ds((NSUB - 1) * RPT, RPT_LAST)],
                            acc_sh.at[pl.ds((NSUB - 1) * RPT, RPT_LAST)])

        plsc.subcore_barrier()

        def step(i, b, start_next):
            pltpu.make_async_copy(
                m_hbm.at[src_v.at[i]], rows_v.at[b], sem).wait()
            pltpu.sync_copy(rows_v.at[b], acc_sh.at[dst_v.at[i]], add=True)
            if start_next:
                pltpu.async_copy(m_hbm.at[src_v.at[i + 2]], rows_v.at[b], sem)

        def phase(row0, n):
            pltpu.sync_copy(src_hbm.at[pl.ds(row0, IDXW)], src_v)
            pltpu.sync_copy(dst_hbm.at[pl.ds(row0, IDXW)], dst_v)
            pltpu.async_copy(m_hbm.at[src_v.at[0]], rows_v.at[0], sem)
            pltpu.async_copy(m_hbm.at[src_v.at[1]], rows_v.at[1], sem)

            @pl.loop(0, n - 3, step=2)
            def _(k0):
                step(k0, 0, True)
                step(k0 + 1, 1, True)

            if n % 2 == 0:
                step(n - 2, 0, False)
                step(n - 1, 1, False)
            else:
                step(n - 3, 0, True)
                step(n - 2, 1, False)
                step(n - 1, 0, False)

        for q in range(NPH):
            phase(w * PSTRIDE + q * IDXW, IDXW if q < NPH - 1 else P - (NPH - 1) * IDXW)

        plsc.subcore_barrier()

        @pl.when(s < NSUB - 1)
        def _():
            pltpu.sync_copy(acc_sh.at[pl.ds(s * RPT, RPT)],
                            o_hbm.at[c, pl.ds(s * RPT, RPT)])

        @pl.when(s == NSUB - 1)
        def _():
            pltpu.sync_copy(acc_sh.at[pl.ds((NSUB - 1) * RPT, RPT_LAST)],
                            o_hbm.at[c, pl.ds((NSUB - 1) * RPT, RPT_LAST)])

    return agg(m, src2, dst2, zeros_n)



def _sigmoid(v):
    return 1.0 / (1.0 + jnp.exp(-v))


def _dot(a, b):
    return jnp.dot(a, b, preferred_element_type=jnp.float32)


def _gru(agg, h, wih_t, whh_t, bih, bhh):
    gi = _dot(agg, wih_t) + bih
    gh = _dot(h, whh_t) + bhh
    r = _sigmoid(gi[:, 0:H] + gh[:, 0:H])
    z = _sigmoid(gi[:, H:2 * H] + gh[:, H:2 * H])
    n = jnp.tanh(gi[:, 2 * H:3 * H] + r * gh[:, 2 * H:3 * H])
    return (1.0 - z) * n + z * h


def _stage_a_body(x_ref, wt_ref, b_ref, w0_ref, h_ref, m_ref):
    h = _dot(x_ref[...], wt_ref[...]) + b_ref[...]
    h_ref[...] = h
    m_ref[...] = _dot(h, w0_ref[...])


def _stage_b_body(a0_ref, a1_ref, h_ref, wih_ref, whh_ref, bih_ref, bhh_ref,
                  w1_ref, hn_ref, m_ref):
    agg = a0_ref[0] + a1_ref[0]
    hn = _gru(agg, h_ref[...], wih_ref[...], whh_ref[...],
              bih_ref[...], bhh_ref[...])
    hn_ref[...] = hn
    m_ref[...] = _dot(hn, w1_ref[...])


def _stage_c_body(a0_ref, a1_ref, h_ref, wih_ref, whh_ref, bih_ref, bhh_ref,
                  wout_ref, bout_ref, o_ref):
    agg = a0_ref[0] + a1_ref[0]
    hn = _gru(agg, h_ref[...], wih_ref[...], whh_ref[...],
              bih_ref[...], bhh_ref[...])
    hr = jnp.maximum(hn, 0.0)
    o = _dot(hr, wout_ref[...]) + bout_ref[...]
    mx = jnp.max(o, axis=1, keepdims=True)
    lse = jnp.log(jnp.sum(jnp.exp(o - mx), axis=1, keepdims=True)) + mx
    o_ref[...] = o - lse


def _row_spec(shape3=False, which=0):
    if shape3:
        return pl.BlockSpec((1, BR, H), lambda i, _w=which: (_w, i, 0))
    return pl.BlockSpec((BR, H), lambda i: (i, 0))


def _full_spec(r, k):
    return pl.BlockSpec((r, k), lambda i: (0, 0))


def _stage_a(x, w_in_t, b_in2, w0):
    return pl.pallas_call(
        _stage_a_body,
        grid=(N // BR,),
        in_specs=[_row_spec(), _full_spec(H, H), _full_spec(1, H),
                  _full_spec(H, H)],
        out_specs=[_row_spec(), _row_spec()],
        out_shape=[jax.ShapeDtypeStruct((N, H), jnp.float32),
                   jax.ShapeDtypeStruct((N, H), jnp.float32)],
    )(x, w_in_t, b_in2, w0)


def _stage_b(parts, h, w_ih_t, w_hh_t, b_ih2, b_hh2, w1):
    return pl.pallas_call(
        _stage_b_body,
        grid=(N // BR,),
        in_specs=[_row_spec(True, 0), _row_spec(True, 1), _row_spec(),
                  _full_spec(H, 3 * H), _full_spec(H, 3 * H),
                  _full_spec(1, 3 * H), _full_spec(1, 3 * H),
                  _full_spec(H, H)],
        out_specs=[_row_spec(), _row_spec()],
        out_shape=[jax.ShapeDtypeStruct((N, H), jnp.float32),
                   jax.ShapeDtypeStruct((N, H), jnp.float32)],
    )(parts, parts, h, w_ih_t, w_hh_t, b_ih2, b_hh2, w1)


def _stage_c(parts, h, w_ih_t, w_hh_t, b_ih2, b_hh2, w_out_t, b_out2):
    return pl.pallas_call(
        _stage_c_body,
        grid=(N // BR,),
        in_specs=[_row_spec(True, 0), _row_spec(True, 1), _row_spec(),
                  _full_spec(H, 3 * H), _full_spec(H, 3 * H),
                  _full_spec(1, 3 * H), _full_spec(1, 3 * H),
                  _full_spec(H, H), _full_spec(1, H)],
        out_specs=_row_spec(),
        out_shape=jax.ShapeDtypeStruct((N, H), jnp.float32),
    )(parts, parts, h, w_ih_t, w_hh_t, b_ih2, b_hh2, w_out_t, b_out2)


def kernel(x, edge_index, w_in, b_in, ggc_w, w_ih, w_hh, b_ih, b_hh,
           w_out, b_out):
    def _chunks(v, fill):
        v3 = jnp.pad(v.reshape(NW, P, C), ((0, 0), (0, PSTRIDE - P), (0, 0)),
                     constant_values=fill)
        return v3.reshape(NW * PSTRIDE, C)

    src2 = _chunks(edge_index[0], 0)
    dst2 = _chunks(edge_index[1], N)
    zeros_n = jnp.zeros((N2, H), jnp.float32)
    w_in_t = w_in.T
    w_ih_t = w_ih.T
    w_hh_t = w_hh.T
    w_out_t = w_out.T
    b_in2 = b_in.reshape(1, H)
    b_ih2 = b_ih.reshape(1, 3 * H)
    b_hh2 = b_hh.reshape(1, 3 * H)
    b_out2 = b_out.reshape(1, H)

    h, m = _stage_a(x, w_in_t, b_in2, ggc_w[0])
    parts = _sc_aggregate(m, src2, dst2, zeros_n)
    h, m = _stage_b(parts, h, w_ih_t, w_hh_t, b_ih2, b_hh2, ggc_w[1])
    parts = _sc_aggregate(m, src2, dst2, zeros_n)
    return _stage_c(parts, h, w_ih_t, w_hh_t, b_ih2, b_hh2, w_out_t, b_out2)

# --- scband reference (transcript-rebuilt; emitter-appended) ---
"""Pipeline reference for scband-gated-gcn-43112881717639 (READ-ONLY COPY).

The authoritative reference and input builder live on the scoring server;
editing this copy changes nothing except your own understanding.
"""

import jax, jax.numpy as jnp
import numpy as np

N = 10000
E = 320000
D_IN = 128
H = 128
D_OUT = 128
L = 2


def setup_inputs(seed: int = 0) -> dict:
    key = jax.random.key(seed)
    ks = jax.random.split(key, 8)
    x = jax.random.normal(ks[0], (N, D_IN), dtype=jnp.float32)
    edge_index = jax.random.randint(ks[1], (2, E), 0, N, dtype=jnp.int32)
    w_in = jax.random.normal(ks[2], (H, D_IN), dtype=jnp.float32) * 0.05
    b_in = jnp.zeros((H,), dtype=jnp.float32)
    ggc_w = jax.random.normal(ks[3], (L, H, H), dtype=jnp.float32) * 0.05
    w_ih = jax.random.normal(ks[4], (3 * H, H), dtype=jnp.float32) * 0.05
    w_hh = jax.random.normal(ks[5], (3 * H, H), dtype=jnp.float32) * 0.05
    b_ih = jnp.zeros((3 * H,), dtype=jnp.float32)
    b_hh = jnp.zeros((3 * H,), dtype=jnp.float32)
    w_out = jax.random.normal(ks[6], (D_OUT, H), dtype=jnp.float32) * 0.05
    b_out = jnp.zeros((D_OUT,), dtype=jnp.float32)
    return {
        'x': x,
        'edge_index': edge_index,
        'w_in': w_in,
        'b_in': b_in,
        'ggc_w': ggc_w,
        'w_ih': w_ih,
        'w_hh': w_hh,
        'b_ih': b_ih,
        'b_hh': b_hh,
        'w_out': w_out,
        'b_out': b_out,
    }


def _gru_cell(inp, h, w_ih, w_hh, b_ih, b_hh):
    # torch.nn.GRUCell semantics, gate order (r, z, n)
    gi = inp @ w_ih.T + b_ih
    gh = h @ w_hh.T + b_hh
    i_r, i_z, i_n = jnp.split(gi, 3, axis=1)
    h_r, h_z, h_n = jnp.split(gh, 3, axis=1)
    r = jax.nn.sigmoid(i_r + h_r)
    z = jax.nn.sigmoid(i_z + h_z)
    n = jnp.tanh(i_n + r * h_n)
    return (1.0 - z) * n + z * h


def reference(x, edge_index, w_in, b_in, ggc_w, w_ih, w_hh, b_ih, b_hh, w_out, b_out):
    src = edge_index[0]
    dst = edge_index[1]
    # linear_in
    h = x @ w_in.T + b_in
    # GatedGraphConv: num_layers iterations of (matmul -> scatter-add aggregate -> GRU)
    for i in range(L):
        m = h @ ggc_w[i]
        msg = jnp.take(m, src, axis=0)
        agg = jax.ops.segment_sum(msg, dst, num_segments=N)
        h = _gru_cell(agg, h, w_ih, w_hh, b_ih, b_hh)
    h = jax.nn.relu(h)
    out = h @ w_out.T + b_out
    return jax.nn.log_softmax(out, axis=1)

if __name__ == "__main__":
    import jax
    _d = setup_inputs()
    print(jax.jit(kernel)(*tuple(_d.values())))

</pallas_src>

<mosaic_0001>
#map = affine_map<(d0, d1) -> (0, 0)>
#map1 = affine_map<(d0, d1) -> (0, 0, 0)>
module attributes {stable_mosaic.version = 14 : i64} {
  func.func @agg(%arg0: i32, %arg1: i32, %arg2: memref<10000x128xf32, #tpu.memory_space<hbm>>, %arg3: memref<4096x80xi32, #tpu.memory_space<hbm>>, %arg4: memref<4096x80xi32, #tpu.memory_space<hbm>>, %arg5: memref<10008x128xf32, #tpu.memory_space<hbm>>, %arg6: memref<2x10008x128xf32, #tpu.memory_space<hbm>>, %arg7: memref<32x80xi32, #tpu.memory_space<vmem>>, %arg8: memref<32x80xi32, #tpu.memory_space<vmem>>, %arg9: memref<2x80x128xf32, #tpu.memory_space<vmem>>, %arg10: memref<10008x128xf32, #tpu.memory_space<vmem_shared>>, %arg11: memref<!tpu.dma_semaphore, #tpu.memory_space<semaphore_mem>>) attributes {dimension_semantics = [#tpu.dimension_semantics<core_parallel>, #tpu.dimension_semantics<subcore_parallel>], iteration_bounds = array<i64: 2, 16>, scalar_prefetch = 0 : i64, scratch_operands = 5 : i64, tpu.core_type = #tpu.core_type<sc_vector_subcore>, window_params = [{transform_indices = #map}, {transform_indices = #map}, {transform_indices = #map}, {transform_indices = #map}, {transform_indices = #map1}]} {
    %mul3A = arith.constant 2 : i32
    %mul3A_0 = arith.muli %arg1, %mul3A : i32
    %add3A = arith.addi %mul3A_0, %arg0 : i32
    %lt3A = arith.constant 15 : i32
    %lt3A_1 = arith.cmpi slt, %arg1, %lt3A : i32
    %convert_element_type3A = arith.extui %lt3A_1 : i1 to i32
    %cond3A = arith.constant 0 : i32
    %cond3A_2 = arith.cmpi ne, %convert_element_type3A, %cond3A : i32
    scf.if %cond3A_2 {
      %mul3A_284 = arith.constant 624 : i32
      %mul3A_285 = arith.muli %arg1, %mul3A_284 : i32
      %mul3A_286 = arith.constant 624 : i32
      %mul3A_287 = arith.muli %arg1, %mul3A_286 : i32
      "tpu.region"() ({
        %run_scoped3A_288 = tpu.sem_alloc : memref<!tpu.dma_semaphore, #tpu.memory_space<semaphore_mem>>
        %dma_start3A_289 = arith.constant 0 : i32
        %dma_start3A_290 = tpu.memref_slice %arg10[%mul3A_287, %dma_start3A_289] : memref<10008x128xf32, #tpu.memory_space<vmem_shared>> -> memref<624x128xf32, #tpu.memory_space<vmem_shared>>
        %dma_start3A_291 = arith.constant 0 : i32
        %dma_start3A_292 = tpu.memref_slice %arg5[%mul3A_285, %dma_start3A_291] : memref<10008x128xf32, #tpu.memory_space<hbm>> -> memref<624x128xf32, #tpu.memory_space<hbm>>
        tpu.enqueue_dma source(%dma_start3A_292 : memref<624x128xf32, #tpu.memory_space<hbm>>) target(%dma_start3A_290 : memref<624x128xf32, #tpu.memory_space<vmem_shared>>) target_semaphore(%run_scoped3A_288 : memref<!tpu.dma_semaphore, #tpu.memory_space<semaphore_mem>>)
        %dma_wait3A_293 = arith.constant 0 : i32
        %dma_wait3A_294 = tpu.memref_slice %arg10[%mul3A_287, %dma_wait3A_293] : memref<10008x128xf32, #tpu.memory_space<vmem_shared>> -> memref<624x128xf32, #tpu.memory_space<vmem_shared>>
        %dma_wait3A_295 = arith.constant 0 : i32
        %dma_wait3A_296 = tpu.memref_slice %arg5[%mul3A_285, %dma_wait3A_295] : memref<10008x128xf32, #tpu.memory_space<hbm>> -> memref<624x128xf32, #tpu.memory_space<hbm>>
        tpu.wait_dma2 semaphore(%run_scoped3A_288 : memref<!tpu.dma_semaphore, #tpu.memory_space<semaphore_mem>>) src(%dma_wait3A_296 : memref<624x128xf32, #tpu.memory_space<hbm>>) dst(%dma_wait3A_294 : memref<624x128xf32, #tpu.memory_space<vmem_shared>>)
        tpu.yield
      }) : () -> ()
    } else {
    }
    %eq3A = arith.constant 15 : i32
    %eq3A_3 = arith.cmpi eq, %arg1, %eq3A : i32
    %convert_element_type3A_4 = arith.extui %eq3A_3 : i1 to i32
    %cond3A_5 = arith.constant 0 : i32
    %cond3A_6 = arith.cmpi ne, %convert_element_type3A_4, %cond3A_5 : i32
    scf.if %cond3A_6 {
      "tpu.region"() ({
        %run_scoped3A_284 = tpu.sem_alloc : memref<!tpu.dma_semaphore, #tpu.memory_space<semaphore_mem>>
        %dma_start3A_285 = arith.constant 9360 : i32
        %dma_start3A_286 = arith.constant 0 : i32
        %dma_start3A_287 = tpu.memref_slice %arg10[%dma_start3A_285, %dma_start3A_286] : memref<10008x128xf32, #tpu.memory_space<vmem_shared>> -> memref<648x128xf32, #tpu.memory_space<vmem_shared>>
        %dma_start3A_288 = arith.constant 9360 : i32
        %dma_start3A_289 = arith.constant 0 : i32
        %dma_start3A_290 = tpu.memref_slice %arg5[%dma_start3A_288, %dma_start3A_289] : memref<10008x128xf32, #tpu.memory_space<hbm>> -> memref<648x128xf32, #tpu.memory_space<hbm>>
        tpu.enqueue_dma source(%dma_start3A_290 : memref<648x128xf32, #tpu.memory_space<hbm>>) target(%dma_start3A_287 : memref<648x128xf32, #tpu.memory_space<vmem_shared>>) target_semaphore(%run_scoped3A_284 : memref<!tpu.dma_semaphore, #tpu.memory_space<semaphore_mem>>)
        %dma_wait3A_291 = arith.constant 9360 : i32
        %dma_wait3A_292 = arith.constant 0 : i32
        %dma_wait3A_293 = tpu.memref_slice %arg10[%dma_wait3A_291, %dma_wait3A_292] : memref<10008x128xf32, #tpu.memory_space<vmem_shared>> -> memref<648x128xf32, #tpu.memory_space<vmem_shared>>
        %dma_wait3A_294 = arith.constant 9360 : i32
        %dma_wait3A_295 = arith.constant 0 : i32
        %dma_wait3A_296 = tpu.memref_slice %arg5[%dma_wait3A_294, %dma_wait3A_295] : memref<10008x128xf32, #tpu.memory_space<hbm>> -> memref<648x128xf32, #tpu.memory_space<hbm>>
        tpu.wait_dma2 semaphore(%run_scoped3A_284 : memref<!tpu.dma_semaphore, #tpu.memory_space<semaphore_mem>>) src(%dma_wait3A_296 : memref<648x128xf32, #tpu.memory_space<hbm>>) dst(%dma_wait3A_293 : memref<648x128xf32, #tpu.memory_space<vmem_shared>>)
        tpu.yield
      }) : () -> ()
    } else {
    }
    %barrier3A = arith.constant 0 : index
    tpu.barrier barrier_id(%barrier3A)
    %mul3A_7 = arith.constant 128 : i32
    %mul3A_8 = arith.muli %add3A, %mul3A_7 : i32
    %add3A_9 = arith.constant 0 : i32
    %add3A_10 = arith.addi %mul3A_8, %add3A_9 : i32
    "tpu.region"() ({
      %run_scoped3A_284 = tpu.sem_alloc : memref<!tpu.dma_semaphore, #tpu.memory_space<semaphore_mem>>
      %dma_start3A_285 = arith.constant 0 : i32
      %dma_start3A_286 = tpu.memref_slice %arg3[%add3A_10, %dma_start3A_285] : memref<4096x80xi32, #tpu.memory_space<hbm>> -> memref<32x80xi32, #tpu.memory_space<hbm>>
      %dma_start3A_287 = arith.constant 0 : i32
      %dma_start3A_288 = tpu.memref_slice %arg3[%add3A_10, %dma_start3A_287] : memref<4096x80xi32, #tpu.memory_space<hbm>> -> memref<32x80xi32, #tpu.memory_space<hbm>>
      tpu.enqueue_dma source(%dma_start3A_288 : memref<32x80xi32, #tpu.memory_space<hbm>>) target(%arg7 : memref<32x80xi32, #tpu.memory_space<vmem>>) target_semaphore(%run_scoped3A_284 : memref<!tpu.dma_semaphore, #tpu.memory_space<semaphore_mem>>)
      %dma_wait3A_289 = arith.constant 0 : i32
      %dma_wait3A_290 = tpu.memref_slice %arg3[%add3A_10, %dma_wait3A_289] : memref<4096x80xi32, #tpu.memory_space<hbm>> -> memref<32x80xi32, #tpu.memory_space<hbm>>
      %dma_wait3A_291 = arith.constant 0 : i32
      %dma_wait3A_292 = tpu.memref_slice %arg3[%add3A_10, %dma_wait3A_291] : memref<4096x80xi32, #tpu.memory_space<hbm>> -> memref<32x80xi32, #tpu.memory_space<hbm>>
      tpu.wait_dma2 semaphore(%run_scoped3A_284 : memref<!tpu.dma_semaphore, #tpu.memory_space<semaphore_mem>>) src(%dma_wait3A_292 : memref<32x80xi32, #tpu.memory_space<hbm>>) dst(%arg7 : memref<32x80xi32, #tpu.memory_space<vmem>>)
      tpu.yield
    }) : () -> ()
    "tpu.region"() ({
      %run_scoped3A_284 = tpu.sem_alloc : memref<!tpu.dma_semaphore, #tpu.memory_space<semaphore_mem>>
      %dma_start3A_285 = arith.constant 0 : i32
      %dma_start3A_286 = tpu.memref_slice %arg4[%add3A_10, %dma_start3A_285] : memref<4096x80xi32, #tpu.memory_space<hbm>> -> memref<32x80xi32, #tpu.memory_space<hbm>>
      %dma_start3A_287 = arith.constant 0 : i32
      %dma_start3A_288 = tpu.memref_slice %arg4[%add3A_10, %dma_start3A_287] : memref<4096x80xi32, #tpu.memory_space<hbm>> -> memref<32x80xi32, #tpu.memory_space<hbm>>
      tpu.enqueue_dma source(%dma_start3A_288 : memref<32x80xi32, #tpu.memory_space<hbm>>) target(%arg8 : memref<32x80xi32, #tpu.memory_space<vmem>>) target_semaphore(%run_scoped3A_284 : memref<!tpu.dma_semaphore, #tpu.memory_space<semaphore_mem>>)
      %dma_wait3A_289 = arith.constant 0 : i32
      %dma_wait3A_290 = tpu.memref_slice %arg4[%add3A_10, %dma_wait3A_289] : memref<4096x80xi32, #tpu.memory_space<hbm>> -> memref<32x80xi32, #tpu.memory_space<hbm>>
      %dma_wait3A_291 = arith.constant 0 : i32
      %dma_wait3A_292 = tpu.memref_slice %arg4[%add3A_10, %dma_wait3A_291] : memref<4096x80xi32, #tpu.memory_space<hbm>> -> memref<32x80xi32, #tpu.memory_space<hbm>>
      tpu.wait_dma2 semaphore(%run_scoped3A_284 : memref<!tpu.dma_semaphore, #tpu.memory_space<semaphore_mem>>) src(%dma_wait3A_292 : memref<32x80xi32, #tpu.memory_space<hbm>>) dst(%arg8 : memref<32x80xi32, #tpu.memory_space<vmem>>)
      tpu.yield
    }) : () -> ()
    %dma_start3A = arith.constant 0 : i32
    %dma_start3A_11 = arith.constant 0 : i32
    %dma_start3A_12 = arith.constant 0 : i32
    %dma_start3A_13 = arith.constant 0 : i32
    %dma_start3A_14 = tpu.memref_slice %arg9[%dma_start3A_11, %dma_start3A_12, %dma_start3A_13] : memref<2x80x128xf32, #tpu.memory_space<vmem>> -> memref<1x80x128xf32, #tpu.memory_space<vmem>>
    %dma_start3A_15 = tpu.memref_squeeze %dma_start3A_14 : memref<1x80x128xf32, #tpu.memory_space<vmem>> -> memref<80x128xf32, #tpu.memory_space<vmem>>
    %dma_start3A_16 = arith.constant 0 : i32
    %dma_start3A_17 = tpu.memref_slice %arg7[%dma_start3A, %dma_start3A_16] : memref<32x80xi32, #tpu.memory_space<vmem>> -> memref<1x80xi32, #tpu.memory_space<vmem>>
    %dma_start3A_18 = tpu.memref_squeeze %dma_start3A_17 : memref<1x80xi32, #tpu.memory_space<vmem>> -> memref<80xi32, #tpu.memory_space<vmem>>
    %dma_start3A_19 = arith.constant 0 : i32
    %dma_start3A_20 = arith.constant 0 : i32
    %dma_start3A_21 = tpu.memref_slice %arg2[%dma_start3A_19, %dma_start3A_20] : memref<10000x128xf32, #tpu.memory_space<hbm>> -> memref<10000x128xf32, #tpu.memory_space<hbm>>
    tpu.enqueue_indirect_dma source(%dma_start3A_21 : memref<10000x128xf32, #tpu.memory_space<hbm>>) target(%dma_start3A_15 : memref<80x128xf32, #tpu.memory_space<vmem>>) offsets(%dma_start3A_18 : memref<80xi32, #tpu.memory_space<vmem>>) semaphore(%arg11 : memref<!tpu.dma_semaphore, #tpu.memory_space<semaphore_mem>>)
    %dma_start3A_22 = arith.constant 1 : i32
    %dma_start3A_23 = arith.constant 1 : i32
    %dma_start3A_24 = arith.constant 0 : i32
    %dma_start3A_25 = arith.constant 0 : i32
    %dma_start3A_26 = tpu.memref_slice %arg9[%dma_start3A_23, %dma_start3A_24, %dma_start3A_25] : memref<2x80x128xf32, #tpu.memory_space<vmem>> -> memref<1x80x128xf32, #tpu.memory_space<vmem>>
    %dma_start3A_27 = tpu.memref_squeeze %dma_start3A_26 : memref<1x80x128xf32, #tpu.memory_space<vmem>> -> memref<80x128xf32, #tpu.memory_space<vmem>>
    %dma_start3A_28 = arith.constant 0 : i32
    %dma_start3A_29 = tpu.memref_slice %arg7[%dma_start3A_22, %dma_start3A_28] : memref<32x80xi32, #tpu.memory_space<vmem>> -> memref<1x80xi32, #tpu.memory_space<vmem>>
    %dma_start3A_30 = tpu.memref_squeeze %dma_start3A_29 : memref<1x80xi32, #tpu.memory_space<vmem>> -> memref<80xi32, #tpu.memory_space<vmem>>
    %dma_start3A_31 = arith.constant 0 : i32
    %dma_start3A_32 = arith.constant 0 : i32
    %dma_start3A_33 = tpu.memref_slice %arg2[%dma_start3A_31, %dma_start3A_32] : memref<10000x128xf32, #tpu.memory_space<hbm>> -> memref<10000x128xf32, #tpu.memory_space<hbm>>
    tpu.enqueue_indirect_dma source(%dma_start3A_33 : memref<10000x128xf32, #tpu.memory_space<hbm>>) target(%dma_start3A_27 : memref<80x128xf32, #tpu.memory_space<vmem>>) offsets(%dma_start3A_30 : memref<80xi32, #tpu.memory_space<vmem>>) semaphore(%arg11 : memref<!tpu.dma_semaphore, #tpu.memory_space<semaphore_mem>>)
    %scan3A = arith.constant 0 : i32
    %scan3A_34 = arith.constant 15 : i32
    %scan3A_35 = arith.addi %scan3A, %scan3A_34 : i32
    %scan3A_36 = arith.constant 1 : i32
    scf.for %scan3A_284 = %scan3A to %scan3A_35 step %scan3A_36  : i32 {
      %mul3A_285 = arith.constant 2 : i32
      %mul3A_286 = arith.muli %scan3A_284, %mul3A_285 : i32
      %add3A_287 = arith.constant 0 : i32
      %add3A_288 = arith.addi %add3A_287, %mul3A_286 : i32
      %dma_wait3A_289 = arith.constant 0 : i32
      %dma_wait3A_290 = arith.constant 0 : i32
      %dma_wait3A_291 = arith.constant 0 : i32
      %dma_wait3A_292 = tpu.memref_slice %arg9[%dma_wait3A_289, %dma_wait3A_290, %dma_wait3A_291] : memref<2x80x128xf32, #tpu.memory_space<vmem>> -> memref<1x80x128xf32, #tpu.memory_space<vmem>>
      %dma_wait3A_293 = tpu.memref_squeeze %dma_wait3A_292 : memref<1x80x128xf32, #tpu.memory_space<vmem>> -> memref<80x128xf32, #tpu.memory_space<vmem>>
      %dma_wait3A_294 = arith.constant 0 : i32
      %dma_wait3A_295 = tpu.memref_slice %arg7[%add3A_288, %dma_wait3A_294] : memref<32x80xi32, #tpu.memory_space<vmem>> -> memref<1x80xi32, #tpu.memory_space<vmem>>
      %dma_wait3A_296 = tpu.memref_squeeze %dma_wait3A_295 : memref<1x80xi32, #tpu.memory_space<vmem>> -> memref<80xi32, #tpu.memory_space<vmem>>
      %dma_wait3A_297 = arith.constant 0 : i32
      %dma_wait3A_298 = arith.constant 0 : i32
      %dma_wait3A_299 = tpu.memref_slice %arg2[%dma_wait3A_297, %dma_wait3A_298] : memref<10000x128xf32, #tpu.memory_space<hbm>> -> memref<10000x128xf32, #tpu.memory_space<hbm>>
      tpu.wait_indirect_dma semaphore(%arg11 : memref<!tpu.dma_semaphore, #tpu.memory_space<semaphore_mem>>) src(%dma_wait3A_299 : memref<10000x128xf32, #tpu.memory_space<hbm>>) dst(%dma_wait3A_293 : memref<80x128xf32, #tpu.memory_space<vmem>>)
      %run_scoped3A_300 = arith.constant 0 : i32
      "tpu.region"() ({
        %run_scoped3A_341 = tpu.sem_alloc : memref<!tpu.dma_semaphore, #tpu.memory_space<semaphore_mem>>
        %dma_start3A_342 = arith.constant 0 : i32
        %dma_start3A_343 = arith.constant 0 : i32
        %dma_start3A_344 = tpu.memref_slice %arg9[%run_scoped3A_300, %dma_start3A_342, %dma_start3A_343] : memref<2x80x128xf32, #tpu.memory_space<vmem>> -> memref<1x80x128xf32, #tpu.memory_space<vmem>>
        %dma_start3A_345 = tpu.memref_squeeze %dma_start3A_344 : memref<1x80x128xf32, #tpu.memory_space<vmem>> -> memref<80x128xf32, #tpu.memory_space<vmem>>
        %dma_start3A_346 = arith.constant 0 : i32
        %dma_start3A_347 = tpu.memref_slice %arg8[%add3A_288, %dma_start3A_346] : memref<32x80xi32, #tpu.memory_space<vmem>> -> memref<1x80xi32, #tpu.memory_space<vmem>>
        %dma_start3A_348 = tpu.memref_squeeze %dma_start3A_347 : memref<1x80xi32, #tpu.memory_space<vmem>> -> memref<80xi32, #tpu.memory_space<vmem>>
        %dma_start3A_349 = arith.constant 0 : i32
        %dma_start3A_350 = arith.constant 0 : i32
        %dma_start3A_351 = tpu.memref_slice %arg10[%dma_start3A_349, %dma_start3A_350] : memref<10008x128xf32, #tpu.memory_space<vmem_shared>> -> memref<10008x128xf32, #tpu.memory_space<vmem_shared>>
        tpu.enqueue_indirect_dma source(%dma_start3A_345 : memref<80x128xf32, #tpu.memory_space<vmem>>) target(%dma_start3A_351 : memref<10008x128xf32, #tpu.memory_space<vmem_shared>>) offsets(%dma_start3A_348 : memref<80xi32, #tpu.memory_space<vmem>>) semaphore(%run_scoped3A_341 : memref<!tpu.dma_semaphore, #tpu.memory_space<semaphore_mem>>) {add = true}
        %dma_wait3A_352 = arith.constant 0 : i32
        %dma_wait3A_353 = arith.constant 0 : i32
        %dma_wait3A_354 = tpu.memref_slice %arg9[%run_scoped3A_300, %dma_wait3A_352, %dma_wait3A_353] : memref<2x80x128xf32, #tpu.memory_space<vmem>> -> memref<1x80x128xf32, #tpu.memory_space<vmem>>
        %dma_wait3A_355 = tpu.memref_squeeze %dma_wait3A_354 : memref<1x80x128xf32, #tpu.memory_space<vmem>> -> memref<80x128xf32, #tpu.memory_space<vmem>>
        %dma_wait3A_356 = arith.constant 0 : i32
        %dma_wait3A_357 = tpu.memref_slice %arg8[%add3A_288, %dma_wait3A_356] : memref<32x80xi32, #tpu.memory_space<vmem>> -> memref<1x80xi32, #tpu.memory_space<vmem>>
        %dma_wait3A_358 = tpu.memref_squeeze %dma_wait3A_357 : memref<1x80xi32, #tpu.memory_space<vmem>> -> memref<80xi32, #tpu.memory_space<vmem>>
        %dma_wait3A_359 = arith.constant 0 : i32
        %dma_wait3A_360 = arith.constant 0 : i32
        %dma_wait3A_361 = tpu.memref_slice %arg10[%dma_wait3A_359, %dma_wait3A_360] : memref<10008x128xf32, #tpu.memory_space<vmem_shared>> -> memref<10008x128xf32, #tpu.memory_space<vmem_shared>>
        tpu.wait_indirect_dma semaphore(%run_scoped3A_341 : memref<!tpu.dma_semaphore, #tpu.memory_space<semaphore_mem>>) src(%dma_wait3A_355 : memref<80x128xf32, #tpu.memory_space<vmem>>) dst(%dma_wait3A_361 : memref<10008x128xf32, #tpu.memory_space<vmem_shared>>)
        tpu.yield
      }) : () -> ()
      %add3A_301 = arith.constant 2 : i32
      %add3A_302 = arith.addi %add3A_288, %add3A_301 : i32
      %dma_start3A_303 = arith.constant 0 : i32
      %dma_start3A_304 = arith.constant 0 : i32
      %dma_start3A_305 = arith.constant 0 : i32
      %dma_start3A_306 = tpu.memref_slice %arg9[%dma_start3A_303, %dma_start3A_304, %dma_start3A_305] : memref<2x80x128xf32, #tpu.memory_space<vmem>> -> memref<1x80x128xf32, #tpu.memory_space<vmem>>
      %dma_start3A_307 = tpu.memref_squeeze %dma_start3A_306 : memref<1x80x128xf32, #tpu.memory_space<vmem>> -> memref<80x128xf32, #tpu.memory_space<vmem>>
      %dma_start3A_308 = arith.constant 0 : i32
      %dma_start3A_309 = tpu.memref_slice %arg7[%add3A_302, %dma_start3A_308] : memref<32x80xi32, #tpu.memory_space<vmem>> -> memref<1x80xi32, #tpu.memory_space<vmem>>
      %dma_start3A_310 = tpu.memref_squeeze %dma_start3A_309 : memref<1x80xi32, #tpu.memory_space<vmem>> -> memref<80xi32, #tpu.memory_space<vmem>>
      %dma_start3A_311 = arith.constant 0 : i32
      %dma_start3A_312 = arith.constant 0 : i32
      %dma_start3A_313 = tpu.memref_slice %arg2[%dma_start3A_311, %dma_start3A_312] : memref<10000x128xf32, #tpu.memory_space<hbm>> -> memref<10000x128xf32, #tpu.memory_space<hbm>>
      tpu.enqueue_indirect_dma source(%dma_start3A_313 : memref<10000x128xf32, #tpu.memory_space<hbm>>) target(%dma_start3A_307 : memref<80x128xf32, #tpu.memory_space<vmem>>) offsets(%dma_start3A_310 : memref<80xi32, #tpu.memory_space<vmem>>) semaphore(%arg11 : memref<!tpu.dma_semaphore, #tpu.memory_space<semaphore_mem>>)
      %add3A_314 = arith.constant 1 : i32
      %add3A_315 = arith.addi %add3A_288, %add3A_314 : i32
      %dma_wait3A_316 = arith.constant 1 : i32
      %dma_wait3A_317 = arith.constant 0 : i32
      %dma_wait3A_318 = arith.constant 0 : i32
      %dma_wait3A_319 = tpu.memref_slice %arg9[%dma_wait3A_316, %dma_wait3A_317, %dma_wait3A_318] : memref<2x80x128xf32, #tpu.memory_space<vmem>> -> memref<1x80x128xf32, #tpu.memory_space<vmem>>
      %dma_wait3A_320 = tpu.memref_squeeze %dma_wait3A_319 : memref<1x80x128xf32, #tpu.memory_space<vmem>> -> memref<80x128xf32, #tpu.memory_space<vmem>>
      %dma_wait3A_321 = arith.constant 0 : i32
      %dma_wait3A_322 = tpu.memref_slice %arg7[%add3A_315, %dma_wait3A_321] : memref<32x80xi32, #tpu.memory_space<vmem>> -> memref<1x80xi32, #tpu.memory_space<vmem>>
      %dma_wait3A_323 = tpu.memref_squeeze %dma_wait3A_322 : memref<1x80xi32, #tpu.memory_space<vmem>> -> memref<80xi32, #tpu.memory_space<vmem>>
      %dma_wait3A_324 = arith.constant 0 : i32
      %dma_wait3A_325 = arith.constant 0 : i32
      %dma_wait3A_326 = tpu.memref_slice %arg2[%dma_wait3A_324, %dma_wait3A_325] : memref<10000x128xf32, #tpu.memory_space<hbm>> -> memref<10000x128xf32, #tpu.memory_space<hbm>>
      tpu.wait_indirect_dma semaphore(%arg11 : memref<!tpu.dma_semaphore, #tpu.memory_space<semaphore_mem>>) src(%dma_wait3A_326 : memref<10000x128xf32, #tpu.memory_space<hbm>>) dst(%dma_wait3A_320 : memref<80x128xf32, #tpu.memory_space<vmem>>)
      %run_scoped3A_327 = arith.constant 1 : i32
      "tpu.region"() ({
        %run_scoped3A_341 = tpu.sem_alloc : memref<!tpu.dma_semaphore, #tpu.memory_space<semaphore_mem>>
        %dma_start3A_342 = arith.constant 0 : i32
        %dma_start3A_343 = arith.constant 0 : i32
        %dma_start3A_344 = tpu.memref_slice %arg9[%run_scoped3A_327, %dma_start3A_342, %dma_start3A_343] : memref<2x80x128xf32, #tpu.memory_space<vmem>> -> memref<1x80x128xf32, #tpu.memory_space<vmem>>
        %dma_start3A_345 = tpu.memref_squeeze %dma_start3A_344 : memref<1x80x128xf32, #tpu.memory_space<vmem>> -> memref<80x128xf32, #tpu.memory_space<vmem>>
        %dma_start3A_346 = arith.constant 0 : i32
        %dma_start3A_347 = tpu.memref_slice %arg8[%add3A_315, %dma_start3A_346] : memref<32x80xi32, #tpu.memory_space<vmem>> -> memref<1x80xi32, #tpu.memory_space<vmem>>
        %dma_start3A_348 = tpu.memref_squeeze %dma_start3A_347 : memref<1x80xi32, #tpu.memory_space<vmem>> -> memref<80xi32, #tpu.memory_space<vmem>>
        %dma_start3A_349 = arith.constant 0 : i32
        %dma_start3A_350 = arith.constant 0 : i32
        %dma_start3A_351 = tpu.memref_slice %arg10[%dma_start3A_349, %dma_start3A_350] : memref<10008x128xf32, #tpu.memory_space<vmem_shared>> -> memref<10008x128xf32, #tpu.memory_space<vmem_shared>>
        tpu.enqueue_indirect_dma source(%dma_start3A_345 : memref<80x128xf32, #tpu.memory_space<vmem>>) target(%dma_start3A_351 : memref<10008x128xf32, #tpu.memory_space<vmem_shared>>) offsets(%dma_start3A_348 : memref<80xi32, #tpu.memory_space<vmem>>) semaphore(%run_scoped3A_341 : memref<!tpu.dma_semaphore, #tpu.memory_space<semaphore_mem>>) {add = true}
        %dma_wait3A_352 = arith.constant 0 : i32
        %dma_wait3A_353 = arith.constant 0 : i32
        %dma_wait3A_354 = tpu.memref_slice %arg9[%run_scoped3A_327, %dma_wait3A_352, %dma_wait3A_353] : memref<2x80x128xf32, #tpu.memory_space<vmem>> -> memref<1x80x128xf32, #tpu.memory_space<vmem>>
        %dma_wait3A_355 = tpu.memref_squeeze %dma_wait3A_354 : memref<1x80x128xf32, #tpu.memory_space<vmem>> -> memref<80x128xf32, #tpu.memory_space<vmem>>
        %dma_wait3A_356 = arith.constant 0 : i32
        %dma_wait3A_357 = tpu.memref_slice %arg8[%add3A_315, %dma_wait3A_356] : memref<32x80xi32, #tpu.memory_space<vmem>> -> memref<1x80xi32, #tpu.memory_space<vmem>>
        %dma_wait3A_358 = tpu.memref_squeeze %dma_wait3A_357 : memref<1x80xi32, #tpu.memory_space<vmem>> -> memref<80xi32, #tpu.memory_space<vmem>>
        %dma_wait3A_359 = arith.constant 0 : i32
        %dma_wait3A_360 = arith.constant 0 : i32
        %dma_wait3A_361 = tpu.memref_slice %arg10[%dma_wait3A_359, %dma_wait3A_360] : memref<10008x128xf32, #tpu.memory_space<vmem_shared>> -> memref<10008x128xf32, #tpu.memory_space<vmem_shared>>
        tpu.wait_indirect_dma semaphore(%run_scoped3A_341 : memref<!tpu.dma_semaphore, #tpu.memory_space<semaphore_mem>>) src(%dma_wait3A_355 : memref<80x128xf32, #tpu.memory_space<vmem>>) dst(%dma_wait3A_361 : memref<10008x128xf32, #tpu.memory_space<vmem_shared>>)
        tpu.yield
      }) : () -> ()
      %add3A_328 = arith.constant 2 : i32
      %add3A_329 = arith.addi %add3A_315, %add3A_328 : i32
      %dma_start3A_330 = arith.constant 1 : i32
      %dma_start3A_331 = arith.constant 0 : i32
      %dma_start3A_332 = arith.constant 0 : i32
      %dma_start3A_333 = tpu.memref_slice %arg9[%dma_start3A_330, %dma_start3A_331, %dma_start3A_332] : memref<2x80x128xf32, #tpu.memory_space<vmem>> -> memref<1x80x128xf32, #tpu.memory_space<vmem>>
      %dma_start3A_334 = tpu.memref_squeeze %dma_start3A_333 : memref<1x80x128xf32, #tpu.memory_space<vmem>> -> memref<80x128xf32, #tpu.memory_space<vmem>>
      %dma_start3A_335 = arith.constant 0 : i32
      %dma_start3A_336 = tpu.memref_slice %arg7[%add3A_329, %dma_start3A_335] : memref<32x80xi32, #tpu.memory_space<vmem>> -> memref<1x80xi32, #tpu.memory_space<vmem>>
      %dma_start3A_337 = tpu.memref_squeeze %dma_start3A_336 : memref<1x80xi32, #tpu.memory_space<vmem>> -> memref<80xi32, #tpu.memory_space<vmem>>
      %dma_start3A_338 = arith.constant 0 : i32
      %dma_start3A_339 = arith.constant 0 : i32
      %dma_start3A_340 = tpu.memref_slice %arg2[%dma_start3A_338, %dma_start3A_339] : memref<10000x128xf32, #tpu.memory_space<hbm>> -> memref<10000x128xf32, #tpu.memory_space<hbm>>
      tpu.enqueue_indirect_dma source(%dma_start3A_340 : memref<10000x128xf32, #tpu.memory_space<hbm>>) target(%dma_start3A_334 : memref<80x128xf32, #tpu.memory_space<vmem>>) offsets(%dma_start3A_337 : memref<80xi32, #tpu.memory_space<vmem>>) semaphore(%arg11 : memref<!tpu.dma_semaphore, #tpu.memory_space<semaphore_mem>>)
    }
    %scan3A_37 = arith.constant 15 : i32
    %dma_wait3A = arith.constant 30 : i32
    %dma_wait3A_38 = arith.constant 0 : i32
    %dma_wait3A_39 = arith.constant 0 : i32
    %dma_wait3A_40 = arith.constant 0 : i32
    %dma_wait3A_41 = tpu.memref_slice %arg9[%dma_wait3A_38, %dma_wait3A_39, %dma_wait3A_40] : memref<2x80x128xf32, #tpu.memory_space<vmem>> -> memref<1x80x128xf32, #tpu.memory_space<vmem>>
    %dma_wait3A_42 = tpu.memref_squeeze %dma_wait3A_41 : memref<1x80x128xf32, #tpu.memory_space<vmem>> -> memref<80x128xf32, #tpu.memory_space<vmem>>
    %dma_wait3A_43 = arith.constant 0 : i32
    %dma_wait3A_44 = tpu.memref_slice %arg7[%dma_wait3A, %dma_wait3A_43] : memref<32x80xi32, #tpu.memory_space<vmem>> -> memref<1x80xi32, #tpu.memory_space<vmem>>
    %dma_wait3A_45 = tpu.memref_squeeze %dma_wait3A_44 : memref<1x80xi32, #tpu.memory_space<vmem>> -> memref<80xi32, #tpu.memory_space<vmem>>
    %dma_wait3A_46 = arith.constant 0 : i32
    %dma_wait3A_47 = arith.constant 0 : i32
    %dma_wait3A_48 = tpu.memref_slice %arg2[%dma_wait3A_46, %dma_wait3A_47] : memref<10000x128xf32, #tpu.memory_space<hbm>> -> memref<10000x128xf32, #tpu.memory_space<hbm>>
    tpu.wait_indirect_dma semaphore(%arg11 : memref<!tpu.dma_semaphore, #tpu.memory_space<semaphore_mem>>) src(%dma_wait3A_48 : memref<10000x128xf32, #tpu.memory_space<hbm>>) dst(%dma_wait3A_42 : memref<80x128xf32, #tpu.memory_space<vmem>>)
    %run_scoped3A = arith.constant 0 : i32
    %run_scoped3A_49 = arith.constant 30 : i32
    "tpu.region"() ({
      %run_scoped3A_284 = tpu.sem_alloc : memref<!tpu.dma_semaphore, #tpu.memory_space<semaphore_mem>>
      %dma_start3A_285 = arith.constant 0 : i32
      %dma_start3A_286 = arith.constant 0 : i32
      %dma_start3A_287 = tpu.memref_slice %arg9[%run_scoped3A, %dma_start3A_285, %dma_start3A_286] : memref<2x80x128xf32, #tpu.memory_space<vmem>> -> memref<1x80x128xf32, #tpu.memory_space<vmem>>
      %dma_start3A_288 = tpu.memref_squeeze %dma_start3A_287 : memref<1x80x128xf32, #tpu.memory_space<vmem>> -> memref<80x128xf32, #tpu.memory_space<vmem>>
      %dma_start3A_289 = arith.constant 0 : i32
      %dma_start3A_290 = tpu.memref_slice %arg8[%run_scoped3A_49, %dma_start3A_289] : memref<32x80xi32, #tpu.memory_space<vmem>> -> memref<1x80xi32, #tpu.memory_space<vmem>>
      %dma_start3A_291 = tpu.memref_squeeze %dma_start3A_290 : memref<1x80xi32, #tpu.memory_space<vmem>> -> memref<80xi32, #tpu.memory_space<vmem>>
      %dma_start3A_292 = arith.constant 0 : i32
      %dma_start3A_293 = arith.constant 0 : i32
      %dma_start3A_294 = tpu.memref_slice %arg10[%dma_start3A_292, %dma_start3A_293] : memref<10008x128xf32, #tpu.memory_space<vmem_shared>> -> memref<10008x128xf32, #tpu.memory_space<vmem_shared>>
      tpu.enqueue_indirect_dma source(%dma_start3A_288 : memref<80x128xf32, #tpu.memory_space<vmem>>) target(%dma_start3A_294 : memref<10008x128xf32, #tpu.memory_space<vmem_shared>>) offsets(%dma_start3A_291 : memref<80xi32, #tpu.memory_space<vmem>>) semaphore(%run_scoped3A_284 : memref<!tpu.dma_semaphore, #tpu.memory_space<semaphore_mem>>) {add = true}
      %dma_wait3A_295 = arith.constant 0 : i32
      %dma_wait3A_296 = arith.constant 0 : i32
      %dma_wait3A_297 = tpu.memref_slice %arg9[%run_scoped3A, %dma_wait3A_295, %dma_wait3A_296] : memref<2x80x128xf32, #tpu.memory_space<vmem>> -> memref<1x80x128xf32, #tpu.memory_space<vmem>>
      %dma_wait3A_298 = tpu.memref_squeeze %dma_wait3A_297 : memref<1x80x128xf32, #tpu.memory_space<vmem>> -> memref<80x128xf32, #tpu.memory_space<vmem>>
      %dma_wait3A_299 = arith.constant 0 : i32
      %dma_wait3A_300 = tpu.memref_slice %arg8[%run_scoped3A_49, %dma_wait3A_299] : memref<32x80xi32, #tpu.memory_space<vmem>> -> memref<1x80xi32, #tpu.memory_space<vmem>>
      %dma_wait3A_301 = tpu.memref_squeeze %dma_wait3A_300 : memref<1x80xi32, #tpu.memory_space<vmem>> -> memref<80xi32, #tpu.memory_space<vmem>>
      %dma_wait3A_302 = arith.constant 0 : i32
      %dma_wait3A_303 = arith.constant 0 : i32
      %dma_wait3A_304 = tpu.memref_slice %arg10[%dma_wait3A_302, %dma_wait3A_303] : memref<10008x128xf32, #tpu.memory_space<vmem_shared>> -> memref<10008x128xf32, #tpu.memory_space<vmem_shared>>
      tpu.wait_indirect_dma semaphore(%run_scoped3A_284 : memref<!tpu.dma_semaphore, #tpu.memory_space<semaphore_mem>>) src(%dma_wait3A_298 : memref<80x128xf32, #tpu.memory_space<vmem>>) dst(%dma_wait3A_304 : memref<10008x128xf32, #tpu.memory_space<vmem_shared>>)
      tpu.yield
    }) : () -> ()
    %dma_wait3A_50 = arith.constant 31 : i32
    %dma_wait3A_51 = arith.constant 1 : i32
    %dma_wait3A_52 = arith.constant 0 : i32
    %dma_wait3A_53 = arith.constant 0 : i32
    %dma_wait3A_54 = tpu.memref_slice %arg9[%dma_wait3A_51, %dma_wait3A_52, %dma_wait3A_53] : memref<2x80x128xf32, #tpu.memory_space<vmem>> -> memref<1x80x128xf32, #tpu.memory_space<vmem>>
    %dma_wait3A_55 = tpu.memref_squeeze %dma_wait3A_54 : memref<1x80x128xf32, #tpu.memory_space<vmem>> -> memref<80x128xf32, #tpu.memory_space<vmem>>
    %dma_wait3A_56 = arith.constant 0 : i32
    %dma_wait3A_57 = tpu.memref_slice %arg7[%dma_wait3A_50, %dma_wait3A_56] : memref<32x80xi32, #tpu.memory_space<vmem>> -> memref<1x80xi32, #tpu.memory_space<vmem>>
    %dma_wait3A_58 = tpu.memref_squeeze %dma_wait3A_57 : memref<1x80xi32, #tpu.memory_space<vmem>> -> memref<80xi32, #tpu.memory_space<vmem>>
    %dma_wait3A_59 = arith.constant 0 : i32
    %dma_wait3A_60 = arith.constant 0 : i32
    %dma_wait3A_61 = tpu.memref_slice %arg2[%dma_wait3A_59, %dma_wait3A_60] : memref<10000x128xf32, #tpu.memory_space<hbm>> -> memref<10000x128xf32, #tpu.memory_space<hbm>>
    tpu.wait_indirect_dma semaphore(%arg11 : memref<!tpu.dma_semaphore, #tpu.memory_space<semaphore_mem>>) src(%dma_wait3A_61 : memref<10000x128xf32, #tpu.memory_space<hbm>>) dst(%dma_wait3A_55 : memref<80x128xf32, #tpu.memory_space<vmem>>)
    %run_scoped3A_62 = arith.constant 1 : i32
    %run_scoped3A_63 = arith.constant 31 : i32
    "tpu.region"() ({
      %run_scoped3A_284 = tpu.sem_alloc : memref<!tpu.dma_semaphore, #tpu.memory_space<semaphore_mem>>
      %dma_start3A_285 = arith.constant 0 : i32
      %dma_start3A_286 = arith.constant 0 : i32
      %dma_start3A_287 = tpu.memref_slice %arg9[%run_scoped3A_62, %dma_start3A_285, %dma_start3A_286] : memref<2x80x128xf32, #tpu.memory_space<vmem>> -> memref<1x80x128xf32, #tpu.memory_space<vmem>>
      %dma_start3A_288 = tpu.memref_squeeze %dma_start3A_287 : memref<1x80x128xf32, #tpu.memory_space<vmem>> -> memref<80x128xf32, #tpu.memory_space<vmem>>
      %dma_start3A_289 = arith.constant 0 : i32
      %dma_start3A_290 = tpu.memref_slice %arg8[%run_scoped3A_63, %dma_start3A_289] : memref<32x80xi32, #tpu.memory_space<vmem>> -> memref<1x80xi32, #tpu.memory_space<vmem>>
      %dma_start3A_291 = tpu.memref_squeeze %dma_start3A_290 : memref<1x80xi32, #tpu.memory_space<vmem>> -> memref<80xi32, #tpu.memory_space<vmem>>
      %dma_start3A_292 = arith.constant 0 : i32
      %dma_start3A_293 = arith.constant 0 : i32
      %dma_start3A_294 = tpu.memref_slice %arg10[%dma_start3A_292, %dma_start3A_293] : memref<10008x128xf32, #tpu.memory_space<vmem_shared>> -> memref<10008x128xf32, #tpu.memory_space<vmem_shared>>
      tpu.enqueue_indirect_dma source(%dma_start3A_288 : memref<80x128xf32, #tpu.memory_space<vmem>>) target(%dma_start3A_294 : memref<10008x128xf32, #tpu.memory_space<vmem_shared>>) offsets(%dma_start3A_291 : memref<80xi32, #tpu.memory_space<vmem>>) semaphore(%run_scoped3A_284 : memref<!tpu.dma_semaphore, #tpu.memory_space<semaphore_mem>>) {add = true}
      %dma_wait3A_295 = arith.constant 0 : i32
      %dma_wait3A_296 = arith.constant 0 : i32
      %dma_wait3A_297 = tpu.memref_slice %arg9[%run_scoped3A_62, %dma_wait3A_295, %dma_wait3A_296] : memref<2x80x128xf32, #tpu.memory_space<vmem>> -> memref<1x80x128xf32, #tpu.memory_space<vmem>>
      %dma_wait3A_298 = tpu.memref_squeeze %dma_wait3A_297 : memref<1x80x128xf32, #tpu.memory_space<vmem>> -> memref<80x128xf32, #tpu.memory_space<vmem>>
      %dma_wait3A_299 = arith.constant 0 : i32
      %dma_wait3A_300 = tpu.memref_slice %arg8[%run_scoped3A_63, %dma_wait3A_299] : memref<32x80xi32, #tpu.memory_space<vmem>> -> memref<1x80xi32, #tpu.memory_space<vmem>>
      %dma_wait3A_301 = tpu.memref_squeeze %dma_wait3A_300 : memref<1x80xi32, #tpu.memory_space<vmem>> -> memref<80xi32, #tpu.memory_space<vmem>>
      %dma_wait3A_302 = arith.constant 0 : i32
      %dma_wait3A_303 = arith.constant 0 : i32
      %dma_wait3A_304 = tpu.memref_slice %arg10[%dma_wait3A_302, %dma_wait3A_303] : memref<10008x128xf32, #tpu.memory_space<vmem_shared>> -> memref<10008x128xf32, #tpu.memory_space<vmem_shared>>
      tpu.wait_indirect_dma semaphore(%run_scoped3A_284 : memref<!tpu.dma_semaphore, #tpu.memory_space<semaphore_mem>>) src(%dma_wait3A_298 : memref<80x128xf32, #tpu.memory_space<vmem>>) dst(%dma_wait3A_304 : memref<10008x128xf32, #tpu.memory_space<vmem_shared>>)
      tpu.yield
    }) : () -> ()
    %mul3A_64 = arith.constant 128 : i32
    %mul3A_65 = arith.muli %add3A, %mul3A_64 : i32
    %add3A_66 = arith.constant 32 : i32
    %add3A_67 = arith.addi %mul3A_65, %add3A_66 : i32
    "tpu.region"() ({
      %run_scoped3A_284 = tpu.sem_alloc : memref<!tpu.dma_semaphore, #tpu.memory_space<semaphore_mem>>
      %dma_start3A_285 = arith.constant 0 : i32
      %dma_start3A_286 = tpu.memref_slice %arg3[%add3A_67, %dma_start3A_285] : memref<4096x80xi32, #tpu.memory_space<hbm>> -> memref<32x80xi32, #tpu.memory_space<hbm>>
      %dma_start3A_287 = arith.constant 0 : i32
      %dma_start3A_288 = tpu.memref_slice %arg3[%add3A_67, %dma_start3A_287] : memref<4096x80xi32, #tpu.memory_space<hbm>> -> memref<32x80xi32, #tpu.memory_space<hbm>>
      tpu.enqueue_dma source(%dma_start3A_288 : memref<32x80xi32, #tpu.memory_space<hbm>>) target(%arg7 : memref<32x80xi32, #tpu.memory_space<vmem>>) target_semaphore(%run_scoped3A_284 : memref<!tpu.dma_semaphore, #tpu.memory_space<semaphore_mem>>)
      %dma_wait3A_289 = arith.constant 0 : i32
      %dma_wait3A_290 = tpu.memref_slice %arg3[%add3A_67, %dma_wait3A_289] : memref<4096x80xi32, #tpu.memory_space<hbm>> -> memref<32x80xi32, #tpu.memory_space<hbm>>
      %dma_wait3A_291 = arith.constant 0 : i32
      %dma_wait3A_292 = tpu.memref_slice %arg3[%add3A_67, %dma_wait3A_291] : memref<4096x80xi32, #tpu.memory_space<hbm>> -> memref<32x80xi32, #tpu.memory_space<hbm>>
      tpu.wait_dma2 semaphore(%run_scoped3A_284 : memref<!tpu.dma_semaphore, #tpu.memory_space<semaphore_mem>>) src(%dma_wait3A_292 : memref<32x80xi32, #tpu.memory_space<hbm>>) dst(%arg7 : memref<32x80xi32, #tpu.memory_space<vmem>>)
      tpu.yield
    }) : () -> ()
    "tpu.region"() ({
      %run_scoped3A_284 = tpu.sem_alloc : memref<!tpu.dma_semaphore, #tpu.memory_space<semaphore_mem>>
      %dma_start3A_285 = arith.constant 0 : i32
      %dma_start3A_286 = tpu.memref_slice %arg4[%add3A_67, %dma_start3A_285] : memref<4096x80xi32, #tpu.memory_space<hbm>> -> memref<32x80xi32, #tpu.memory_space<hbm>>
      %dma_start3A_287 = arith.constant 0 : i32
      %dma_start3A_288 = tpu.memref_slice %arg4[%add3A_67, %dma_start3A_287] : memref<4096x80xi32, #tpu.memory_space<hbm>> -> memref<32x80xi32, #tpu.memory_space<hbm>>
      tpu.enqueue_dma source(%dma_start3A_288 : memref<32x80xi32, #tpu.memory_space<hbm>>) target(%arg8 : memref<32x80xi32, #tpu.memory_space<vmem>>) target_semaphore(%run_scoped3A_284 : memref<!tpu.dma_semaphore, #tpu.memory_space<semaphore_mem>>)
      %dma_wait3A_289 = arith.constant 0 : i32
      %dma_wait3A_290 = tpu.memref_slice %arg4[%add3A_67, %dma_wait3A_289] : memref<4096x80xi32, #tpu.memory_space<hbm>> -> memref<32x80xi32, #tpu.memory_space<hbm>>
      %dma_wait3A_291 = arith.constant 0 : i32
      %dma_wait3A_292 = tpu.memref_slice %arg4[%add3A_67, %dma_wait3A_291] : memref<4096x80xi32, #tpu.memory_space<hbm>> -> memref<32x80xi32, #tpu.memory_space<hbm>>
      tpu.wait_dma2 semaphore(%run_scoped3A_284 : memref<!tpu.dma_semaphore, #tpu.memory_space<semaphore_mem>>) src(%dma_wait3A_292 : memref<32x80xi32, #tpu.memory_space<hbm>>) dst(%arg8 : memref<32x80xi32, #tpu.memory_space<vmem>>)
      tpu.yield
    }) : () -> ()
    %dma_start3A_68 = arith.constant 0 : i32
    %dma_start3A_69 = arith.constant 0 : i32
    %dma_start3A_70 = arith.constant 0 : i32
    %dma_start3A_71 = arith.constant 0 : i32
    %dma_start3A_72 = tpu.memref_slice %arg9[%dma_start3A_69, %dma_start3A_70, %dma_start3A_71] : memref<2x80x128xf32, #tpu.memory_space<vmem>> -> memref<1x80x128xf32, #tpu.memory_space<vmem>>
    %dma_start3A_73 = tpu.memref_squeeze %dma_start3A_72 : memref<1x80x128xf32, #tpu.memory_space<vmem>> -> memref<80x128xf32, #tpu.memory_space<vmem>>
    %dma_start3A_74 = arith.constant 0 : i32
    %dma_start3A_75 = tpu.memref_slice %arg7[%dma_start3A_68, %dma_start3A_74] : memref<32x80xi32, #tpu.memory_space<vmem>> -> memref<1x80xi32, #tpu.memory_space<vmem>>
    %dma_start3A_76 = tpu.memref_squeeze %dma_start3A_75 : memref<1x80xi32, #tpu.memory_space<vmem>> -> memref<80xi32, #tpu.memory_space<vmem>>
    %dma_start3A_77 = arith.constant 0 : i32
    %dma_start3A_78 = arith.constant 0 : i32
    %dma_start3A_79 = tpu.memref_slice %arg2[%dma_start3A_77, %dma_start3A_78] : memref<10000x128xf32, #tpu.memory_space<hbm>> -> memref<10000x128xf32, #tpu.memory_space<hbm>>
    tpu.enqueue_indirect_dma source(%dma_start3A_79 : memref<10000x128xf32, #tpu.memory_space<hbm>>) target(%dma_start3A_73 : memref<80x128xf32, #tpu.memory_space<vmem>>) offsets(%dma_start3A_76 : memref<80xi32, #tpu.memory_space<vmem>>) semaphore(%arg11 : memref<!tpu.dma_semaphore, #tpu.memory_space<semaphore_mem>>)
    %dma_start3A_80 = arith.constant 1 : i32
    %dma_start3A_81 = arith.constant 1 : i32
    %dma_start3A_82 = arith.constant 0 : i32
    %dma_start3A_83 = arith.constant 0 : i32
    %dma_start3A_84 = tpu.memref_slice %arg9[%dma_start3A_81, %dma_start3A_82, %dma_start3A_83] : memref<2x80x128xf32, #tpu.memory_space<vmem>> -> memref<1x80x128xf32, #tpu.memory_space<vmem>>
    %dma_start3A_85 = tpu.memref_squeeze %dma_start3A_84 : memref<1x80x128xf32, #tpu.memory_space<vmem>> -> memref<80x128xf32, #tpu.memory_space<vmem>>
    %dma_start3A_86 = arith.constant 0 : i32
    %dma_start3A_87 = tpu.memref_slice %arg7[%dma_start3A_80, %dma_start3A_86] : memref<32x80xi32, #tpu.memory_space<vmem>> -> memref<1x80xi32, #tpu.memory_space<vmem>>
    %dma_start3A_88 = tpu.memref_squeeze %dma_start3A_87 : memref<1x80xi32, #tpu.memory_space<vmem>> -> memref<80xi32, #tpu.memory_space<vmem>>
    %dma_start3A_89 = arith.constant 0 : i32
    %dma_start3A_90 = arith.constant 0 : i32
    %dma_start3A_91 = tpu.memref_slice %arg2[%dma_start3A_89, %dma_start3A_90] : memref<10000x128xf32, #tpu.memory_space<hbm>> -> memref<10000x128xf32, #tpu.memory_space<hbm>>
    tpu.enqueue_indirect_dma source(%dma_start3A_91 : memref<10000x128xf32, #tpu.memory_space<hbm>>) target(%dma_start3A_85 : memref<80x128xf32, #tpu.memory_space<vmem>>) offsets(%dma_start3A_88 : memref<80xi32, #tpu.memory_space<vmem>>) semaphore(%arg11 : memref<!tpu.dma_semaphore, #tpu.memory_space<semaphore_mem>>)
    %scan3A_92 = arith.constant 0 : i32
    %scan3A_93 = arith.constant 15 : i32
    %scan3A_94 = arith.addi %scan3A_92, %scan3A_93 : i32
    %scan3A_95 = arith.constant 1 : i32
    scf.for %scan3A_284 = %scan3A_92 to %scan3A_94 step %scan3A_95  : i32 {
      %mul3A_285 = arith.constant 2 : i32
      %mul3A_286 = arith.muli %scan3A_284, %mul3A_285 : i32
      %add3A_287 = arith.constant 0 : i32
      %add3A_288 = arith.addi %add3A_287, %mul3A_286 : i32
      %dma_wait3A_289 = arith.constant 0 : i32
      %dma_wait3A_290 = arith.constant 0 : i32
      %dma_wait3A_291 = arith.constant 0 : i32
      %dma_wait3A_292 = tpu.memref_slice %arg9[%dma_wait3A_289, %dma_wait3A_290, %dma_wait3A_291] : memref<2x80x128xf32, #tpu.memory_space<vmem>> -> memref<1x80x128xf32, #tpu.memory_space<vmem>>
      %dma_wait3A_293 = tpu.memref_squeeze %dma_wait3A_292 : memref<1x80x128xf32, #tpu.memory_space<vmem>> -> memref<80x128xf32, #tpu.memory_space<vmem>>
      %dma_wait3A_294 = arith.constant 0 : i32
      %dma_wait3A_295 = tpu.memref_slice %arg7[%add3A_288, %dma_wait3A_294] : memref<32x80xi32, #tpu.memory_space<vmem>> -> memref<1x80xi32, #tpu.memory_space<vmem>>
      %dma_wait3A_296 = tpu.memref_squeeze %dma_wait3A_295 : memref<1x80xi32, #tpu.memory_space<vmem>> -> memref<80xi32, #tpu.memory_space<vmem>>
      %dma_wait3A_297 = arith.constant 0 : i32
      %dma_wait3A_298 = arith.constant 0 : i32
      %dma_wait3A_299 = tpu.memref_slice %arg2[%dma_wait3A_297, %dma_wait3A_298] : memref<10000x128xf32, #tpu.memory_space<hbm>> -> memref<10000x128xf32, #tpu.memory_space<hbm>>
      tpu.wait_indirect_dma semaphore(%arg11 : memref<!tpu.dma_semaphore, #tpu.memory_space<semaphore_mem>>) src(%dma_wait3A_299 : memref<10000x128xf32, #tpu.memory_space<hbm>>) dst(%dma_wait3A_293 : memref<80x128xf32, #tpu.memory_space<vmem>>)
      %run_scoped3A_300 = arith.constant 0 : i32
      "tpu.region"() ({
        %run_scoped3A_341 = tpu.sem_alloc : memref<!tpu.dma_semaphore, #tpu.memory_space<semaphore_mem>>
        %dma_start3A_342 = arith.constant 0 : i32
        %dma_start3A_343 = arith.constant 0 : i32
        %dma_start3A_344 = tpu.memref_slice %arg9[%run_scoped3A_300, %dma_start3A_342, %dma_start3A_343] : memref<2x80x128xf32, #tpu.memory_space<vmem>> -> memref<1x80x128xf32, #tpu.memory_space<vmem>>
        %dma_start3A_345 = tpu.memref_squeeze %dma_start3A_344 : memref<1x80x128xf32, #tpu.memory_space<vmem>> -> memref<80x128xf32, #tpu.memory_space<vmem>>
        %dma_start3A_346 = arith.constant 0 : i32
        %dma_start3A_347 = tpu.memref_slice %arg8[%add3A_288, %dma_start3A_346] : memref<32x80xi32, #tpu.memory_space<vmem>> -> memref<1x80xi32, #tpu.memory_space<vmem>>
        %dma_start3A_348 = tpu.memref_squeeze %dma_start3A_347 : memref<1x80xi32, #tpu.memory_space<vmem>> -> memref<80xi32, #tpu.memory_space<vmem>>
        %dma_start3A_349 = arith.constant 0 : i32
        %dma_start3A_350 = arith.constant 0 : i32
        %dma_start3A_351 = tpu.memref_slice %arg10[%dma_start3A_349, %dma_start3A_350] : memref<10008x128xf32, #tpu.memory_space<vmem_shared>> -> memref<10008x128xf32, #tpu.memory_space<vmem_shared>>
        tpu.enqueue_indirect_dma source(%dma_start3A_345 : memref<80x128xf32, #tpu.memory_space<vmem>>) target(%dma_start3A_351 : memref<10008x128xf32, #tpu.memory_space<vmem_shared>>) offsets(%dma_start3A_348 : memref<80xi32, #tpu.memory_space<vmem>>) semaphore(%run_scoped3A_341 : memref<!tpu.dma_semaphore, #tpu.memory_space<semaphore_mem>>) {add = true}
        %dma_wait3A_352 = arith.constant 0 : i32
        %dma_wait3A_353 = arith.constant 0 : i32
        %dma_wait3A_354 = tpu.memref_slice %arg9[%run_scoped3A_300, %dma_wait3A_352, %dma_wait3A_353] : memref<2x80x128xf32, #tpu.memory_space<vmem>> -> memref<1x80x128xf32, #tpu.memory_space<vmem>>
        %dma_wait3A_355 = tpu.memref_squeeze %dma_wait3A_354 : memref<1x80x128xf32, #tpu.memory_space<vmem>> -> memref<80x128xf32, #tpu.memory_space<vmem>>
        %dma_wait3A_356 = arith.constant 0 : i32
        %dma_wait3A_357 = tpu.memref_slice %arg8[%add3A_288, %dma_wait3A_356] : memref<32x80xi32, #tpu.memory_space<vmem>> -> memref<1x80xi32, #tpu.memory_space<vmem>>
        %dma_wait3A_358 = tpu.memref_squeeze %dma_wait3A_357 : memref<1x80xi32, #tpu.memory_space<vmem>> -> memref<80xi32, #tpu.memory_space<vmem>>
        %dma_wait3A_359 = arith.constant 0 : i32
        %dma_wait3A_360 = arith.constant 0 : i32
        %dma_wait3A_361 = tpu.memref_slice %arg10[%dma_wait3A_359, %dma_wait3A_360] : memref<10008x128xf32, #tpu.memory_space<vmem_shared>> -> memref<10008x128xf32, #tpu.memory_space<vmem_shared>>
        tpu.wait_indirect_dma semaphore(%run_scoped3A_341 : memref<!tpu.dma_semaphore, #tpu.memory_space<semaphore_mem>>) src(%dma_wait3A_355 : memref<80x128xf32, #tpu.memory_space<vmem>>) dst(%dma_wait3A_361 : memref<10008x128xf32, #tpu.memory_space<vmem_shared>>)
        tpu.yield
      }) : () -> ()
      %add3A_301 = arith.constant 2 : i32
      %add3A_302 = arith.addi %add3A_288, %add3A_301 : i32
      %dma_start3A_303 = arith.constant 0 : i32
      %dma_start3A_304 = arith.constant 0 : i32
      %dma_start3A_305 = arith.constant 0 : i32
      %dma_start3A_306 = tpu.memref_slice %arg9[%dma_start3A_303, %dma_start3A_304, %dma_start3A_305] : memref<2x80x128xf32, #tpu.memory_space<vmem>> -> memref<1x80x128xf32, #tpu.memory_space<vmem>>
      %dma_start3A_307 = tpu.memref_squeeze %dma_start3A_306 : memref<1x80x128xf32, #tpu.memory_space<vmem>> -> memref<80x128xf32, #tpu.memory_space<vmem>>
      %dma_start3A_308 = arith.constant 0 : i32
      %dma_start3A_309 = tpu.memref_slice %arg7[%add3A_302, %dma_start3A_308] : memref<32x80xi32, #tpu.memory_space<vmem>> -> memref<1x80xi32, #tpu.memory_space<vmem>>
      %dma_start3A_310 = tpu.memref_squeeze %dma_start3A_309 : memref<1x80xi32, #tpu.memory_space<vmem>> -> memref<80xi32, #tpu.memory_space<vmem>>
      %dma_start3A_311 = arith.constant 0 : i32
      %dma_start3A_312 = arith.constant 0 : i32
      %dma_start3A_313 = tpu.memref_slice %arg2[%dma_start3A_311, %dma_start3A_312] : memref<10000x128xf32, #tpu.memory_space<hbm>> -> memref<10000x128xf32, #tpu.memory_space<hbm>>
      tpu.enqueue_indirect_dma source(%dma_start3A_313 : memref<10000x128xf32, #tpu.memory_space<hbm>>) target(%dma_start3A_307 : memref<80x128xf32, #tpu.memory_space<vmem>>) offsets(%dma_start3A_310 : memref<80xi32, #tpu.memory_space<vmem>>) semaphore(%arg11 : memref<!tpu.dma_semaphore, #tpu.memory_space<semaphore_mem>>)
      %add3A_314 = arith.constant 1 : i32
      %add3A_315 = arith.addi %add3A_288, %add3A_314 : i32
      %dma_wait3A_316 = arith.constant 1 : i32
      %dma_wait3A_317 = arith.constant 0 : i32
      %dma_wait3A_318 = arith.constant 0 : i32
      %dma_wait3A_319 = tpu.memref_slice %arg9[%dma_wait3A_316, %dma_wait3A_317, %dma_wait3A_318] : memref<2x80x128xf32, #tpu.memory_space<vmem>> -> memref<1x80x128xf32, #tpu.memory_space<vmem>>
      %dma_wait3A_320 = tpu.memref_squeeze %dma_wait3A_319 : memref<1x80x128xf32, #tpu.memory_space<vmem>> -> memref<80x128xf32, #tpu.memory_space<vmem>>
      %dma_wait3A_321 = arith.constant 0 : i32
      %dma_wait3A_322 = tpu.memref_slice %arg7[%add3A_315, %dma_wait3A_321] : memref<32x80xi32, #tpu.memory_space<vmem>> -> memref<1x80xi32, #tpu.memory_space<vmem>>
      %dma_wait3A_323 = tpu.memref_squeeze %dma_wait3A_322 : memref<1x80xi32, #tpu.memory_space<vmem>> -> memref<80xi32, #tpu.memory_space<vmem>>
      %dma_wait3A_324 = arith.constant 0 : i32
      %dma_wait3A_325 = arith.constant 0 : i32
      %dma_wait3A_326 = tpu.memref_slice %arg2[%dma_wait3A_324, %dma_wait3A_325] : memref<10000x128xf32, #tpu.memory_space<hbm>> -> memref<10000x128xf32, #tpu.memory_space<hbm>>
      tpu.wait_indirect_dma semaphore(%arg11 : memref<!tpu.dma_semaphore, #tpu.memory_space<semaphore_mem>>) src(%dma_wait3A_326 : memref<10000x128xf32, #tpu.memory_space<hbm>>) dst(%dma_wait3A_320 : memref<80x128xf32, #tpu.memory_space<vmem>>)
      %run_scoped3A_327 = arith.constant 1 : i32
      "tpu.region"() ({
        %run_scoped3A_341 = tpu.sem_alloc : memref<!tpu.dma_semaphore, #tpu.memory_space<semaphore_mem>>
        %dma_start3A_342 = arith.constant 0 : i32
        %dma_start3A_343 = arith.constant 0 : i32
        %dma_start3A_344 = tpu.memref_slice %arg9[%run_scoped3A_327, %dma_start3A_342, %dma_start3A_343] : memref<2x80x128xf32, #tpu.memory_space<vmem>> -> memref<1x80x128xf32, #tpu.memory_space<vmem>>
        %dma_start3A_345 = tpu.memref_squeeze %dma_start3A_344 : memref<1x80x128xf32, #tpu.memory_space<vmem>> -> memref<80x128xf32, #tpu.memory_space<vmem>>
        %dma_start3A_346 = arith.constant 0 : i32
        %dma_start3A_347 = tpu.memref_slice %arg8[%add3A_315, %dma_start3A_346] : memref<32x80xi32, #tpu.memory_space<vmem>> -> memref<1x80xi32, #tpu.memory_space<vmem>>
        %dma_start3A_348 = tpu.memref_squeeze %dma_start3A_347 : memref<1x80xi32, #tpu.memory_space<vmem>> -> memref<80xi32, #tpu.memory_space<vmem>>
        %dma_start3A_349 = arith.constant 0 : i32
        %dma_start3A_350 = arith.constant 0 : i32
        %dma_start3A_351 = tpu.memref_slice %arg10[%dma_start3A_349, %dma_start3A_350] : memref<10008x128xf32, #tpu.memory_space<vmem_shared>> -> memref<10008x128xf32, #tpu.memory_space<vmem_shared>>
        tpu.enqueue_indirect_dma source(%dma_start3A_345 : memref<80x128xf32, #tpu.memory_space<vmem>>) target(%dma_start3A_351 : memref<10008x128xf32, #tpu.memory_space<vmem_shared>>) offsets(%dma_start3A_348 : memref<80xi32, #tpu.memory_space<vmem>>) semaphore(%run_scoped3A_341 : memref<!tpu.dma_semaphore, #tpu.memory_space<semaphore_mem>>) {add = true}
        %dma_wait3A_352 = arith.constant 0 : i32
        %dma_wait3A_353 = arith.constant 0 : i32
        %dma_wait3A_354 = tpu.memref_slice %arg9[%run_scoped3A_327, %dma_wait3A_352, %dma_wait3A_353] : memref<2x80x128xf32, #tpu.memory_space<vmem>> -> memref<1x80x128xf32, #tpu.memory_space<vmem>>
        %dma_wait3A_355 = tpu.memref_squeeze %dma_wait3A_354 : memref<1x80x128xf32, #tpu.memory_space<vmem>> -> memref<80x128xf32, #tpu.memory_space<vmem>>
        %dma_wait3A_356 = arith.constant 0 : i32
        %dma_wait3A_357 = tpu.memref_slice %arg8[%add3A_315, %dma_wait3A_356] : memref<32x80xi32, #tpu.memory_space<vmem>> -> memref<1x80xi32, #tpu.memory_space<vmem>>
        %dma_wait3A_358 = tpu.memref_squeeze %dma_wait3A_357 : memref<1x80xi32, #tpu.memory_space<vmem>> -> memref<80xi32, #tpu.memory_space<vmem>>
        %dma_wait3A_359 = arith.constant 0 : i32
        %dma_wait3A_360 = arith.constant 0 : i32
        %dma_wait3A_361 = tpu.memref_slice %arg10[%dma_wait3A_359, %dma_wait3A_360] : memref<10008x128xf32, #tpu.memory_space<vmem_shared>> -> memref<10008x128xf32, #tpu.memory_space<vmem_shared>>
        tpu.wait_indirect_dma semaphore(%run_scoped3A_341 : memref<!tpu.dma_semaphore, #tpu.memory_space<semaphore_mem>>) src(%dma_wait3A_355 : memref<80x128xf32, #tpu.memory_space<vmem>>) dst(%dma_wait3A_361 : memref<10008x128xf32, #tpu.memory_space<vmem_shared>>)
        tpu.yield
      }) : () -> ()
      %add3A_328 = arith.constant 2 : i32
      %add3A_329 = arith.addi %add3A_315, %add3A_328 : i32
      %dma_start3A_330 = arith.constant 1 : i32
      %dma_start3A_331 = arith.constant 0 : i32
      %dma_start3A_332 = arith.constant 0 : i32
      %dma_start3A_333 = tpu.memref_slice %arg9[%dma_start3A_330, %dma_start3A_331, %dma_start3A_332] : memref<2x80x128xf32, #tpu.memory_space<vmem>> -> memref<1x80x128xf32, #tpu.memory_space<vmem>>
      %dma_start3A_334 = tpu.memref_squeeze %dma_start3A_333 : memref<1x80x128xf32, #tpu.memory_space<vmem>> -> memref<80x128xf32, #tpu.memory_space<vmem>>
      %dma_start3A_335 = arith.constant 0 : i32
      %dma_start3A_336 = tpu.memref_slice %arg7[%add3A_329, %dma_start3A_335] : memref<32x80xi32, #tpu.memory_space<vmem>> -> memref<1x80xi32, #tpu.memory_space<vmem>>
      %dma_start3A_337 = tpu.memref_squeeze %dma_start3A_336 : memref<1x80xi32, #tpu.memory_space<vmem>> -> memref<80xi32, #tpu.memory_space<vmem>>
      %dma_start3A_338 = arith.constant 0 : i32
      %dma_start3A_339 = arith.constant 0 : i32
      %dma_start3A_340 = tpu.memref_slice %arg2[%dma_start3A_338, %dma_start3A_339] : memref<10000x128xf32, #tpu.memory_space<hbm>> -> memref<10000x128xf32, #tpu.memory_space<hbm>>
      tpu.enqueue_indirect_dma source(%dma_start3A_340 : memref<10000x128xf32, #tpu.memory_space<hbm>>) target(%dma_start3A_334 : memref<80x128xf32, #tpu.memory_space<vmem>>) offsets(%dma_start3A_337 : memref<80xi32, #tpu.memory_space<vmem>>) semaphore(%arg11 : memref<!tpu.dma_semaphore, #tpu.memory_space<semaphore_mem>>)
    }
    %scan3A_96 = arith.constant 15 : i32
    %dma_wait3A_97 = arith.constant 30 : i32
    %dma_wait3A_98 = arith.constant 0 : i32
    %dma_wait3A_99 = arith.constant 0 : i32
    %dma_wait3A_100 = arith.constant 0 : i32
    %dma_wait3A_101 = tpu.memref_slice %arg9[%dma_wait3A_98, %dma_wait3A_99, %dma_wait3A_100] : memref<2x80x128xf32, #tpu.memory_space<vmem>> -> memref<1x80x128xf32, #tpu.memory_space<vmem>>
    %dma_wait3A_102 = tpu.memref_squeeze %dma_wait3A_101 : memref<1x80x128xf32, #tpu.memory_space<vmem>> -> memref<80x128xf32, #tpu.memory_space<vmem>>
    %dma_wait3A_103 = arith.constant 0 : i32
    %dma_wait3A_104 = tpu.memref_slice %arg7[%dma_wait3A_97, %dma_wait3A_103] : memref<32x80xi32, #tpu.memory_space<vmem>> -> memref<1x80xi32, #tpu.memory_space<vmem>>
    %dma_wait3A_105 = tpu.memref_squeeze %dma_wait3A_104 : memref<1x80xi32, #tpu.memory_space<vmem>> -> memref<80xi32, #tpu.memory_space<vmem>>
    %dma_wait3A_106 = arith.constant 0 : i32
    %dma_wait3A_107 = arith.constant 0 : i32
    %dma_wait3A_108 = tpu.memref_slice %arg2[%dma_wait3A_106, %dma_wait3A_107] : memref<10000x128xf32, #tpu.memory_space<hbm>> -> memref<10000x128xf32, #tpu.memory_space<hbm>>
    tpu.wait_indirect_dma semaphore(%arg11 : memref<!tpu.dma_semaphore, #tpu.memory_space<semaphore_mem>>) src(%dma_wait3A_108 : memref<10000x128xf32, #tpu.memory_space<hbm>>) dst(%dma_wait3A_102 : memref<80x128xf32, #tpu.memory_space<vmem>>)
    %run_scoped3A_109 = arith.constant 0 : i32
    %run_scoped3A_110 = arith.constant 30 : i32
    "tpu.region"() ({
      %run_scoped3A_284 = tpu.sem_alloc : memref<!tpu.dma_semaphore, #tpu.memory_space<semaphore_mem>>
      %dma_start3A_285 = arith.constant 0 : i32
      %dma_start3A_286 = arith.constant 0 : i32
      %dma_start3A_287 = tpu.memref_slice %arg9[%run_scoped3A_109, %dma_start3A_285, %dma_start3A_286] : memref<2x80x128xf32, #tpu.memory_space<vmem>> -> memref<1x80x128xf32, #tpu.memory_space<vmem>>
      %dma_start3A_288 = tpu.memref_squeeze %dma_start3A_287 : memref<1x80x128xf32, #tpu.memory_space<vmem>> -> memref<80x128xf32, #tpu.memory_space<vmem>>
      %dma_start3A_289 = arith.constant 0 : i32
      %dma_start3A_290 = tpu.memref_slice %arg8[%run_scoped3A_110, %dma_start3A_289] : memref<32x80xi32, #tpu.memory_space<vmem>> -> memref<1x80xi32, #tpu.memory_space<vmem>>
      %dma_start3A_291 = tpu.memref_squeeze %dma_start3A_290 : memref<1x80xi32, #tpu.memory_space<vmem>> -> memref<80xi32, #tpu.memory_space<vmem>>
      %dma_start3A_292 = arith.constant 0 : i32
      %dma_start3A_293 = arith.constant 0 : i32
      %dma_start3A_294 = tpu.memref_slice %arg10[%dma_start3A_292, %dma_start3A_293] : memref<10008x128xf32, #tpu.memory_space<vmem_shared>> -> memref<10008x128xf32, #tpu.memory_space<vmem_shared>>
      tpu.enqueue_indirect_dma source(%dma_start3A_288 : memref<80x128xf32, #tpu.memory_space<vmem>>) target(%dma_start3A_294 : memref<10008x128xf32, #tpu.memory_space<vmem_shared>>) offsets(%dma_start3A_291 : memref<80xi32, #tpu.memory_space<vmem>>) semaphore(%run_scoped3A_284 : memref<!tpu.dma_semaphore, #tpu.memory_space<semaphore_mem>>) {add = true}
      %dma_wait3A_295 = arith.constant 0 : i32
      %dma_wait3A_296 = arith.constant 0 : i32
      %dma_wait3A_297 = tpu.memref_slice %arg9[%run_scoped3A_109, %dma_wait3A_295, %dma_wait3A_296] : memref<2x80x128xf32, #tpu.memory_space<vmem>> -> memref<1x80x128xf32, #tpu.memory_space<vmem>>
      %dma_wait3A_298 = tpu.memref_squeeze %dma_wait3A_297 : memref<1x80x128xf32, #tpu.memory_space<vmem>> -> memref<80x128xf32, #tpu.memory_space<vmem>>
      %dma_wait3A_299 = arith.constant 0 : i32
      %dma_wait3A_300 = tpu.memref_slice %arg8[%run_scoped3A_110, %dma_wait3A_299] : memref<32x80xi32, #tpu.memory_space<vmem>> -> memref<1x80xi32, #tpu.memory_space<vmem>>
      %dma_wait3A_301 = tpu.memref_squeeze %dma_wait3A_300 : memref<1x80xi32, #tpu.memory_space<vmem>> -> memref<80xi32, #tpu.memory_space<vmem>>
      %dma_wait3A_302 = arith.constant 0 : i32
      %dma_wait3A_303 = arith.constant 0 : i32
      %dma_wait3A_304 = tpu.memref_slice %arg10[%dma_wait3A_302, %dma_wait3A_303] : memref<10008x128xf32, #tpu.memory_space<vmem_shared>> -> memref<10008x128xf32, #tpu.memory_space<vmem_shared>>
      tpu.wait_indirect_dma semaphore(%run_scoped3A_284 : memref<!tpu.dma_semaphore, #tpu.memory_space<semaphore_mem>>) src(%dma_wait3A_298 : memref<80x128xf32, #tpu.memory_space<vmem>>) dst(%dma_wait3A_304 : memref<10008x128xf32, #tpu.memory_space<vmem_shared>>)
      tpu.yield
    }) : () -> ()
    %dma_wait3A_111 = arith.constant 31 : i32
    %dma_wait3A_112 = arith.constant 1 : i32
    %dma_wait3A_113 = arith.constant 0 : i32
    %dma_wait3A_114 = arith.constant 0 : i32
    %dma_wait3A_115 = tpu.memref_slice %arg9[%dma_wait3A_112, %dma_wait3A_113, %dma_wait3A_114] : memref<2x80x128xf32, #tpu.memory_space<vmem>> -> memref<1x80x128xf32, #tpu.memory_space<vmem>>
    %dma_wait3A_116 = tpu.memref_squeeze %dma_wait3A_115 : memref<1x80x128xf32, #tpu.memory_space<vmem>> -> memref<80x128xf32, #tpu.memory_space<vmem>>
    %dma_wait3A_117 = arith.constant 0 : i32
    %dma_wait3A_118 = tpu.memref_slice %arg7[%dma_wait3A_111, %dma_wait3A_117] : memref<32x80xi32, #tpu.memory_space<vmem>> -> memref<1x80xi32, #tpu.memory_space<vmem>>
    %dma_wait3A_119 = tpu.memref_squeeze %dma_wait3A_118 : memref<1x80xi32, #tpu.memory_space<vmem>> -> memref<80xi32, #tpu.memory_space<vmem>>
    %dma_wait3A_120 = arith.constant 0 : i32
    %dma_wait3A_121 = arith.constant 0 : i32
    %dma_wait3A_122 = tpu.memref_slice %arg2[%dma_wait3A_120, %dma_wait3A_121] : memref<10000x128xf32, #tpu.memory_space<hbm>> -> memref<10000x128xf32, #tpu.memory_space<hbm>>
    tpu.wait_indirect_dma semaphore(%arg11 : memref<!tpu.dma_semaphore, #tpu.memory_space<semaphore_mem>>) src(%dma_wait3A_122 : memref<10000x128xf32, #tpu.memory_space<hbm>>) dst(%dma_wait3A_116 : memref<80x128xf32, #tpu.memory_space<vmem>>)
    %run_scoped3A_123 = arith.constant 1 : i32
    %run_scoped3A_124 = arith.constant 31 : i32
    "tpu.region"() ({
      %run_scoped3A_284 = tpu.sem_alloc : memref<!tpu.dma_semaphore, #tpu.memory_space<semaphore_mem>>
      %dma_start3A_285 = arith.constant 0 : i32
      %dma_start3A_286 = arith.constant 0 : i32
      %dma_start3A_287 = tpu.memref_slice %arg9[%run_scoped3A_123, %dma_start3A_285, %dma_start3A_286] : memref<2x80x128xf32, #tpu.memory_space<vmem>> -> memref<1x80x128xf32, #tpu.memory_space<vmem>>
      %dma_start3A_288 = tpu.memref_squeeze %dma_start3A_287 : memref<1x80x128xf32, #tpu.memory_space<vmem>> -> memref<80x128xf32, #tpu.memory_space<vmem>>
      %dma_start3A_289 = arith.constant 0 : i32
      %dma_start3A_290 = tpu.memref_slice %arg8[%run_scoped3A_124, %dma_start3A_289] : memref<32x80xi32, #tpu.memory_space<vmem>> -> memref<1x80xi32, #tpu.memory_space<vmem>>
      %dma_start3A_291 = tpu.memref_squeeze %dma_start3A_290 : memref<1x80xi32, #tpu.memory_space<vmem>> -> memref<80xi32, #tpu.memory_space<vmem>>
      %dma_start3A_292 = arith.constant 0 : i32
      %dma_start3A_293 = arith.constant 0 : i32
      %dma_start3A_294 = tpu.memref_slice %arg10[%dma_start3A_292, %dma_start3A_293] : memref<10008x128xf32, #tpu.memory_space<vmem_shared>> -> memref<10008x128xf32, #tpu.memory_space<vmem_shared>>
      tpu.enqueue_indirect_dma source(%dma_start3A_288 : memref<80x128xf32, #tpu.memory_space<vmem>>) target(%dma_start3A_294 : memref<10008x128xf32, #tpu.memory_space<vmem_shared>>) offsets(%dma_start3A_291 : memref<80xi32, #tpu.memory_space<vmem>>) semaphore(%run_scoped3A_284 : memref<!tpu.dma_semaphore, #tpu.memory_space<semaphore_mem>>) {add = true}
      %dma_wait3A_295 = arith.constant 0 : i32
      %dma_wait3A_296 = arith.constant 0 : i32
      %dma_wait3A_297 = tpu.memref_slice %arg9[%run_scoped3A_123, %dma_wait3A_295, %dma_wait3A_296] : memref<2x80x128xf32, #tpu.memory_space<vmem>> -> memref<1x80x128xf32, #tpu.memory_space<vmem>>
      %dma_wait3A_298 = tpu.memref_squeeze %dma_wait3A_297 : memref<1x80x128xf32, #tpu.memory_space<vmem>> -> memref<80x128xf32, #tpu.memory_space<vmem>>
      %dma_wait3A_299 = arith.constant 0 : i32
      %dma_wait3A_300 = tpu.memref_slice %arg8[%run_scoped3A_124, %dma_wait3A_299] : memref<32x80xi32, #tpu.memory_space<vmem>> -> memref<1x80xi32, #tpu.memory_space<vmem>>
      %dma_wait3A_301 = tpu.memref_squeeze %dma_wait3A_300 : memref<1x80xi32, #tpu.memory_space<vmem>> -> memref<80xi32, #tpu.memory_space<vmem>>
      %dma_wait3A_302 = arith.constant 0 : i32
      %dma_wait3A_303 = arith.constant 0 : i32
      %dma_wait3A_304 = tpu.memref_slice %arg10[%dma_wait3A_302, %dma_wait3A_303] : memref<10008x128xf32, #tpu.memory_space<vmem_shared>> -> memref<10008x128xf32, #tpu.memory_space<vmem_shared>>
      tpu.wait_indirect_dma semaphore(%run_scoped3A_284 : memref<!tpu.dma_semaphore, #tpu.memory_space<semaphore_mem>>) src(%dma_wait3A_298 : memref<80x128xf32, #tpu.memory_space<vmem>>) dst(%dma_wait3A_304 : memref<10008x128xf32, #tpu.memory_space<vmem_shared>>)
      tpu.yield
    }) : () -> ()
    %mul3A_125 = arith.constant 128 : i32
    %mul3A_126 = arith.muli %add3A, %mul3A_125 : i32
    %add3A_127 = arith.constant 64 : i32
    %add3A_128 = arith.addi %mul3A_126, %add3A_127 : i32
    "tpu.region"() ({
      %run_scoped3A_284 = tpu.sem_alloc : memref<!tpu.dma_semaphore, #tpu.memory_space<semaphore_mem>>
      %dma_start3A_285 = arith.constant 0 : i32
      %dma_start3A_286 = tpu.memref_slice %arg3[%add3A_128, %dma_start3A_285] : memref<4096x80xi32, #tpu.memory_space<hbm>> -> memref<32x80xi32, #tpu.memory_space<hbm>>
      %dma_start3A_287 = arith.constant 0 : i32
      %dma_start3A_288 = tpu.memref_slice %arg3[%add3A_128, %dma_start3A_287] : memref<4096x80xi32, #tpu.memory_space<hbm>> -> memref<32x80xi32, #tpu.memory_space<hbm>>
      tpu.enqueue_dma source(%dma_start3A_288 : memref<32x80xi32, #tpu.memory_space<hbm>>) target(%arg7 : memref<32x80xi32, #tpu.memory_space<vmem>>) target_semaphore(%run_scoped3A_284 : memref<!tpu.dma_semaphore, #tpu.memory_space<semaphore_mem>>)
      %dma_wait3A_289 = arith.constant 0 : i32
      %dma_wait3A_290 = tpu.memref_slice %arg3[%add3A_128, %dma_wait3A_289] : memref<4096x80xi32, #tpu.memory_space<hbm>> -> memref<32x80xi32, #tpu.memory_space<hbm>>
      %dma_wait3A_291 = arith.constant 0 : i32
      %dma_wait3A_292 = tpu.memref_slice %arg3[%add3A_128, %dma_wait3A_291] : memref<4096x80xi32, #tpu.memory_space<hbm>> -> memref<32x80xi32, #tpu.memory_space<hbm>>
      tpu.wait_dma2 semaphore(%run_scoped3A_284 : memref<!tpu.dma_semaphore, #tpu.memory_space<semaphore_mem>>) src(%dma_wait3A_292 : memref<32x80xi32, #tpu.memory_space<hbm>>) dst(%arg7 : memref<32x80xi32, #tpu.memory_space<vmem>>)
      tpu.yield
    }) : () -> ()
    "tpu.region"() ({
      %run_scoped3A_284 = tpu.sem_alloc : memref<!tpu.dma_semaphore, #tpu.memory_space<semaphore_mem>>
      %dma_start3A_285 = arith.constant 0 : i32
      %dma_start3A_286 = tpu.memref_slice %arg4[%add3A_128, %dma_start3A_285] : memref<4096x80xi32, #tpu.memory_space<hbm>> -> memref<32x80xi32, #tpu.memory_space<hbm>>
      %dma_start3A_287 = arith.constant 0 : i32
      %dma_start3A_288 = tpu.memref_slice %arg4[%add3A_128, %dma_start3A_287] : memref<4096x80xi32, #tpu.memory_space<hbm>> -> memref<32x80xi32, #tpu.memory_space<hbm>>
      tpu.enqueue_dma source(%dma_start3A_288 : memref<32x80xi32, #tpu.memory_space<hbm>>) target(%arg8 : memref<32x80xi32, #tpu.memory_space<vmem>>) target_semaphore(%run_scoped3A_284 : memref<!tpu.dma_semaphore, #tpu.memory_space<semaphore_mem>>)
      %dma_wait3A_289 = arith.constant 0 : i32
      %dma_wait3A_290 = tpu.memref_slice %arg4[%add3A_128, %dma_wait3A_289] : memref<4096x80xi32, #tpu.memory_space<hbm>> -> memref<32x80xi32, #tpu.memory_space<hbm>>
      %dma_wait3A_291 = arith.constant 0 : i32
      %dma_wait3A_292 = tpu.memref_slice %arg4[%add3A_128, %dma_wait3A_291] : memref<4096x80xi32, #tpu.memory_space<hbm>> -> memref<32x80xi32, #tpu.memory_space<hbm>>
      tpu.wait_dma2 semaphore(%run_scoped3A_284 : memref<!tpu.dma_semaphore, #tpu.memory_space<semaphore_mem>>) src(%dma_wait3A_292 : memref<32x80xi32, #tpu.memory_space<hbm>>) dst(%arg8 : memref<32x80xi32, #tpu.memory_space<vmem>>)
      tpu.yield
    }) : () -> ()
    %dma_start3A_129 = arith.constant 0 : i32
    %dma_start3A_130 = arith.constant 0 : i32
    %dma_start3A_131 = arith.constant 0 : i32
    %dma_start3A_132 = arith.constant 0 : i32
    %dma_start3A_133 = tpu.memref_slice %arg9[%dma_start3A_130, %dma_start3A_131, %dma_start3A_132] : memref<2x80x128xf32, #tpu.memory_space<vmem>> -> memref<1x80x128xf32, #tpu.memory_space<vmem>>
    %dma_start3A_134 = tpu.memref_squeeze %dma_start3A_133 : memref<1x80x128xf32, #tpu.memory_space<vmem>> -> memref<80x128xf32, #tpu.memory_space<vmem>>
    %dma_start3A_135 = arith.constant 0 : i32
    %dma_start3A_136 = tpu.memref_slice %arg7[%dma_start3A_129, %dma_start3A_135] : memref<32x80xi32, #tpu.memory_space<vmem>> -> memref<1x80xi32, #tpu.memory_space<vmem>>
    %dma_start3A_137 = tpu.memref_squeeze %dma_start3A_136 : memref<1x80xi32, #tpu.memory_space<vmem>> -> memref<80xi32, #tpu.memory_space<vmem>>
    %dma_start3A_138 = arith.constant 0 : i32
    %dma_start3A_139 = arith.constant 0 : i32
    %dma_start3A_140 = tpu.memref_slice %arg2[%dma_start3A_138, %dma_start3A_139] : memref<10000x128xf32, #tpu.memory_space<hbm>> -> memref<10000x128xf32, #tpu.memory_space<hbm>>
    tpu.enqueue_indirect_dma source(%dma_start3A_140 : memref<10000x128xf32, #tpu.memory_space<hbm>>) target(%dma_start3A_134 : memref<80x128xf32, #tpu.memory_space<vmem>>) offsets(%dma_start3A_137 : memref<80xi32, #tpu.memory_space<vmem>>) semaphore(%arg11 : memref<!tpu.dma_semaphore, #tpu.memory_space<semaphore_mem>>)
    %dma_start3A_141 = arith.constant 1 : i32
    %dma_start3A_142 = arith.constant 1 : i32
    %dma_start3A_143 = arith.constant 0 : i32
    %dma_start3A_144 = arith.constant 0 : i32
    %dma_start3A_145 = tpu.memref_slice %arg9[%dma_start3A_142, %dma_start3A_143, %dma_start3A_144] : memref<2x80x128xf32, #tpu.memory_space<vmem>> -> memref<1x80x128xf32, #tpu.memory_space<vmem>>
    %dma_start3A_146 = tpu.memref_squeeze %dma_start3A_145 : memref<1x80x128xf32, #tpu.memory_space<vmem>> -> memref<80x128xf32, #tpu.memory_space<vmem>>
    %dma_start3A_147 = arith.constant 0 : i32
    %dma_start3A_148 = tpu.memref_slice %arg7[%dma_start3A_141, %dma_start3A_147] : memref<32x80xi32, #tpu.memory_space<vmem>> -> memref<1x80xi32, #tpu.memory_space<vmem>>
    %dma_start3A_149 = tpu.memref_squeeze %dma_start3A_148 : memref<1x80xi32, #tpu.memory_space<vmem>> -> memref<80xi32, #tpu.memory_space<vmem>>
    %dma_start3A_150 = arith.constant 0 : i32
    %dma_start3A_151 = arith.constant 0 : i32
    %dma_start3A_152 = tpu.memref_slice %arg2[%dma_start3A_150, %dma_start3A_151] : memref<10000x128xf32, #tpu.memory_space<hbm>> -> memref<10000x128xf32, #tpu.memory_space<hbm>>
    tpu.enqueue_indirect_dma source(%dma_start3A_152 : memref<10000x128xf32, #tpu.memory_space<hbm>>) target(%dma_start3A_146 : memref<80x128xf32, #tpu.memory_space<vmem>>) offsets(%dma_start3A_149 : memref<80xi32, #tpu.memory_space<vmem>>) semaphore(%arg11 : memref<!tpu.dma_semaphore, #tpu.memory_space<semaphore_mem>>)
    %scan3A_153 = arith.constant 0 : i32
    %scan3A_154 = arith.constant 15 : i32
    %scan3A_155 = arith.addi %scan3A_153, %scan3A_154 : i32
    %scan3A_156 = arith.constant 1 : i32
    scf.for %scan3A_284 = %scan3A_153 to %scan3A_155 step %scan3A_156  : i32 {
      %mul3A_285 = arith.constant 2 : i32
      %mul3A_286 = arith.muli %scan3A_284, %mul3A_285 : i32
      %add3A_287 = arith.constant 0 : i32
      %add3A_288 = arith.addi %add3A_287, %mul3A_286 : i32
      %dma_wait3A_289 = arith.constant 0 : i32
      %dma_wait3A_290 = arith.constant 0 : i32
      %dma_wait3A_291 = arith.constant 0 : i32
      %dma_wait3A_292 = tpu.memref_slice %arg9[%dma_wait3A_289, %dma_wait3A_290, %dma_wait3A_291] : memref<2x80x128xf32, #tpu.memory_space<vmem>> -> memref<1x80x128xf32, #tpu.memory_space<vmem>>
      %dma_wait3A_293 = tpu.memref_squeeze %dma_wait3A_292 : memref<1x80x128xf32, #tpu.memory_space<vmem>> -> memref<80x128xf32, #tpu.memory_space<vmem>>
      %dma_wait3A_294 = arith.constant 0 : i32
      %dma_wait3A_295 = tpu.memref_slice %arg7[%add3A_288, %dma_wait3A_294] : memref<32x80xi32, #tpu.memory_space<vmem>> -> memref<1x80xi32, #tpu.memory_space<vmem>>
      %dma_wait3A_296 = tpu.memref_squeeze %dma_wait3A_295 : memref<1x80xi32, #tpu.memory_space<vmem>> -> memref<80xi32, #tpu.memory_space<vmem>>
      %dma_wait3A_297 = arith.constant 0 : i32
      %dma_wait3A_298 = arith.constant 0 : i32
      %dma_wait3A_299 = tpu.memref_slice %arg2[%dma_wait3A_297, %dma_wait3A_298] : memref<10000x128xf32, #tpu.memory_space<hbm>> -> memref<10000x128xf32, #tpu.memory_space<hbm>>
      tpu.wait_indirect_dma semaphore(%arg11 : memref<!tpu.dma_semaphore, #tpu.memory_space<semaphore_mem>>) src(%dma_wait3A_299 : memref<10000x128xf32, #tpu.memory_space<hbm>>) dst(%dma_wait3A_293 : memref<80x128xf32, #tpu.memory_space<vmem>>)
      %run_scoped3A_300 = arith.constant 0 : i32
      "tpu.region"() ({
        %run_scoped3A_341 = tpu.sem_alloc : memref<!tpu.dma_semaphore, #tpu.memory_space<semaphore_mem>>
        %dma_start3A_342 = arith.constant 0 : i32
        %dma_start3A_343 = arith.constant 0 : i32
        %dma_start3A_344 = tpu.memref_slice %arg9[%run_scoped3A_300, %dma_start3A_342, %dma_start3A_343] : memref<2x80x128xf32, #tpu.memory_space<vmem>> -> memref<1x80x128xf32, #tpu.memory_space<vmem>>
        %dma_start3A_345 = tpu.memref_squeeze %dma_start3A_344 : memref<1x80x128xf32, #tpu.memory_space<vmem>> -> memref<80x128xf32, #tpu.memory_space<vmem>>
        %dma_start3A_346 = arith.constant 0 : i32
        %dma_start3A_347 = tpu.memref_slice %arg8[%add3A_288, %dma_start3A_346] : memref<32x80xi32, #tpu.memory_space<vmem>> -> memref<1x80xi32, #tpu.memory_space<vmem>>
        %dma_start3A_348 = tpu.memref_squeeze %dma_start3A_347 : memref<1x80xi32, #tpu.memory_space<vmem>> -> memref<80xi32, #tpu.memory_space<vmem>>
        %dma_start3A_349 = arith.constant 0 : i32
        %dma_start3A_350 = arith.constant 0 : i32
        %dma_start3A_351 = tpu.memref_slice %arg10[%dma_start3A_349, %dma_start3A_350] : memref<10008x128xf32, #tpu.memory_space<vmem_shared>> -> memref<10008x128xf32, #tpu.memory_space<vmem_shared>>
        tpu.enqueue_indirect_dma source(%dma_start3A_345 : memref<80x128xf32, #tpu.memory_space<vmem>>) target(%dma_start3A_351 : memref<10008x128xf32, #tpu.memory_space<vmem_shared>>) offsets(%dma_start3A_348 : memref<80xi32, #tpu.memory_space<vmem>>) semaphore(%run_scoped3A_341 : memref<!tpu.dma_semaphore, #tpu.memory_space<semaphore_mem>>) {add = true}
        %dma_wait3A_352 = arith.constant 0 : i32
        %dma_wait3A_353 = arith.constant 0 : i32
        %dma_wait3A_354 = tpu.memref_slice %arg9[%run_scoped3A_300, %dma_wait3A_352, %dma_wait3A_353] : memref<2x80x128xf32, #tpu.memory_space<vmem>> -> memref<1x80x128xf32, #tpu.memory_space<vmem>>
        %dma_wait3A_355 = tpu.memref_squeeze %dma_wait3A_354 : memref<1x80x128xf32, #tpu.memory_space<vmem>> -> memref<80x128xf32, #tpu.memory_space<vmem>>
        %dma_wait3A_356 = arith.constant 0 : i32
        %dma_wait3A_357 = tpu.memref_slice %arg8[%add3A_288, %dma_wait3A_356] : memref<32x80xi32, #tpu.memory_space<vmem>> -> memref<1x80xi32, #tpu.memory_space<vmem>>
        %dma_wait3A_358 = tpu.memref_squeeze %dma_wait3A_357 : memref<1x80xi32, #tpu.memory_space<vmem>> -> memref<80xi32, #tpu.memory_space<vmem>>
        %dma_wait3A_359 = arith.constant 0 : i32
        %dma_wait3A_360 = arith.constant 0 : i32
        %dma_wait3A_361 = tpu.memref_slice %arg10[%dma_wait3A_359, %dma_wait3A_360] : memref<10008x128xf32, #tpu.memory_space<vmem_shared>> -> memref<10008x128xf32, #tpu.memory_space<vmem_shared>>
        tpu.wait_indirect_dma semaphore(%run_scoped3A_341 : memref<!tpu.dma_semaphore, #tpu.memory_space<semaphore_mem>>) src(%dma_wait3A_355 : memref<80x128xf32, #tpu.memory_space<vmem>>) dst(%dma_wait3A_361 : memref<10008x128xf32, #tpu.memory_space<vmem_shared>>)
        tpu.yield
      }) : () -> ()
      %add3A_301 = arith.constant 2 : i32
      %add3A_302 = arith.addi %add3A_288, %add3A_301 : i32
      %dma_start3A_303 = arith.constant 0 : i32
      %dma_start3A_304 = arith.constant 0 : i32
      %dma_start3A_305 = arith.constant 0 : i32
      %dma_start3A_306 = tpu.memref_slice %arg9[%dma_start3A_303, %dma_start3A_304, %dma_start3A_305] : memref<2x80x128xf32, #tpu.memory_space<vmem>> -> memref<1x80x128xf32, #tpu.memory_space<vmem>>
      %dma_start3A_307 = tpu.memref_squeeze %dma_start3A_306 : memref<1x80x128xf32, #tpu.memory_space<vmem>> -> memref<80x128xf32, #tpu.memory_space<vmem>>
      %dma_start3A_308 = arith.constant 0 : i32
      %dma_start3A_309 = tpu.memref_slice %arg7[%add3A_302, %dma_start3A_308] : memref<32x80xi32, #tpu.memory_space<vmem>> -> memref<1x80xi32, #tpu.memory_space<vmem>>
      %dma_start3A_310 = tpu.memref_squeeze %dma_start3A_309 : memref<1x80xi32, #tpu.memory_space<vmem>> -> memref<80xi32, #tpu.memory_space<vmem>>
      %dma_start3A_311 = arith.constant 0 : i32
      %dma_start3A_312 = arith.constant 0 : i32
      %dma_start3A_313 = tpu.memref_slice %arg2[%dma_start3A_311, %dma_start3A_312] : memref<10000x128xf32, #tpu.memory_space<hbm>> -> memref<10000x128xf32, #tpu.memory_space<hbm>>
      tpu.enqueue_indirect_dma source(%dma_start3A_313 : memref<10000x128xf32, #tpu.memory_space<hbm>>) target(%dma_start3A_307 : memref<80x128xf32, #tpu.memory_space<vmem>>) offsets(%dma_start3A_310 : memref<80xi32, #tpu.memory_space<vmem>>) semaphore(%arg11 : memref<!tpu.dma_semaphore, #tpu.memory_space<semaphore_mem>>)
      %add3A_314 = arith.constant 1 : i32
      %add3A_315 = arith.addi %add3A_288, %add3A_314 : i32
      %dma_wait3A_316 = arith.constant 1 : i32
      %dma_wait3A_317 = arith.constant 0 : i32
      %dma_wait3A_318 = arith.constant 0 : i32
      %dma_wait3A_319 = tpu.memref_slice %arg9[%dma_wait3A_316, %dma_wait3A_317, %dma_wait3A_318] : memref<2x80x128xf32, #tpu.memory_space<vmem>> -> memref<1x80x128xf32, #tpu.memory_space<vmem>>
      %dma_wait3A_320 = tpu.memref_squeeze %dma_wait3A_319 : memref<1x80x128xf32, #tpu.memory_space<vmem>> -> memref<80x128xf32, #tpu.memory_space<vmem>>
      %dma_wait3A_321 = arith.constant 0 : i32
      %dma_wait3A_322 = tpu.memref_slice %arg7[%add3A_315, %dma_wait3A_321] : memref<32x80xi32, #tpu.memory_space<vmem>> -> memref<1x80xi32, #tpu.memory_space<vmem>>
      %dma_wait3A_323 = tpu.memref_squeeze %dma_wait3A_322 : memref<1x80xi32, #tpu.memory_space<vmem>> -> memref<80xi32, #tpu.memory_space<vmem>>
      %dma_wait3A_324 = arith.constant 0 : i32
      %dma_wait3A_325 = arith.constant 0 : i32
      %dma_wait3A_326 = tpu.memref_slice %arg2[%dma_wait3A_324, %dma_wait3A_325] : memref<10000x128xf32, #tpu.memory_space<hbm>> -> memref<10000x128xf32, #tpu.memory_space<hbm>>
      tpu.wait_indirect_dma semaphore(%arg11 : memref<!tpu.dma_semaphore, #tpu.memory_space<semaphore_mem>>) src(%dma_wait3A_326 : memref<10000x128xf32, #tpu.memory_space<hbm>>) dst(%dma_wait3A_320 : memref<80x128xf32, #tpu.memory_space<vmem>>)
      %run_scoped3A_327 = arith.constant 1 : i32
      "tpu.region"() ({
        %run_scoped3A_341 = tpu.sem_alloc : memref<!tpu.dma_semaphore, #tpu.memory_space<semaphore_mem>>
        %dma_start3A_342 = arith.constant 0 : i32
        %dma_start3A_343 = arith.constant 0 : i32
        %dma_start3A_344 = tpu.memref_slice %arg9[%run_scoped3A_327, %dma_start3A_342, %dma_start3A_343] : memref<2x80x128xf32, #tpu.memory_space<vmem>> -> memref<1x80x128xf32, #tpu.memory_space<vmem>>
        %dma_start3A_345 = tpu.memref_squeeze %dma_start3A_344 : memref<1x80x128xf32, #tpu.memory_space<vmem>> -> memref<80x128xf32, #tpu.memory_space<vmem>>
        %dma_start3A_346 = arith.constant 0 : i32
        %dma_start3A_347 = tpu.memref_slice %arg8[%add3A_315, %dma_start3A_346] : memref<32x80xi32, #tpu.memory_space<vmem>> -> memref<1x80xi32, #tpu.memory_space<vmem>>
        %dma_start3A_348 = tpu.memref_squeeze %dma_start3A_347 : memref<1x80xi32, #tpu.memory_space<vmem>> -> memref<80xi32, #tpu.memory_space<vmem>>
        %dma_start3A_349 = arith.constant 0 : i32
        %dma_start3A_350 = arith.constant 0 : i32
        %dma_start3A_351 = tpu.memref_slice %arg10[%dma_start3A_349, %dma_start3A_350] : memref<10008x128xf32, #tpu.memory_space<vmem_shared>> -> memref<10008x128xf32, #tpu.memory_space<vmem_shared>>
        tpu.enqueue_indirect_dma source(%dma_start3A_345 : memref<80x128xf32, #tpu.memory_space<vmem>>) target(%dma_start3A_351 : memref<10008x128xf32, #tpu.memory_space<vmem_shared>>) offsets(%dma_start3A_348 : memref<80xi32, #tpu.memory_space<vmem>>) semaphore(%run_scoped3A_341 : memref<!tpu.dma_semaphore, #tpu.memory_space<semaphore_mem>>) {add = true}
        %dma_wait3A_352 = arith.constant 0 : i32
        %dma_wait3A_353 = arith.constant 0 : i32
        %dma_wait3A_354 = tpu.memref_slice %arg9[%run_scoped3A_327, %dma_wait3A_352, %dma_wait3A_353] : memref<2x80x128xf32, #tpu.memory_space<vmem>> -> memref<1x80x128xf32, #tpu.memory_space<vmem>>
        %dma_wait3A_355 = tpu.memref_squeeze %dma_wait3A_354 : memref<1x80x128xf32, #tpu.memory_space<vmem>> -> memref<80x128xf32, #tpu.memory_space<vmem>>
        %dma_wait3A_356 = arith.constant 0 : i32
        %dma_wait3A_357 = tpu.memref_slice %arg8[%add3A_315, %dma_wait3A_356] : memref<32x80xi32, #tpu.memory_space<vmem>> -> memref<1x80xi32, #tpu.memory_space<vmem>>
        %dma_wait3A_358 = tpu.memref_squeeze %dma_wait3A_357 : memref<1x80xi32, #tpu.memory_space<vmem>> -> memref<80xi32, #tpu.memory_space<vmem>>
        %dma_wait3A_359 = arith.constant 0 : i32
        %dma_wait3A_360 = arith.constant 0 : i32
        %dma_wait3A_361 = tpu.memref_slice %arg10[%dma_wait3A_359, %dma_wait3A_360] : memref<10008x128xf32, #tpu.memory_space<vmem_shared>> -> memref<10008x128xf32, #tpu.memory_space<vmem_shared>>
        tpu.wait_indirect_dma semaphore(%run_scoped3A_341 : memref<!tpu.dma_semaphore, #tpu.memory_space<semaphore_mem>>) src(%dma_wait3A_355 : memref<80x128xf32, #tpu.memory_space<vmem>>) dst(%dma_wait3A_361 : memref<10008x128xf32, #tpu.memory_space<vmem_shared>>)
        tpu.yield
      }) : () -> ()
      %add3A_328 = arith.constant 2 : i32
      %add3A_329 = arith.addi %add3A_315, %add3A_328 : i32
      %dma_start3A_330 = arith.constant 1 : i32
      %dma_start3A_331 = arith.constant 0 : i32
      %dma_start3A_332 = arith.constant 0 : i32
      %dma_start3A_333 = tpu.memref_slice %arg9[%dma_start3A_330, %dma_start3A_331, %dma_start3A_332] : memref<2x80x128xf32, #tpu.memory_space<vmem>> -> memref<1x80x128xf32, #tpu.memory_space<vmem>>
      %dma_start3A_334 = tpu.memref_squeeze %dma_start3A_333 : memref<1x80x128xf32, #tpu.memory_space<vmem>> -> memref<80x128xf32, #tpu.memory_space<vmem>>
      %dma_start3A_335 = arith.constant 0 : i32
      %dma_start3A_336 = tpu.memref_slice %arg7[%add3A_329, %dma_start3A_335] : memref<32x80xi32, #tpu.memory_space<vmem>> -> memref<1x80xi32, #tpu.memory_space<vmem>>
      %dma_start3A_337 = tpu.memref_squeeze %dma_start3A_336 : memref<1x80xi32, #tpu.memory_space<vmem>> -> memref<80xi32, #tpu.memory_space<vmem>>
      %dma_start3A_338 = arith.constant 0 : i32
      %dma_start3A_339 = arith.constant 0 : i32
      %dma_start3A_340 = tpu.memref_slice %arg2[%dma_start3A_338, %dma_start3A_339] : memref<10000x128xf32, #tpu.memory_space<hbm>> -> memref<10000x128xf32, #tpu.memory_space<hbm>>
      tpu.enqueue_indirect_dma source(%dma_start3A_340 : memref<10000x128xf32, #tpu.memory_space<hbm>>) target(%dma_start3A_334 : memref<80x128xf32, #tpu.memory_space<vmem>>) offsets(%dma_start3A_337 : memref<80xi32, #tpu.memory_space<vmem>>) semaphore(%arg11 : memref<!tpu.dma_semaphore, #tpu.memory_space<semaphore_mem>>)
    }
    %scan3A_157 = arith.constant 15 : i32
    %dma_wait3A_158 = arith.constant 30 : i32
    %dma_wait3A_159 = arith.constant 0 : i32
    %dma_wait3A_160 = arith.constant 0 : i32
    %dma_wait3A_161 = arith.constant 0 : i32
    %dma_wait3A_162 = tpu.memref_slice %arg9[%dma_wait3A_159, %dma_wait3A_160, %dma_wait3A_161] : memref<2x80x128xf32, #tpu.memory_space<vmem>> -> memref<1x80x128xf32, #tpu.memory_space<vmem>>
    %dma_wait3A_163 = tpu.memref_squeeze %dma_wait3A_162 : memref<1x80x128xf32, #tpu.memory_space<vmem>> -> memref<80x128xf32, #tpu.memory_space<vmem>>
    %dma_wait3A_164 = arith.constant 0 : i32
    %dma_wait3A_165 = tpu.memref_slice %arg7[%dma_wait3A_158, %dma_wait3A_164] : memref<32x80xi32, #tpu.memory_space<vmem>> -> memref<1x80xi32, #tpu.memory_space<vmem>>
    %dma_wait3A_166 = tpu.memref_squeeze %dma_wait3A_165 : memref<1x80xi32, #tpu.memory_space<vmem>> -> memref<80xi32, #tpu.memory_space<vmem>>
    %dma_wait3A_167 = arith.constant 0 : i32
    %dma_wait3A_168 = arith.constant 0 : i32
    %dma_wait3A_169 = tpu.memref_slice %arg2[%dma_wait3A_167, %dma_wait3A_168] : memref<10000x128xf32, #tpu.memory_space<hbm>> -> memref<10000x128xf32, #tpu.memory_space<hbm>>
    tpu.wait_indirect_dma semaphore(%arg11 : memref<!tpu.dma_semaphore, #tpu.memory_space<semaphore_mem>>) src(%dma_wait3A_169 : memref<10000x128xf32, #tpu.memory_space<hbm>>) dst(%dma_wait3A_163 : memref<80x128xf32, #tpu.memory_space<vmem>>)
    %run_scoped3A_170 = arith.constant 0 : i32
    %run_scoped3A_171 = arith.constant 30 : i32
    "tpu.region"() ({
      %run_scoped3A_284 = tpu.sem_alloc : memref<!tpu.dma_semaphore, #tpu.memory_space<semaphore_mem>>
      %dma_start3A_285 = arith.constant 0 : i32
      %dma_start3A_286 = arith.constant 0 : i32
      %dma_start3A_287 = tpu.memref_slice %arg9[%run_scoped3A_170, %dma_start3A_285, %dma_start3A_286] : memref<2x80x128xf32, #tpu.memory_space<vmem>> -> memref<1x80x128xf32, #tpu.memory_space<vmem>>
      %dma_start3A_288 = tpu.memref_squeeze %dma_start3A_287 : memref<1x80x128xf32, #tpu.memory_space<vmem>> -> memref<80x128xf32, #tpu.memory_space<vmem>>
      %dma_start3A_289 = arith.constant 0 : i32
      %dma_start3A_290 = tpu.memref_slice %arg8[%run_scoped3A_171, %dma_start3A_289] : memref<32x80xi32, #tpu.memory_space<vmem>> -> memref<1x80xi32, #tpu.memory_space<vmem>>
      %dma_start3A_291 = tpu.memref_squeeze %dma_start3A_290 : memref<1x80xi32, #tpu.memory_space<vmem>> -> memref<80xi32, #tpu.memory_space<vmem>>
      %dma_start3A_292 = arith.constant 0 : i32
      %dma_start3A_293 = arith.constant 0 : i32
      %dma_start3A_294 = tpu.memref_slice %arg10[%dma_start3A_292, %dma_start3A_293] : memref<10008x128xf32, #tpu.memory_space<vmem_shared>> -> memref<10008x128xf32, #tpu.memory_space<vmem_shared>>
      tpu.enqueue_indirect_dma source(%dma_start3A_288 : memref<80x128xf32, #tpu.memory_space<vmem>>) target(%dma_start3A_294 : memref<10008x128xf32, #tpu.memory_space<vmem_shared>>) offsets(%dma_start3A_291 : memref<80xi32, #tpu.memory_space<vmem>>) semaphore(%run_scoped3A_284 : memref<!tpu.dma_semaphore, #tpu.memory_space<semaphore_mem>>) {add = true}
      %dma_wait3A_295 = arith.constant 0 : i32
      %dma_wait3A_296 = arith.constant 0 : i32
      %dma_wait3A_297 = tpu.memref_slice %arg9[%run_scoped3A_170, %dma_wait3A_295, %dma_wait3A_296] : memref<2x80x128xf32, #tpu.memory_space<vmem>> -> memref<1x80x128xf32, #tpu.memory_space<vmem>>
      %dma_wait3A_298 = tpu.memref_squeeze %dma_wait3A_297 : memref<1x80x128xf32, #tpu.memory_space<vmem>> -> memref<80x128xf32, #tpu.memory_space<vmem>>
      %dma_wait3A_299 = arith.constant 0 : i32
      %dma_wait3A_300 = tpu.memref_slice %arg8[%run_scoped3A_171, %dma_wait3A_299] : memref<32x80xi32, #tpu.memory_space<vmem>> -> memref<1x80xi32, #tpu.memory_space<vmem>>
      %dma_wait3A_301 = tpu.memref_squeeze %dma_wait3A_300 : memref<1x80xi32, #tpu.memory_space<vmem>> -> memref<80xi32, #tpu.memory_space<vmem>>
      %dma_wait3A_302 = arith.constant 0 : i32
      %dma_wait3A_303 = arith.constant 0 : i32
      %dma_wait3A_304 = tpu.memref_slice %arg10[%dma_wait3A_302, %dma_wait3A_303] : memref<10008x128xf32, #tpu.memory_space<vmem_shared>> -> memref<10008x128xf32, #tpu.memory_space<vmem_shared>>
      tpu.wait_indirect_dma semaphore(%run_scoped3A_284 : memref<!tpu.dma_semaphore, #tpu.memory_space<semaphore_mem>>) src(%dma_wait3A_298 : memref<80x128xf32, #tpu.memory_space<vmem>>) dst(%dma_wait3A_304 : memref<10008x128xf32, #tpu.memory_space<vmem_shared>>)
      tpu.yield
    }) : () -> ()
    %dma_wait3A_172 = arith.constant 31 : i32
    %dma_wait3A_173 = arith.constant 1 : i32
    %dma_wait3A_174 = arith.constant 0 : i32
    %dma_wait3A_175 = arith.constant 0 : i32
    %dma_wait3A_176 = tpu.memref_slice %arg9[%dma_wait3A_173, %dma_wait3A_174, %dma_wait3A_175] : memref<2x80x128xf32, #tpu.memory_space<vmem>> -> memref<1x80x128xf32, #tpu.memory_space<vmem>>
    %dma_wait3A_177 = tpu.memref_squeeze %dma_wait3A_176 : memref<1x80x128xf32, #tpu.memory_space<vmem>> -> memref<80x128xf32, #tpu.memory_space<vmem>>
    %dma_wait3A_178 = arith.constant 0 : i32
    %dma_wait3A_179 = tpu.memref_slice %arg7[%dma_wait3A_172, %dma_wait3A_178] : memref<32x80xi32, #tpu.memory_space<vmem>> -> memref<1x80xi32, #tpu.memory_space<vmem>>
    %dma_wait3A_180 = tpu.memref_squeeze %dma_wait3A_179 : memref<1x80xi32, #tpu.memory_space<vmem>> -> memref<80xi32, #tpu.memory_space<vmem>>
    %dma_wait3A_181 = arith.constant 0 : i32
    %dma_wait3A_182 = arith.constant 0 : i32
    %dma_wait3A_183 = tpu.memref_slice %arg2[%dma_wait3A_181, %dma_wait3A_182] : memref<10000x128xf32, #tpu.memory_space<hbm>> -> memref<10000x128xf32, #tpu.memory_space<hbm>>
    tpu.wait_indirect_dma semaphore(%arg11 : memref<!tpu.dma_semaphore, #tpu.memory_space<semaphore_mem>>) src(%dma_wait3A_183 : memref<10000x128xf32, #tpu.memory_space<hbm>>) dst(%dma_wait3A_177 : memref<80x128xf32, #tpu.memory_space<vmem>>)
    %run_scoped3A_184 = arith.constant 1 : i32
    %run_scoped3A_185 = arith.constant 31 : i32
    "tpu.region"() ({
      %run_scoped3A_284 = tpu.sem_alloc : memref<!tpu.dma_semaphore, #tpu.memory_space<semaphore_mem>>
      %dma_start3A_285 = arith.constant 0 : i32
      %dma_start3A_286 = arith.constant 0 : i32
      %dma_start3A_287 = tpu.memref_slice %arg9[%run_scoped3A_184, %dma_start3A_285, %dma_start3A_286] : memref<2x80x128xf32, #tpu.memory_space<vmem>> -> memref<1x80x128xf32, #tpu.memory_space<vmem>>
      %dma_start3A_288 = tpu.memref_squeeze %dma_start3A_287 : memref<1x80x128xf32, #tpu.memory_space<vmem>> -> memref<80x128xf32, #tpu.memory_space<vmem>>
      %dma_start3A_289 = arith.constant 0 : i32
      %dma_start3A_290 = tpu.memref_slice %arg8[%run_scoped3A_185, %dma_start3A_289] : memref<32x80xi32, #tpu.memory_space<vmem>> -> memref<1x80xi32, #tpu.memory_space<vmem>>
      %dma_start3A_291 = tpu.memref_squeeze %dma_start3A_290 : memref<1x80xi32, #tpu.memory_space<vmem>> -> memref<80xi32, #tpu.memory_space<vmem>>
      %dma_start3A_292 = arith.constant 0 : i32
      %dma_start3A_293 = arith.constant 0 : i32
      %dma_start3A_294 = tpu.memref_slice %arg10[%dma_start3A_292, %dma_start3A_293] : memref<10008x128xf32, #tpu.memory_space<vmem_shared>> -> memref<10008x128xf32, #tpu.memory_space<vmem_shared>>
      tpu.enqueue_indirect_dma source(%dma_start3A_288 : memref<80x128xf32, #tpu.memory_space<vmem>>) target(%dma_start3A_294 : memref<10008x128xf32, #tpu.memory_space<vmem_shared>>) offsets(%dma_start3A_291 : memref<80xi32, #tpu.memory_space<vmem>>) semaphore(%run_scoped3A_284 : memref<!tpu.dma_semaphore, #tpu.memory_space<semaphore_mem>>) {add = true}
      %dma_wait3A_295 = arith.constant 0 : i32
      %dma_wait3A_296 = arith.constant 0 : i32
      %dma_wait3A_297 = tpu.memref_slice %arg9[%run_scoped3A_184, %dma_wait3A_295, %dma_wait3A_296] : memref<2x80x128xf32, #tpu.memory_space<vmem>> -> memref<1x80x128xf32, #tpu.memory_space<vmem>>
      %dma_wait3A_298 = tpu.memref_squeeze %dma_wait3A_297 : memref<1x80x128xf32, #tpu.memory_space<vmem>> -> memref<80x128xf32, #tpu.memory_space<vmem>>
      %dma_wait3A_299 = arith.constant 0 : i32
      %dma_wait3A_300 = tpu.memref_slice %arg8[%run_scoped3A_185, %dma_wait3A_299] : memref<32x80xi32, #tpu.memory_space<vmem>> -> memref<1x80xi32, #tpu.memory_space<vmem>>
      %dma_wait3A_301 = tpu.memref_squeeze %dma_wait3A_300 : memref<1x80xi32, #tpu.memory_space<vmem>> -> memref<80xi32, #tpu.memory_space<vmem>>
      %dma_wait3A_302 = arith.constant 0 : i32
      %dma_wait3A_303 = arith.constant 0 : i32
      %dma_wait3A_304 = tpu.memref_slice %arg10[%dma_wait3A_302, %dma_wait3A_303] : memref<10008x128xf32, #tpu.memory_space<vmem_shared>> -> memref<10008x128xf32, #tpu.memory_space<vmem_shared>>
      tpu.wait_indirect_dma semaphore(%run_scoped3A_284 : memref<!tpu.dma_semaphore, #tpu.memory_space<semaphore_mem>>) src(%dma_wait3A_298 : memref<80x128xf32, #tpu.memory_space<vmem>>) dst(%dma_wait3A_304 : memref<10008x128xf32, #tpu.memory_space<vmem_shared>>)
      tpu.yield
    }) : () -> ()
    %mul3A_186 = arith.constant 128 : i32
    %mul3A_187 = arith.muli %add3A, %mul3A_186 : i32
    %add3A_188 = arith.constant 96 : i32
    %add3A_189 = arith.addi %mul3A_187, %add3A_188 : i32
    "tpu.region"() ({
      %run_scoped3A_284 = tpu.sem_alloc : memref<!tpu.dma_semaphore, #tpu.memory_space<semaphore_mem>>
      %dma_start3A_285 = arith.constant 0 : i32
      %dma_start3A_286 = tpu.memref_slice %arg3[%add3A_189, %dma_start3A_285] : memref<4096x80xi32, #tpu.memory_space<hbm>> -> memref<32x80xi32, #tpu.memory_space<hbm>>
      %dma_start3A_287 = arith.constant 0 : i32
      %dma_start3A_288 = tpu.memref_slice %arg3[%add3A_189, %dma_start3A_287] : memref<4096x80xi32, #tpu.memory_space<hbm>> -> memref<32x80xi32, #tpu.memory_space<hbm>>
      tpu.enqueue_dma source(%dma_start3A_288 : memref<32x80xi32, #tpu.memory_space<hbm>>) target(%arg7 : memref<32x80xi32, #tpu.memory_space<vmem>>) target_semaphore(%run_scoped3A_284 : memref<!tpu.dma_semaphore, #tpu.memory_space<semaphore_mem>>)
      %dma_wait3A_289 = arith.constant 0 : i32
      %dma_wait3A_290 = tpu.memref_slice %arg3[%add3A_189, %dma_wait3A_289] : memref<4096x80xi32, #tpu.memory_space<hbm>> -> memref<32x80xi32, #tpu.memory_space<hbm>>
      %dma_wait3A_291 = arith.constant 0 : i32
      %dma_wait3A_292 = tpu.memref_slice %arg3[%add3A_189, %dma_wait3A_291] : memref<4096x80xi32, #tpu.memory_space<hbm>> -> memref<32x80xi32, #tpu.memory_space<hbm>>
      tpu.wait_dma2 semaphore(%run_scoped3A_284 : memref<!tpu.dma_semaphore, #tpu.memory_space<semaphore_mem>>) src(%dma_wait3A_292 : memref<32x80xi32, #tpu.memory_space<hbm>>) dst(%arg7 : memref<32x80xi32, #tpu.memory_space<vmem>>)
      tpu.yield
    }) : () -> ()
    "tpu.region"() ({
      %run_scoped3A_284 = tpu.sem_alloc : memref<!tpu.dma_semaphore, #tpu.memory_space<semaphore_mem>>
      %dma_start3A_285 = arith.constant 0 : i32
      %dma_start3A_286 = tpu.memref_slice %arg4[%add3A_189, %dma_start3A_285] : memref<4096x80xi32, #tpu.memory_space<hbm>> -> memref<32x80xi32, #tpu.memory_space<hbm>>
      %dma_start3A_287 = arith.constant 0 : i32
      %dma_start3A_288 = tpu.memref_slice %arg4[%add3A_189, %dma_start3A_287] : memref<4096x80xi32, #tpu.memory_space<hbm>> -> memref<32x80xi32, #tpu.memory_space<hbm>>
      tpu.enqueue_dma source(%dma_start3A_288 : memref<32x80xi32, #tpu.memory_space<hbm>>) target(%arg8 : memref<32x80xi32, #tpu.memory_space<vmem>>) target_semaphore(%run_scoped3A_284 : memref<!tpu.dma_semaphore, #tpu.memory_space<semaphore_mem>>)
      %dma_wait3A_289 = arith.constant 0 : i32
      %dma_wait3A_290 = tpu.memref_slice %arg4[%add3A_189, %dma_wait3A_289] : memref<4096x80xi32, #tpu.memory_space<hbm>> -> memref<32x80xi32, #tpu.memory_space<hbm>>
      %dma_wait3A_291 = arith.constant 0 : i32
      %dma_wait3A_292 = tpu.memref_slice %arg4[%add3A_189, %dma_wait3A_291] : memref<4096x80xi32, #tpu.memory_space<hbm>> -> memref<32x80xi32, #tpu.memory_space<hbm>>
      tpu.wait_dma2 semaphore(%run_scoped3A_284 : memref<!tpu.dma_semaphore, #tpu.memory_space<semaphore_mem>>) src(%dma_wait3A_292 : memref<32x80xi32, #tpu.memory_space<hbm>>) dst(%arg8 : memref<32x80xi32, #tpu.memory_space<vmem>>)
      tpu.yield
    }) : () -> ()
    %dma_start3A_190 = arith.constant 0 : i32
    %dma_start3A_191 = arith.constant 0 : i32
    %dma_start3A_192 = arith.constant 0 : i32
    %dma_start3A_193 = arith.constant 0 : i32
    %dma_start3A_194 = tpu.memref_slice %arg9[%dma_start3A_191, %dma_start3A_192, %dma_start3A_193] : memref<2x80x128xf32, #tpu.memory_space<vmem>> -> memref<1x80x128xf32, #tpu.memory_space<vmem>>
    %dma_start3A_195 = tpu.memref_squeeze %dma_start3A_194 : memref<1x80x128xf32, #tpu.memory_space<vmem>> -> memref<80x128xf32, #tpu.memory_space<vmem>>
    %dma_start3A_196 = arith.constant 0 : i32
    %dma_start3A_197 = tpu.memref_slice %arg7[%dma_start3A_190, %dma_start3A_196] : memref<32x80xi32, #tpu.memory_space<vmem>> -> memref<1x80xi32, #tpu.memory_space<vmem>>
    %dma_start3A_198 = tpu.memref_squeeze %dma_start3A_197 : memref<1x80xi32, #tpu.memory_space<vmem>> -> memref<80xi32, #tpu.memory_space<vmem>>
    %dma_start3A_199 = arith.constant 0 : i32
    %dma_start3A_200 = arith.constant 0 : i32
    %dma_start3A_201 = tpu.memref_slice %arg2[%dma_start3A_199, %dma_start3A_200] : memref<10000x128xf32, #tpu.memory_space<hbm>> -> memref<10000x128xf32, #tpu.memory_space<hbm>>
    tpu.enqueue_indirect_dma source(%dma_start3A_201 : memref<10000x128xf32, #tpu.memory_space<hbm>>) target(%dma_start3A_195 : memref<80x128xf32, #tpu.memory_space<vmem>>) offsets(%dma_start3A_198 : memref<80xi32, #tpu.memory_space<vmem>>) semaphore(%arg11 : memref<!tpu.dma_semaphore, #tpu.memory_space<semaphore_mem>>)
    %dma_start3A_202 = arith.constant 1 : i32
    %dma_start3A_203 = arith.constant 1 : i32
    %dma_start3A_204 = arith.constant 0 : i32
    %dma_start3A_205 = arith.constant 0 : i32
    %dma_start3A_206 = tpu.memref_slice %arg9[%dma_start3A_203, %dma_start3A_204, %dma_start3A_205] : memref<2x80x128xf32, #tpu.memory_space<vmem>> -> memref<1x80x128xf32, #tpu.memory_space<vmem>>
    %dma_start3A_207 = tpu.memref_squeeze %dma_start3A_206 : memref<1x80x128xf32, #tpu.memory_space<vmem>> -> memref<80x128xf32, #tpu.memory_space<vmem>>
    %dma_start3A_208 = arith.constant 0 : i32
    %dma_start3A_209 = tpu.memref_slice %arg7[%dma_start3A_202, %dma_start3A_208] : memref<32x80xi32, #tpu.memory_space<vmem>> -> memref<1x80xi32, #tpu.memory_space<vmem>>
    %dma_start3A_210 = tpu.memref_squeeze %dma_start3A_209 : memref<1x80xi32, #tpu.memory_space<vmem>> -> memref<80xi32, #tpu.memory_space<vmem>>
    %dma_start3A_211 = arith.constant 0 : i32
    %dma_start3A_212 = arith.constant 0 : i32
    %dma_start3A_213 = tpu.memref_slice %arg2[%dma_start3A_211, %dma_start3A_212] : memref<10000x128xf32, #tpu.memory_space<hbm>> -> memref<10000x128xf32, #tpu.memory_space<hbm>>
    tpu.enqueue_indirect_dma source(%dma_start3A_213 : memref<10000x128xf32, #tpu.memory_space<hbm>>) target(%dma_start3A_207 : memref<80x128xf32, #tpu.memory_space<vmem>>) offsets(%dma_start3A_210 : memref<80xi32, #tpu.memory_space<vmem>>) semaphore(%arg11 : memref<!tpu.dma_semaphore, #tpu.memory_space<semaphore_mem>>)
    %scan3A_214 = arith.constant 0 : i32
    %scan3A_215 = arith.constant 13 : i32
    %scan3A_216 = arith.addi %scan3A_214, %scan3A_215 : i32
    %scan3A_217 = arith.constant 1 : i32
    scf.for %scan3A_284 = %scan3A_214 to %scan3A_216 step %scan3A_217  : i32 {
      %mul3A_285 = arith.constant 2 : i32
      %mul3A_286 = arith.muli %scan3A_284, %mul3A_285 : i32
      %add3A_287 = arith.constant 0 : i32
      %add3A_288 = arith.addi %add3A_287, %mul3A_286 : i32
      %dma_wait3A_289 = arith.constant 0 : i32
      %dma_wait3A_290 = arith.constant 0 : i32
      %dma_wait3A_291 = arith.constant 0 : i32
      %dma_wait3A_292 = tpu.memref_slice %arg9[%dma_wait3A_289, %dma_wait3A_290, %dma_wait3A_291] : memref<2x80x128xf32, #tpu.memory_space<vmem>> -> memref<1x80x128xf32, #tpu.memory_space<vmem>>
      %dma_wait3A_293 = tpu.memref_squeeze %dma_wait3A_292 : memref<1x80x128xf32, #tpu.memory_space<vmem>> -> memref<80x128xf32, #tpu.memory_space<vmem>>
      %dma_wait3A_294 = arith.constant 0 : i32
      %dma_wait3A_295 = tpu.memref_slice %arg7[%add3A_288, %dma_wait3A_294] : memref<32x80xi32, #tpu.memory_space<vmem>> -> memref<1x80xi32, #tpu.memory_space<vmem>>
      %dma_wait3A_296 = tpu.memref_squeeze %dma_wait3A_295 : memref<1x80xi32, #tpu.memory_space<vmem>> -> memref<80xi32, #tpu.memory_space<vmem>>
      %dma_wait3A_297 = arith.constant 0 : i32
      %dma_wait3A_298 = arith.constant 0 : i32
      %dma_wait3A_299 = tpu.memref_slice %arg2[%dma_wait3A_297, %dma_wait3A_298] : memref<10000x128xf32, #tpu.memory_space<hbm>> -> memref<10000x128xf32, #tpu.memory_space<hbm>>
      tpu.wait_indirect_dma semaphore(%arg11 : memref<!tpu.dma_semaphore, #tpu.memory_space<semaphore_mem>>) src(%dma_wait3A_299 : memref<10000x128xf32, #tpu.memory_space<hbm>>) dst(%dma_wait3A_293 : memref<80x128xf32, #tpu.memory_space<vmem>>)
      %run_scoped3A_300 = arith.constant 0 : i32
      "tpu.region"() ({
        %run_scoped3A_341 = tpu.sem_alloc : memref<!tpu.dma_semaphore, #tpu.memory_space<semaphore_mem>>
        %dma_start3A_342 = arith.constant 0 : i32
        %dma_start3A_343 = arith.constant 0 : i32
        %dma_start3A_344 = tpu.memref_slice %arg9[%run_scoped3A_300, %dma_start3A_342, %dma_start3A_343] : memref<2x80x128xf32, #tpu.memory_space<vmem>> -> memref<1x80x128xf32, #tpu.memory_space<vmem>>
        %dma_start3A_345 = tpu.memref_squeeze %dma_start3A_344 : memref<1x80x128xf32, #tpu.memory_space<vmem>> -> memref<80x128xf32, #tpu.memory_space<vmem>>
        %dma_start3A_346 = arith.constant 0 : i32
        %dma_start3A_347 = tpu.memref_slice %arg8[%add3A_288, %dma_start3A_346] : memref<32x80xi32, #tpu.memory_space<vmem>> -> memref<1x80xi32, #tpu.memory_space<vmem>>
        %dma_start3A_348 = tpu.memref_squeeze %dma_start3A_347 : memref<1x80xi32, #tpu.memory_space<vmem>> -> memref<80xi32, #tpu.memory_space<vmem>>
        %dma_start3A_349 = arith.constant 0 : i32
        %dma_start3A_350 = arith.constant 0 : i32
        %dma_start3A_351 = tpu.memref_slice %arg10[%dma_start3A_349, %dma_start3A_350] : memref<10008x128xf32, #tpu.memory_space<vmem_shared>> -> memref<10008x128xf32, #tpu.memory_space<vmem_shared>>
        tpu.enqueue_indirect_dma source(%dma_start3A_345 : memref<80x128xf32, #tpu.memory_space<vmem>>) target(%dma_start3A_351 : memref<10008x128xf32, #tpu.memory_space<vmem_shared>>) offsets(%dma_start3A_348 : memref<80xi32, #tpu.memory_space<vmem>>) semaphore(%run_scoped3A_341 : memref<!tpu.dma_semaphore, #tpu.memory_space<semaphore_mem>>) {add = true}
        %dma_wait3A_352 = arith.constant 0 : i32
        %dma_wait3A_353 = arith.constant 0 : i32
        %dma_wait3A_354 = tpu.memref_slice %arg9[%run_scoped3A_300, %dma_wait3A_352, %dma_wait3A_353] : memref<2x80x128xf32, #tpu.memory_space<vmem>> -> memref<1x80x128xf32, #tpu.memory_space<vmem>>
        %dma_wait3A_355 = tpu.memref_squeeze %dma_wait3A_354 : memref<1x80x128xf32, #tpu.memory_space<vmem>> -> memref<80x128xf32, #tpu.memory_space<vmem>>
        %dma_wait3A_356 = arith.constant 0 : i32
        %dma_wait3A_357 = tpu.memref_slice %arg8[%add3A_288, %dma_wait3A_356] : memref<32x80xi32, #tpu.memory_space<vmem>> -> memref<1x80xi32, #tpu.memory_space<vmem>>
        %dma_wait3A_358 = tpu.memref_squeeze %dma_wait3A_357 : memref<1x80xi32, #tpu.memory_space<vmem>> -> memref<80xi32, #tpu.memory_space<vmem>>
        %dma_wait3A_359 = arith.constant 0 : i32
        %dma_wait3A_360 = arith.constant 0 : i32
        %dma_wait3A_361 = tpu.memref_slice %arg10[%dma_wait3A_359, %dma_wait3A_360] : memref<10008x128xf32, #tpu.memory_space<vmem_shared>> -> memref<10008x128xf32, #tpu.memory_space<vmem_shared>>
        tpu.wait_indirect_dma semaphore(%run_scoped3A_341 : memref<!tpu.dma_semaphore, #tpu.memory_space<semaphore_mem>>) src(%dma_wait3A_355 : memref<80x128xf32, #tpu.memory_space<vmem>>) dst(%dma_wait3A_361 : memref<10008x128xf32, #tpu.memory_space<vmem_shared>>)
        tpu.yield
      }) : () -> ()
      %add3A_301 = arith.constant 2 : i32
      %add3A_302 = arith.addi %add3A_288, %add3A_301 : i32
      %dma_start3A_303 = arith.constant 0 : i32
      %dma_start3A_304 = arith.constant 0 : i32
      %dma_start3A_305 = arith.constant 0 : i32
      %dma_start3A_306 = tpu.memref_slice %arg9[%dma_start3A_303, %dma_start3A_304, %dma_start3A_305] : memref<2x80x128xf32, #tpu.memory_space<vmem>> -> memref<1x80x128xf32, #tpu.memory_space<vmem>>
      %dma_start3A_307 = tpu.memref_squeeze %dma_start3A_306 : memref<1x80x128xf32, #tpu.memory_space<vmem>> -> memref<80x128xf32, #tpu.memory_space<vmem>>
      %dma_start3A_308 = arith.constant 0 : i32
      %dma_start3A_309 = tpu.memref_slice %arg7[%add3A_302, %dma_start3A_308] : memref<32x80xi32, #tpu.memory_space<vmem>> -> memref<1x80xi32, #tpu.memory_space<vmem>>
      %dma_start3A_310 = tpu.memref_squeeze %dma_start3A_309 : memref<1x80xi32, #tpu.memory_space<vmem>> -> memref<80xi32, #tpu.memory_space<vmem>>
      %dma_start3A_311 = arith.constant 0 : i32
      %dma_start3A_312 = arith.constant 0 : i32
      %dma_start3A_313 = tpu.memref_slice %arg2[%dma_start3A_311, %dma_start3A_312] : memref<10000x128xf32, #tpu.memory_space<hbm>> -> memref<10000x128xf32, #tpu.memory_space<hbm>>
      tpu.enqueue_indirect_dma source(%dma_start3A_313 : memref<10000x128xf32, #tpu.memory_space<hbm>>) target(%dma_start3A_307 : memref<80x128xf32, #tpu.memory_space<vmem>>) offsets(%dma_start3A_310 : memref<80xi32, #tpu.memory_space<vmem>>) semaphore(%arg11 : memref<!tpu.dma_semaphore, #tpu.memory_space<semaphore_mem>>)
      %add3A_314 = arith.constant 1 : i32
      %add3A_315 = arith.addi %add3A_288, %add3A_314 : i32
      %dma_wait3A_316 = arith.constant 1 : i32
      %dma_wait3A_317 = arith.constant 0 : i32
      %dma_wait3A_318 = arith.constant 0 : i32
      %dma_wait3A_319 = tpu.memref_slice %arg9[%dma_wait3A_316, %dma_wait3A_317, %dma_wait3A_318] : memref<2x80x128xf32, #tpu.memory_space<vmem>> -> memref<1x80x128xf32, #tpu.memory_space<vmem>>
      %dma_wait3A_320 = tpu.memref_squeeze %dma_wait3A_319 : memref<1x80x128xf32, #tpu.memory_space<vmem>> -> memref<80x128xf32, #tpu.memory_space<vmem>>
      %dma_wait3A_321 = arith.constant 0 : i32
      %dma_wait3A_322 = tpu.memref_slice %arg7[%add3A_315, %dma_wait3A_321] : memref<32x80xi32, #tpu.memory_space<vmem>> -> memref<1x80xi32, #tpu.memory_space<vmem>>
      %dma_wait3A_323 = tpu.memref_squeeze %dma_wait3A_322 : memref<1x80xi32, #tpu.memory_space<vmem>> -> memref<80xi32, #tpu.memory_space<vmem>>
      %dma_wait3A_324 = arith.constant 0 : i32
      %dma_wait3A_325 = arith.constant 0 : i32
      %dma_wait3A_326 = tpu.memref_slice %arg2[%dma_wait3A_324, %dma_wait3A_325] : memref<10000x128xf32, #tpu.memory_space<hbm>> -> memref<10000x128xf32, #tpu.memory_space<hbm>>
      tpu.wait_indirect_dma semaphore(%arg11 : memref<!tpu.dma_semaphore, #tpu.memory_space<semaphore_mem>>) src(%dma_wait3A_326 : memref<10000x128xf32, #tpu.memory_space<hbm>>) dst(%dma_wait3A_320 : memref<80x128xf32, #tpu.memory_space<vmem>>)
      %run_scoped3A_327 = arith.constant 1 : i32
      "tpu.region"() ({
        %run_scoped3A_341 = tpu.sem_alloc : memref<!tpu.dma_semaphore, #tpu.memory_space<semaphore_mem>>
        %dma_start3A_342 = arith.constant 0 : i32
        %dma_start3A_343 = arith.constant 0 : i32
        %dma_start3A_344 = tpu.memref_slice %arg9[%run_scoped3A_327, %dma_start3A_342, %dma_start3A_343] : memref<2x80x128xf32, #tpu.memory_space<vmem>> -> memref<1x80x128xf32, #tpu.memory_space<vmem>>
        %dma_start3A_345 = tpu.memref_squeeze %dma_start3A_344 : memref<1x80x128xf32, #tpu.memory_space<vmem>> -> memref<80x128xf32, #tpu.memory_space<vmem>>
        %dma_start3A_346 = arith.constant 0 : i32
        %dma_start3A_347 = tpu.memref_slice %arg8[%add3A_315, %dma_start3A_346] : memref<32x80xi32, #tpu.memory_space<vmem>> -> memref<1x80xi32, #tpu.memory_space<vmem>>
        %dma_start3A_348 = tpu.memref_squeeze %dma_start3A_347 : memref<1x80xi32, #tpu.memory_space<vmem>> -> memref<80xi32, #tpu.memory_space<vmem>>
        %dma_start3A_349 = arith.constant 0 : i32
        %dma_start3A_350 = arith.constant 0 : i32
        %dma_start3A_351 = tpu.memref_slice %arg10[%dma_start3A_349, %dma_start3A_350] : memref<10008x128xf32, #tpu.memory_space<vmem_shared>> -> memref<10008x128xf32, #tpu.memory_space<vmem_shared>>
        tpu.enqueue_indirect_dma source(%dma_start3A_345 : memref<80x128xf32, #tpu.memory_space<vmem>>) target(%dma_start3A_351 : memref<10008x128xf32, #tpu.memory_space<vmem_shared>>) offsets(%dma_start3A_348 : memref<80xi32, #tpu.memory_space<vmem>>) semaphore(%run_scoped3A_341 : memref<!tpu.dma_semaphore, #tpu.memory_space<semaphore_mem>>) {add = true}
        %dma_wait3A_352 = arith.constant 0 : i32
        %dma_wait3A_353 = arith.constant 0 : i32
        %dma_wait3A_354 = tpu.memref_slice %arg9[%run_scoped3A_327, %dma_wait3A_352, %dma_wait3A_353] : memref<2x80x128xf32, #tpu.memory_space<vmem>> -> memref<1x80x128xf32, #tpu.memory_space<vmem>>
        %dma_wait3A_355 = tpu.memref_squeeze %dma_wait3A_354 : memref<1x80x128xf32, #tpu.memory_space<vmem>> -> memref<80x128xf32, #tpu.memory_space<vmem>>
        %dma_wait3A_356 = arith.constant 0 : i32
        %dma_wait3A_357 = tpu.memref_slice %arg8[%add3A_315, %dma_wait3A_356] : memref<32x80xi32, #tpu.memory_space<vmem>> -> memref<1x80xi32, #tpu.memory_space<vmem>>
        %dma_wait3A_358 = tpu.memref_squeeze %dma_wait3A_357 : memref<1x80xi32, #tpu.memory_space<vmem>> -> memref<80xi32, #tpu.memory_space<vmem>>
        %dma_wait3A_359 = arith.constant 0 : i32
        %dma_wait3A_360 = arith.constant 0 : i32
        %dma_wait3A_361 = tpu.memref_slice %arg10[%dma_wait3A_359, %dma_wait3A_360] : memref<10008x128xf32, #tpu.memory_space<vmem_shared>> -> memref<10008x128xf32, #tpu.memory_space<vmem_shared>>
        tpu.wait_indirect_dma semaphore(%run_scoped3A_341 : memref<!tpu.dma_semaphore, #tpu.memory_space<semaphore_mem>>) src(%dma_wait3A_355 : memref<80x128xf32, #tpu.memory_space<vmem>>) dst(%dma_wait3A_361 : memref<10008x128xf32, #tpu.memory_space<vmem_shared>>)
        tpu.yield
      }) : () -> ()
      %add3A_328 = arith.constant 2 : i32
      %add3A_329 = arith.addi %add3A_315, %add3A_328 : i32
      %dma_start3A_330 = arith.constant 1 : i32
      %dma_start3A_331 = arith.constant 0 : i32
      %dma_start3A_332 = arith.constant 0 : i32
      %dma_start3A_333 = tpu.memref_slice %arg9[%dma_start3A_330, %dma_start3A_331, %dma_start3A_332] : memref<2x80x128xf32, #tpu.memory_space<vmem>> -> memref<1x80x128xf32, #tpu.memory_space<vmem>>
      %dma_start3A_334 = tpu.memref_squeeze %dma_start3A_333 : memref<1x80x128xf32, #tpu.memory_space<vmem>> -> memref<80x128xf32, #tpu.memory_space<vmem>>
      %dma_start3A_335 = arith.constant 0 : i32
      %dma_start3A_336 = tpu.memref_slice %arg7[%add3A_329, %dma_start3A_335] : memref<32x80xi32, #tpu.memory_space<vmem>> -> memref<1x80xi32, #tpu.memory_space<vmem>>
      %dma_start3A_337 = tpu.memref_squeeze %dma_start3A_336 : memref<1x80xi32, #tpu.memory_space<vmem>> -> memref<80xi32, #tpu.memory_space<vmem>>
      %dma_start3A_338 = arith.constant 0 : i32
      %dma_start3A_339 = arith.constant 0 : i32
      %dma_start3A_340 = tpu.memref_slice %arg2[%dma_start3A_338, %dma_start3A_339] : memref<10000x128xf32, #tpu.memory_space<hbm>> -> memref<10000x128xf32, #tpu.memory_space<hbm>>
      tpu.enqueue_indirect_dma source(%dma_start3A_340 : memref<10000x128xf32, #tpu.memory_space<hbm>>) target(%dma_start3A_334 : memref<80x128xf32, #tpu.memory_space<vmem>>) offsets(%dma_start3A_337 : memref<80xi32, #tpu.memory_space<vmem>>) semaphore(%arg11 : memref<!tpu.dma_semaphore, #tpu.memory_space<semaphore_mem>>)
    }
    %scan3A_218 = arith.constant 13 : i32
    %dma_wait3A_219 = arith.constant 26 : i32
    %dma_wait3A_220 = arith.constant 0 : i32
    %dma_wait3A_221 = arith.constant 0 : i32
    %dma_wait3A_222 = arith.constant 0 : i32
    %dma_wait3A_223 = tpu.memref_slice %arg9[%dma_wait3A_220, %dma_wait3A_221, %dma_wait3A_222] : memref<2x80x128xf32, #tpu.memory_space<vmem>> -> memref<1x80x128xf32, #tpu.memory_space<vmem>>
    %dma_wait3A_224 = tpu.memref_squeeze %dma_wait3A_223 : memref<1x80x128xf32, #tpu.memory_space<vmem>> -> memref<80x128xf32, #tpu.memory_space<vmem>>
    %dma_wait3A_225 = arith.constant 0 : i32
    %dma_wait3A_226 = tpu.memref_slice %arg7[%dma_wait3A_219, %dma_wait3A_225] : memref<32x80xi32, #tpu.memory_space<vmem>> -> memref<1x80xi32, #tpu.memory_space<vmem>>
    %dma_wait3A_227 = tpu.memref_squeeze %dma_wait3A_226 : memref<1x80xi32, #tpu.memory_space<vmem>> -> memref<80xi32, #tpu.memory_space<vmem>>
    %dma_wait3A_228 = arith.constant 0 : i32
    %dma_wait3A_229 = arith.constant 0 : i32
    %dma_wait3A_230 = tpu.memref_slice %arg2[%dma_wait3A_228, %dma_wait3A_229] : memref<10000x128xf32, #tpu.memory_space<hbm>> -> memref<10000x128xf32, #tpu.memory_space<hbm>>
    tpu.wait_indirect_dma semaphore(%arg11 : memref<!tpu.dma_semaphore, #tpu.memory_space<semaphore_mem>>) src(%dma_wait3A_230 : memref<10000x128xf32, #tpu.memory_space<hbm>>) dst(%dma_wait3A_224 : memref<80x128xf32, #tpu.memory_space<vmem>>)
    %run_scoped3A_231 = arith.constant 0 : i32
    %run_scoped3A_232 = arith.constant 26 : i32
    "tpu.region"() ({
      %run_scoped3A_284 = tpu.sem_alloc : memref<!tpu.dma_semaphore, #tpu.memory_space<semaphore_mem>>
      %dma_start3A_285 = arith.constant 0 : i32
      %dma_start3A_286 = arith.constant 0 : i32
      %dma_start3A_287 = tpu.memref_slice %arg9[%run_scoped3A_231, %dma_start3A_285, %dma_start3A_286] : memref<2x80x128xf32, #tpu.memory_space<vmem>> -> memref<1x80x128xf32, #tpu.memory_space<vmem>>
      %dma_start3A_288 = tpu.memref_squeeze %dma_start3A_287 : memref<1x80x128xf32, #tpu.memory_space<vmem>> -> memref<80x128xf32, #tpu.memory_space<vmem>>
      %dma_start3A_289 = arith.constant 0 : i32
      %dma_start3A_290 = tpu.memref_slice %arg8[%run_scoped3A_232, %dma_start3A_289] : memref<32x80xi32, #tpu.memory_space<vmem>> -> memref<1x80xi32, #tpu.memory_space<vmem>>
      %dma_start3A_291 = tpu.memref_squeeze %dma_start3A_290 : memref<1x80xi32, #tpu.memory_space<vmem>> -> memref<80xi32, #tpu.memory_space<vmem>>
      %dma_start3A_292 = arith.constant 0 : i32
      %dma_start3A_293 = arith.constant 0 : i32
      %dma_start3A_294 = tpu.memref_slice %arg10[%dma_start3A_292, %dma_start3A_293] : memref<10008x128xf32, #tpu.memory_space<vmem_shared>> -> memref<10008x128xf32, #tpu.memory_space<vmem_shared>>
      tpu.enqueue_indirect_dma source(%dma_start3A_288 : memref<80x128xf32, #tpu.memory_space<vmem>>) target(%dma_start3A_294 : memref<10008x128xf32, #tpu.memory_space<vmem_shared>>) offsets(%dma_start3A_291 : memref<80xi32, #tpu.memory_space<vmem>>) semaphore(%run_scoped3A_284 : memref<!tpu.dma_semaphore, #tpu.memory_space<semaphore_mem>>) {add = true}
      %dma_wait3A_295 = arith.constant 0 : i32
      %dma_wait3A_296 = arith.constant 0 : i32
      %dma_wait3A_297 = tpu.memref_slice %arg9[%run_scoped3A_231, %dma_wait3A_295, %dma_wait3A_296] : memref<2x80x128xf32, #tpu.memory_space<vmem>> -> memref<1x80x128xf32, #tpu.memory_space<vmem>>
      %dma_wait3A_298 = tpu.memref_squeeze %dma_wait3A_297 : memref<1x80x128xf32, #tpu.memory_space<vmem>> -> memref<80x128xf32, #tpu.memory_space<vmem>>
      %dma_wait3A_299 = arith.constant 0 : i32
      %dma_wait3A_300 = tpu.memref_slice %arg8[%run_scoped3A_232, %dma_wait3A_299] : memref<32x80xi32, #tpu.memory_space<vmem>> -> memref<1x80xi32, #tpu.memory_space<vmem>>
      %dma_wait3A_301 = tpu.memref_squeeze %dma_wait3A_300 : memref<1x80xi32, #tpu.memory_space<vmem>> -> memref<80xi32, #tpu.memory_space<vmem>>
      %dma_wait3A_302 = arith.constant 0 : i32
      %dma_wait3A_303 = arith.constant 0 : i32
      %dma_wait3A_304 = tpu.memref_slice %arg10[%dma_wait3A_302, %dma_wait3A_303] : memref<10008x128xf32, #tpu.memory_space<vmem_shared>> -> memref<10008x128xf32, #tpu.memory_space<vmem_shared>>
      tpu.wait_indirect_dma semaphore(%run_scoped3A_284 : memref<!tpu.dma_semaphore, #tpu.memory_space<semaphore_mem>>) src(%dma_wait3A_298 : memref<80x128xf32, #tpu.memory_space<vmem>>) dst(%dma_wait3A_304 : memref<10008x128xf32, #tpu.memory_space<vmem_shared>>)
      tpu.yield
    }) : () -> ()
    %dma_start3A_233 = arith.constant 28 : i32
    %dma_start3A_234 = arith.constant 0 : i32
    %dma_start3A_235 = arith.constant 0 : i32
    %dma_start3A_236 = arith.constant 0 : i32
    %dma_start3A_237 = tpu.memref_slice %arg9[%dma_start3A_234, %dma_start3A_235, %dma_start3A_236] : memref<2x80x128xf32, #tpu.memory_space<vmem>> -> memref<1x80x128xf32, #tpu.memory_space<vmem>>
    %dma_start3A_238 = tpu.memref_squeeze %dma_start3A_237 : memref<1x80x128xf32, #tpu.memory_space<vmem>> -> memref<80x128xf32, #tpu.memory_space<vmem>>
    %dma_start3A_239 = arith.constant 0 : i32
    %dma_start3A_240 = tpu.memref_slice %arg7[%dma_start3A_233, %dma_start3A_239] : memref<32x80xi32, #tpu.memory_space<vmem>> -> memref<1x80xi32, #tpu.memory_space<vmem>>
    %dma_start3A_241 = tpu.memref_squeeze %dma_start3A_240 : memref<1x80xi32, #tpu.memory_space<vmem>> -> memref<80xi32, #tpu.memory_space<vmem>>
    %dma_start3A_242 = arith.constant 0 : i32
    %dma_start3A_243 = arith.constant 0 : i32
    %dma_start3A_244 = tpu.memref_slice %arg2[%dma_start3A_242, %dma_start3A_243] : memref<10000x128xf32, #tpu.memory_space<hbm>> -> memref<10000x128xf32, #tpu.memory_space<hbm>>
    tpu.enqueue_indirect_dma source(%dma_start3A_244 : memref<10000x128xf32, #tpu.memory_space<hbm>>) target(%dma_start3A_238 : memref<80x128xf32, #tpu.memory_space<vmem>>) offsets(%dma_start3A_241 : memref<80xi32, #tpu.memory_space<vmem>>) semaphore(%arg11 : memref<!tpu.dma_semaphore, #tpu.memory_space<semaphore_mem>>)
    %dma_wait3A_245 = arith.constant 27 : i32
    %dma_wait3A_246 = arith.constant 1 : i32
    %dma_wait3A_247 = arith.constant 0 : i32
    %dma_wait3A_248 = arith.constant 0 : i32
    %dma_wait3A_249 = tpu.memref_slice %arg9[%dma_wait3A_246, %dma_wait3A_247, %dma_wait3A_248] : memref<2x80x128xf32, #tpu.memory_space<vmem>> -> memref<1x80x128xf32, #tpu.memory_space<vmem>>
    %dma_wait3A_250 = tpu.memref_squeeze %dma_wait3A_249 : memref<1x80x128xf32, #tpu.memory_space<vmem>> -> memref<80x128xf32, #tpu.memory_space<vmem>>
    %dma_wait3A_251 = arith.constant 0 : i32
    %dma_wait3A_252 = tpu.memref_slice %arg7[%dma_wait3A_245, %dma_wait3A_251] : memref<32x80xi32, #tpu.memory_space<vmem>> -> memref<1x80xi32, #tpu.memory_space<vmem>>
    %dma_wait3A_253 = tpu.memref_squeeze %dma_wait3A_252 : memref<1x80xi32, #tpu.memory_space<vmem>> -> memref<80xi32, #tpu.memory_space<vmem>>
    %dma_wait3A_254 = arith.constant 0 : i32
    %dma_wait3A_255 = arith.constant 0 : i32
    %dma_wait3A_256 = tpu.memref_slice %arg2[%dma_wait3A_254, %dma_wait3A_255] : memref<10000x128xf32, #tpu.memory_space<hbm>> -> memref<10000x128xf32, #tpu.memory_space<hbm>>
    tpu.wait_indirect_dma semaphore(%arg11 : memref<!tpu.dma_semaphore, #tpu.memory_space<semaphore_mem>>) src(%dma_wait3A_256 : memref<10000x128xf32, #tpu.memory_space<hbm>>) dst(%dma_wait3A_250 : memref<80x128xf32, #tpu.memory_space<vmem>>)
    %run_scoped3A_257 = arith.constant 1 : i32
    %run_scoped3A_258 = arith.constant 27 : i32
    "tpu.region"() ({
      %run_scoped3A_284 = tpu.sem_alloc : memref<!tpu.dma_semaphore, #tpu.memory_space<semaphore_mem>>
      %dma_start3A_285 = arith.constant 0 : i32
      %dma_start3A_286 = arith.constant 0 : i32
      %dma_start3A_287 = tpu.memref_slice %arg9[%run_scoped3A_257, %dma_start3A_285, %dma_start3A_286] : memref<2x80x128xf32, #tpu.memory_space<vmem>> -> memref<1x80x128xf32, #tpu.memory_space<vmem>>
      %dma_start3A_288 = tpu.memref_squeeze %dma_start3A_287 : memref<1x80x128xf32, #tpu.memory_space<vmem>> -> memref<80x128xf32, #tpu.memory_space<vmem>>
      %dma_start3A_289 = arith.constant 0 : i32
      %dma_start3A_290 = tpu.memref_slice %arg8[%run_scoped3A_258, %dma_start3A_289] : memref<32x80xi32, #tpu.memory_space<vmem>> -> memref<1x80xi32, #tpu.memory_space<vmem>>
      %dma_start3A_291 = tpu.memref_squeeze %dma_start3A_290 : memref<1x80xi32, #tpu.memory_space<vmem>> -> memref<80xi32, #tpu.memory_space<vmem>>
      %dma_start3A_292 = arith.constant 0 : i32
      %dma_start3A_293 = arith.constant 0 : i32
      %dma_start3A_294 = tpu.memref_slice %arg10[%dma_start3A_292, %dma_start3A_293] : memref<10008x128xf32, #tpu.memory_space<vmem_shared>> -> memref<10008x128xf32, #tpu.memory_space<vmem_shared>>
      tpu.enqueue_indirect_dma source(%dma_start3A_288 : memref<80x128xf32, #tpu.memory_space<vmem>>) target(%dma_start3A_294 : memref<10008x128xf32, #tpu.memory_space<vmem_shared>>) offsets(%dma_start3A_291 : memref<80xi32, #tpu.memory_space<vmem>>) semaphore(%run_scoped3A_284 : memref<!tpu.dma_semaphore, #tpu.memory_space<semaphore_mem>>) {add = true}
      %dma_wait3A_295 = arith.constant 0 : i32
      %dma_wait3A_296 = arith.constant 0 : i32
      %dma_wait3A_297 = tpu.memref_slice %arg9[%run_scoped3A_257, %dma_wait3A_295, %dma_wait3A_296] : memref<2x80x128xf32, #tpu.memory_space<vmem>> -> memref<1x80x128xf32, #tpu.memory_space<vmem>>
      %dma_wait3A_298 = tpu.memref_squeeze %dma_wait3A_297 : memref<1x80x128xf32, #tpu.memory_space<vmem>> -> memref<80x128xf32, #tpu.memory_space<vmem>>
      %dma_wait3A_299 = arith.constant 0 : i32
      %dma_wait3A_300 = tpu.memref_slice %arg8[%run_scoped3A_258, %dma_wait3A_299] : memref<32x80xi32, #tpu.memory_space<vmem>> -> memref<1x80xi32, #tpu.memory_space<vmem>>
      %dma_wait3A_301 = tpu.memref_squeeze %dma_wait3A_300 : memref<1x80xi32, #tpu.memory_space<vmem>> -> memref<80xi32, #tpu.memory_space<vmem>>
      %dma_wait3A_302 = arith.constant 0 : i32
      %dma_wait3A_303 = arith.constant 0 : i32
      %dma_wait3A_304 = tpu.memref_slice %arg10[%dma_wait3A_302, %dma_wait3A_303] : memref<10008x128xf32, #tpu.memory_space<vmem_shared>> -> memref<10008x128xf32, #tpu.memory_space<vmem_shared>>
      tpu.wait_indirect_dma semaphore(%run_scoped3A_284 : memref<!tpu.dma_semaphore, #tpu.memory_space<semaphore_mem>>) src(%dma_wait3A_298 : memref<80x128xf32, #tpu.memory_space<vmem>>) dst(%dma_wait3A_304 : memref<10008x128xf32, #tpu.memory_space<vmem_shared>>)
      tpu.yield
    }) : () -> ()
    %dma_wait3A_259 = arith.constant 28 : i32
    %dma_wait3A_260 = arith.constant 0 : i32
    %dma_wait3A_261 = arith.constant 0 : i32
    %dma_wait3A_262 = arith.constant 0 : i32
    %dma_wait3A_263 = tpu.memref_slice %arg9[%dma_wait3A_260, %dma_wait3A_261, %dma_wait3A_262] : memref<2x80x128xf32, #tpu.memory_space<vmem>> -> memref<1x80x128xf32, #tpu.memory_space<vmem>>
    %dma_wait3A_264 = tpu.memref_squeeze %dma_wait3A_263 : memref<1x80x128xf32, #tpu.memory_space<vmem>> -> memref<80x128xf32, #tpu.memory_space<vmem>>
    %dma_wait3A_265 = arith.constant 0 : i32
    %dma_wait3A_266 = tpu.memref_slice %arg7[%dma_wait3A_259, %dma_wait3A_265] : memref<32x80xi32, #tpu.memory_space<vmem>> -> memref<1x80xi32, #tpu.memory_space<vmem>>
    %dma_wait3A_267 = tpu.memref_squeeze %dma_wait3A_266 : memref<1x80xi32, #tpu.memory_space<vmem>> -> memref<80xi32, #tpu.memory_space<vmem>>
    %dma_wait3A_268 = arith.constant 0 : i32
    %dma_wait3A_269 = arith.constant 0 : i32
    %dma_wait3A_270 = tpu.memref_slice %arg2[%dma_wait3A_268, %dma_wait3A_269] : memref<10000x128xf32, #tpu.memory_space<hbm>> -> memref<10000x128xf32, #tpu.memory_space<hbm>>
    tpu.wait_indirect_dma semaphore(%arg11 : memref<!tpu.dma_semaphore, #tpu.memory_space<semaphore_mem>>) src(%dma_wait3A_270 : memref<10000x128xf32, #tpu.memory_space<hbm>>) dst(%dma_wait3A_264 : memref<80x128xf32, #tpu.memory_space<vmem>>)
    %run_scoped3A_271 = arith.constant 0 : i32
    %run_scoped3A_272 = arith.constant 28 : i32
    "tpu.region"() ({
      %run_scoped3A_284 = tpu.sem_alloc : memref<!tpu.dma_semaphore, #tpu.memory_space<semaphore_mem>>
      %dma_start3A_285 = arith.constant 0 : i32
      %dma_start3A_286 = arith.constant 0 : i32
      %dma_start3A_287 = tpu.memref_slice %arg9[%run_scoped3A_271, %dma_start3A_285, %dma_start3A_286] : memref<2x80x128xf32, #tpu.memory_space<vmem>> -> memref<1x80x128xf32, #tpu.memory_space<vmem>>
      %dma_start3A_288 = tpu.memref_squeeze %dma_start3A_287 : memref<1x80x128xf32, #tpu.memory_space<vmem>> -> memref<80x128xf32, #tpu.memory_space<vmem>>
      %dma_start3A_289 = arith.constant 0 : i32
      %dma_start3A_290 = tpu.memref_slice %arg8[%run_scoped3A_272, %dma_start3A_289] : memref<32x80xi32, #tpu.memory_space<vmem>> -> memref<1x80xi32, #tpu.memory_space<vmem>>
      %dma_start3A_291 = tpu.memref_squeeze %dma_start3A_290 : memref<1x80xi32, #tpu.memory_space<vmem>> -> memref<80xi32, #tpu.memory_space<vmem>>
      %dma_start3A_292 = arith.constant 0 : i32
      %dma_start3A_293 = arith.constant 0 : i32
      %dma_start3A_294 = tpu.memref_slice %arg10[%dma_start3A_292, %dma_start3A_293] : memref<10008x128xf32, #tpu.memory_space<vmem_shared>> -> memref<10008x128xf32, #tpu.memory_space<vmem_shared>>
      tpu.enqueue_indirect_dma source(%dma_start3A_288 : memref<80x128xf32, #tpu.memory_space<vmem>>) target(%dma_start3A_294 : memref<10008x128xf32, #tpu.memory_space<vmem_shared>>) offsets(%dma_start3A_291 : memref<80xi32, #tpu.memory_space<vmem>>) semaphore(%run_scoped3A_284 : memref<!tpu.dma_semaphore, #tpu.memory_space<semaphore_mem>>) {add = true}
      %dma_wait3A_295 = arith.constant 0 : i32
      %dma_wait3A_296 = arith.constant 0 : i32
      %dma_wait3A_297 = tpu.memref_slice %arg9[%run_scoped3A_271, %dma_wait3A_295, %dma_wait3A_296] : memref<2x80x128xf32, #tpu.memory_space<vmem>> -> memref<1x80x128xf32, #tpu.memory_space<vmem>>
      %dma_wait3A_298 = tpu.memref_squeeze %dma_wait3A_297 : memref<1x80x128xf32, #tpu.memory_space<vmem>> -> memref<80x128xf32, #tpu.memory_space<vmem>>
      %dma_wait3A_299 = arith.constant 0 : i32
      %dma_wait3A_300 = tpu.memref_slice %arg8[%run_scoped3A_272, %dma_wait3A_299] : memref<32x80xi32, #tpu.memory_space<vmem>> -> memref<1x80xi32, #tpu.memory_space<vmem>>
      %dma_wait3A_301 = tpu.memref_squeeze %dma_wait3A_300 : memref<1x80xi32, #tpu.memory_space<vmem>> -> memref<80xi32, #tpu.memory_space<vmem>>
      %dma_wait3A_302 = arith.constant 0 : i32
      %dma_wait3A_303 = arith.constant 0 : i32
      %dma_wait3A_304 = tpu.memref_slice %arg10[%dma_wait3A_302, %dma_wait3A_303] : memref<10008x128xf32, #tpu.memory_space<vmem_shared>> -> memref<10008x128xf32, #tpu.memory_space<vmem_shared>>
      tpu.wait_indirect_dma semaphore(%run_scoped3A_284 : memref<!tpu.dma_semaphore, #tpu.memory_space<semaphore_mem>>) src(%dma_wait3A_298 : memref<80x128xf32, #tpu.memory_space<vmem>>) dst(%dma_wait3A_304 : memref<10008x128xf32, #tpu.memory_space<vmem_shared>>)
      tpu.yield
    }) : () -> ()
    %barrier3A_273 = arith.constant 0 : index
    tpu.barrier barrier_id(%barrier3A_273)
    %lt3A_274 = arith.constant 15 : i32
    %lt3A_275 = arith.cmpi slt, %arg1, %lt3A_274 : i32
    %convert_element_type3A_276 = arith.extui %lt3A_275 : i1 to i32
    %cond3A_277 = arith.constant 0 : i32
    %cond3A_278 = arith.cmpi ne, %convert_element_type3A_276, %cond3A_277 : i32
    scf.if %cond3A_278 {
      %mul3A_284 = arith.constant 624 : i32
      %mul3A_285 = arith.muli %arg1, %mul3A_284 : i32
      %mul3A_286 = arith.constant 624 : i32
      %mul3A_287 = arith.muli %arg1, %mul3A_286 : i32
      "tpu.region"() ({
        %run_scoped3A_288 = tpu.sem_alloc : memref<!tpu.dma_semaphore, #tpu.memory_space<semaphore_mem>>
        %dma_start3A_289 = arith.constant 0 : i32
        %dma_start3A_290 = tpu.memref_slice %arg6[%arg0, %mul3A_287, %dma_start3A_289] : memref<2x10008x128xf32, #tpu.memory_space<hbm>> -> memref<1x624x128xf32, #tpu.memory_space<hbm>>
        %dma_start3A_291 = tpu.memref_squeeze %dma_start3A_290 : memref<1x624x128xf32, #tpu.memory_space<hbm>> -> memref<624x128xf32, #tpu.memory_space<hbm>>
        %dma_start3A_292 = arith.constant 0 : i32
        %dma_start3A_293 = tpu.memref_slice %arg10[%mul3A_285, %dma_start3A_292] : memref<10008x128xf32, #tpu.memory_space<vmem_shared>> -> memref<624x128xf32, #tpu.memory_space<vmem_shared>>
        tpu.enqueue_dma source(%dma_start3A_293 : memref<624x128xf32, #tpu.memory_space<vmem_shared>>) target(%dma_start3A_291 : memref<624x128xf32, #tpu.memory_space<hbm>>) target_semaphore(%run_scoped3A_288 : memref<!tpu.dma_semaphore, #tpu.memory_space<semaphore_mem>>)
        %dma_wait3A_294 = arith.constant 0 : i32
        %dma_wait3A_295 = tpu.memref_slice %arg6[%arg0, %mul3A_287, %dma_wait3A_294] : memref<2x10008x128xf32, #tpu.memory_space<hbm>> -> memref<1x624x128xf32, #tpu.memory_space<hbm>>
        %dma_wait3A_296 = tpu.memref_squeeze %dma_wait3A_295 : memref<1x624x128xf32, #tpu.memory_space<hbm>> -> memref<624x128xf32, #tpu.memory_space<hbm>>
        %dma_wait3A_297 = arith.constant 0 : i32
        %dma_wait3A_298 = tpu.memref_slice %arg10[%mul3A_285, %dma_wait3A_297] : memref<10008x128xf32, #tpu.memory_space<vmem_shared>> -> memref<624x128xf32, #tpu.memory_space<vmem_shared>>
        tpu.wait_dma2 semaphore(%run_scoped3A_288 : memref<!tpu.dma_semaphore, #tpu.memory_space<semaphore_mem>>) src(%dma_wait3A_298 : memref<624x128xf32, #tpu.memory_space<vmem_shared>>) dst(%dma_wait3A_296 : memref<624x128xf32, #tpu.memory_space<hbm>>)
        tpu.yield
      }) : () -> ()
    } else {
    }
    %eq3A_279 = arith.constant 15 : i32
    %eq3A_280 = arith.cmpi eq, %arg1, %eq3A_279 : i32
    %convert_element_type3A_281 = arith.extui %eq3A_280 : i1 to i32
    %cond3A_282 = arith.constant 0 : i32
    %cond3A_283 = arith.cmpi ne, %convert_element_type3A_281, %cond3A_282 : i32
    scf.if %cond3A_283 {
      "tpu.region"() ({
        %run_scoped3A_284 = tpu.sem_alloc : memref<!tpu.dma_semaphore, #tpu.memory_space<semaphore_mem>>
        %dma_start3A_285 = arith.constant 9360 : i32
        %dma_start3A_286 = arith.constant 0 : i32
        %dma_start3A_287 = tpu.memref_slice %arg6[%arg0, %dma_start3A_285, %dma_start3A_286] : memref<2x10008x128xf32, #tpu.memory_space<hbm>> -> memref<1x648x128xf32, #tpu.memory_space<hbm>>
        %dma_start3A_288 = tpu.memref_squeeze %dma_start3A_287 : memref<1x648x128xf32, #tpu.memory_space<hbm>> -> memref<648x128xf32, #tpu.memory_space<hbm>>
        %dma_start3A_289 = arith.constant 9360 : i32
        %dma_start3A_290 = arith.constant 0 : i32
        %dma_start3A_291 = tpu.memref_slice %arg10[%dma_start3A_289, %dma_start3A_290] : memref<10008x128xf32, #tpu.memory_space<vmem_shared>> -> memref<648x128xf32, #tpu.memory_space<vmem_shared>>
        tpu.enqueue_dma source(%dma_start3A_291 : memref<648x128xf32, #tpu.memory_space<vmem_shared>>) target(%dma_start3A_288 : memref<648x128xf32, #tpu.memory_space<hbm>>) target_semaphore(%run_scoped3A_284 : memref<!tpu.dma_semaphore, #tpu.memory_space<semaphore_mem>>)
        %dma_wait3A_292 = arith.constant 9360 : i32
        %dma_wait3A_293 = arith.constant 0 : i32
        %dma_wait3A_294 = tpu.memref_slice %arg6[%arg0, %dma_wait3A_292, %dma_wait3A_293] : memref<2x10008x128xf32, #tpu.memory_space<hbm>> -> memref<1x648x128xf32, #tpu.memory_space<hbm>>
        %dma_wait3A_295 = tpu.memref_squeeze %dma_wait3A_294 : memref<1x648x128xf32, #tpu.memory_space<hbm>> -> memref<648x128xf32, #tpu.memory_space<hbm>>
        %dma_wait3A_296 = arith.constant 9360 : i32
        %dma_wait3A_297 = arith.constant 0 : i32
        %dma_wait3A_298 = tpu.memref_slice %arg10[%dma_wait3A_296, %dma_wait3A_297] : memref<10008x128xf32, #tpu.memory_space<vmem_shared>> -> memref<648x128xf32, #tpu.memory_space<vmem_shared>>
        tpu.wait_dma2 semaphore(%run_scoped3A_284 : memref<!tpu.dma_semaphore, #tpu.memory_space<semaphore_mem>>) src(%dma_wait3A_298 : memref<648x128xf32, #tpu.memory_space<vmem_shared>>) dst(%dma_wait3A_295 : memref<648x128xf32, #tpu.memory_space<hbm>>)
        tpu.yield
      }) : () -> ()
    } else {
    }
    return
  }
}

#map = affine_map<(d0, d1) -> (0, 0)>
#map1 = affine_map<(d0, d1) -> (0, 0, 0)>
module attributes {stable_mosaic.version = 14 : i64} {
  func.func @agg(%arg0: i32, %arg1: i32, %arg2: memref<10000x128xf32, #tpu.memory_space<hbm>>, %arg3: memref<4096x80xi32, #tpu.memory_space<hbm>>, %arg4: memref<4096x80xi32, #tpu.memory_space<hbm>>, %arg5: memref<10008x128xf32, #tpu.memory_space<hbm>>, %arg6: memref<2x10008x128xf32, #tpu.memory_space<hbm>>, %arg7: memref<32x80xi32, #tpu.memory_space<vmem>>, %arg8: memref<32x80xi32, #tpu.memory_space<vmem>>, %arg9: memref<2x80x128xf32, #tpu.memory_space<vmem>>, %arg10: memref<10008x128xf32, #tpu.memory_space<vmem_shared>>, %arg11: memref<!tpu.dma_semaphore, #tpu.memory_space<semaphore_mem>>) attributes {dimension_semantics = [#tpu.dimension_semantics<core_parallel>, #tpu.dimension_semantics<subcore_parallel>], iteration_bounds = array<i64: 2, 16>, scalar_prefetch = 0 : i64, scratch_operands = 5 : i64, tpu.core_type = #tpu.core_type<sc_vector_subcore>, window_params = [{transform_indices = #map}, {transform_indices = #map}, {transform_indices = #map}, {transform_indices = #map}, {transform_indices = #map1}]} {
    %mul3A = arith.constant 2 : i32
    %mul3A_0 = arith.muli %arg1, %mul3A : i32
    %add3A = arith.addi %mul3A_0, %arg0 : i32
    %lt3A = arith.constant 15 : i32
    %lt3A_1 = arith.cmpi slt, %arg1, %lt3A : i32
    %convert_element_type3A = arith.extui %lt3A_1 : i1 to i32
    %cond3A = arith.constant 0 : i32
    %cond3A_2 = arith.cmpi ne, %convert_element_type3A, %cond3A : i32
    scf.if %cond3A_2 {
      %mul3A_284 = arith.constant 624 : i32
      %mul3A_285 = arith.muli %arg1, %mul3A_284 : i32
      %mul3A_286 = arith.constant 624 : i32
      %mul3A_287 = arith.muli %arg1, %mul3A_286 : i32
      "tpu.region"() ({
        %run_scoped3A_288 = tpu.sem_alloc : memref<!tpu.dma_semaphore, #tpu.memory_space<semaphore_mem>>
        %dma_start3A_289 = arith.constant 0 : i32
        %dma_start3A_290 = tpu.memref_slice %arg10[%mul3A_287, %dma_start3A_289] : memref<10008x128xf32, #tpu.memory_space<vmem_shared>> -> memref<624x128xf32, #tpu.memory_space<vmem_shared>>
        %dma_start3A_291 = arith.constant 0 : i32
        %dma_start3A_292 = tpu.memref_slice %arg5[%mul3A_285, %dma_start3A_291] : memref<10008x128xf32, #tpu.memory_space<hbm>> -> memref<624x128xf32, #tpu.memory_space<hbm>>
        tpu.enqueue_dma source(%dma_start3A_292 : memref<624x128xf32, #tpu.memory_space<hbm>>) target(%dma_start3A_290 : memref<624x128xf32, #tpu.memory_space<vmem_shared>>) target_semaphore(%run_scoped3A_288 : memref<!tpu.dma_semaphore, #tpu.memory_space<semaphore_mem>>)
        %dma_wait3A_293 = arith.constant 0 : i32
        %dma_wait3A_294 = tpu.memref_slice %arg10[%mul3A_287, %dma_wait3A_293] : memref<10008x128xf32, #tpu.memory_space<vmem_shared>> -> memref<624x128xf32, #tpu.memory_space<vmem_shared>>
        %dma_wait3A_295 = arith.constant 0 : i32
        %dma_wait3A_296 = tpu.memref_slice %arg5[%mul3A_285, %dma_wait3A_295] : memref<10008x128xf32, #tpu.memory_space<hbm>> -> memref<624x128xf32, #tpu.memory_space<hbm>>
        tpu.wait_dma2 semaphore(%run_scoped3A_288 : memref<!tpu.dma_semaphore, #tpu.memory_space<semaphore_mem>>) src(%dma_wait3A_296 : memref<624x128xf32, #tpu.memory_space<hbm>>) dst(%dma_wait3A_294 : memref<624x128xf32, #tpu.memory_space<vmem_shared>>)
        tpu.yield
      }) : () -> ()
    } else {
    }
    %eq3A = arith.constant 15 : i32
    %eq3A_3 = arith.cmpi eq, %arg1, %eq3A : i32
    %convert_element_type3A_4 = arith.extui %eq3A_3 : i1 to i32
    %cond3A_5 = arith.constant 0 : i32
    %cond3A_6 = arith.cmpi ne, %convert_element_type3A_4, %cond3A_5 : i32
    scf.if %cond3A_6 {
      "tpu.region"() ({
        %run_scoped3A_284 = tpu.sem_alloc : memref<!tpu.dma_semaphore, #tpu.memory_space<semaphore_mem>>
        %dma_start3A_285 = arith.constant 9360 : i32
        %dma_start3A_286 = arith.constant 0 : i32
        %dma_start3A_287 = tpu.memref_slice %arg10[%dma_start3A_285, %dma_start3A_286] : memref<10008x128xf32, #tpu.memory_space<vmem_shared>> -> memref<648x128xf32, #tpu.memory_space<vmem_shared>>
        %dma_start3A_288 = arith.constant 9360 : i32
        %dma_start3A_289 = arith.constant 0 : i32
        %dma_start3A_290 = tpu.memref_slice %arg5[%dma_start3A_288, %dma_start3A_289] : memref<10008x128xf32, #tpu.memory_space<hbm>> -> memref<648x128xf32, #tpu.memory_space<hbm>>
        tpu.enqueue_dma source(%dma_start3A_290 : memref<648x128xf32, #tpu.memory_space<hbm>>) target(%dma_start3A_287 : memref<648x128xf32, #tpu.memory_space<vmem_shared>>) target_semaphore(%run_scoped3A_284 : memref<!tpu.dma_semaphore, #tpu.memory_space<semaphore_mem>>)
        %dma_wait3A_291 = arith.constant 9360 : i32
        %dma_wait3A_292 = arith.constant 0 : i32
        %dma_wait3A_293 = tpu.memref_slice %arg10[%dma_wait3A_291, %dma_wait3A_292] : memref<10008x128xf32, #tpu.memory_space<vmem_shared>> -> memref<648x128xf32, #tpu.memory_space<vmem_shared>>
        %dma_wait3A_294 = arith.constant 9360 : i32
        %dma_wait3A_295 = arith.constant 0 : i32
        %dma_wait3A_296 = tpu.memref_slice %arg5[%dma_wait3A_294, %dma_wait3A_295] : memref<10008x128xf32, #tpu.memory_space<hbm>> -> memref<648x128xf32, #tpu.memory_space<hbm>>
        tpu.wait_dma2 semaphore(%run_scoped3A_284 : memref<!tpu.dma_semaphore, #tpu.memory_space<semaphore_mem>>) src(%dma_wait3A_296 : memref<648x128xf32, #tpu.memory_space<hbm>>) dst(%dma_wait3A_293 : memref<648x128xf32, #tpu.memory_space<vmem_shared>>)
        tpu.yield
      }) : () -> ()
    } else {
    }
    %barrier3A = arith.constant 0 : index
    tpu.barrier barrier_id(%barrier3A)
    %mul3A_7 = arith.constant 128 : i32
    %mul3A_8 = arith.muli %add3A, %mul3A_7 : i32
    %add3A_9 = arith.constant 0 : i32
    %add3A_10 = arith.addi %mul3A_8, %add3A_9 : i32
    "tpu.region"() ({
      %run_scoped3A_284 = tpu.sem_alloc : memref<!tpu.dma_semaphore, #tpu.memory_space<semaphore_mem>>
      %dma_start3A_285 = arith.constant 0 : i32
      %dma_start3A_286 = tpu.memref_slice %arg3[%add3A_10, %dma_start3A_285] : memref<4096x80xi32, #tpu.memory_space<hbm>> -> memref<32x80xi32, #tpu.memory_space<hbm>>
      %dma_start3A_287 = arith.constant 0 : i32
      %dma_start3A_288 = tpu.memref_slice %arg3[%add3A_10, %dma_start3A_287] : memref<4096x80xi32, #tpu.memory_space<hbm>> -> memref<32x80xi32, #tpu.memory_space<hbm>>
      tpu.enqueue_dma source(%dma_start3A_288 : memref<32x80xi32, #tpu.memory_space<hbm>>) target(%arg7 : memref<32x80xi32, #tpu.memory_space<vmem>>) target_semaphore(%run_scoped3A_284 : memref<!tpu.dma_semaphore, #tpu.memory_space<semaphore_mem>>)
      %dma_wait3A_289 = arith.constant 0 : i32
      %dma_wait3A_290 = tpu.memref_slice %arg3[%add3A_10, %dma_wait3A_289] : memref<4096x80xi32, #tpu.memory_space<hbm>> -> memref<32x80xi32, #tpu.memory_space<hbm>>
      %dma_wait3A_291 = arith.constant 0 : i32
      %dma_wait3A_292 = tpu.memref_slice %arg3[%add3A_10, %dma_wait3A_291] : memref<4096x80xi32, #tpu.memory_space<hbm>> -> memref<32x80xi32, #tpu.memory_space<hbm>>
      tpu.wait_dma2 semaphore(%run_scoped3A_284 : memref<!tpu.dma_semaphore, #tpu.memory_space<semaphore_mem>>) src(%dma_wait3A_292 : memref<32x80xi32, #tpu.memory_space<hbm>>) dst(%arg7 : memref<32x80xi32, #tpu.memory_space<vmem>>)
      tpu.yield
    }) : () -> ()
    "tpu.region"() ({
      %run_scoped3A_284 = tpu.sem_alloc : memref<!tpu.dma_semaphore, #tpu.memory_space<semaphore_mem>>
      %dma_start3A_285 = arith.constant 0 : i32
      %dma_start3A_286 = tpu.memref_slice %arg4[%add3A_10, %dma_start3A_285] : memref<4096x80xi32, #tpu.memory_space<hbm>> -> memref<32x80xi32, #tpu.memory_space<hbm>>
      %dma_start3A_287 = arith.constant 0 : i32
      %dma_start3A_288 = tpu.memref_slice %arg4[%add3A_10, %dma_start3A_287] : memref<4096x80xi32, #tpu.memory_space<hbm>> -> memref<32x80xi32, #tpu.memory_space<hbm>>
      tpu.enqueue_dma source(%dma_start3A_288 : memref<32x80xi32, #tpu.memory_space<hbm>>) target(%arg8 : memref<32x80xi32, #tpu.memory_space<vmem>>) target_semaphore(%run_scoped3A_284 : memref<!tpu.dma_semaphore, #tpu.memory_space<semaphore_mem>>)
      %dma_wait3A_289 = arith.constant 0 : i32
      %dma_wait3A_290 = tpu.memref_slice %arg4[%add3A_10, %dma_wait3A_289] : memref<4096x80xi32, #tpu.memory_space<hbm>> -> memref<32x80xi32, #tpu.memory_space<hbm>>
      %dma_wait3A_291 = arith.constant 0 : i32
      %dma_wait3A_292 = tpu.memref_slice %arg4[%add3A_10, %dma_wait3A_291] : memref<4096x80xi32, #tpu.memory_space<hbm>> -> memref<32x80xi32, #tpu.memory_space<hbm>>
      tpu.wait_dma2 semaphore(%run_scoped3A_284 : memref<!tpu.dma_semaphore, #tpu.memory_space<semaphore_mem>>) src(%dma_wait3A_292 : memref<32x80xi32, #tpu.memory_space<hbm>>) dst(%arg8 : memref<32x80xi32, #tpu.memory_space<vmem>>)
      tpu.yield
    }) : () -> ()
    %dma_start3A = arith.constant 0 : i32
    %dma_start3A_11 = arith.constant 0 : i32
    %dma_start3A_12 = arith.constant 0 : i32
    %dma_start3A_13 = arith.constant 0 : i32
    %dma_start3A_14 = tpu.memref_slice %arg9[%dma_start3A_11, %dma_start3A_12, %dma_start3A_13] : memref<2x80x128xf32, #tpu.memory_space<vmem>> -> memref<1x80x128xf32, #tpu.memory_space<vmem>>
    %dma_start3A_15 = tpu.memref_squeeze %dma_start3A_14 : memref<1x80x128xf32, #tpu.memory_space<vmem>> -> memref<80x128xf32, #tpu.memory_space<vmem>>
    %dma_start3A_16 = arith.constant 0 : i32
    %dma_start3A_17 = tpu.memref_slice %arg7[%dma_start3A, %dma_start3A_16] : memref<32x80xi32, #tpu.memory_space<vmem>> -> memref<1x80xi32, #tpu.memory_space<vmem>>
    %dma_start3A_18 = tpu.memref_squeeze %dma_start3A_17 : memref<1x80xi32, #tpu.memory_space<vmem>> -> memref<80xi32, #tpu.memory_space<vmem>>
    %dma_start3A_19 = arith.constant 0 : i32
    %dma_start3A_20 = arith.constant 0 : i32
    %dma_start3A_21 = tpu.memref_slice %arg2[%dma_start3A_19, %dma_start3A_20] : memref<10000x128xf32, #tpu.memory_space<hbm>> -> memref<10000x128xf32, #tpu.memory_space<hbm>>
    tpu.enqueue_indirect_dma source(%dma_start3A_21 : memref<10000x128xf32, #tpu.memory_space<hbm>>) target(%dma_start3A_15 : memref<80x128xf32, #tpu.memory_space<vmem>>) offsets(%dma_start3A_18 : memref<80xi32, #tpu.memory_space<vmem>>) semaphore(%arg11 : memref<!tpu.dma_semaphore, #tpu.memory_space<semaphore_mem>>)
    %dma_start3A_22 = arith.constant 1 : i32
    %dma_start3A_23 = arith.constant 1 : i32
    %dma_start3A_24 = arith.constant 0 : i32
    %dma_start3A_25 = arith.constant 0 : i32
    %dma_start3A_26 = tpu.memref_slice %arg9[%dma_start3A_23, %dma_start3A_24, %dma_start3A_25] : memref<2x80x128xf32, #tpu.memory_space<vmem>> -> memref<1x80x128xf32, #tpu.memory_space<vmem>>
    %dma_start3A_27 = tpu.memref_squeeze %dma_start3A_26 : memref<1x80x128xf32, #tpu.memory_space<vmem>> -> memref<80x128xf32, #tpu.memory_space<vmem>>
    %dma_start3A_28 = arith.constant 0 : i32
    %dma_start3A_29 = tpu.memref_slice %arg7[%dma_start3A_22, %dma_start3A_28] : memref<32x80xi32, #tpu.memory_space<vmem>> -> memref<1x80xi32, #tpu.memory_space<vmem>>
    %dma_start3A_30 = tpu.memref_squeeze %dma_start3A_29 : memref<1x80xi32, #tpu.memory_space<vmem>> -> memref<80xi32, #tpu.memory_space<vmem>>
    %dma_start3A_31 = arith.constant 0 : i32
    %dma_start3A_32 = arith.constant 0 : i32
    %dma_start3A_33 = tpu.memref_slice %arg2[%dma_start3A_31, %dma_start3A_32] : memref<10000x128xf32, #tpu.memory_space<hbm>> -> memref<10000x128xf32, #tpu.memory_space<hbm>>
    tpu.enqueue_indirect_dma source(%dma_start3A_33 : memref<10000x128xf32, #tpu.memory_space<hbm>>) target(%dma_start3A_27 : memref<80x128xf32, #tpu.memory_space<vmem>>) offsets(%dma_start3A_30 : memref<80xi32, #tpu.memory_space<vmem>>) semaphore(%arg11 : memref<!tpu.dma_semaphore, #tpu.memory_space<semaphore_mem>>)
    %scan3A = arith.constant 0 : i32
    %scan3A_34 = arith.constant 15 : i32
    %scan3A_35 = arith.addi %scan3A, %scan3A_34 : i32
    %scan3A_36 = arith.constant 1 : i32
    scf.for %scan3A_284 = %scan3A to %scan3A_35 step %scan3A_36  : i32 {
      %mul3A_285 = arith.constant 2 : i32
      %mul3A_286 = arith.muli %scan3A_284, %mul3A_285 : i32
      %add3A_287 = arith.constant 0 : i32
      %add3A_288 = arith.addi %add3A_287, %mul3A_286 : i32
      %dma_wait3A_289 = arith.constant 0 : i32
      %dma_wait3A_290 = arith.constant 0 : i32
      %dma_wait3A_291 = arith.constant 0 : i32
      %dma_wait3A_292 = tpu.memref_slice %arg9[%dma_wait3A_289, %dma_wait3A_290, %dma_wait3A_291] : memref<2x80x128xf32, #tpu.memory_space<vmem>> -> memref<1x80x128xf32, #tpu.memory_space<vmem>>
      %dma_wait3A_293 = tpu.memref_squeeze %dma_wait3A_292 : memref<1x80x128xf32, #tpu.memory_space<vmem>> -> memref<80x128xf32, #tpu.memory_space<vmem>>
      %dma_wait3A_294 = arith.constant 0 : i32
      %dma_wait3A_295 = tpu.memref_slice %arg7[%add3A_288, %dma_wait3A_294] : memref<32x80xi32, #tpu.memory_space<vmem>> -> memref<1x80xi32, #tpu.memory_space<vmem>>
      %dma_wait3A_296 = tpu.memref_squeeze %dma_wait3A_295 : memref<1x80xi32, #tpu.memory_space<vmem>> -> memref<80xi32, #tpu.memory_space<vmem>>
      %dma_wait3A_297 = arith.constant 0 : i32
      %dma_wait3A_298 = arith.constant 0 : i32
      %dma_wait3A_299 = tpu.memref_slice %arg2[%dma_wait3A_297, %dma_wait3A_298] : memref<10000x128xf32, #tpu.memory_space<hbm>> -> memref<10000x128xf32, #tpu.memory_space<hbm>>
      tpu.wait_indirect_dma semaphore(%arg11 : memref<!tpu.dma_semaphore, #tpu.memory_space<semaphore_mem>>) src(%dma_wait3A_299 : memref<10000x128xf32, #tpu.memory_space<hbm>>) dst(%dma_wait3A_293 : memref<80x128xf32, #tpu.memory_space<vmem>>)
      %run_scoped3A_300 = arith.constant 0 : i32
      "tpu.region"() ({
        %run_scoped3A_341 = tpu.sem_alloc : memref<!tpu.dma_semaphore, #tpu.memory_space<semaphore_mem>>
        %dma_start3A_342 = arith.constant 0 : i32
        %dma_start3A_343 = arith.constant 0 : i32
        %dma_start3A_344 = tpu.memref_slice %arg9[%run_scoped3A_300, %dma_start3A_342, %dma_start3A_343] : memref<2x80x128xf32, #tpu.memory_space<vmem>> -> memref<1x80x128xf32, #tpu.memory_space<vmem>>
        %dma_start3A_345 = tpu.memref_squeeze %dma_start3A_344 : memref<1x80x128xf32, #tpu.memory_space<vmem>> -> memref<80x128xf32, #tpu.memory_space<vmem>>
        %dma_start3A_346 = arith.constant 0 : i32
        %dma_start3A_347 = tpu.memref_slice %arg8[%add3A_288, %dma_start3A_346] : memref<32x80xi32, #tpu.memory_space<vmem>> -> memref<1x80xi32, #tpu.memory_space<vmem>>
        %dma_start3A_348 = tpu.memref_squeeze %dma_start3A_347 : memref<1x80xi32, #tpu.memory_space<vmem>> -> memref<80xi32, #tpu.memory_space<vmem>>
        %dma_start3A_349 = arith.constant 0 : i32
        %dma_start3A_350 = arith.constant 0 : i32
        %dma_start3A_351 = tpu.memref_slice %arg10[%dma_start3A_349, %dma_start3A_350] : memref<10008x128xf32, #tpu.memory_space<vmem_shared>> -> memref<10008x128xf32, #tpu.memory_space<vmem_shared>>
        tpu.enqueue_indirect_dma source(%dma_start3A_345 : memref<80x128xf32, #tpu.memory_space<vmem>>) target(%dma_start3A_351 : memref<10008x128xf32, #tpu.memory_space<vmem_shared>>) offsets(%dma_start3A_348 : memref<80xi32, #tpu.memory_space<vmem>>) semaphore(%run_scoped3A_341 : memref<!tpu.dma_semaphore, #tpu.memory_space<semaphore_mem>>) {add = true}
        %dma_wait3A_352 = arith.constant 0 : i32
        %dma_wait3A_353 = arith.constant 0 : i32
        %dma_wait3A_354 = tpu.memref_slice %arg9[%run_scoped3A_300, %dma_wait3A_352, %dma_wait3A_353] : memref<2x80x128xf32, #tpu.memory_space<vmem>> -> memref<1x80x128xf32, #tpu.memory_space<vmem>>
        %dma_wait3A_355 = tpu.memref_squeeze %dma_wait3A_354 : memref<1x80x128xf32, #tpu.memory_space<vmem>> -> memref<80x128xf32, #tpu.memory_space<vmem>>
        %dma_wait3A_356 = arith.constant 0 : i32
        %dma_wait3A_357 = tpu.memref_slice %arg8[%add3A_288, %dma_wait3A_356] : memref<32x80xi32, #tpu.memory_space<vmem>> -> memref<1x80xi32, #tpu.memory_space<vmem>>
        %dma_wait3A_358 = tpu.memref_squeeze %dma_wait3A_357 : memref<1x80xi32, #tpu.memory_space<vmem>> -> memref<80xi32, #tpu.memory_space<vmem>>
        %dma_wait3A_359 = arith.constant 0 : i32
        %dma_wait3A_360 = arith.constant 0 : i32
        %dma_wait3A_361 = tpu.memref_slice %arg10[%dma_wait3A_359, %dma_wait3A_360] : memref<10008x128xf32, #tpu.memory_space<vmem_shared>> -> memref<10008x128xf32, #tpu.memory_space<vmem_shared>>
        tpu.wait_indirect_dma semaphore(%run_scoped3A_341 : memref<!tpu.dma_semaphore, #tpu.memory_space<semaphore_mem>>) src(%dma_wait3A_355 : memref<80x128xf32, #tpu.memory_space<vmem>>) dst(%dma_wait3A_361 : memref<10008x128xf32, #tpu.memory_space<vmem_shared>>)
        tpu.yield
      }) : () -> ()
      %add3A_301 = arith.constant 2 : i32
      %add3A_302 = arith.addi %add3A_288, %add3A_301 : i32
      %dma_start3A_303 = arith.constant 0 : i32
      %dma_start3A_304 = arith.constant 0 : i32
      %dma_start3A_305 = arith.constant 0 : i32
      %dma_start3A_306 = tpu.memref_slice %arg9[%dma_start3A_303, %dma_start3A_304, %dma_start3A_305] : memref<2x80x128xf32, #tpu.memory_space<vmem>> -> memref<1x80x128xf32, #tpu.memory_space<vmem>>
      %dma_start3A_307 = tpu.memref_squeeze %dma_start3A_306 : memref<1x80x128xf32, #tpu.memory_space<vmem>> -> memref<80x128xf32, #tpu.memory_space<vmem>>
      %dma_start3A_308 = arith.constant 0 : i32
      %dma_start3A_309 = tpu.memref_slice %arg7[%add3A_302, %dma_start3A_308] : memref<32x80xi32, #tpu.memory_space<vmem>> -> memref<1x80xi32, #tpu.memory_space<vmem>>
      %dma_start3A_310 = tpu.memref_squeeze %dma_start3A_309 : memref<1x80xi32, #tpu.memory_space<vmem>> -> memref<80xi32, #tpu.memory_space<vmem>>
      %dma_start3A_311 = arith.constant 0 : i32
      %dma_start3A_312 = arith.constant 0 : i32
      %dma_start3A_313 = tpu.memref_slice %arg2[%dma_start3A_311, %dma_start3A_312] : memref<10000x128xf32, #tpu.memory_space<hbm>> -> memref<10000x128xf32, #tpu.memory_space<hbm>>
      tpu.enqueue_indirect_dma source(%dma_start3A_313 : memref<10000x128xf32, #tpu.memory_space<hbm>>) target(%dma_start3A_307 : memref<80x128xf32, #tpu.memory_space<vmem>>) offsets(%dma_start3A_310 : memref<80xi32, #tpu.memory_space<vmem>>) semaphore(%arg11 : memref<!tpu.dma_semaphore, #tpu.memory_space<semaphore_mem>>)
      %add3A_314 = arith.constant 1 : i32
      %add3A_315 = arith.addi %add3A_288, %add3A_314 : i32
      %dma_wait3A_316 = arith.constant 1 : i32
      %dma_wait3A_317 = arith.constant 0 : i32
      %dma_wait3A_318 = arith.constant 0 : i32
      %dma_wait3A_319 = tpu.memref_slice %arg9[%dma_wait3A_316, %dma_wait3A_317, %dma_wait3A_318] : memref<2x80x128xf32, #tpu.memory_space<vmem>> -> memref<1x80x128xf32, #tpu.memory_space<vmem>>
      %dma_wait3A_320 = tpu.memref_squeeze %dma_wait3A_319 : memref<1x80x128xf32, #tpu.memory_space<vmem>> -> memref<80x128xf32, #tpu.memory_space<vmem>>
      %dma_wait3A_321 = arith.constant 0 : i32
      %dma_wait3A_322 = tpu.memref_slice %arg7[%add3A_315, %dma_wait3A_321] : memref<32x80xi32, #tpu.memory_space<vmem>> -> memref<1x80xi32, #tpu.memory_space<vmem>>
      %dma_wait3A_323 = tpu.memref_squeeze %dma_wait3A_322 : memref<1x80xi32, #tpu.memory_space<vmem>> -> memref<80xi32, #tpu.memory_space<vmem>>
      %dma_wait3A_324 = arith.constant 0 : i32
      %dma_wait3A_325 = arith.constant 0 : i32
      %dma_wait3A_326 = tpu.memref_slice %arg2[%dma_wait3A_324, %dma_wait3A_325] : memref<10000x128xf32, #tpu.memory_space<hbm>> -> memref<10000x128xf32, #tpu.memory_space<hbm>>
      tpu.wait_indirect_dma semaphore(%arg11 : memref<!tpu.dma_semaphore, #tpu.memory_space<semaphore_mem>>) src(%dma_wait3A_326 : memref<10000x128xf32, #tpu.memory_space<hbm>>) dst(%dma_wait3A_320 : memref<80x128xf32, #tpu.memory_space<vmem>>)
      %run_scoped3A_327 = arith.constant 1 : i32
      "tpu.region"() ({
        %run_scoped3A_341 = tpu.sem_alloc : memref<!tpu.dma_semaphore, #tpu.memory_space<semaphore_mem>>
        %dma_start3A_342 = arith.constant 0 : i32
        %dma_start3A_343 = arith.constant 0 : i32
        %dma_start3A_344 = tpu.memref_slice %arg9[%run_scoped3A_327, %dma_start3A_342, %dma_start3A_343] : memref<2x80x128xf32, #tpu.memory_space<vmem>> -> memref<1x80x128xf32, #tpu.memory_space<vmem>>
        %dma_start3A_345 = tpu.memref_squeeze %dma_start3A_344 : memref<1x80x128xf32, #tpu.memory_space<vmem>> -> memref<80x128xf32, #tpu.memory_space<vmem>>
        %dma_start3A_346 = arith.constant 0 : i32
        %dma_start3A_347 = tpu.memref_slice %arg8[%add3A_315, %dma_start3A_346] : memref<32x80xi32, #tpu.memory_space<vmem>> -> memref<1x80xi32, #tpu.memory_space<vmem>>
        %dma_start3A_348 = tpu.memref_squeeze %dma_start3A_347 : memref<1x80xi32, #tpu.memory_space<vmem>> -> memref<80xi32, #tpu.memory_space<vmem>>
        %dma_start3A_349 = arith.constant 0 : i32
        %dma_start3A_350 = arith.constant 0 : i32
        %dma_start3A_351 = tpu.memref_slice %arg10[%dma_start3A_349, %dma_start3A_350] : memref<10008x128xf32, #tpu.memory_space<vmem_shared>> -> memref<10008x128xf32, #tpu.memory_space<vmem_shared>>
        tpu.enqueue_indirect_dma source(%dma_start3A_345 : memref<80x128xf32, #tpu.memory_space<vmem>>) target(%dma_start3A_351 : memref<10008x128xf32, #tpu.memory_space<vmem_shared>>) offsets(%dma_start3A_348 : memref<80xi32, #tpu.memory_space<vmem>>) semaphore(%run_scoped3A_341 : memref<!tpu.dma_semaphore, #tpu.memory_space<semaphore_mem>>) {add = true}
        %dma_wait3A_352 = arith.constant 0 : i32
        %dma_wait3A_353 = arith.constant 0 : i32
        %dma_wait3A_354 = tpu.memref_slice %arg9[%run_scoped3A_327, %dma_wait3A_352, %dma_wait3A_353] : memref<2x80x128xf32, #tpu.memory_space<vmem>> -> memref<1x80x128xf32, #tpu.memory_space<vmem>>
        %dma_wait3A_355 = tpu.memref_squeeze %dma_wait3A_354 : memref<1x80x128xf32, #tpu.memory_space<vmem>> -> memref<80x128xf32, #tpu.memory_space<vmem>>
        %dma_wait3A_356 = arith.constant 0 : i32
        %dma_wait3A_357 = tpu.memref_slice %arg8[%add3A_315, %dma_wait3A_356] : memref<32x80xi32, #tpu.memory_space<vmem>> -> memref<1x80xi32, #tpu.memory_space<vmem>>
        %dma_wait3A_358 = tpu.memref_squeeze %dma_wait3A_357 : memref<1x80xi32, #tpu.memory_space<vmem>> -> memref<80xi32, #tpu.memory_space<vmem>>
        %dma_wait3A_359 = arith.constant 0 : i32
        %dma_wait3A_360 = arith.constant 0 : i32
        %dma_wait3A_361 = tpu.memref_slice %arg10[%dma_wait3A_359, %dma_wait3A_360] : memref<10008x128xf32, #tpu.memory_space<vmem_shared>> -> memref<10008x128xf32, #tpu.memory_space<vmem_shared>>
        tpu.wait_indirect_dma semaphore(%run_scoped3A_341 : memref<!tpu.dma_semaphore, #tpu.memory_space<semaphore_mem>>) src(%dma_wait3A_355 : memref<80x128xf32, #tpu.memory_space<vmem>>) dst(%dma_wait3A_361 : memref<10008x128xf32, #tpu.memory_space<vmem_shared>>)
        tpu.yield
      }) : () -> ()
      %add3A_328 = arith.constant 2 : i32
      %add3A_329 = arith.addi %add3A_315, %add3A_328 : i32
      %dma_start3A_330 = arith.constant 1 : i32
      %dma_start3A_331 = arith.constant 0 : i32
      %dma_start3A_332 = arith.constant 0 : i32
      %dma_start3A_333 = tpu.memref_slice %arg9[%dma_start3A_330, %dma_start3A_331, %dma_start3A_332] : memref<2x80x128xf32, #tpu.memory_space<vmem>> -> memref<1x80x128xf32, #tpu.memory_space<vmem>>
      %dma_start3A_334 = tpu.memref_squeeze %dma_start3A_333 : memref<1x80x128xf32, #tpu.memory_space<vmem>> -> memref<80x128xf32, #tpu.memory_space<vmem>>
      %dma_start3A_335 = arith.constant 0 : i32
      %dma_start3A_336 = tpu.memref_slice %arg7[%add3A_329, %dma_start3A_335] : memref<32x80xi32, #tpu.memory_space<vmem>> -> memref<1x80xi32, #tpu.memory_space<vmem>>
      %dma_start3A_337 = tpu.memref_squeeze %dma_start3A_336 : memref<1x80xi32, #tpu.memory_space<vmem>> -> memref<80xi32, #tpu.memory_space<vmem>>
      %dma_start3A_338 = arith.constant 0 : i32
      %dma_start3A_339 = arith.constant 0 : i32
      %dma_start3A_340 = tpu.memref_slice %arg2[%dma_start3A_338, %dma_start3A_339] : memref<10000x128xf32, #tpu.memory_space<hbm>> -> memref<10000x128xf32, #tpu.memory_space<hbm>>
      tpu.enqueue_indirect_dma source(%dma_start3A_340 : memref<10000x128xf32, #tpu.memory_space<hbm>>) target(%dma_start3A_334 : memref<80x128xf32, #tpu.memory_space<vmem>>) offsets(%dma_start3A_337 : memref<80xi32, #tpu.memory_space<vmem>>) semaphore(%arg11 : memref<!tpu.dma_semaphore, #tpu.memory_space<semaphore_mem>>)
    }
    %scan3A_37 = arith.constant 15 : i32
    %dma_wait3A = arith.constant 30 : i32
    %dma_wait3A_38 = arith.constant 0 : i32
    %dma_wait3A_39 = arith.constant 0 : i32
    %dma_wait3A_40 = arith.constant 0 : i32
    %dma_wait3A_41 = tpu.memref_slice %arg9[%dma_wait3A_38, %dma_wait3A_39, %dma_wait3A_40] : memref<2x80x128xf32, #tpu.memory_space<vmem>> -> memref<1x80x128xf32, #tpu.memory_space<vmem>>
    %dma_wait3A_42 = tpu.memref_squeeze %dma_wait3A_41 : memref<1x80x128xf32, #tpu.memory_space<vmem>> -> memref<80x128xf32, #tpu.memory_space<vmem>>
    %dma_wait3A_43 = arith.constant 0 : i32
    %dma_wait3A_44 = tpu.memref_slice %arg7[%dma_wait3A, %dma_wait3A_43] : memref<32x80xi32, #tpu.memory_space<vmem>> -> memref<1x80xi32, #tpu.memory_space<vmem>>
    %dma_wait3A_45 = tpu.memref_squeeze %dma_wait3A_44 : memref<1x80xi32, #tpu.memory_space<vmem>> -> memref<80xi32, #tpu.memory_space<vmem>>
    %dma_wait3A_46 = arith.constant 0 : i32
    %dma_wait3A_47 = arith.constant 0 : i32
    %dma_wait3A_48 = tpu.memref_slice %arg2[%dma_wait3A_46, %dma_wait3A_47] : memref<10000x128xf32, #tpu.memory_space<hbm>> -> memref<10000x128xf32, #tpu.memory_space<hbm>>
    tpu.wait_indirect_dma semaphore(%arg11 : memref<!tpu.dma_semaphore, #tpu.memory_space<semaphore_mem>>) src(%dma_wait3A_48 : memref<10000x128xf32, #tpu.memory_space<hbm>>) dst(%dma_wait3A_42 : memref<80x128xf32, #tpu.memory_space<vmem>>)
    %run_scoped3A = arith.constant 0 : i32
    %run_scoped3A_49 = arith.constant 30 : i32
    "tpu.region"() ({
      %run_scoped3A_284 = tpu.sem_alloc : memref<!tpu.dma_semaphore, #tpu.memory_space<semaphore_mem>>
      %dma_start3A_285 = arith.constant 0 : i32
      %dma_start3A_286 = arith.constant 0 : i32
      %dma_start3A_287 = tpu.memref_slice %arg9[%run_scoped3A, %dma_start3A_285, %dma_start3A_286] : memref<2x80x128xf32, #tpu.memory_space<vmem>> -> memref<1x80x128xf32, #tpu.memory_space<vmem>>
      %dma_start3A_288 = tpu.memref_squeeze %dma_start3A_287 : memref<1x80x128xf32, #tpu.memory_space<vmem>> -> memref<80x128xf32, #tpu.memory_space<vmem>>
      %dma_start3A_289 = arith.constant 0 : i32
      %dma_start3A_290 = tpu.memref_slice %arg8[%run_scoped3A_49, %dma_start3A_289] : memref<32x80xi32, #tpu.memory_space<vmem>> -> memref<1x80xi32, #tpu.memory_space<vmem>>
      %dma_start3A_291 = tpu.memref_squeeze %dma_start3A_290 : memref<1x80xi32, #tpu.memory_space<vmem>> -> memref<80xi32, #tpu.memory_space<vmem>>
      %dma_start3A_292 = arith.constant 0 : i32
      %dma_start3A_293 = arith.constant 0 : i32
      %dma_start3A_294 = tpu.memref_slice %arg10[%dma_start3A_292, %dma_start3A_293] : memref<10008x128xf32, #tpu.memory_space<vmem_shared>> -> memref<10008x128xf32, #tpu.memory_space<vmem_shared>>
      tpu.enqueue_indirect_dma source(%dma_start3A_288 : memref<80x128xf32, #tpu.memory_space<vmem>>) target(%dma_start3A_294 : memref<10008x128xf32, #tpu.memory_space<vmem_shared>>) offsets(%dma_start3A_291 : memref<80xi32, #tpu.memory_space<vmem>>) semaphore(%run_scoped3A_284 : memref<!tpu.dma_semaphore, #tpu.memory_space<semaphore_mem>>) {add = true}
      %dma_wait3A_295 = arith.constant 0 : i32
      %dma_wait3A_296 = arith.constant 0 : i32
      %dma_wait3A_297 = tpu.memref_slice %arg9[%run_scoped3A, %dma_wait3A_295, %dma_wait3A_296] : memref<2x80x128xf32, #tpu.memory_space<vmem>> -> memref<1x80x128xf32, #tpu.memory_space<vmem>>
      %dma_wait3A_298 = tpu.memref_squeeze %dma_wait3A_297 : memref<1x80x128xf32, #tpu.memory_space<vmem>> -> memref<80x128xf32, #tpu.memory_space<vmem>>
      %dma_wait3A_299 = arith.constant 0 : i32
      %dma_wait3A_300 = tpu.memref_slice %arg8[%run_scoped3A_49, %dma_wait3A_299] : memref<32x80xi32, #tpu.memory_space<vmem>> -> memref<1x80xi32, #tpu.memory_space<vmem>>
      %dma_wait3A_301 = tpu.memref_squeeze %dma_wait3A_300 : memref<1x80xi32, #tpu.memory_space<vmem>> -> memref<80xi32, #tpu.memory_space<vmem>>
      %dma_wait3A_302 = arith.constant 0 : i32
      %dma_wait3A_303 = arith.constant 0 : i32
      %dma_wait3A_304 = tpu.memref_slice %arg10[%dma_wait3A_302, %dma_wait3A_303] : memref<10008x128xf32, #tpu.memory_space<vmem_shared>> -> memref<10008x128xf32, #tpu.memory_space<vmem_shared>>
      tpu.wait_indirect_dma semaphore(%run_scoped3A_284 : memref<!tpu.dma_semaphore, #tpu.memory_space<semaphore_mem>>) src(%dma_wait3A_298 : memref<80x128xf32, #tpu.memory_space<vmem>>) dst(%dma_wait3A_304 : memref<10008x128xf32, #tpu.memory_space<vmem_shared>>)
      tpu.yield
    }) : () -> ()
    %dma_wait3A_50 = arith.constant 31 : i32
    %dma_wait3A_51 = arith.constant 1 : i32
    %dma_wait3A_52 = arith.constant 0 : i32
    %dma_wait3A_53 = arith.constant 0 : i32
    %dma_wait3A_54 = tpu.memref_slice %arg9[%dma_wait3A_51, %dma_wait3A_52, %dma_wait3A_53] : memref<2x80x128xf32, #tpu.memory_space<vmem>> -> memref<1x80x128xf32, #tpu.memory_space<vmem>>
    %dma_wait3A_55 = tpu.memref_squeeze %dma_wait3A_54 : memref<1x80x128xf32, #tpu.memory_space<vmem>> -> memref<80x128xf32, #tpu.memory_space<vmem>>
    %dma_wait3A_56 = arith.constant 0 : i32
    %dma_wait3A_57 = tpu.memref_slice %arg7[%dma_wait3A_50, %dma_wait3A_56] : memref<32x80xi32, #tpu.memory_space<vmem>> -> memref<1x80xi32, #tpu.memory_space<vmem>>
    %dma_wait3A_58 = tpu.memref_squeeze %dma_wait3A_57 : memref<1x80xi32, #tpu.memory_space<vmem>> -> memref<80xi32, #tpu.memory_space<vmem>>
    %dma_wait3A_59 = arith.constant 0 : i32
    %dma_wait3A_60 = arith.constant 0 : i32
    %dma_wait3A_61 = tpu.memref_slice %arg2[%dma_wait3A_59, %dma_wait3A_60] : memref<10000x128xf32, #tpu.memory_space<hbm>> -> memref<10000x128xf32, #tpu.memory_space<hbm>>
    tpu.wait_indirect_dma semaphore(%arg11 : memref<!tpu.dma_semaphore, #tpu.memory_space<semaphore_mem>>) src(%dma_wait3A_61 : memref<10000x128xf32, #tpu.memory_space<hbm>>) dst(%dma_wait3A_55 : memref<80x128xf32, #tpu.memory_space<vmem>>)
    %run_scoped3A_62 = arith.constant 1 : i32
    %run_scoped3A_63 = arith.constant 31 : i32
    "tpu.region"() ({
      %run_scoped3A_284 = tpu.sem_alloc : memref<!tpu.dma_semaphore, #tpu.memory_space<semaphore_mem>>
      %dma_start3A_285 = arith.constant 0 : i32
      %dma_start3A_286 = arith.constant 0 : i32
      %dma_start3A_287 = tpu.memref_slice %arg9[%run_scoped3A_62, %dma_start3A_285, %dma_start3A_286] : memref<2x80x128xf32, #tpu.memory_space<vmem>> -> memref<1x80x128xf32, #tpu.memory_space<vmem>>
      %dma_start3A_288 = tpu.memref_squeeze %dma_start3A_287 : memref<1x80x128xf32, #tpu.memory_space<vmem>> -> memref<80x128xf32, #tpu.memory_space<vmem>>
      %dma_start3A_289 = arith.constant 0 : i32
      %dma_start3A_290 = tpu.memref_slice %arg8[%run_scoped3A_63, %dma_start3A_289] : memref<32x80xi32, #tpu.memory_space<vmem>> -> memref<1x80xi32, #tpu.memory_space<vmem>>
      %dma_start3A_291 = tpu.memref_squeeze %dma_start3A_290 : memref<1x80xi32, #tpu.memory_space<vmem>> -> memref<80xi32, #tpu.memory_space<vmem>>
      %dma_start3A_292 = arith.constant 0 : i32
      %dma_start3A_293 = arith.constant 0 : i32
      %dma_start3A_294 = tpu.memref_slice %arg10[%dma_start3A_292, %dma_start3A_293] : memref<10008x128xf32, #tpu.memory_space<vmem_shared>> -> memref<10008x128xf32, #tpu.memory_space<vmem_shared>>
      tpu.enqueue_indirect_dma source(%dma_start3A_288 : memref<80x128xf32, #tpu.memory_space<vmem>>) target(%dma_start3A_294 : memref<10008x128xf32, #tpu.memory_space<vmem_shared>>) offsets(%dma_start3A_291 : memref<80xi32, #tpu.memory_space<vmem>>) semaphore(%run_scoped3A_284 : memref<!tpu.dma_semaphore, #tpu.memory_space<semaphore_mem>>) {add = true}
      %dma_wait3A_295 = arith.constant 0 : i32
      %dma_wait3A_296 = arith.constant 0 : i32
      %dma_wait3A_297 = tpu.memref_slice %arg9[%run_scoped3A_62, %dma_wait3A_295, %dma_wait3A_296] : memref<2x80x128xf32, #tpu.memory_space<vmem>> -> memref<1x80x128xf32, #tpu.memory_space<vmem>>
      %dma_wait3A_298 = tpu.memref_squeeze %dma_wait3A_297 : memref<1x80x128xf32, #tpu.memory_space<vmem>> -> memref<80x128xf32, #tpu.memory_space<vmem>>
      %dma_wait3A_299 = arith.constant 0 : i32
      %dma_wait3A_300 = tpu.memref_slice %arg8[%run_scoped3A_63, %dma_wait3A_299] : memref<32x80xi32, #tpu.memory_space<vmem>> -> memref<1x80xi32, #tpu.memory_space<vmem>>
      %dma_wait3A_301 = tpu.memref_squeeze %dma_wait3A_300 : memref<1x80xi32, #tpu.memory_space<vmem>> -> memref<80xi32, #tpu.memory_space<vmem>>
      %dma_wait3A_302 = arith.constant 0 : i32
      %dma_wait3A_303 = arith.constant 0 : i32
      %dma_wait3A_304 = tpu.memref_slice %arg10[%dma_wait3A_302, %dma_wait3A_303] : memref<10008x128xf32, #tpu.memory_space<vmem_shared>> -> memref<10008x128xf32, #tpu.memory_space<vmem_shared>>
      tpu.wait_indirect_dma semaphore(%run_scoped3A_284 : memref<!tpu.dma_semaphore, #tpu.memory_space<semaphore_mem>>) src(%dma_wait3A_298 : memref<80x128xf32, #tpu.memory_space<vmem>>) dst(%dma_wait3A_304 : memref<10008x128xf32, #tpu.memory_space<vmem_shared>>)
      tpu.yield
    }) : () -> ()
    %mul3A_64 = arith.constant 128 : i32
    %mul3A_65 = arith.muli %add3A, %mul3A_64 : i32
    %add3A_66 = arith.constant 32 : i32
    %add3A_67 = arith.addi %mul3A_65, %add3A_66 : i32
    "tpu.region"() ({
      %run_scoped3A_284 = tpu.sem_alloc : memref<!tpu.dma_semaphore, #tpu.memory_space<semaphore_mem>>
      %dma_start3A_285 = arith.constant 0 : i32
      %dma_start3A_286 = tpu.memref_slice %arg3[%add3A_67, %dma_start3A_285] : memref<4096x80xi32, #tpu.memory_space<hbm>> -> memref<32x80xi32, #tpu.memory_space<hbm>>
      %dma_start3A_287 = arith.constant 0 : i32
      %dma_start3A_288 = tpu.memref_slice %arg3[%add3A_67, %dma_start3A_287] : memref<4096x80xi32, #tpu.memory_space<hbm>> -> memref<32x80xi32, #tpu.memory_space<hbm>>
      tpu.enqueue_dma source(%dma_start3A_288 : memref<32x80xi32, #tpu.memory_space<hbm>>) target(%arg7 : memref<32x80xi32, #tpu.memory_space<vmem>>) target_semaphore(%run_scoped3A_284 : memref<!tpu.dma_semaphore, #tpu.memory_space<semaphore_mem>>)
      %dma_wait3A_289 = arith.constant 0 : i32
      %dma_wait3A_290 = tpu.memref_slice %arg3[%add3A_67, %dma_wait3A_289] : memref<4096x80xi32, #tpu.memory_space<hbm>> -> memref<32x80xi32, #tpu.memory_space<hbm>>
      %dma_wait3A_291 = arith.constant 0 : i32
      %dma_wait3A_292 = tpu.memref_slice %arg3[%add3A_67, %dma_wait3A_291] : memref<4096x80xi32, #tpu.memory_space<hbm>> -> memref<32x80xi32, #tpu.memory_space<hbm>>
      tpu.wait_dma2 semaphore(%run_scoped3A_284 : memref<!tpu.dma_semaphore, #tpu.memory_space<semaphore_mem>>) src(%dma_wait3A_292 : memref<32x80xi32, #tpu.memory_space<hbm>>) dst(%arg7 : memref<32x80xi32, #tpu.memory_space<vmem>>)
      tpu.yield
    }) : () -> ()
    "tpu.region"() ({
      %run_scoped3A_284 = tpu.sem_alloc : memref<!tpu.dma_semaphore, #tpu.memory_space<semaphore_mem>>
      %dma_start3A_285 = arith.constant 0 : i32
      %dma_start3A_286 = tpu.memref_slice %arg4[%add3A_67, %dma_start3A_285] : memref<4096x80xi32, #tpu.memory_space<hbm>> -> memref<32x80xi32, #tpu.memory_space<hbm>>
      %dma_start3A_287 = arith.constant 0 : i32
      %dma_start3A_288 = tpu.memref_slice %arg4[%add3A_67, %dma_start3A_287] : memref<4096x80xi32, #tpu.memory_space<hbm>> -> memref<32x80xi32, #tpu.memory_space<hbm>>
      tpu.enqueue_dma source(%dma_start3A_288 : memref<32x80xi32, #tpu.memory_space<hbm>>) target(%arg8 : memref<32x80xi32, #tpu.memory_space<vmem>>) target_semaphore(%run_scoped3A_284 : memref<!tpu.dma_semaphore, #tpu.memory_space<semaphore_mem>>)
      %dma_wait3A_289 = arith.constant 0 : i32
      %dma_wait3A_290 = tpu.memref_slice %arg4[%add3A_67, %dma_wait3A_289] : memref<4096x80xi32, #tpu.memory_space<hbm>> -> memref<32x80xi32, #tpu.memory_space<hbm>>
      %dma_wait3A_291 = arith.constant 0 : i32
      %dma_wait3A_292 = tpu.memref_slice %arg4[%add3A_67, %dma_wait3A_291] : memref<4096x80xi32, #tpu.memory_space<hbm>> -> memref<32x80xi32, #tpu.memory_space<hbm>>
      tpu.wait_dma2 semaphore(%run_scoped3A_284 : memref<!tpu.dma_semaphore, #tpu.memory_space<semaphore_mem>>) src(%dma_wait3A_292 : memref<32x80xi32, #tpu.memory_space<hbm>>) dst(%arg8 : memref<32x80xi32, #tpu.memory_space<vmem>>)
      tpu.yield
    }) : () -> ()
    %dma_start3A_68 = arith.constant 0 : i32
    %dma_start3A_69 = arith.constant 0 : i32
    %dma_start3A_70 = arith.constant 0 : i32
    %dma_start3A_71 = arith.constant 0 : i32
    %dma_start3A_72 = tpu.memref_slice %arg9[%dma_start3A_69, %dma_start3A_70, %dma_start3A_71] : memref<2x80x128xf32, #tpu.memory_space<vmem>> -> memref<1x80x128xf32, #tpu.memory_space<vmem>>
    %dma_start3A_73 = tpu.memref_squeeze %dma_start3A_72 : memref<1x80x128xf32, #tpu.memory_space<vmem>> -> memref<80x128xf32, #tpu.memory_space<vmem>>
    %dma_start3A_74 = arith.constant 0 : i32
    %dma_start3A_75 = tpu.memref_slice %arg7[%dma_start3A_68, %dma_start3A_74] : memref<32x80xi32, #tpu.memory_space<vmem>> -> memref<1x80xi32, #tpu.memory_space<vmem>>
    %dma_start3A_76 = tpu.memref_squeeze %dma_start3A_75 : memref<1x80xi32, #tpu.memory_space<vmem>> -> memref<80xi32, #tpu.memory_space<vmem>>
    %dma_start3A_77 = arith.constant 0 : i32
    %dma_start3A_78 = arith.constant 0 : i32
    %dma_start3A_79 = tpu.memref_slice %arg2[%dma_start3A_77, %dma_start3A_78] : memref<10000x128xf32, #tpu.memory_space<hbm>> -> memref<10000x128xf32, #tpu.memory_space<hbm>>
    tpu.enqueue_indirect_dma source(%dma_start3A_79 : memref<10000x128xf32, #tpu.memory_space<hbm>>) target(%dma_start3A_73 : memref<80x128xf32, #tpu.memory_space<vmem>>) offsets(%dma_start3A_76 : memref<80xi32, #tpu.memory_space<vmem>>) semaphore(%arg11 : memref<!tpu.dma_semaphore, #tpu.memory_space<semaphore_mem>>)
    %dma_start3A_80 = arith.constant 1 : i32
    %dma_start3A_81 = arith.constant 1 : i32
    %dma_start3A_82 = arith.constant 0 : i32
    %dma_start3A_83 = arith.constant 0 : i32
    %dma_start3A_84 = tpu.memref_slice %arg9[%dma_start3A_81, %dma_start3A_82, %dma_start3A_83] : memref<2x80x128xf32, #tpu.memory_space<vmem>> -> memref<1x80x128xf32, #tpu.memory_space<vmem>>
    %dma_start3A_85 = tpu.memref_squeeze %dma_start3A_84 : memref<1x80x128xf32, #tpu.memory_space<vmem>> -> memref<80x128xf32, #tpu.memory_space<vmem>>
    %dma_start3A_86 = arith.constant 0 : i32
    %dma_start3A_87 = tpu.memref_slice %arg7[%dma_start3A_80, %dma_start3A_86] : memref<32x80xi32, #tpu.memory_space<vmem>> -> memref<1x80xi32, #tpu.memory_space<vmem>>
    %dma_start3A_88 = tpu.memref_squeeze %dma_start3A_87 : memref<1x80xi32, #tpu.memory_space<vmem>> -> memref<80xi32, #tpu.memory_space<vmem>>
    %dma_start3A_89 = arith.constant 0 : i32
    %dma_start3A_90 = arith.constant 0 : i32
    %dma_start3A_91 = tpu.memref_slice %arg2[%dma_start3A_89, %dma_start3A_90] : memref<10000x128xf32, #tpu.memory_space<hbm>> -> memref<10000x128xf32, #tpu.memory_space<hbm>>
    tpu.enqueue_indirect_dma source(%dma_start3A_91 : memref<10000x128xf32, #tpu.memory_space<hbm>>) target(%dma_start3A_85 : memref<80x128xf32, #tpu.memory_space<vmem>>) offsets(%dma_start3A_88 : memref<80xi32, #tpu.memory_space<vmem>>) semaphore(%arg11 : memref<!tpu.dma_semaphore, #tpu.memory_space<semaphore_mem>>)
    %scan3A_92 = arith.constant 0 : i32
    %scan3A_93 = arith.constant 15 : i32
    %scan3A_94 = arith.addi %scan3A_92, %scan3A_93 : i32
    %scan3A_95 = arith.constant 1 : i32
    scf.for %scan3A_284 = %scan3A_92 to %scan3A_94 step %scan3A_95  : i32 {
      %mul3A_285 = arith.constant 2 : i32
      %mul3A_286 = arith.muli %scan3A_284, %mul3A_285 : i32
      %add3A_287 = arith.constant 0 : i32
      %add3A_288 = arith.addi %add3A_287, %mul3A_286 : i32
      %dma_wait3A_289 = arith.constant 0 : i32
      %dma_wait3A_290 = arith.constant 0 : i32
      %dma_wait3A_291 = arith.constant 0 : i32
      %dma_wait3A_292 = tpu.memref_slice %arg9[%dma_wait3A_289, %dma_wait3A_290, %dma_wait3A_291] : memref<2x80x128xf32, #tpu.memory_space<vmem>> -> memref<1x80x128xf32, #tpu.memory_space<vmem>>
      %dma_wait3A_293 = tpu.memref_squeeze %dma_wait3A_292 : memref<1x80x128xf32, #tpu.memory_space<vmem>> -> memref<80x128xf32, #tpu.memory_space<vmem>>
      %dma_wait3A_294 = arith.constant 0 : i32
      %dma_wait3A_295 = tpu.memref_slice %arg7[%add3A_288, %dma_wait3A_294] : memref<32x80xi32, #tpu.memory_space<vmem>> -> memref<1x80xi32, #tpu.memory_space<vmem>>
      %dma_wait3A_296 = tpu.memref_squeeze %dma_wait3A_295 : memref<1x80xi32, #tpu.memory_space<vmem>> -> memref<80xi32, #tpu.memory_space<vmem>>
      %dma_wait3A_297 = arith.constant 0 : i32
      %dma_wait3A_298 = arith.constant 0 : i32
      %dma_wait3A_299 = tpu.memref_slice %arg2[%dma_wait3A_297, %dma_wait3A_298] : memref<10000x128xf32, #tpu.memory_space<hbm>> -> memref<10000x128xf32, #tpu.memory_space<hbm>>
      tpu.wait_indirect_dma semaphore(%arg11 : memref<!tpu.dma_semaphore, #tpu.memory_space<semaphore_mem>>) src(%dma_wait3A_299 : memref<10000x128xf32, #tpu.memory_space<hbm>>) dst(%dma_wait3A_293 : memref<80x128xf32, #tpu.memory_space<vmem>>)
      %run_scoped3A_300 = arith.constant 0 : i32
      "tpu.region"() ({
        %run_scoped3A_341 = tpu.sem_alloc : memref<!tpu.dma_semaphore, #tpu.memory_space<semaphore_mem>>
        %dma_start3A_342 = arith.constant 0 : i32
        %dma_start3A_343 = arith.constant 0 : i32
        %dma_start3A_344 = tpu.memref_slice %arg9[%run_scoped3A_300, %dma_start3A_342, %dma_start3A_343] : memref<2x80x128xf32, #tpu.memory_space<vmem>> -> memref<1x80x128xf32, #tpu.memory_space<vmem>>
        %dma_start3A_345 = tpu.memref_squeeze %dma_start3A_344 : memref<1x80x128xf32, #tpu.memory_space<vmem>> -> memref<80x128xf32, #tpu.memory_space<vmem>>
        %dma_start3A_346 = arith.constant 0 : i32
        %dma_start3A_347 = tpu.memref_slice %arg8[%add3A_288, %dma_start3A_346] : memref<32x80xi32, #tpu.memory_space<vmem>> -> memref<1x80xi32, #tpu.memory_space<vmem>>
        %dma_start3A_348 = tpu.memref_squeeze %dma_start3A_347 : memref<1x80xi32, #tpu.memory_space<vmem>> -> memref<80xi32, #tpu.memory_space<vmem>>
        %dma_start3A_349 = arith.constant 0 : i32
        %dma_start3A_350 = arith.constant 0 : i32
        %dma_start3A_351 = tpu.memref_slice %arg10[%dma_start3A_349, %dma_start3A_350] : memref<10008x128xf32, #tpu.memory_space<vmem_shared>> -> memref<10008x128xf32, #tpu.memory_space<vmem_shared>>
        tpu.enqueue_indirect_dma source(%dma_start3A_345 : memref<80x128xf32, #tpu.memory_space<vmem>>) target(%dma_start3A_351 : memref<10008x128xf32, #tpu.memory_space<vmem_shared>>) offsets(%dma_start3A_348 : memref<80xi32, #tpu.memory_space<vmem>>) semaphore(%run_scoped3A_341 : memref<!tpu.dma_semaphore, #tpu.memory_space<semaphore_mem>>) {add = true}
        %dma_wait3A_352 = arith.constant 0 : i32
        %dma_wait3A_353 = arith.constant 0 : i32
        %dma_wait3A_354 = tpu.memref_slice %arg9[%run_scoped3A_300, %dma_wait3A_352, %dma_wait3A_353] : memref<2x80x128xf32, #tpu.memory_space<vmem>> -> memref<1x80x128xf32, #tpu.memory_space<vmem>>
        %dma_wait3A_355 = tpu.memref_squeeze %dma_wait3A_354 : memref<1x80x128xf32, #tpu.memory_space<vmem>> -> memref<80x128xf32, #tpu.memory_space<vmem>>
        %dma_wait3A_356 = arith.constant 0 : i32
        %dma_wait3A_357 = tpu.memref_slice %arg8[%add3A_288, %dma_wait3A_356] : memref<32x80xi32, #tpu.memory_space<vmem>> -> memref<1x80xi32, #tpu.memory_space<vmem>>
        %dma_wait3A_358 = tpu.memref_squeeze %dma_wait3A_357 : memref<1x80xi32, #tpu.memory_space<vmem>> -> memref<80xi32, #tpu.memory_space<vmem>>
        %dma_wait3A_359 = arith.constant 0 : i32
        %dma_wait3A_360 = arith.constant 0 : i32
        %dma_wait3A_361 = tpu.memref_slice %arg10[%dma_wait3A_359, %dma_wait3A_360] : memref<10008x128xf32, #tpu.memory_space<vmem_shared>> -> memref<10008x128xf32, #tpu.memory_space<vmem_shared>>
        tpu.wait_indirect_dma semaphore(%run_scoped3A_341 : memref<!tpu.dma_semaphore, #tpu.memory_space<semaphore_mem>>) src(%dma_wait3A_355 : memref<80x128xf32, #tpu.memory_space<vmem>>) dst(%dma_wait3A_361 : memref<10008x128xf32, #tpu.memory_space<vmem_shared>>)
        tpu.yield
      }) : () -> ()
      %add3A_301 = arith.constant 2 : i32
      %add3A_302 = arith.addi %add3A_288, %add3A_301 : i32
      %dma_start3A_303 = arith.constant 0 : i32
      %dma_start3A_304 = arith.constant 0 : i32
      %dma_start3A_305 = arith.constant 0 : i32
      %dma_start3A_306 = tpu.memref_slice %arg9[%dma_start3A_303, %dma_start3A_304, %dma_start3A_305] : memref<2x80x128xf32, #tpu.memory_space<vmem>> -> memref<1x80x128xf32, #tpu.memory_space<vmem>>
      %dma_start3A_307 = tpu.memref_squeeze %dma_start3A_306 : memref<1x80x128xf32, #tpu.memory_space<vmem>> -> memref<80x128xf32, #tpu.memory_space<vmem>>
      %dma_start3A_308 = arith.constant 0 : i32
      %dma_start3A_309 = tpu.memref_slice %arg7[%add3A_302, %dma_start3A_308] : memref<32x80xi32, #tpu.memory_space<vmem>> -> memref<1x80xi32, #tpu.memory_space<vmem>>
      %dma_start3A_310 = tpu.memref_squeeze %dma_start3A_309 : memref<1x80xi32, #tpu.memory_space<vmem>> -> memref<80xi32, #tpu.memory_space<vmem>>
      %dma_start3A_311 = arith.constant 0 : i32
      %dma_start3A_312 = arith.constant 0 : i32
      %dma_start3A_313 = tpu.memref_slice %arg2[%dma_start3A_311, %dma_start3A_312] : memref<10000x128xf32, #tpu.memory_space<hbm>> -> memref<10000x128xf32, #tpu.memory_space<hbm>>
      tpu.enqueue_indirect_dma source(%dma_start3A_313 : memref<10000x128xf32, #tpu.memory_space<hbm>>) target(%dma_start3A_307 : memref<80x128xf32, #tpu.memory_space<vmem>>) offsets(%dma_start3A_310 : memref<80xi32, #tpu.memory_space<vmem>>) semaphore(%arg11 : memref<!tpu.dma_semaphore, #tpu.memory_space<semaphore_mem>>)
      %add3A_314 = arith.constant 1 : i32
      %add3A_315 = arith.addi %add3A_288, %add3A_314 : i32
      %dma_wait3A_316 = arith.constant 1 : i32
      %dma_wait3A_317 = arith.constant 0 : i32
      %dma_wait3A_318 = arith.constant 0 : i32
      %dma_wait3A_319 = tpu.memref_slice %arg9[%dma_wait3A_316, %dma_wait3A_317, %dma_wait3A_318] : memref<2x80x128xf32, #tpu.memory_space<vmem>> -> memref<1x80x128xf32, #tpu.memory_space<vmem>>
      %dma_wait3A_320 = tpu.memref_squeeze %dma_wait3A_319 : memref<1x80x128xf32, #tpu.memory_space<vmem>> -> memref<80x128xf32, #tpu.memory_space<vmem>>
      %dma_wait3A_321 = arith.constant 0 : i32
      %dma_wait3A_322 = tpu.memref_slice %arg7[%add3A_315, %dma_wait3A_321] : memref<32x80xi32, #tpu.memory_space<vmem>> -> memref<1x80xi32, #tpu.memory_space<vmem>>
      %dma_wait3A_323 = tpu.memref_squeeze %dma_wait3A_322 : memref<1x80xi32, #tpu.memory_space<vmem>> -> memref<80xi32, #tpu.memory_space<vmem>>
      %dma_wait3A_324 = arith.constant 0 : i32
      %dma_wait3A_325 = arith.constant 0 : i32
      %dma_wait3A_326 = tpu.memref_slice %arg2[%dma_wait3A_324, %dma_wait3A_325] : memref<10000x128xf32, #tpu.memory_space<hbm>> -> memref<10000x128xf32, #tpu.memory_space<hbm>>
      tpu.wait_indirect_dma semaphore(%arg11 : memref<!tpu.dma_semaphore, #tpu.memory_space<semaphore_mem>>) src(%dma_wait3A_326 : memref<10000x128xf32, #tpu.memory_space<hbm>>) dst(%dma_wait3A_320 : memref<80x128xf32, #tpu.memory_space<vmem>>)
      %run_scoped3A_327 = arith.constant 1 : i32
      "tpu.region"() ({
        %run_scoped3A_341 = tpu.sem_alloc : memref<!tpu.dma_semaphore, #tpu.memory_space<semaphore_mem>>
        %dma_start3A_342 = arith.constant 0 : i32
        %dma_start3A_343 = arith.constant 0 : i32
        %dma_start3A_344 = tpu.memref_slice %arg9[%run_scoped3A_327, %dma_start3A_342, %dma_start3A_343] : memref<2x80x128xf32, #tpu.memory_space<vmem>> -> memref<1x80x128xf32, #tpu.memory_space<vmem>>
        %dma_start3A_345 = tpu.memref_squeeze %dma_start3A_344 : memref<1x80x128xf32, #tpu.memory_space<vmem>> -> memref<80x128xf32, #tpu.memory_space<vmem>>
        %dma_start3A_346 = arith.constant 0 : i32
        %dma_start3A_347 = tpu.memref_slice %arg8[%add3A_315, %dma_start3A_346] : memref<32x80xi32, #tpu.memory_space<vmem>> -> memref<1x80xi32, #tpu.memory_space<vmem>>
        %dma_start3A_348 = tpu.memref_squeeze %dma_start3A_347 : memref<1x80xi32, #tpu.memory_space<vmem>> -> memref<80xi32, #tpu.memory_space<vmem>>
        %dma_start3A_349 = arith.constant 0 : i32
        %dma_start3A_350 = arith.constant 0 : i32
        %dma_start3A_351 = tpu.memref_slice %arg10[%dma_start3A_349, %dma_start3A_350] : memref<10008x128xf32, #tpu.memory_space<vmem_shared>> -> memref<10008x128xf32, #tpu.memory_space<vmem_shared>>
        tpu.enqueue_indirect_dma source(%dma_start3A_345 : memref<80x128xf32, #tpu.memory_space<vmem>>) target(%dma_start3A_351 : memref<10008x128xf32, #tpu.memory_space<vmem_shared>>) offsets(%dma_start3A_348 : memref<80xi32, #tpu.memory_space<vmem>>) semaphore(%run_scoped3A_341 : memref<!tpu.dma_semaphore, #tpu.memory_space<semaphore_mem>>) {add = true}
        %dma_wait3A_352 = arith.constant 0 : i32
        %dma_wait3A_353 = arith.constant 0 : i32
        %dma_wait3A_354 = tpu.memref_slice %arg9[%run_scoped3A_327, %dma_wait3A_352, %dma_wait3A_353] : memref<2x80x128xf32, #tpu.memory_space<vmem>> -> memref<1x80x128xf32, #tpu.memory_space<vmem>>
        %dma_wait3A_355 = tpu.memref_squeeze %dma_wait3A_354 : memref<1x80x128xf32, #tpu.memory_space<vmem>> -> memref<80x128xf32, #tpu.memory_space<vmem>>
        %dma_wait3A_356 = arith.constant 0 : i32
        %dma_wait3A_357 = tpu.memref_slice %arg8[%add3A_315, %dma_wait3A_356] : memref<32x80xi32, #tpu.memory_space<vmem>> -> memref<1x80xi32, #tpu.memory_space<vmem>>
        %dma_wait3A_358 = tpu.memref_squeeze %dma_wait3A_357 : memref<1x80xi32, #tpu.memory_space<vmem>> -> memref<80xi32, #tpu.memory_space<vmem>>
        %dma_wait3A_359 = arith.constant 0 : i32
        %dma_wait3A_360 = arith.constant 0 : i32
        %dma_wait3A_361 = tpu.memref_slice %arg10[%dma_wait3A_359, %dma_wait3A_360] : memref<10008x128xf32, #tpu.memory_space<vmem_shared>> -> memref<10008x128xf32, #tpu.memory_space<vmem_shared>>
        tpu.wait_indirect_dma semaphore(%run_scoped3A_341 : memref<!tpu.dma_semaphore, #tpu.memory_space<semaphore_mem>>) src(%dma_wait3A_355 : memref<80x128xf32, #tpu.memory_space<vmem>>) dst(%dma_wait3A_361 : memref<10008x128xf32, #tpu.memory_space<vmem_shared>>)
        tpu.yield
      }) : () -> ()
      %add3A_328 = arith.constant 2 : i32
      %add3A_329 = arith.addi %add3A_315, %add3A_328 : i32
      %dma_start3A_330 = arith.constant 1 : i32
      %dma_start3A_331 = arith.constant 0 : i32
      %dma_start3A_332 = arith.constant 0 : i32
      %dma_start3A_333 = tpu.memref_slice %arg9[%dma_start3A_330, %dma_start3A_331, %dma_start3A_332] : memref<2x80x128xf32, #tpu.memory_space<vmem>> -> memref<1x80x128xf32, #tpu.memory_space<vmem>>
      %dma_start3A_334 = tpu.memref_squeeze %dma_start3A_333 : memref<1x80x128xf32, #tpu.memory_space<vmem>> -> memref<80x128xf32, #tpu.memory_space<vmem>>
      %dma_start3A_335 = arith.constant 0 : i32
      %dma_start3A_336 = tpu.memref_slice %arg7[%add3A_329, %dma_start3A_335] : memref<32x80xi32, #tpu.memory_space<vmem>> -> memref<1x80xi32, #tpu.memory_space<vmem>>
      %dma_start3A_337 = tpu.memref_squeeze %dma_start3A_336 : memref<1x80xi32, #tpu.memory_space<vmem>> -> memref<80xi32, #tpu.memory_space<vmem>>
      %dma_start3A_338 = arith.constant 0 : i32
      %dma_start3A_339 = arith.constant 0 : i32
      %dma_start3A_340 = tpu.memref_slice %arg2[%dma_start3A_338, %dma_start3A_339] : memref<10000x128xf32, #tpu.memory_space<hbm>> -> memref<10000x128xf32, #tpu.memory_space<hbm>>
      tpu.enqueue_indirect_dma source(%dma_start3A_340 : memref<10000x128xf32, #tpu.memory_space<hbm>>) target(%dma_start3A_334 : memref<80x128xf32, #tpu.memory_space<vmem>>) offsets(%dma_start3A_337 : memref<80xi32, #tpu.memory_space<vmem>>) semaphore(%arg11 : memref<!tpu.dma_semaphore, #tpu.memory_space<semaphore_mem>>)
    }
    %scan3A_96 = arith.constant 15 : i32
    %dma_wait3A_97 = arith.constant 30 : i32
    %dma_wait3A_98 = arith.constant 0 : i32
    %dma_wait3A_99 = arith.constant 0 : i32
    %dma_wait3A_100 = arith.constant 0 : i32
    %dma_wait3A_101 = tpu.memref_slice %arg9[%dma_wait3A_98, %dma_wait3A_99, %dma_wait3A_100] : memref<2x80x128xf32, #tpu.memory_space<vmem>> -> memref<1x80x128xf32, #tpu.memory_space<vmem>>
    %dma_wait3A_102 = tpu.memref_squeeze %dma_wait3A_101 : memref<1x80x128xf32, #tpu.memory_space<vmem>> -> memref<80x128xf32, #tpu.memory_space<vmem>>
    %dma_wait3A_103 = arith.constant 0 : i32
    %dma_wait3A_104 = tpu.memref_slice %arg7[%dma_wait3A_97, %dma_wait3A_103] : memref<32x80xi32, #tpu.memory_space<vmem>> -> memref<1x80xi32, #tpu.memory_space<vmem>>
    %dma_wait3A_105 = tpu.memref_squeeze %dma_wait3A_104 : memref<1x80xi32, #tpu.memory_space<vmem>> -> memref<80xi32, #tpu.memory_space<vmem>>
    %dma_wait3A_106 = arith.constant 0 : i32
    %dma_wait3A_107 = arith.constant 0 : i32
    %dma_wait3A_108 = tpu.memref_slice %arg2[%dma_wait3A_106, %dma_wait3A_107] : memref<10000x128xf32, #tpu.memory_space<hbm>> -> memref<10000x128xf32, #tpu.memory_space<hbm>>
    tpu.wait_indirect_dma semaphore(%arg11 : memref<!tpu.dma_semaphore, #tpu.memory_space<semaphore_mem>>) src(%dma_wait3A_108 : memref<10000x128xf32, #tpu.memory_space<hbm>>) dst(%dma_wait3A_102 : memref<80x128xf32, #tpu.memory_space<vmem>>)
    %run_scoped3A_109 = arith.constant 0 : i32
    %run_scoped3A_110 = arith.constant 30 : i32
    "tpu.region"() ({
      %run_scoped3A_284 = tpu.sem_alloc : memref<!tpu.dma_semaphore, #tpu.memory_space<semaphore_mem>>
      %dma_start3A_285 = arith.constant 0 : i32
      %dma_start3A_286 = arith.constant 0 : i32
      %dma_start3A_287 = tpu.memref_slice %arg9[%run_scoped3A_109, %dma_start3A_285, %dma_start3A_286] : memref<2x80x128xf32, #tpu.memory_space<vmem>> -> memref<1x80x128xf32, #tpu.memory_space<vmem>>
      %dma_start3A_288 = tpu.memref_squeeze %dma_start3A_287 : memref<1x80x128xf32, #tpu.memory_space<vmem>> -> memref<80x128xf32, #tpu.memory_space<vmem>>
      %dma_start3A_289 = arith.constant 0 : i32
      %dma_start3A_290 = tpu.memref_slice %arg8[%run_scoped3A_110, %dma_start3A_289] : memref<32x80xi32, #tpu.memory_space<vmem>> -> memref<1x80xi32, #tpu.memory_space<vmem>>
      %dma_start3A_291 = tpu.memref_squeeze %dma_start3A_290 : memref<1x80xi32, #tpu.memory_space<vmem>> -> memref<80xi32, #tpu.memory_space<vmem>>
      %dma_start3A_292 = arith.constant 0 : i32
      %dma_start3A_293 = arith.constant 0 : i32
      %dma_start3A_294 = tpu.memref_slice %arg10[%dma_start3A_292, %dma_start3A_293] : memref<10008x128xf32, #tpu.memory_space<vmem_shared>> -> memref<10008x128xf32, #tpu.memory_space<vmem_shared>>
      tpu.enqueue_indirect_dma source(%dma_start3A_288 : memref<80x128xf32, #tpu.memory_space<vmem>>) target(%dma_start3A_294 : memref<10008x128xf32, #tpu.memory_space<vmem_shared>>) offsets(%dma_start3A_291 : memref<80xi32, #tpu.memory_space<vmem>>) semaphore(%run_scoped3A_284 : memref<!tpu.dma_semaphore, #tpu.memory_space<semaphore_mem>>) {add = true}
      %dma_wait3A_295 = arith.constant 0 : i32
      %dma_wait3A_296 = arith.constant 0 : i32
      %dma_wait3A_297 = tpu.memref_slice %arg9[%run_scoped3A_109, %dma_wait3A_295, %dma_wait3A_296] : memref<2x80x128xf32, #tpu.memory_space<vmem>> -> memref<1x80x128xf32, #tpu.memory_space<vmem>>
      %dma_wait3A_298 = tpu.memref_squeeze %dma_wait3A_297 : memref<1x80x128xf32, #tpu.memory_space<vmem>> -> memref<80x128xf32, #tpu.memory_space<vmem>>
      %dma_wait3A_299 = arith.constant 0 : i32
      %dma_wait3A_300 = tpu.memref_slice %arg8[%run_scoped3A_110, %dma_wait3A_299] : memref<32x80xi32, #tpu.memory_space<vmem>> -> memref<1x80xi32, #tpu.memory_space<vmem>>
      %dma_wait3A_301 = tpu.memref_squeeze %dma_wait3A_300 : memref<1x80xi32, #tpu.memory_space<vmem>> -> memref<80xi32, #tpu.memory_space<vmem>>
      %dma_wait3A_302 = arith.constant 0 : i32
      %dma_wait3A_303 = arith.constant 0 : i32
      %dma_wait3A_304 = tpu.memref_slice %arg10[%dma_wait3A_302, %dma_wait3A_303] : memref<10008x128xf32, #tpu.memory_space<vmem_shared>> -> memref<10008x128xf32, #tpu.memory_space<vmem_shared>>
      tpu.wait_indirect_dma semaphore(%run_scoped3A_284 : memref<!tpu.dma_semaphore, #tpu.memory_space<semaphore_mem>>) src(%dma_wait3A_298 : memref<80x128xf32, #tpu.memory_space<vmem>>) dst(%dma_wait3A_304 : memref<10008x128xf32, #tpu.memory_space<vmem_shared>>)
      tpu.yield
    }) : () -> ()
    %dma_wait3A_111 = arith.constant 31 : i32
    %dma_wait3A_112 = arith.constant 1 : i32
    %dma_wait3A_113 = arith.constant 0 : i32
    %dma_wait3A_114 = arith.constant 0 : i32
    %dma_wait3A_115 = tpu.memref_slice %arg9[%dma_wait3A_112, %dma_wait3A_113, %dma_wait3A_114] : memref<2x80x128xf32, #tpu.memory_space<vmem>> -> memref<1x80x128xf32, #tpu.memory_space<vmem>>
    %dma_wait3A_116 = tpu.memref_squeeze %dma_wait3A_115 : memref<1x80x128xf32, #tpu.memory_space<vmem>> -> memref<80x128xf32, #tpu.memory_space<vmem>>
    %dma_wait3A_117 = arith.constant 0 : i32
    %dma_wait3A_118 = tpu.memref_slice %arg7[%dma_wait3A_111, %dma_wait3A_117] : memref<32x80xi32, #tpu.memory_space<vmem>> -> memref<1x80xi32, #tpu.memory_space<vmem>>
    %dma_wait3A_119 = tpu.memref_squeeze %dma_wait3A_118 : memref<1x80xi32, #tpu.memory_space<vmem>> -> memref<80xi32, #tpu.memory_space<vmem>>
    %dma_wait3A_120 = arith.constant 0 : i32
    %dma_wait3A_121 = arith.constant 0 : i32
    %dma_wait3A_122 = tpu.memref_slice %arg2[%dma_wait3A_120, %dma_wait3A_121] : memref<10000x128xf32, #tpu.memory_space<hbm>> -> memref<10000x128xf32, #tpu.memory_space<hbm>>
    tpu.wait_indirect_dma semaphore(%arg11 : memref<!tpu.dma_semaphore, #tpu.memory_space<semaphore_mem>>) src(%dma_wait3A_122 : memref<10000x128xf32, #tpu.memory_space<hbm>>) dst(%dma_wait3A_116 : memref<80x128xf32, #tpu.memory_space<vmem>>)
    %run_scoped3A_123 = arith.constant 1 : i32
    %run_scoped3A_124 = arith.constant 31 : i32
    "tpu.region"() ({
      %run_scoped3A_284 = tpu.sem_alloc : memref<!tpu.dma_semaphore, #tpu.memory_space<semaphore_mem>>
      %dma_start3A_285 = arith.constant 0 : i32
      %dma_start3A_286 = arith.constant 0 : i32
      %dma_start3A_287 = tpu.memref_slice %arg9[%run_scoped3A_123, %dma_start3A_285, %dma_start3A_286] : memref<2x80x128xf32, #tpu.memory_space<vmem>> -> memref<1x80x128xf32, #tpu.memory_space<vmem>>
      %dma_start3A_288 = tpu.memref_squeeze %dma_start3A_287 : memref<1x80x128xf32, #tpu.memory_space<vmem>> -> memref<80x128xf32, #tpu.memory_space<vmem>>
      %dma_start3A_289 = arith.constant 0 : i32
      %dma_start3A_290 = tpu.memref_slice %arg8[%run_scoped3A_124, %dma_start3A_289] : memref<32x80xi32, #tpu.memory_space<vmem>> -> memref<1x80xi32, #tpu.memory_space<vmem>>
      %dma_start3A_291 = tpu.memref_squeeze %dma_start3A_290 : memref<1x80xi32, #tpu.memory_space<vmem>> -> memref<80xi32, #tpu.memory_space<vmem>>
      %dma_start3A_292 = arith.constant 0 : i32
      %dma_start3A_293 = arith.constant 0 : i32
      %dma_start3A_294 = tpu.memref_slice %arg10[%dma_start3A_292, %dma_start3A_293] : memref<10008x128xf32, #tpu.memory_space<vmem_shared>> -> memref<10008x128xf32, #tpu.memory_space<vmem_shared>>
      tpu.enqueue_indirect_dma source(%dma_start3A_288 : memref<80x128xf32, #tpu.memory_space<vmem>>) target(%dma_start3A_294 : memref<10008x128xf32, #tpu.memory_space<vmem_shared>>) offsets(%dma_start3A_291 : memref<80xi32, #tpu.memory_space<vmem>>) semaphore(%run_scoped3A_284 : memref<!tpu.dma_semaphore, #tpu.memory_space<semaphore_mem>>) {add = true}
      %dma_wait3A_295 = arith.constant 0 : i32
      %dma_wait3A_296 = arith.constant 0 : i32
      %dma_wait3A_297 = tpu.memref_slice %arg9[%run_scoped3A_123, %dma_wait3A_295, %dma_wait3A_296] : memref<2x80x128xf32, #tpu.memory_space<vmem>> -> memref<1x80x128xf32, #tpu.memory_space<vmem>>
      %dma_wait3A_298 = tpu.memref_squeeze %dma_wait3A_297 : memref<1x80x128xf32, #tpu.memory_space<vmem>> -> memref<80x128xf32, #tpu.memory_space<vmem>>
      %dma_wait3A_299 = arith.constant 0 : i32
      %dma_wait3A_300 = tpu.memref_slice %arg8[%run_scoped3A_124, %dma_wait3A_299] : memref<32x80xi32, #tpu.memory_space<vmem>> -> memref<1x80xi32, #tpu.memory_space<vmem>>
      %dma_wait3A_301 = tpu.memref_squeeze %dma_wait3A_300 : memref<1x80xi32, #tpu.memory_space<vmem>> -> memref<80xi32, #tpu.memory_space<vmem>>
      %dma_wait3A_302 = arith.constant 0 : i32
      %dma_wait3A_303 = arith.constant 0 : i32
      %dma_wait3A_304 = tpu.memref_slice %arg10[%dma_wait3A_302, %dma_wait3A_303] : memref<10008x128xf32, #tpu.memory_space<vmem_shared>> -> memref<10008x128xf32, #tpu.memory_space<vmem_shared>>
      tpu.wait_indirect_dma semaphore(%run_scoped3A_284 : memref<!tpu.dma_semaphore, #tpu.memory_space<semaphore_mem>>) src(%dma_wait3A_298 : memref<80x128xf32, #tpu.memory_space<vmem>>) dst(%dma_wait3A_304 : memref<10008x128xf32, #tpu.memory_space<vmem_shared>>)
      tpu.yield
    }) : () -> ()
    %mul3A_125 = arith.constant 128 : i32
    %mul3A_126 = arith.muli %add3A, %mul3A_125 : i32
    %add3A_127 = arith.constant 64 : i32
    %add3A_128 = arith.addi %mul3A_126, %add3A_127 : i32
    "tpu.region"() ({
      %run_scoped3A_284 = tpu.sem_alloc : memref<!tpu.dma_semaphore, #tpu.memory_space<semaphore_mem>>
      %dma_start3A_285 = arith.constant 0 : i32
      %dma_start3A_286 = tpu.memref_slice %arg3[%add3A_128, %dma_start3A_285] : memref<4096x80xi32, #tpu.memory_space<hbm>> -> memref<32x80xi32, #tpu.memory_space<hbm>>
      %dma_start3A_287 = arith.constant 0 : i32
      %dma_start3A_288 = tpu.memref_slice %arg3[%add3A_128, %dma_start3A_287] : memref<4096x80xi32, #tpu.memory_space<hbm>> -> memref<32x80xi32, #tpu.memory_space<hbm>>
      tpu.enqueue_dma source(%dma_start3A_288 : memref<32x80xi32, #tpu.memory_space<hbm>>) target(%arg7 : memref<32x80xi32, #tpu.memory_space<vmem>>) target_semaphore(%run_scoped3A_284 : memref<!tpu.dma_semaphore, #tpu.memory_space<semaphore_mem>>)
      %dma_wait3A_289 = arith.constant 0 : i32
      %dma_wait3A_290 = tpu.memref_slice %arg3[%add3A_128, %dma_wait3A_289] : memref<4096x80xi32, #tpu.memory_space<hbm>> -> memref<32x80xi32, #tpu.memory_space<hbm>>
      %dma_wait3A_291 = arith.constant 0 : i32
      %dma_wait3A_292 = tpu.memref_slice %arg3[%add3A_128, %dma_wait3A_291] : memref<4096x80xi32, #tpu.memory_space<hbm>> -> memref<32x80xi32, #tpu.memory_space<hbm>>
      tpu.wait_dma2 semaphore(%run_scoped3A_284 : memref<!tpu.dma_semaphore, #tpu.memory_space<semaphore_mem>>) src(%dma_wait3A_292 : memref<32x80xi32, #tpu.memory_space<hbm>>) dst(%arg7 : memref<32x80xi32, #tpu.memory_space<vmem>>)
      tpu.yield
    }) : () -> ()
    "tpu.region"() ({
      %run_scoped3A_284 = tpu.sem_alloc : memref<!tpu.dma_semaphore, #tpu.memory_space<semaphore_mem>>
      %dma_start3A_285 = arith.constant 0 : i32
      %dma_start3A_286 = tpu.memref_slice %arg4[%add3A_128, %dma_start3A_285] : memref<4096x80xi32, #tpu.memory_space<hbm>> -> memref<32x80xi32, #tpu.memory_space<hbm>>
      %dma_start3A_287 = arith.constant 0 : i32
      %dma_start3A_288 = tpu.memref_slice %arg4[%add3A_128, %dma_start3A_287] : memref<4096x80xi32, #tpu.memory_space<hbm>> -> memref<32x80xi32, #tpu.memory_space<hbm>>
      tpu.enqueue_dma source(%dma_start3A_288 : memref<32x80xi32, #tpu.memory_space<hbm>>) target(%arg8 : memref<32x80xi32, #tpu.memory_space<vmem>>) target_semaphore(%run_scoped3A_284 : memref<!tpu.dma_semaphore, #tpu.memory_space<semaphore_mem>>)
      %dma_wait3A_289 = arith.constant 0 : i32
      %dma_wait3A_290 = tpu.memref_slice %arg4[%add3A_128, %dma_wait3A_289] : memref<4096x80xi32, #tpu.memory_space<hbm>> -> memref<32x80xi32, #tpu.memory_space<hbm>>
      %dma_wait3A_291 = arith.constant 0 : i32
      %dma_wait3A_292 = tpu.memref_slice %arg4[%add3A_128, %dma_wait3A_291] : memref<4096x80xi32, #tpu.memory_space<hbm>> -> memref<32x80xi32, #tpu.memory_space<hbm>>
      tpu.wait_dma2 semaphore(%run_scoped3A_284 : memref<!tpu.dma_semaphore, #tpu.memory_space<semaphore_mem>>) src(%dma_wait3A_292 : memref<32x80xi32, #tpu.memory_space<hbm>>) dst(%arg8 : memref<32x80xi32, #tpu.memory_space<vmem>>)
      tpu.yield
    }) : () -> ()
    %dma_start3A_129 = arith.constant 0 : i32
    %dma_start3A_130 = arith.constant 0 : i32
    %dma_start3A_131 = arith.constant 0 : i32
    %dma_start3A_132 = arith.constant 0 : i32
    %dma_start3A_133 = tpu.memref_slice %arg9[%dma_start3A_130, %dma_start3A_131, %dma_start3A_132] : memref<2x80x128xf32, #tpu.memory_space<vmem>> -> memref<1x80x128xf32, #tpu.memory_space<vmem>>
    %dma_start3A_134 = tpu.memref_squeeze %dma_start3A_133 : memref<1x80x128xf32, #tpu.memory_space<vmem>> -> memref<80x128xf32, #tpu.memory_space<vmem>>
    %dma_start3A_135 = arith.constant 0 : i32
    %dma_start3A_136 = tpu.memref_slice %arg7[%dma_start3A_129, %dma_start3A_135] : memref<32x80xi32, #tpu.memory_space<vmem>> -> memref<1x80xi32, #tpu.memory_space<vmem>>
    %dma_start3A_137 = tpu.memref_squeeze %dma_start3A_136 : memref<1x80xi32, #tpu.memory_space<vmem>> -> memref<80xi32, #tpu.memory_space<vmem>>
    %dma_start3A_138 = arith.constant 0 : i32
    %dma_start3A_139 = arith.constant 0 : i32
    %dma_start3A_140 = tpu.memref_slice %arg2[%dma_start3A_138, %dma_start3A_139] : memref<10000x128xf32, #tpu.memory_space<hbm>> -> memref<10000x128xf32, #tpu.memory_space<hbm>>
    tpu.enqueue_indirect_dma source(%dma_start3A_140 : memref<10000x128xf32, #tpu.memory_space<hbm>>) target(%dma_start3A_134 : memref<80x128xf32, #tpu.memory_space<vmem>>) offsets(%dma_start3A_137 : memref<80xi32, #tpu.memory_space<vmem>>) semaphore(%arg11 : memref<!tpu.dma_semaphore, #tpu.memory_space<semaphore_mem>>)
    %dma_start3A_141 = arith.constant 1 : i32
    %dma_start3A_142 = arith.constant 1 : i32
    %dma_start3A_143 = arith.constant 0 : i32
    %dma_start3A_144 = arith.constant 0 : i32
    %dma_start3A_145 = tpu.memref_slice %arg9[%dma_start3A_142, %dma_start3A_143, %dma_start3A_144] : memref<2x80x128xf32, #tpu.memory_space<vmem>> -> memref<1x80x128xf32, #tpu.memory_space<vmem>>
    %dma_start3A_146 = tpu.memref_squeeze %dma_start3A_145 : memref<1x80x128xf32, #tpu.memory_space<vmem>> -> memref<80x128xf32, #tpu.memory_space<vmem>>
    %dma_start3A_147 = arith.constant 0 : i32
    %dma_start3A_148 = tpu.memref_slice %arg7[%dma_start3A_141, %dma_start3A_147] : memref<32x80xi32, #tpu.memory_space<vmem>> -> memref<1x80xi32, #tpu.memory_space<vmem>>
    %dma_start3A_149 = tpu.memref_squeeze %dma_start3A_148 : memref<1x80xi32, #tpu.memory_space<vmem>> -> memref<80xi32, #tpu.memory_space<vmem>>
    %dma_start3A_150 = arith.constant 0 : i32
    %dma_start3A_151 = arith.constant 0 : i32
    %dma_start3A_152 = tpu.memref_slice %arg2[%dma_start3A_150, %dma_start3A_151] : memref<10000x128xf32, #tpu.memory_space<hbm>> -> memref<10000x128xf32, #tpu.memory_space<hbm>>
    tpu.enqueue_indirect_dma source(%dma_start3A_152 : memref<10000x128xf32, #tpu.memory_space<hbm>>) target(%dma_start3A_146 : memref<80x128xf32, #tpu.memory_space<vmem>>) offsets(%dma_start3A_149 : memref<80xi32, #tpu.memory_space<vmem>>) semaphore(%arg11 : memref<!tpu.dma_semaphore, #tpu.memory_space<semaphore_mem>>)
    %scan3A_153 = arith.constant 0 : i32
    %scan3A_154 = arith.constant 15 : i32
    %scan3A_155 = arith.addi %scan3A_153, %scan3A_154 : i32
    %scan3A_156 = arith.constant 1 : i32
    scf.for %scan3A_284 = %scan3A_153 to %scan3A_155 step %scan3A_156  : i32 {
      %mul3A_285 = arith.constant 2 : i32
      %mul3A_286 = arith.muli %scan3A_284, %mul3A_285 : i32
      %add3A_287 = arith.constant 0 : i32
      %add3A_288 = arith.addi %add3A_287, %mul3A_286 : i32
      %dma_wait3A_289 = arith.constant 0 : i32
      %dma_wait3A_290 = arith.constant 0 : i32
      %dma_wait3A_291 = arith.constant 0 : i32
      %dma_wait3A_292 = tpu.memref_slice %arg9[%dma_wait3A_289, %dma_wait3A_290, %dma_wait3A_291] : memref<2x80x128xf32, #tpu.memory_space<vmem>> -> memref<1x80x128xf32, #tpu.memory_space<vmem>>
      %dma_wait3A_293 = tpu.memref_squeeze %dma_wait3A_292 : memref<1x80x128xf32, #tpu.memory_space<vmem>> -> memref<80x128xf32, #tpu.memory_space<vmem>>
      %dma_wait3A_294 = arith.constant 0 : i32
      %dma_wait3A_295 = tpu.memref_slice %arg7[%add3A_288, %dma_wait3A_294] : memref<32x80xi32, #tpu.memory_space<vmem>> -> memref<1x80xi32, #tpu.memory_space<vmem>>
      %dma_wait3A_296 = tpu.memref_squeeze %dma_wait3A_295 : memref<1x80xi32, #tpu.memory_space<vmem>> -> memref<80xi32, #tpu.memory_space<vmem>>
      %dma_wait3A_297 = arith.constant 0 : i32
      %dma_wait3A_298 = arith.constant 0 : i32
      %dma_wait3A_299 = tpu.memref_slice %arg2[%dma_wait3A_297, %dma_wait3A_298] : memref<10000x128xf32, #tpu.memory_space<hbm>> -> memref<10000x128xf32, #tpu.memory_space<hbm>>
      tpu.wait_indirect_dma semaphore(%arg11 : memref<!tpu.dma_semaphore, #tpu.memory_space<semaphore_mem>>) src(%dma_wait3A_299 : memref<10000x128xf32, #tpu.memory_space<hbm>>) dst(%dma_wait3A_293 : memref<80x128xf32, #tpu.memory_space<vmem>>)
      %run_scoped3A_300 = arith.constant 0 : i32
      "tpu.region"() ({
        %run_scoped3A_341 = tpu.sem_alloc : memref<!tpu.dma_semaphore, #tpu.memory_space<semaphore_mem>>
        %dma_start3A_342 = arith.constant 0 : i32
        %dma_start3A_343 = arith.constant 0 : i32
        %dma_start3A_344 = tpu.memref_slice %arg9[%run_scoped3A_300, %dma_start3A_342, %dma_start3A_343] : memref<2x80x128xf32, #tpu.memory_space<vmem>> -> memref<1x80x128xf32, #tpu.memory_space<vmem>>
        %dma_start3A_345 = tpu.memref_squeeze %dma_start3A_344 : memref<1x80x128xf32, #tpu.memory_space<vmem>> -> memref<80x128xf32, #tpu.memory_space<vmem>>
        %dma_start3A_346 = arith.constant 0 : i32
        %dma_start3A_347 = tpu.memref_slice %arg8[%add3A_288, %dma_start3A_346] : memref<32x80xi32, #tpu.memory_space<vmem>> -> memref<1x80xi32, #tpu.memory_space<vmem>>
        %dma_start3A_348 = tpu.memref_squeeze %dma_start3A_347 : memref<1x80xi32, #tpu.memory_space<vmem>> -> memref<80xi32, #tpu.memory_space<vmem>>
        %dma_start3A_349 = arith.constant 0 : i32
        %dma_start3A_350 = arith.constant 0 : i32
        %dma_start3A_351 = tpu.memref_slice %arg10[%dma_start3A_349, %dma_start3A_350] : memref<10008x128xf32, #tpu.memory_space<vmem_shared>> -> memref<10008x128xf32, #tpu.memory_space<vmem_shared>>
        tpu.enqueue_indirect_dma source(%dma_start3A_345 : memref<80x128xf32, #tpu.memory_space<vmem>>) target(%dma_start3A_351 : memref<10008x128xf32, #tpu.memory_space<vmem_shared>>) offsets(%dma_start3A_348 : memref<80xi32, #tpu.memory_space<vmem>>) semaphore(%run_scoped3A_341 : memref<!tpu.dma_semaphore, #tpu.memory_space<semaphore_mem>>) {add = true}
        %dma_wait3A_352 = arith.constant 0 : i32
        %dma_wait3A_353 = arith.constant 0 : i32
        %dma_wait3A_354 = tpu.memref_slice %arg9[%run_scoped3A_300, %dma_wait3A_352, %dma_wait3A_353] : memref<2x80x128xf32, #tpu.memory_space<vmem>> -> memref<1x80x128xf32, #tpu.memory_space<vmem>>
        %dma_wait3A_355 = tpu.memref_squeeze %dma_wait3A_354 : memref<1x80x128xf32, #tpu.memory_space<vmem>> -> memref<80x128xf32, #tpu.memory_space<vmem>>
        %dma_wait3A_356 = arith.constant 0 : i32
        %dma_wait3A_357 = tpu.memref_slice %arg8[%add3A_288, %dma_wait3A_356] : memref<32x80xi32, #tpu.memory_space<vmem>> -> memref<1x80xi32, #tpu.memory_space<vmem>>
        %dma_wait3A_358 = tpu.memref_squeeze %dma_wait3A_357 : memref<1x80xi32, #tpu.memory_space<vmem>> -> memref<80xi32, #tpu.memory_space<vmem>>
        %dma_wait3A_359 = arith.constant 0 : i32
        %dma_wait3A_360 = arith.constant 0 : i32
        %dma_wait3A_361 = tpu.memref_slice %arg10[%dma_wait3A_359, %dma_wait3A_360] : memref<10008x128xf32, #tpu.memory_space<vmem_shared>> -> memref<10008x128xf32, #tpu.memory_space<vmem_shared>>
        tpu.wait_indirect_dma semaphore(%run_scoped3A_341 : memref<!tpu.dma_semaphore, #tpu.memory_space<semaphore_mem>>) src(%dma_wait3A_355 : memref<80x128xf32, #tpu.memory_space<vmem>>) dst(%dma_wait3A_361 : memref<10008x128xf32, #tpu.memory_space<vmem_shared>>)
        tpu.yield
      }) : () -> ()
      %add3A_301 = arith.constant 2 : i32
      %add3A_302 = arith.addi %add3A_288, %add3A_301 : i32
      %dma_start3A_303 = arith.constant 0 : i32
      %dma_start3A_304 = arith.constant 0 : i32
      %dma_start3A_305 = arith.constant 0 : i32
      %dma_start3A_306 = tpu.memref_slice %arg9[%dma_start3A_303, %dma_start3A_304, %dma_start3A_305] : memref<2x80x128xf32, #tpu.memory_space<vmem>> -> memref<1x80x128xf32, #tpu.memory_space<vmem>>
      %dma_start3A_307 = tpu.memref_squeeze %dma_start3A_306 : memref<1x80x128xf32, #tpu.memory_space<vmem>> -> memref<80x128xf32, #tpu.memory_space<vmem>>
      %dma_start3A_308 = arith.constant 0 : i32
      %dma_start3A_309 = tpu.memref_slice %arg7[%add3A_302, %dma_start3A_308] : memref<32x80xi32, #tpu.memory_space<vmem>> -> memref<1x80xi32, #tpu.memory_space<vmem>>
      %dma_start3A_310 = tpu.memref_squeeze %dma_start3A_309 : memref<1x80xi32, #tpu.memory_space<vmem>> -> memref<80xi32, #tpu.memory_space<vmem>>
      %dma_start3A_311 = arith.constant 0 : i32
      %dma_start3A_312 = arith.constant 0 : i32
      %dma_start3A_313 = tpu.memref_slice %arg2[%dma_start3A_311, %dma_start3A_312] : memref<10000x128xf32, #tpu.memory_space<hbm>> -> memref<10000x128xf32, #tpu.memory_space<hbm>>
      tpu.enqueue_indirect_dma source(%dma_start3A_313 : memref<10000x128xf32, #tpu.memory_space<hbm>>) target(%dma_start3A_307 : memref<80x128xf32, #tpu.memory_space<vmem>>) offsets(%dma_start3A_310 : memref<80xi32, #tpu.memory_space<vmem>>) semaphore(%arg11 : memref<!tpu.dma_semaphore, #tpu.memory_space<semaphore_mem>>)
      %add3A_314 = arith.constant 1 : i32
      %add3A_315 = arith.addi %add3A_288, %add3A_314 : i32
      %dma_wait3A_316 = arith.constant 1 : i32
      %dma_wait3A_317 = arith.constant 0 : i32
      %dma_wait3A_318 = arith.constant 0 : i32
      %dma_wait3A_319 = tpu.memref_slice %arg9[%dma_wait3A_316, %dma_wait3A_317, %dma_wait3A_318] : memref<2x80x128xf32, #tpu.memory_space<vmem>> -> memref<1x80x128xf32, #tpu.memory_space<vmem>>
      %dma_wait3A_320 = tpu.memref_squeeze %dma_wait3A_319 : memref<1x80x128xf32, #tpu.memory_space<vmem>> -> memref<80x128xf32, #tpu.memory_space<vmem>>
      %dma_wait3A_321 = arith.constant 0 : i32
      %dma_wait3A_322 = tpu.memref_slice %arg7[%add3A_315, %dma_wait3A_321] : memref<32x80xi32, #tpu.memory_space<vmem>> -> memref<1x80xi32, #tpu.memory_space<vmem>>
      %dma_wait3A_323 = tpu.memref_squeeze %dma_wait3A_322 : memref<1x80xi32, #tpu.memory_space<vmem>> -> memref<80xi32, #tpu.memory_space<vmem>>
      %dma_wait3A_324 = arith.constant 0 : i32
      %dma_wait3A_325 = arith.constant 0 : i32
      %dma_wait3A_326 = tpu.memref_slice %arg2[%dma_wait3A_324, %dma_wait3A_325] : memref<10000x128xf32, #tpu.memory_space<hbm>> -> memref<10000x128xf32, #tpu.memory_space<hbm>>
      tpu.wait_indirect_dma semaphore(%arg11 : memref<!tpu.dma_semaphore, #tpu.memory_space<semaphore_mem>>) src(%dma_wait3A_326 : memref<10000x128xf32, #tpu.memory_space<hbm>>) dst(%dma_wait3A_320 : memref<80x128xf32, #tpu.memory_space<vmem>>)
      %run_scoped3A_327 = arith.constant 1 : i32
      "tpu.region"() ({
        %run_scoped3A_341 = tpu.sem_alloc : memref<!tpu.dma_semaphore, #tpu.memory_space<semaphore_mem>>
        %dma_start3A_342 = arith.constant 0 : i32
        %dma_start3A_343 = arith.constant 0 : i32
        %dma_start3A_344 = tpu.memref_slice %arg9[%run_scoped3A_327, %dma_start3A_342, %dma_start3A_343] : memref<2x80x128xf32, #tpu.memory_space<vmem>> -> memref<1x80x128xf32, #tpu.memory_space<vmem>>
        %dma_start3A_345 = tpu.memref_squeeze %dma_start3A_344 : memref<1x80x128xf32, #tpu.memory_space<vmem>> -> memref<80x128xf32, #tpu.memory_space<vmem>>
        %dma_start3A_346 = arith.constant 0 : i32
        %dma_start3A_347 = tpu.memref_slice %arg8[%add3A_315, %dma_start3A_346] : memref<32x80xi32, #tpu.memory_space<vmem>> -> memref<1x80xi32, #tpu.memory_space<vmem>>
        %dma_start3A_348 = tpu.memref_squeeze %dma_start3A_347 : memref<1x80xi32, #tpu.memory_space<vmem>> -> memref<80xi32, #tpu.memory_space<vmem>>
        %dma_start3A_349 = arith.constant 0 : i32
        %dma_start3A_350 = arith.constant 0 : i32
        %dma_start3A_351 = tpu.memref_slice %arg10[%dma_start3A_349, %dma_start3A_350] : memref<10008x128xf32, #tpu.memory_space<vmem_shared>> -> memref<10008x128xf32, #tpu.memory_space<vmem_shared>>
        tpu.enqueue_indirect_dma source(%dma_start3A_345 : memref<80x128xf32, #tpu.memory_space<vmem>>) target(%dma_start3A_351 : memref<10008x128xf32, #tpu.memory_space<vmem_shared>>) offsets(%dma_start3A_348 : memref<80xi32, #tpu.memory_space<vmem>>) semaphore(%run_scoped3A_341 : memref<!tpu.dma_semaphore, #tpu.memory_space<semaphore_mem>>) {add = true}
        %dma_wait3A_352 = arith.constant 0 : i32
        %dma_wait3A_353 = arith.constant 0 : i32
        %dma_wait3A_354 = tpu.memref_slice %arg9[%run_scoped3A_327, %dma_wait3A_352, %dma_wait3A_353] : memref<2x80x128xf32, #tpu.memory_space<vmem>> -> memref<1x80x128xf32, #tpu.memory_space<vmem>>
        %dma_wait3A_355 = tpu.memref_squeeze %dma_wait3A_354 : memref<1x80x128xf32, #tpu.memory_space<vmem>> -> memref<80x128xf32, #tpu.memory_space<vmem>>
        %dma_wait3A_356 = arith.constant 0 : i32
        %dma_wait3A_357 = tpu.memref_slice %arg8[%add3A_315, %dma_wait3A_356] : memref<32x80xi32, #tpu.memory_space<vmem>> -> memref<1x80xi32, #tpu.memory_space<vmem>>
        %dma_wait3A_358 = tpu.memref_squeeze %dma_wait3A_357 : memref<1x80xi32, #tpu.memory_space<vmem>> -> memref<80xi32, #tpu.memory_space<vmem>>
        %dma_wait3A_359 = arith.constant 0 : i32
        %dma_wait3A_360 = arith.constant 0 : i32
        %dma_wait3A_361 = tpu.memref_slice %arg10[%dma_wait3A_359, %dma_wait3A_360] : memref<10008x128xf32, #tpu.memory_space<vmem_shared>> -> memref<10008x128xf32, #tpu.memory_space<vmem_shared>>
        tpu.wait_indirect_dma semaphore(%run_scoped3A_341 : memref<!tpu.dma_semaphore, #tpu.memory_space<semaphore_mem>>) src(%dma_wait3A_355 : memref<80x128xf32, #tpu.memory_space<vmem>>) dst(%dma_wait3A_361 : memref<10008x128xf32, #tpu.memory_space<vmem_shared>>)
        tpu.yield
      }) : () -> ()
      %add3A_328 = arith.constant 2 : i32
      %add3A_329 = arith.addi %add3A_315, %add3A_328 : i32
      %dma_start3A_330 = arith.constant 1 : i32
      %dma_start3A_331 = arith.constant 0 : i32
      %dma_start3A_332 = arith.constant 0 : i32
      %dma_start3A_333 = tpu.memref_slice %arg9[%dma_start3A_330, %dma_start3A_331, %dma_start3A_332] : memref<2x80x128xf32, #tpu.memory_space<vmem>> -> memref<1x80x128xf32, #tpu.memory_space<vmem>>
      %dma_start3A_334 = tpu.memref_squeeze %dma_start3A_333 : memref<1x80x128xf32, #tpu.memory_space<vmem>> -> memref<80x128xf32, #tpu.memory_space<vmem>>
      %dma_start3A_335 = arith.constant 0 : i32
      %dma_start3A_336 = tpu.memref_slice %arg7[%add3A_329, %dma_start3A_335] : memref<32x80xi32, #tpu.memory_space<vmem>> -> memref<1x80xi32, #tpu.memory_space<vmem>>
      %dma_start3A_337 = tpu.memref_squeeze %dma_start3A_336 : memref<1x80xi32, #tpu.memory_space<vmem>> -> memref<80xi32, #tpu.memory_space<vmem>>
      %dma_start3A_338 = arith.constant 0 : i32
      %dma_start3A_339 = arith.constant 0 : i32
      %dma_start3A_340 = tpu.memref_slice %arg2[%dma_start3A_338, %dma_start3A_339] : memref<10000x128xf32, #tpu.memory_space<hbm>> -> memref<10000x128xf32, #tpu.memory_space<hbm>>
      tpu.enqueue_indirect_dma source(%dma_start3A_340 : memref<10000x128xf32, #tpu.memory_space<hbm>>) target(%dma_start3A_334 : memref<80x128xf32, #tpu.memory_space<vmem>>) offsets(%dma_start3A_337 : memref<80xi32, #tpu.memory_space<vmem>>) semaphore(%arg11 : memref<!tpu.dma_semaphore, #tpu.memory_space<semaphore_mem>>)
    }
    %scan3A_157 = arith.constant 15 : i32
    %dma_wait3A_158 = arith.constant 30 : i32
    %dma_wait3A_159 = arith.constant 0 : i32
    %dma_wait3A_160 = arith.constant 0 : i32
    %dma_wait3A_161 = arith.constant 0 : i32
    %dma_wait3A_162 = tpu.memref_slice %arg9[%dma_wait3A_159, %dma_wait3A_160, %dma_wait3A_161] : memref<2x80x128xf32, #tpu.memory_space<vmem>> -> memref<1x80x128xf32, #tpu.memory_space<vmem>>
    %dma_wait3A_163 = tpu.memref_squeeze %dma_wait3A_162 : memref<1x80x128xf32, #tpu.memory_space<vmem>> -> memref<80x128xf32, #tpu.memory_space<vmem>>
    %dma_wait3A_164 = arith.constant 0 : i32
    %dma_wait3A_165 = tpu.memref_slice %arg7[%dma_wait3A_158, %dma_wait3A_164] : memref<32x80xi32, #tpu.memory_space<vmem>> -> memref<1x80xi32, #tpu.memory_space<vmem>>
    %dma_wait3A_166 = tpu.memref_squeeze %dma_wait3A_165 : memref<1x80xi32, #tpu.memory_space<vmem>> -> memref<80xi32, #tpu.memory_space<vmem>>
    %dma_wait3A_167 = arith.constant 0 : i32
    %dma_wait3A_168 = arith.constant 0 : i32
    %dma_wait3A_169 = tpu.memref_slice %arg2[%dma_wait3A_167, %dma_wait3A_168] : memref<10000x128xf32, #tpu.memory_space<hbm>> -> memref<10000x128xf32, #tpu.memory_space<hbm>>
    tpu.wait_indirect_dma semaphore(%arg11 : memref<!tpu.dma_semaphore, #tpu.memory_space<semaphore_mem>>) src(%dma_wait3A_169 : memref<10000x128xf32, #tpu.memory_space<hbm>>) dst(%dma_wait3A_163 : memref<80x128xf32, #tpu.memory_space<vmem>>)
    %run_scoped3A_170 = arith.constant 0 : i32
    %run_scoped3A_171 = arith.constant 30 : i32
    "tpu.region"() ({
      %run_scoped3A_284 = tpu.sem_alloc : memref<!tpu.dma_semaphore, #tpu.memory_space<semaphore_mem>>
      %dma_start3A_285 = arith.constant 0 : i32
      %dma_start3A_286 = arith.constant 0 : i32
      %dma_start3A_287 = tpu.memref_slice %arg9[%run_scoped3A_170, %dma_start3A_285, %dma_start3A_286] : memref<2x80x128xf32, #tpu.memory_space<vmem>> -> memref<1x80x128xf32, #tpu.memory_space<vmem>>
      %dma_start3A_288 = tpu.memref_squeeze %dma_start3A_287 : memref<1x80x128xf32, #tpu.memory_space<vmem>> -> memref<80x128xf32, #tpu.memory_space<vmem>>
      %dma_start3A_289 = arith.constant 0 : i32
      %dma_start3A_290 = tpu.memref_slice %arg8[%run_scoped3A_171, %dma_start3A_289] : memref<32x80xi32, #tpu.memory_space<vmem>> -> memref<1x80xi32, #tpu.memory_space<vmem>>
      %dma_start3A_291 = tpu.memref_squeeze %dma_start3A_290 : memref<1x80xi32, #tpu.memory_space<vmem>> -> memref<80xi32, #tpu.memory_space<vmem>>
      %dma_start3A_292 = arith.constant 0 : i32
      %dma_start3A_293 = arith.constant 0 : i32
      %dma_start3A_294 = tpu.memref_slice %arg10[%dma_start3A_292, %dma_start3A_293] : memref<10008x128xf32, #tpu.memory_space<vmem_shared>> -> memref<10008x128xf32, #tpu.memory_space<vmem_shared>>
      tpu.enqueue_indirect_dma source(%dma_start3A_288 : memref<80x128xf32, #tpu.memory_space<vmem>>) target(%dma_start3A_294 : memref<10008x128xf32, #tpu.memory_space<vmem_shared>>) offsets(%dma_start3A_291 : memref<80xi32, #tpu.memory_space<vmem>>) semaphore(%run_scoped3A_284 : memref<!tpu.dma_semaphore, #tpu.memory_space<semaphore_mem>>) {add = true}
      %dma_wait3A_295 = arith.constant 0 : i32
      %dma_wait3A_296 = arith.constant 0 : i32
      %dma_wait3A_297 = tpu.memref_slice %arg9[%run_scoped3A_170, %dma_wait3A_295, %dma_wait3A_296] : memref<2x80x128xf32, #tpu.memory_space<vmem>> -> memref<1x80x128xf32, #tpu.memory_space<vmem>>
      %dma_wait3A_298 = tpu.memref_squeeze %dma_wait3A_297 : memref<1x80x128xf32, #tpu.memory_space<vmem>> -> memref<80x128xf32, #tpu.memory_space<vmem>>
      %dma_wait3A_299 = arith.constant 0 : i32
      %dma_wait3A_300 = tpu.memref_slice %arg8[%run_scoped3A_171, %dma_wait3A_299] : memref<32x80xi32, #tpu.memory_space<vmem>> -> memref<1x80xi32, #tpu.memory_space<vmem>>
      %dma_wait3A_301 = tpu.memref_squeeze %dma_wait3A_300 : memref<1x80xi32, #tpu.memory_space<vmem>> -> memref<80xi32, #tpu.memory_space<vmem>>
      %dma_wait3A_302 = arith.constant 0 : i32
      %dma_wait3A_303 = arith.constant 0 : i32
      %dma_wait3A_304 = tpu.memref_slice %arg10[%dma_wait3A_302, %dma_wait3A_303] : memref<10008x128xf32, #tpu.memory_space<vmem_shared>> -> memref<10008x128xf32, #tpu.memory_space<vmem_shared>>
      tpu.wait_indirect_dma semaphore(%run_scoped3A_284 : memref<!tpu.dma_semaphore, #tpu.memory_space<semaphore_mem>>) src(%dma_wait3A_298 : memref<80x128xf32, #tpu.memory_space<vmem>>) dst(%dma_wait3A_304 : memref<10008x128xf32, #tpu.memory_space<vmem_shared>>)
      tpu.yield
    }) : () -> ()
    %dma_wait3A_172 = arith.constant 31 : i32
    %dma_wait3A_173 = arith.constant 1 : i32
    %dma_wait3A_174 = arith.constant 0 : i32
    %dma_wait3A_175 = arith.constant 0 : i32
    %dma_wait3A_176 = tpu.memref_slice %arg9[%dma_wait3A_173, %dma_wait3A_174, %dma_wait3A_175] : memref<2x80x128xf32, #tpu.memory_space<vmem>> -> memref<1x80x128xf32, #tpu.memory_space<vmem>>
    %dma_wait3A_177 = tpu.memref_squeeze %dma_wait3A_176 : memref<1x80x128xf32, #tpu.memory_space<vmem>> -> memref<80x128xf32, #tpu.memory_space<vmem>>
    %dma_wait3A_178 = arith.constant 0 : i32
    %dma_wait3A_179 = tpu.memref_slice %arg7[%dma_wait3A_172, %dma_wait3A_178] : memref<32x80xi32, #tpu.memory_space<vmem>> -> memref<1x80xi32, #tpu.memory_space<vmem>>
    %dma_wait3A_180 = tpu.memref_squeeze %dma_wait3A_179 : memref<1x80xi32, #tpu.memory_space<vmem>> -> memref<80xi32, #tpu.memory_space<vmem>>
    %dma_wait3A_181 = arith.constant 0 : i32
    %dma_wait3A_182 = arith.constant 0 : i32
    %dma_wait3A_183 = tpu.memref_slice %arg2[%dma_wait3A_181, %dma_wait3A_182] : memref<10000x128xf32, #tpu.memory_space<hbm>> -> memref<10000x128xf32, #tpu.memory_space<hbm>>
    tpu.wait_indirect_dma semaphore(%arg11 : memref<!tpu.dma_semaphore, #tpu.memory_space<semaphore_mem>>) src(%dma_wait3A_183 : memref<10000x128xf32, #tpu.memory_space<hbm>>) dst(%dma_wait3A_177 : memref<80x128xf32, #tpu.memory_space<vmem>>)
    %run_scoped3A_184 = arith.constant 1 : i32
    %run_scoped3A_185 = arith.constant 31 : i32
    "tpu.region"() ({
      %run_scoped3A_284 = tpu.sem_alloc : memref<!tpu.dma_semaphore, #tpu.memory_space<semaphore_mem>>
      %dma_start3A_285 = arith.constant 0 : i32
      %dma_start3A_286 = arith.constant 0 : i32
      %dma_start3A_287 = tpu.memref_slice %arg9[%run_scoped3A_184, %dma_start3A_285, %dma_start3A_286] : memref<2x80x128xf32, #tpu.memory_space<vmem>> -> memref<1x80x128xf32, #tpu.memory_space<vmem>>
      %dma_start3A_288 = tpu.memref_squeeze %dma_start3A_287 : memref<1x80x128xf32, #tpu.memory_space<vmem>> -> memref<80x128xf32, #tpu.memory_space<vmem>>
      %dma_start3A_289 = arith.constant 0 : i32
      %dma_start3A_290 = tpu.memref_slice %arg8[%run_scoped3A_185, %dma_start3A_289] : memref<32x80xi32, #tpu.memory_space<vmem>> -> memref<1x80xi32, #tpu.memory_space<vmem>>
      %dma_start3A_291 = tpu.memref_squeeze %dma_start3A_290 : memref<1x80xi32, #tpu.memory_space<vmem>> -> memref<80xi32, #tpu.memory_space<vmem>>
      %dma_start3A_292 = arith.constant 0 : i32
      %dma_start3A_293 = arith.constant 0 : i32
      %dma_start3A_294 = tpu.memref_slice %arg10[%dma_start3A_292, %dma_start3A_293] : memref<10008x128xf32, #tpu.memory_space<vmem_shared>> -> memref<10008x128xf32, #tpu.memory_space<vmem_shared>>
      tpu.enqueue_indirect_dma source(%dma_start3A_288 : memref<80x128xf32, #tpu.memory_space<vmem>>) target(%dma_start3A_294 : memref<10008x128xf32, #tpu.memory_space<vmem_shared>>) offsets(%dma_start3A_291 : memref<80xi32, #tpu.memory_space<vmem>>) semaphore(%run_scoped3A_284 : memref<!tpu.dma_semaphore, #tpu.memory_space<semaphore_mem>>) {add = true}
      %dma_wait3A_295 = arith.constant 0 : i32
      %dma_wait3A_296 = arith.constant 0 : i32
      %dma_wait3A_297 = tpu.memref_slice %arg9[%run_scoped3A_184, %dma_wait3A_295, %dma_wait3A_296] : memref<2x80x128xf32, #tpu.memory_space<vmem>> -> memref<1x80x128xf32, #tpu.memory_space<vmem>>
      %dma_wait3A_298 = tpu.memref_squeeze %dma_wait3A_297 : memref<1x80x128xf32, #tpu.memory_space<vmem>> -> memref<80x128xf32, #tpu.memory_space<vmem>>
      %dma_wait3A_299 = arith.constant 0 : i32
      %dma_wait3A_300 = tpu.memref_slice %arg8[%run_scoped3A_185, %dma_wait3A_299] : memref<32x80xi32, #tpu.memory_space<vmem>> -> memref<1x80xi32, #tpu.memory_space<vmem>>
      %dma_wait3A_301 = tpu.memref_squeeze %dma_wait3A_300 : memref<1x80xi32, #tpu.memory_space<vmem>> -> memref<80xi32, #tpu.memory_space<vmem>>
      %dma_wait3A_302 = arith.constant 0 : i32
      %dma_wait3A_303 = arith.constant 0 : i32
      %dma_wait3A_304 = tpu.memref_slice %arg10[%dma_wait3A_302, %dma_wait3A_303] : memref<10008x128xf32, #tpu.memory_space<vmem_shared>> -> memref<10008x128xf32, #tpu.memory_space<vmem_shared>>
      tpu.wait_indirect_dma semaphore(%run_scoped3A_284 : memref<!tpu.dma_semaphore, #tpu.memory_space<semaphore_mem>>) src(%dma_wait3A_298 : memref<80x128xf32, #tpu.memory_space<vmem>>) dst(%dma_wait3A_304 : memref<10008x128xf32, #tpu.memory_space<vmem_shared>>)
      tpu.yield
    }) : () -> ()
    %mul3A_186 = arith.constant 128 : i32
    %mul3A_187 = arith.muli %add3A, %mul3A_186 : i32
    %add3A_188 = arith.constant 96 : i32
    %add3A_189 = arith.addi %mul3A_187, %add3A_188 : i32
    "tpu.region"() ({
      %run_scoped3A_284 = tpu.sem_alloc : memref<!tpu.dma_semaphore, #tpu.memory_space<semaphore_mem>>
      %dma_start3A_285 = arith.constant 0 : i32
      %dma_start3A_286 = tpu.memref_slice %arg3[%add3A_189, %dma_start3A_285] : memref<4096x80xi32, #tpu.memory_space<hbm>> -> memref<32x80xi32, #tpu.memory_space<hbm>>
      %dma_start3A_287 = arith.constant 0 : i32
      %dma_start3A_288 = tpu.memref_slice %arg3[%add3A_189, %dma_start3A_287] : memref<4096x80xi32, #tpu.memory_space<hbm>> -> memref<32x80xi32, #tpu.memory_space<hbm>>
      tpu.enqueue_dma source(%dma_start3A_288 : memref<32x80xi32, #tpu.memory_space<hbm>>) target(%arg7 : memref<32x80xi32, #tpu.memory_space<vmem>>) target_semaphore(%run_scoped3A_284 : memref<!tpu.dma_semaphore, #tpu.memory_space<semaphore_mem>>)
      %dma_wait3A_289 = arith.constant 0 : i32
      %dma_wait3A_290 = tpu.memref_slice %arg3[%add3A_189, %dma_wait3A_289] : memref<4096x80xi32, #tpu.memory_space<hbm>> -> memref<32x80xi32, #tpu.memory_space<hbm>>
      %dma_wait3A_291 = arith.constant 0 : i32
      %dma_wait3A_292 = tpu.memref_slice %arg3[%add3A_189, %dma_wait3A_291] : memref<4096x80xi32, #tpu.memory_space<hbm>> -> memref<32x80xi32, #tpu.memory_space<hbm>>
      tpu.wait_dma2 semaphore(%run_scoped3A_284 : memref<!tpu.dma_semaphore, #tpu.memory_space<semaphore_mem>>) src(%dma_wait3A_292 : memref<32x80xi32, #tpu.memory_space<hbm>>) dst(%arg7 : memref<32x80xi32, #tpu.memory_space<vmem>>)
      tpu.yield
    }) : () -> ()
    "tpu.region"() ({
      %run_scoped3A_284 = tpu.sem_alloc : memref<!tpu.dma_semaphore, #tpu.memory_space<semaphore_mem>>
      %dma_start3A_285 = arith.constant 0 : i32
      %dma_start3A_286 = tpu.memref_slice %arg4[%add3A_189, %dma_start3A_285] : memref<4096x80xi32, #tpu.memory_space<hbm>> -> memref<32x80xi32, #tpu.memory_space<hbm>>
      %dma_start3A_287 = arith.constant 0 : i32
      %dma_start3A_288 = tpu.memref_slice %arg4[%add3A_189, %dma_start3A_287] : memref<4096x80xi32, #tpu.memory_space<hbm>> -> memref<32x80xi32, #tpu.memory_space<hbm>>
      tpu.enqueue_dma source(%dma_start3A_288 : memref<32x80xi32, #tpu.memory_space<hbm>>) target(%arg8 : memref<32x80xi32, #tpu.memory_space<vmem>>) target_semaphore(%run_scoped3A_284 : memref<!tpu.dma_semaphore, #tpu.memory_space<semaphore_mem>>)
      %dma_wait3A_289 = arith.constant 0 : i32
      %dma_wait3A_290 = tpu.memref_slice %arg4[%add3A_189, %dma_wait3A_289] : memref<4096x80xi32, #tpu.memory_space<hbm>> -> memref<32x80xi32, #tpu.memory_space<hbm>>
      %dma_wait3A_291 = arith.constant 0 : i32
      %dma_wait3A_292 = tpu.memref_slice %arg4[%add3A_189, %dma_wait3A_291] : memref<4096x80xi32, #tpu.memory_space<hbm>> -> memref<32x80xi32, #tpu.memory_space<hbm>>
      tpu.wait_dma2 semaphore(%run_scoped3A_284 : memref<!tpu.dma_semaphore, #tpu.memory_space<semaphore_mem>>) src(%dma_wait3A_292 : memref<32x80xi32, #tpu.memory_space<hbm>>) dst(%arg8 : memref<32x80xi32, #tpu.memory_space<vmem>>)
      tpu.yield
    }) : () -> ()
    %dma_start3A_190 = arith.constant 0 : i32
    %dma_start3A_191 = arith.constant 0 : i32
    %dma_start3A_192 = arith.constant 0 : i32
    %dma_start3A_193 = arith.constant 0 : i32
    %dma_start3A_194 = tpu.memref_slice %arg9[%dma_start3A_191, %dma_start3A_192, %dma_start3A_193] : memref<2x80x128xf32, #tpu.memory_space<vmem>> -> memref<1x80x128xf32, #tpu.memory_space<vmem>>
    %dma_start3A_195 = tpu.memref_squeeze %dma_start3A_194 : memref<1x80x128xf32, #tpu.memory_space<vmem>> -> memref<80x128xf32, #tpu.memory_space<vmem>>
    %dma_start3A_196 = arith.constant 0 : i32
    %dma_start3A_197 = tpu.memref_slice %arg7[%dma_start3A_190, %dma_start3A_196] : memref<32x80xi32, #tpu.memory_space<vmem>> -> memref<1x80xi32, #tpu.memory_space<vmem>>
    %dma_start3A_198 = tpu.memref_squeeze %dma_start3A_197 : memref<1x80xi32, #tpu.memory_space<vmem>> -> memref<80xi32, #tpu.memory_space<vmem>>
    %dma_start3A_199 = arith.constant 0 : i32
    %dma_start3A_200 = arith.constant 0 : i32
    %dma_start3A_201 = tpu.memref_slice %arg2[%dma_start3A_199, %dma_start3A_200] : memref<10000x128xf32, #tpu.memory_space<hbm>> -> memref<10000x128xf32, #tpu.memory_space<hbm>>
    tpu.enqueue_indirect_dma source(%dma_start3A_201 : memref<10000x128xf32, #tpu.memory_space<hbm>>) target(%dma_start3A_195 : memref<80x128xf32, #tpu.memory_space<vmem>>) offsets(%dma_start3A_198 : memref<80xi32, #tpu.memory_space<vmem>>) semaphore(%arg11 : memref<!tpu.dma_semaphore, #tpu.memory_space<semaphore_mem>>)
    %dma_start3A_202 = arith.constant 1 : i32
    %dma_start3A_203 = arith.constant 1 : i32
    %dma_start3A_204 = arith.constant 0 : i32
    %dma_start3A_205 = arith.constant 0 : i32
    %dma_start3A_206 = tpu.memref_slice %arg9[%dma_start3A_203, %dma_start3A_204, %dma_start3A_205] : memref<2x80x128xf32, #tpu.memory_space<vmem>> -> memref<1x80x128xf32, #tpu.memory_space<vmem>>
    %dma_start3A_207 = tpu.memref_squeeze %dma_start3A_206 : memref<1x80x128xf32, #tpu.memory_space<vmem>> -> memref<80x128xf32, #tpu.memory_space<vmem>>
    %dma_start3A_208 = arith.constant 0 : i32
    %dma_start3A_209 = tpu.memref_slice %arg7[%dma_start3A_202, %dma_start3A_208] : memref<32x80xi32, #tpu.memory_space<vmem>> -> memref<1x80xi32, #tpu.memory_space<vmem>>
    %dma_start3A_210 = tpu.memref_squeeze %dma_start3A_209 : memref<1x80xi32, #tpu.memory_space<vmem>> -> memref<80xi32, #tpu.memory_space<vmem>>
    %dma_start3A_211 = arith.constant 0 : i32
    %dma_start3A_212 = arith.constant 0 : i32
    %dma_start3A_213 = tpu.memref_slice %arg2[%dma_start3A_211, %dma_start3A_212] : memref<10000x128xf32, #tpu.memory_space<hbm>> -> memref<10000x128xf32, #tpu.memory_space<hbm>>
    tpu.enqueue_indirect_dma source(%dma_start3A_213 : memref<10000x128xf32, #tpu.memory_space<hbm>>) target(%dma_start3A_207 : memref<80x128xf32, #tpu.memory_space<vmem>>) offsets(%dma_start3A_210 : memref<80xi32, #tpu.memory_space<vmem>>) semaphore(%arg11 : memref<!tpu.dma_semaphore, #tpu.memory_space<semaphore_mem>>)
    %scan3A_214 = arith.constant 0 : i32
    %scan3A_215 = arith.constant 13 : i32
    %scan3A_216 = arith.addi %scan3A_214, %scan3A_215 : i32
    %scan3A_217 = arith.constant 1 : i32
    scf.for %scan3A_284 = %scan3A_214 to %scan3A_216 step %scan3A_217  : i32 {
      %mul3A_285 = arith.constant 2 : i32
      %mul3A_286 = arith.muli %scan3A_284, %mul3A_285 : i32
      %add3A_287 = arith.constant 0 : i32
      %add3A_288 = arith.addi %add3A_287, %mul3A_286 : i32
      %dma_wait3A_289 = arith.constant 0 : i32
      %dma_wait3A_290 = arith.constant 0 : i32
      %dma_wait3A_291 = arith.constant 0 : i32
      %dma_wait3A_292 = tpu.memref_slice %arg9[%dma_wait3A_289, %dma_wait3A_290, %dma_wait3A_291] : memref<2x80x128xf32, #tpu.memory_space<vmem>> -> memref<1x80x128xf32, #tpu.memory_space<vmem>>
      %dma_wait3A_293 = tpu.memref_squeeze %dma_wait3A_292 : memref<1x80x128xf32, #tpu.memory_space<vmem>> -> memref<80x128xf32, #tpu.memory_space<vmem>>
      %dma_wait3A_294 = arith.constant 0 : i32
      %dma_wait3A_295 = tpu.memref_slice %arg7[%add3A_288, %dma_wait3A_294] : memref<32x80xi32, #tpu.memory_space<vmem>> -> memref<1x80xi32, #tpu.memory_space<vmem>>
      %dma_wait3A_296 = tpu.memref_squeeze %dma_wait3A_295 : memref<1x80xi32, #tpu.memory_space<vmem>> -> memref<80xi32, #tpu.memory_space<vmem>>
      %dma_wait3A_297 = arith.constant 0 : i32
      %dma_wait3A_298 = arith.constant 0 : i32
      %dma_wait3A_299 = tpu.memref_slice %arg2[%dma_wait3A_297, %dma_wait3A_298] : memref<10000x128xf32, #tpu.memory_space<hbm>> -> memref<10000x128xf32, #tpu.memory_space<hbm>>
      tpu.wait_indirect_dma semaphore(%arg11 : memref<!tpu.dma_semaphore, #tpu.memory_space<semaphore_mem>>) src(%dma_wait3A_299 : memref<10000x128xf32, #tpu.memory_space<hbm>>) dst(%dma_wait3A_293 : memref<80x128xf32, #tpu.memory_space<vmem>>)
      %run_scoped3A_300 = arith.constant 0 : i32
      "tpu.region"() ({
        %run_scoped3A_341 = tpu.sem_alloc : memref<!tpu.dma_semaphore, #tpu.memory_space<semaphore_mem>>
        %dma_start3A_342 = arith.constant 0 : i32
        %dma_start3A_343 = arith.constant 0 : i32
        %dma_start3A_344 = tpu.memref_slice %arg9[%run_scoped3A_300, %dma_start3A_342, %dma_start3A_343] : memref<2x80x128xf32, #tpu.memory_space<vmem>> -> memref<1x80x128xf32, #tpu.memory_space<vmem>>
        %dma_start3A_345 = tpu.memref_squeeze %dma_start3A_344 : memref<1x80x128xf32, #tpu.memory_space<vmem>> -> memref<80x128xf32, #tpu.memory_space<vmem>>
        %dma_start3A_346 = arith.constant 0 : i32
        %dma_start3A_347 = tpu.memref_slice %arg8[%add3A_288, %dma_start3A_346] : memref<32x80xi32, #tpu.memory_space<vmem>> -> memref<1x80xi32, #tpu.memory_space<vmem>>
        %dma_start3A_348 = tpu.memref_squeeze %dma_start3A_347 : memref<1x80xi32, #tpu.memory_space<vmem>> -> memref<80xi32, #tpu.memory_space<vmem>>
        %dma_start3A_349 = arith.constant 0 : i32
        %dma_start3A_350 = arith.constant 0 : i32
        %dma_start3A_351 = tpu.memref_slice %arg10[%dma_start3A_349, %dma_start3A_350] : memref<10008x128xf32, #tpu.memory_space<vmem_shared>> -> memref<10008x128xf32, #tpu.memory_space<vmem_shared>>
        tpu.enqueue_indirect_dma source(%dma_start3A_345 : memref<80x128xf32, #tpu.memory_space<vmem>>) target(%dma_start3A_351 : memref<10008x128xf32, #tpu.memory_space<vmem_shared>>) offsets(%dma_start3A_348 : memref<80xi32, #tpu.memory_space<vmem>>) semaphore(%run_scoped3A_341 : memref<!tpu.dma_semaphore, #tpu.memory_space<semaphore_mem>>) {add = true}
        %dma_wait3A_352 = arith.constant 0 : i32
        %dma_wait3A_353 = arith.constant 0 : i32
        %dma_wait3A_354 = tpu.memref_slice %arg9[%run_scoped3A_300, %dma_wait3A_352, %dma_wait3A_353] : memref<2x80x128xf32, #tpu.memory_space<vmem>> -> memref<1x80x128xf32, #tpu.memory_space<vmem>>
        %dma_wait3A_355 = tpu.memref_squeeze %dma_wait3A_354 : memref<1x80x128xf32, #tpu.memory_space<vmem>> -> memref<80x128xf32, #tpu.memory_space<vmem>>
        %dma_wait3A_356 = arith.constant 0 : i32
        %dma_wait3A_357 = tpu.memref_slice %arg8[%add3A_288, %dma_wait3A_356] : memref<32x80xi32, #tpu.memory_space<vmem>> -> memref<1x80xi32, #tpu.memory_space<vmem>>
        %dma_wait3A_358 = tpu.memref_squeeze %dma_wait3A_357 : memref<1x80xi32, #tpu.memory_space<vmem>> -> memref<80xi32, #tpu.memory_space<vmem>>
        %dma_wait3A_359 = arith.constant 0 : i32
        %dma_wait3A_360 = arith.constant 0 : i32
        %dma_wait3A_361 = tpu.memref_slice %arg10[%dma_wait3A_359, %dma_wait3A_360] : memref<10008x128xf32, #tpu.memory_space<vmem_shared>> -> memref<10008x128xf32, #tpu.memory_space<vmem_shared>>
        tpu.wait_indirect_dma semaphore(%run_scoped3A_341 : memref<!tpu.dma_semaphore, #tpu.memory_space<semaphore_mem>>) src(%dma_wait3A_355 : memref<80x128xf32, #tpu.memory_space<vmem>>) dst(%dma_wait3A_361 : memref<10008x128xf32, #tpu.memory_space<vmem_shared>>)
        tpu.yield
      }) : () -> ()
      %add3A_301 = arith.constant 2 : i32
      %add3A_302 = arith.addi %add3A_288, %add3A_301 : i32
      %dma_start3A_303 = arith.constant 0 : i32
      %dma_start3A_304 = arith.constant 0 : i32
      %dma_start3A_305 = arith.constant 0 : i32
      %dma_start3A_306 = tpu.memref_slice %arg9[%dma_start3A_303, %dma_start3A_304, %dma_start3A_305] : memref<2x80x128xf32, #tpu.memory_space<vmem>> -> memref<1x80x128xf32, #tpu.memory_space<vmem>>
      %dma_start3A_307 = tpu.memref_squeeze %dma_start3A_306 : memref<1x80x128xf32, #tpu.memory_space<vmem>> -> memref<80x128xf32, #tpu.memory_space<vmem>>
      %dma_start3A_308 = arith.constant 0 : i32
      %dma_start3A_309 = tpu.memref_slice %arg7[%add3A_302, %dma_start3A_308] : memref<32x80xi32, #tpu.memory_space<vmem>> -> memref<1x80xi32, #tpu.memory_space<vmem>>
      %dma_start3A_310 = tpu.memref_squeeze %dma_start3A_309 : memref<1x80xi32, #tpu.memory_space<vmem>> -> memref<80xi32, #tpu.memory_space<vmem>>
      %dma_start3A_311 = arith.constant 0 : i32
      %dma_start3A_312 = arith.constant 0 : i32
      %dma_start3A_313 = tpu.memref_slice %arg2[%dma_start3A_311, %dma_start3A_312] : memref<10000x128xf32, #tpu.memory_space<hbm>> -> memref<10000x128xf32, #tpu.memory_space<hbm>>
      tpu.enqueue_indirect_dma source(%dma_start3A_313 : memref<10000x128xf32, #tpu.memory_space<hbm>>) target(%dma_start3A_307 : memref<80x128xf32, #tpu.memory_space<vmem>>) offsets(%dma_start3A_310 : memref<80xi32, #tpu.memory_space<vmem>>) semaphore(%arg11 : memref<!tpu.dma_semaphore, #tpu.memory_space<semaphore_mem>>)
      %add3A_314 = arith.constant 1 : i32
      %add3A_315 = arith.addi %add3A_288, %add3A_314 : i32
      %dma_wait3A_316 = arith.constant 1 : i32
      %dma_wait3A_317 = arith.constant 0 : i32
      %dma_wait3A_318 = arith.constant 0 : i32
      %dma_wait3A_319 = tpu.memref_slice %arg9[%dma_wait3A_316, %dma_wait3A_317, %dma_wait3A_318] : memref<2x80x128xf32, #tpu.memory_space<vmem>> -> memref<1x80x128xf32, #tpu.memory_space<vmem>>
      %dma_wait3A_320 = tpu.memref_squeeze %dma_wait3A_319 : memref<1x80x128xf32, #tpu.memory_space<vmem>> -> memref<80x128xf32, #tpu.memory_space<vmem>>
      %dma_wait3A_321 = arith.constant 0 : i32
      %dma_wait3A_322 = tpu.memref_slice %arg7[%add3A_315, %dma_wait3A_321] : memref<32x80xi32, #tpu.memory_space<vmem>> -> memref<1x80xi32, #tpu.memory_space<vmem>>
      %dma_wait3A_323 = tpu.memref_squeeze %dma_wait3A_322 : memref<1x80xi32, #tpu.memory_space<vmem>> -> memref<80xi32, #tpu.memory_space<vmem>>
      %dma_wait3A_324 = arith.constant 0 : i32
      %dma_wait3A_325 = arith.constant 0 : i32
      %dma_wait3A_326 = tpu.memref_slice %arg2[%dma_wait3A_324, %dma_wait3A_325] : memref<10000x128xf32, #tpu.memory_space<hbm>> -> memref<10000x128xf32, #tpu.memory_space<hbm>>
      tpu.wait_indirect_dma semaphore(%arg11 : memref<!tpu.dma_semaphore, #tpu.memory_space<semaphore_mem>>) src(%dma_wait3A_326 : memref<10000x128xf32, #tpu.memory_space<hbm>>) dst(%dma_wait3A_320 : memref<80x128xf32, #tpu.memory_space<vmem>>)
      %run_scoped3A_327 = arith.constant 1 : i32
      "tpu.region"() ({
        %run_scoped3A_341 = tpu.sem_alloc : memref<!tpu.dma_semaphore, #tpu.memory_space<semaphore_mem>>
        %dma_start3A_342 = arith.constant 0 : i32
        %dma_start3A_343 = arith.constant 0 : i32
        %dma_start3A_344 = tpu.memref_slice %arg9[%run_scoped3A_327, %dma_start3A_342, %dma_start3A_343] : memref<2x80x128xf32, #tpu.memory_space<vmem>> -> memref<1x80x128xf32, #tpu.memory_space<vmem>>
        %dma_start3A_345 = tpu.memref_squeeze %dma_start3A_344 : memref<1x80x128xf32, #tpu.memory_space<vmem>> -> memref<80x128xf32, #tpu.memory_space<vmem>>
        %dma_start3A_346 = arith.constant 0 : i32
        %dma_start3A_347 = tpu.memref_slice %arg8[%add3A_315, %dma_start3A_346] : memref<32x80xi32, #tpu.memory_space<vmem>> -> memref<1x80xi32, #tpu.memory_space<vmem>>
        %dma_start3A_348 = tpu.memref_squeeze %dma_start3A_347 : memref<1x80xi32, #tpu.memory_space<vmem>> -> memref<80xi32, #tpu.memory_space<vmem>>
        %dma_start3A_349 = arith.constant 0 : i32
        %dma_start3A_350 = arith.constant 0 : i32
        %dma_start3A_351 = tpu.memref_slice %arg10[%dma_start3A_349, %dma_start3A_350] : memref<10008x128xf32, #tpu.memory_space<vmem_shared>> -> memref<10008x128xf32, #tpu.memory_space<vmem_shared>>
        tpu.enqueue_indirect_dma source(%dma_start3A_345 : memref<80x128xf32, #tpu.memory_space<vmem>>) target(%dma_start3A_351 : memref<10008x128xf32, #tpu.memory_space<vmem_shared>>) offsets(%dma_start3A_348 : memref<80xi32, #tpu.memory_space<vmem>>) semaphore(%run_scoped3A_341 : memref<!tpu.dma_semaphore, #tpu.memory_space<semaphore_mem>>) {add = true}
        %dma_wait3A_352 = arith.constant 0 : i32
        %dma_wait3A_353 = arith.constant 0 : i32
        %dma_wait3A_354 = tpu.memref_slice %arg9[%run_scoped3A_327, %dma_wait3A_352, %dma_wait3A_353] : memref<2x80x128xf32, #tpu.memory_space<vmem>> -> memref<1x80x128xf32, #tpu.memory_space<vmem>>
        %dma_wait3A_355 = tpu.memref_squeeze %dma_wait3A_354 : memref<1x80x128xf32, #tpu.memory_space<vmem>> -> memref<80x128xf32, #tpu.memory_space<vmem>>
        %dma_wait3A_356 = arith.constant 0 : i32
        %dma_wait3A_357 = tpu.memref_slice %arg8[%add3A_315, %dma_wait3A_356] : memref<32x80xi32, #tpu.memory_space<vmem>> -> memref<1x80xi32, #tpu.memory_space<vmem>>
        %dma_wait3A_358 = tpu.memref_squeeze %dma_wait3A_357 : memref<1x80xi32, #tpu.memory_space<vmem>> -> memref<80xi32, #tpu.memory_space<vmem>>
        %dma_wait3A_359 = arith.constant 0 : i32
        %dma_wait3A_360 = arith.constant 0 : i32
        %dma_wait3A_361 = tpu.memref_slice %arg10[%dma_wait3A_359, %dma_wait3A_360] : memref<10008x128xf32, #tpu.memory_space<vmem_shared>> -> memref<10008x128xf32, #tpu.memory_space<vmem_shared>>
        tpu.wait_indirect_dma semaphore(%run_scoped3A_341 : memref<!tpu.dma_semaphore, #tpu.memory_space<semaphore_mem>>) src(%dma_wait3A_355 : memref<80x128xf32, #tpu.memory_space<vmem>>) dst(%dma_wait3A_361 : memref<10008x128xf32, #tpu.memory_space<vmem_shared>>)
        tpu.yield
      }) : () -> ()
      %add3A_328 = arith.constant 2 : i32
      %add3A_329 = arith.addi %add3A_315, %add3A_328 : i32
      %dma_start3A_330 = arith.constant 1 : i32
      %dma_start3A_331 = arith.constant 0 : i32
      %dma_start3A_332 = arith.constant 0 : i32
      %dma_start3A_333 = tpu.memref_slice %arg9[%dma_start3A_330, %dma_start3A_331, %dma_start3A_332] : memref<2x80x128xf32, #tpu.memory_space<vmem>> -> memref<1x80x128xf32, #tpu.memory_space<vmem>>
      %dma_start3A_334 = tpu.memref_squeeze %dma_start3A_333 : memref<1x80x128xf32, #tpu.memory_space<vmem>> -> memref<80x128xf32, #tpu.memory_space<vmem>>
      %dma_start3A_335 = arith.constant 0 : i32
      %dma_start3A_336 = tpu.memref_slice %arg7[%add3A_329, %dma_start3A_335] : memref<32x80xi32, #tpu.memory_space<vmem>> -> memref<1x80xi32, #tpu.memory_space<vmem>>
      %dma_start3A_337 = tpu.memref_squeeze %dma_start3A_336 : memref<1x80xi32, #tpu.memory_space<vmem>> -> memref<80xi32, #tpu.memory_space<vmem>>
      %dma_start3A_338 = arith.constant 0 : i32
      %dma_start3A_339 = arith.constant 0 : i32
      %dma_start3A_340 = tpu.memref_slice %arg2[%dma_start3A_338, %dma_start3A_339] : memref<10000x128xf32, #tpu.memory_space<hbm>> -> memref<10000x128xf32, #tpu.memory_space<hbm>>
      tpu.enqueue_indirect_dma source(%dma_start3A_340 : memref<10000x128xf32, #tpu.memory_space<hbm>>) target(%dma_start3A_334 : memref<80x128xf32, #tpu.memory_space<vmem>>) offsets(%dma_start3A_337 : memref<80xi32, #tpu.memory_space<vmem>>) semaphore(%arg11 : memref<!tpu.dma_semaphore, #tpu.memory_space<semaphore_mem>>)
    }
    %scan3A_218 = arith.constant 13 : i32
    %dma_wait3A_219 = arith.constant 26 : i32
    %dma_wait3A_220 = arith.constant 0 : i32
    %dma_wait3A_221 = arith.constant 0 : i32
    %dma_wait3A_222 = arith.constant 0 : i32
    %dma_wait3A_223 = tpu.memref_slice %arg9[%dma_wait3A_220, %dma_wait3A_221, %dma_wait3A_222] : memref<2x80x128xf32, #tpu.memory_space<vmem>> -> memref<1x80x128xf32, #tpu.memory_space<vmem>>
    %dma_wait3A_224 = tpu.memref_squeeze %dma_wait3A_223 : memref<1x80x128xf32, #tpu.memory_space<vmem>> -> memref<80x128xf32, #tpu.memory_space<vmem>>
    %dma_wait3A_225 = arith.constant 0 : i32
    %dma_wait3A_226 = tpu.memref_slice %arg7[%dma_wait3A_219, %dma_wait3A_225] : memref<32x80xi32, #tpu.memory_space<vmem>> -> memref<1x80xi32, #tpu.memory_space<vmem>>
    %dma_wait3A_227 = tpu.memref_squeeze %dma_wait3A_226 : memref<1x80xi32, #tpu.memory_space<vmem>> -> memref<80xi32, #tpu.memory_space<vmem>>
    %dma_wait3A_228 = arith.constant 0 : i32
    %dma_wait3A_229 = arith.constant 0 : i32
    %dma_wait3A_230 = tpu.memref_slice %arg2[%dma_wait3A_228, %dma_wait3A_229] : memref<10000x128xf32, #tpu.memory_space<hbm>> -> memref<10000x128xf32, #tpu.memory_space<hbm>>
    tpu.wait_indirect_dma semaphore(%arg11 : memref<!tpu.dma_semaphore, #tpu.memory_space<semaphore_mem>>) src(%dma_wait3A_230 : memref<10000x128xf32, #tpu.memory_space<hbm>>) dst(%dma_wait3A_224 : memref<80x128xf32, #tpu.memory_space<vmem>>)
    %run_scoped3A_231 = arith.constant 0 : i32
    %run_scoped3A_232 = arith.constant 26 : i32
    "tpu.region"() ({
      %run_scoped3A_284 = tpu.sem_alloc : memref<!tpu.dma_semaphore, #tpu.memory_space<semaphore_mem>>
      %dma_start3A_285 = arith.constant 0 : i32
      %dma_start3A_286 = arith.constant 0 : i32
      %dma_start3A_287 = tpu.memref_slice %arg9[%run_scoped3A_231, %dma_start3A_285, %dma_start3A_286] : memref<2x80x128xf32, #tpu.memory_space<vmem>> -> memref<1x80x128xf32, #tpu.memory_space<vmem>>
      %dma_start3A_288 = tpu.memref_squeeze %dma_start3A_287 : memref<1x80x128xf32, #tpu.memory_space<vmem>> -> memref<80x128xf32, #tpu.memory_space<vmem>>
      %dma_start3A_289 = arith.constant 0 : i32
      %dma_start3A_290 = tpu.memref_slice %arg8[%run_scoped3A_232, %dma_start3A_289] : memref<32x80xi32, #tpu.memory_space<vmem>> -> memref<1x80xi32, #tpu.memory_space<vmem>>
      %dma_start3A_291 = tpu.memref_squeeze %dma_start3A_290 : memref<1x80xi32, #tpu.memory_space<vmem>> -> memref<80xi32, #tpu.memory_space<vmem>>
      %dma_start3A_292 = arith.constant 0 : i32
      %dma_start3A_293 = arith.constant 0 : i32
      %dma_start3A_294 = tpu.memref_slice %arg10[%dma_start3A_292, %dma_start3A_293] : memref<10008x128xf32, #tpu.memory_space<vmem_shared>> -> memref<10008x128xf32, #tpu.memory_space<vmem_shared>>
      tpu.enqueue_indirect_dma source(%dma_start3A_288 : memref<80x128xf32, #tpu.memory_space<vmem>>) target(%dma_start3A_294 : memref<10008x128xf32, #tpu.memory_space<vmem_shared>>) offsets(%dma_start3A_291 : memref<80xi32, #tpu.memory_space<vmem>>) semaphore(%run_scoped3A_284 : memref<!tpu.dma_semaphore, #tpu.memory_space<semaphore_mem>>) {add = true}
      %dma_wait3A_295 = arith.constant 0 : i32
      %dma_wait3A_296 = arith.constant 0 : i32
      %dma_wait3A_297 = tpu.memref_slice %arg9[%run_scoped3A_231, %dma_wait3A_295, %dma_wait3A_296] : memref<2x80x128xf32, #tpu.memory_space<vmem>> -> memref<1x80x128xf32, #tpu.memory_space<vmem>>
      %dma_wait3A_298 = tpu.memref_squeeze %dma_wait3A_297 : memref<1x80x128xf32, #tpu.memory_space<vmem>> -> memref<80x128xf32, #tpu.memory_space<vmem>>
      %dma_wait3A_299 = arith.constant 0 : i32
      %dma_wait3A_300 = tpu.memref_slice %arg8[%run_scoped3A_232, %dma_wait3A_299] : memref<32x80xi32, #tpu.memory_space<vmem>> -> memref<1x80xi32, #tpu.memory_space<vmem>>
      %dma_wait3A_301 = tpu.memref_squeeze %dma_wait3A_300 : memref<1x80xi32, #tpu.memory_space<vmem>> -> memref<80xi32, #tpu.memory_space<vmem>>
      %dma_wait3A_302 = arith.constant 0 : i32
      %dma_wait3A_303 = arith.constant 0 : i32
      %dma_wait3A_304 = tpu.memref_slice %arg10[%dma_wait3A_302, %dma_wait3A_303] : memref<10008x128xf32, #tpu.memory_space<vmem_shared>> -> memref<10008x128xf32, #tpu.memory_space<vmem_shared>>
      tpu.wait_indirect_dma semaphore(%run_scoped3A_284 : memref<!tpu.dma_semaphore, #tpu.memory_space<semaphore_mem>>) src(%dma_wait3A_298 : memref<80x128xf32, #tpu.memory_space<vmem>>) dst(%dma_wait3A_304 : memref<10008x128xf32, #tpu.memory_space<vmem_shared>>)
      tpu.yield
    }) : () -> ()
    %dma_start3A_233 = arith.constant 28 : i32
    %dma_start3A_234 = arith.constant 0 : i32
    %dma_start3A_235 = arith.constant 0 : i32
    %dma_start3A_236 = arith.constant 0 : i32
    %dma_start3A_237 = tpu.memref_slice %arg9[%dma_start3A_234, %dma_start3A_235, %dma_start3A_236] : memref<2x80x128xf32, #tpu.memory_space<vmem>> -> memref<1x80x128xf32, #tpu.memory_space<vmem>>
    %dma_start3A_238 = tpu.memref_squeeze %dma_start3A_237 : memref<1x80x128xf32, #tpu.memory_space<vmem>> -> memref<80x128xf32, #tpu.memory_space<vmem>>
    %dma_start3A_239 = arith.constant 0 : i32
    %dma_start3A_240 = tpu.memref_slice %arg7[%dma_start3A_233, %dma_start3A_239] : memref<32x80xi32, #tpu.memory_space<vmem>> -> memref<1x80xi32, #tpu.memory_space<vmem>>
    %dma_start3A_241 = tpu.memref_squeeze %dma_start3A_240 : memref<1x80xi32, #tpu.memory_space<vmem>> -> memref<80xi32, #tpu.memory_space<vmem>>
    %dma_start3A_242 = arith.constant 0 : i32
    %dma_start3A_243 = arith.constant 0 : i32
    %dma_start3A_244 = tpu.memref_slice %arg2[%dma_start3A_242, %dma_start3A_243] : memref<10000x128xf32, #tpu.memory_space<hbm>> -> memref<10000x128xf32, #tpu.memory_space<hbm>>
    tpu.enqueue_indirect_dma source(%dma_start3A_244 : memref<10000x128xf32, #tpu.memory_space<hbm>>) target(%dma_start3A_238 : memref<80x128xf32, #tpu.memory_space<vmem>>) offsets(%dma_start3A_241 : memref<80xi32, #tpu.memory_space<vmem>>) semaphore(%arg11 : memref<!tpu.dma_semaphore, #tpu.memory_space<semaphore_mem>>)
    %dma_wait3A_245 = arith.constant 27 : i32
    %dma_wait3A_246 = arith.constant 1 : i32
    %dma_wait3A_247 = arith.constant 0 : i32
    %dma_wait3A_248 = arith.constant 0 : i32
    %dma_wait3A_249 = tpu.memref_slice %arg9[%dma_wait3A_246, %dma_wait3A_247, %dma_wait3A_248] : memref<2x80x128xf32, #tpu.memory_space<vmem>> -> memref<1x80x128xf32, #tpu.memory_space<vmem>>
    %dma_wait3A_250 = tpu.memref_squeeze %dma_wait3A_249 : memref<1x80x128xf32, #tpu.memory_space<vmem>> -> memref<80x128xf32, #tpu.memory_space<vmem>>
    %dma_wait3A_251 = arith.constant 0 : i32
    %dma_wait3A_252 = tpu.memref_slice %arg7[%dma_wait3A_245, %dma_wait3A_251] : memref<32x80xi32, #tpu.memory_space<vmem>> -> memref<1x80xi32, #tpu.memory_space<vmem>>
    %dma_wait3A_253 = tpu.memref_squeeze %dma_wait3A_252 : memref<1x80xi32, #tpu.memory_space<vmem>> -> memref<80xi32, #tpu.memory_space<vmem>>
    %dma_wait3A_254 = arith.constant 0 : i32
    %dma_wait3A_255 = arith.constant 0 : i32
    %dma_wait3A_256 = tpu.memref_slice %arg2[%dma_wait3A_254, %dma_wait3A_255] : memref<10000x128xf32, #tpu.memory_space<hbm>> -> memref<10000x128xf32, #tpu.memory_space<hbm>>
    tpu.wait_indirect_dma semaphore(%arg11 : memref<!tpu.dma_semaphore, #tpu.memory_space<semaphore_mem>>) src(%dma_wait3A_256 : memref<10000x128xf32, #tpu.memory_space<hbm>>) dst(%dma_wait3A_250 : memref<80x128xf32, #tpu.memory_space<vmem>>)
    %run_scoped3A_257 = arith.constant 1 : i32
    %run_scoped3A_258 = arith.constant 27 : i32
    "tpu.region"() ({
      %run_scoped3A_284 = tpu.sem_alloc : memref<!tpu.dma_semaphore, #tpu.memory_space<semaphore_mem>>
      %dma_start3A_285 = arith.constant 0 : i32
      %dma_start3A_286 = arith.constant 0 : i32
      %dma_start3A_287 = tpu.memref_slice %arg9[%run_scoped3A_257, %dma_start3A_285, %dma_start3A_286] : memref<2x80x128xf32, #tpu.memory_space<vmem>> -> memref<1x80x128xf32, #tpu.memory_space<vmem>>
      %dma_start3A_288 = tpu.memref_squeeze %dma_start3A_287 : memref<1x80x128xf32, #tpu.memory_space<vmem>> -> memref<80x128xf32, #tpu.memory_space<vmem>>
      %dma_start3A_289 = arith.constant 0 : i32
      %dma_start3A_290 = tpu.memref_slice %arg8[%run_scoped3A_258, %dma_start3A_289] : memref<32x80xi32, #tpu.memory_space<vmem>> -> memref<1x80xi32, #tpu.memory_space<vmem>>
      %dma_start3A_291 = tpu.memref_squeeze %dma_start3A_290 : memref<1x80xi32, #tpu.memory_space<vmem>> -> memref<80xi32, #tpu.memory_space<vmem>>
      %dma_start3A_292 = arith.constant 0 : i32
      %dma_start3A_293 = arith.constant 0 : i32
      %dma_start3A_294 = tpu.memref_slice %arg10[%dma_start3A_292, %dma_start3A_293] : memref<10008x128xf32, #tpu.memory_space<vmem_shared>> -> memref<10008x128xf32, #tpu.memory_space<vmem_shared>>
      tpu.enqueue_indirect_dma source(%dma_start3A_288 : memref<80x128xf32, #tpu.memory_space<vmem>>) target(%dma_start3A_294 : memref<10008x128xf32, #tpu.memory_space<vmem_shared>>) offsets(%dma_start3A_291 : memref<80xi32, #tpu.memory_space<vmem>>) semaphore(%run_scoped3A_284 : memref<!tpu.dma_semaphore, #tpu.memory_space<semaphore_mem>>) {add = true}
      %dma_wait3A_295 = arith.constant 0 : i32
      %dma_wait3A_296 = arith.constant 0 : i32
      %dma_wait3A_297 = tpu.memref_slice %arg9[%run_scoped3A_257, %dma_wait3A_295, %dma_wait3A_296] : memref<2x80x128xf32, #tpu.memory_space<vmem>> -> memref<1x80x128xf32, #tpu.memory_space<vmem>>
      %dma_wait3A_298 = tpu.memref_squeeze %dma_wait3A_297 : memref<1x80x128xf32, #tpu.memory_space<vmem>> -> memref<80x128xf32, #tpu.memory_space<vmem>>
      %dma_wait3A_299 = arith.constant 0 : i32
      %dma_wait3A_300 = tpu.memref_slice %arg8[%run_scoped3A_258, %dma_wait3A_299] : memref<32x80xi32, #tpu.memory_space<vmem>> -> memref<1x80xi32, #tpu.memory_space<vmem>>
      %dma_wait3A_301 = tpu.memref_squeeze %dma_wait3A_300 : memref<1x80xi32, #tpu.memory_space<vmem>> -> memref<80xi32, #tpu.memory_space<vmem>>
      %dma_wait3A_302 = arith.constant 0 : i32
      %dma_wait3A_303 = arith.constant 0 : i32
      %dma_wait3A_304 = tpu.memref_slice %arg10[%dma_wait3A_302, %dma_wait3A_303] : memref<10008x128xf32, #tpu.memory_space<vmem_shared>> -> memref<10008x128xf32, #tpu.memory_space<vmem_shared>>
      tpu.wait_indirect_dma semaphore(%run_scoped3A_284 : memref<!tpu.dma_semaphore, #tpu.memory_space<semaphore_mem>>) src(%dma_wait3A_298 : memref<80x128xf32, #tpu.memory_space<vmem>>) dst(%dma_wait3A_304 : memref<10008x128xf32, #tpu.memory_space<vmem_shared>>)
      tpu.yield
    }) : () -> ()
    %dma_wait3A_259 = arith.constant 28 : i32
    %dma_wait3A_260 = arith.constant 0 : i32
    %dma_wait3A_261 = arith.constant 0 : i32
    %dma_wait3A_262 = arith.constant 0 : i32
    %dma_wait3A_263 = tpu.memref_slice %arg9[%dma_wait3A_260, %dma_wait3A_261, %dma_wait3A_262] : memref<2x80x128xf32, #tpu.memory_space<vmem>> -> memref<1x80x128xf32, #tpu.memory_space<vmem>>
    %dma_wait3A_264 = tpu.memref_squeeze %dma_wait3A_263 : memref<1x80x128xf32, #tpu.memory_space<vmem>> -> memref<80x128xf32, #tpu.memory_space<vmem>>
    %dma_wait3A_265 = arith.constant 0 : i32
    %dma_wait3A_266 = tpu.memref_slice %arg7[%dma_wait3A_259, %dma_wait3A_265] : memref<32x80xi32, #tpu.memory_space<vmem>> -> memref<1x80xi32, #tpu.memory_space<vmem>>
    %dma_wait3A_267 = tpu.memref_squeeze %dma_wait3A_266 : memref<1x80xi32, #tpu.memory_space<vmem>> -> memref<80xi32, #tpu.memory_space<vmem>>
    %dma_wait3A_268 = arith.constant 0 : i32
    %dma_wait3A_269 = arith.constant 0 : i32
    %dma_wait3A_270 = tpu.memref_slice %arg2[%dma_wait3A_268, %dma_wait3A_269] : memref<10000x128xf32, #tpu.memory_space<hbm>> -> memref<10000x128xf32, #tpu.memory_space<hbm>>
    tpu.wait_indirect_dma semaphore(%arg11 : memref<!tpu.dma_semaphore, #tpu.memory_space<semaphore_mem>>) src(%dma_wait3A_270 : memref<10000x128xf32, #tpu.memory_space<hbm>>) dst(%dma_wait3A_264 : memref<80x128xf32, #tpu.memory_space<vmem>>)
    %run_scoped3A_271 = arith.constant 0 : i32
    %run_scoped3A_272 = arith.constant 28 : i32
    "tpu.region"() ({
      %run_scoped3A_284 = tpu.sem_alloc : memref<!tpu.dma_semaphore, #tpu.memory_space<semaphore_mem>>
      %dma_start3A_285 = arith.constant 0 : i32
      %dma_start3A_286 = arith.constant 0 : i32
      %dma_start3A_287 = tpu.memref_slice %arg9[%run_scoped3A_271, %dma_start3A_285, %dma_start3A_286] : memref<2x80x128xf32, #tpu.memory_space<vmem>> -> memref<1x80x128xf32, #tpu.memory_space<vmem>>
      %dma_start3A_288 = tpu.memref_squeeze %dma_start3A_287 : memref<1x80x128xf32, #tpu.memory_space<vmem>> -> memref<80x128xf32, #tpu.memory_space<vmem>>
      %dma_start3A_289 = arith.constant 0 : i32
      %dma_start3A_290 = tpu.memref_slice %arg8[%run_scoped3A_272, %dma_start3A_289] : memref<32x80xi32, #tpu.memory_space<vmem>> -> memref<1x80xi32, #tpu.memory_space<vmem>>
      %dma_start3A_291 = tpu.memref_squeeze %dma_start3A_290 : memref<1x80xi32, #tpu.memory_space<vmem>> -> memref<80xi32, #tpu.memory_space<vmem>>
      %dma_start3A_292 = arith.constant 0 : i32
      %dma_start3A_293 = arith.constant 0 : i32
      %dma_start3A_294 = tpu.memref_slice %arg10[%dma_start3A_292, %dma_start3A_293] : memref<10008x128xf32, #tpu.memory_space<vmem_shared>> -> memref<10008x128xf32, #tpu.memory_space<vmem_shared>>
      tpu.enqueue_indirect_dma source(%dma_start3A_288 : memref<80x128xf32, #tpu.memory_space<vmem>>) target(%dma_start3A_294 : memref<10008x128xf32, #tpu.memory_space<vmem_shared>>) offsets(%dma_start3A_291 : memref<80xi32, #tpu.memory_space<vmem>>) semaphore(%run_scoped3A_284 : memref<!tpu.dma_semaphore, #tpu.memory_space<semaphore_mem>>) {add = true}
      %dma_wait3A_295 = arith.constant 0 : i32
      %dma_wait3A_296 = arith.constant 0 : i32
      %dma_wait3A_297 = tpu.memref_slice %arg9[%run_scoped3A_271, %dma_wait3A_295, %dma_wait3A_296] : memref<2x80x128xf32, #tpu.memory_space<vmem>> -> memref<1x80x128xf32, #tpu.memory_space<vmem>>
      %dma_wait3A_298 = tpu.memref_squeeze %dma_wait3A_297 : memref<1x80x128xf32, #tpu.memory_space<vmem>> -> memref<80x128xf32, #tpu.memory_space<vmem>>
      %dma_wait3A_299 = arith.constant 0 : i32
      %dma_wait3A_300 = tpu.memref_slice %arg8[%run_scoped3A_272, %dma_wait3A_299] : memref<32x80xi32, #tpu.memory_space<vmem>> -> memref<1x80xi32, #tpu.memory_space<vmem>>
      %dma_wait3A_301 = tpu.memref_squeeze %dma_wait3A_300 : memref<1x80xi32, #tpu.memory_space<vmem>> -> memref<80xi32, #tpu.memory_space<vmem>>
      %dma_wait3A_302 = arith.constant 0 : i32
      %dma_wait3A_303 = arith.constant 0 : i32
      %dma_wait3A_304 = tpu.memref_slice %arg10[%dma_wait3A_302, %dma_wait3A_303] : memref<10008x128xf32, #tpu.memory_space<vmem_shared>> -> memref<10008x128xf32, #tpu.memory_space<vmem_shared>>
      tpu.wait_indirect_dma semaphore(%run_scoped3A_284 : memref<!tpu.dma_semaphore, #tpu.memory_space<semaphore_mem>>) src(%dma_wait3A_298 : memref<80x128xf32, #tpu.memory_space<vmem>>) dst(%dma_wait3A_304 : memref<10008x128xf32, #tpu.memory_space<vmem_shared>>)
      tpu.yield
    }) : () -> ()
    %barrier3A_273 = arith.constant 0 : index
    tpu.barrier barrier_id(%barrier3A_273)
    %lt3A_274 = arith.constant 15 : i32
    %lt3A_275 = arith.cmpi slt, %arg1, %lt3A_274 : i32
    %convert_element_type3A_276 = arith.extui %lt3A_275 : i1 to i32
    %cond3A_277 = arith.constant 0 : i32
    %cond3A_278 = arith.cmpi ne, %convert_element_type3A_276, %cond3A_277 : i32
    scf.if %cond3A_278 {
      %mul3A_284 = arith.constant 624 : i32
      %mul3A_285 = arith.muli %arg1, %mul3A_284 : i32
      %mul3A_286 = arith.constant 624 : i32
      %mul3A_287 = arith.muli %arg1, %mul3A_286 : i32
      "tpu.region"() ({
        %run_scoped3A_288 = tpu.sem_alloc : memref<!tpu.dma_semaphore, #tpu.memory_space<semaphore_mem>>
        %dma_start3A_289 = arith.constant 0 : i32
        %dma_start3A_290 = tpu.memref_slice %arg6[%arg0, %mul3A_287, %dma_start3A_289] : memref<2x10008x128xf32, #tpu.memory_space<hbm>> -> memref<1x624x128xf32, #tpu.memory_space<hbm>>
        %dma_start3A_291 = tpu.memref_squeeze %dma_start3A_290 : memref<1x624x128xf32, #tpu.memory_space<hbm>> -> memref<624x128xf32, #tpu.memory_space<hbm>>
        %dma_start3A_292 = arith.constant 0 : i32
        %dma_start3A_293 = tpu.memref_slice %arg10[%mul3A_285, %dma_start3A_292] : memref<10008x128xf32, #tpu.memory_space<vmem_shared>> -> memref<624x128xf32, #tpu.memory_space<vmem_shared>>
        tpu.enqueue_dma source(%dma_start3A_293 : memref<624x128xf32, #tpu.memory_space<vmem_shared>>) target(%dma_start3A_291 : memref<624x128xf32, #tpu.memory_space<hbm>>) target_semaphore(%run_scoped3A_288 : memref<!tpu.dma_semaphore, #tpu.memory_space<semaphore_mem>>)
        %dma_wait3A_294 = arith.constant 0 : i32
        %dma_wait3A_295 = tpu.memref_slice %arg6[%arg0, %mul3A_287, %dma_wait3A_294] : memref<2x10008x128xf32, #tpu.memory_space<hbm>> -> memref<1x624x128xf32, #tpu.memory_space<hbm>>
        %dma_wait3A_296 = tpu.memref_squeeze %dma_wait3A_295 : memref<1x624x128xf32, #tpu.memory_space<hbm>> -> memref<624x128xf32, #tpu.memory_space<hbm>>
        %dma_wait3A_297 = arith.constant 0 : i32
        %dma_wait3A_298 = tpu.memref_slice %arg10[%mul3A_285, %dma_wait3A_297] : memref<10008x128xf32, #tpu.memory_space<vmem_shared>> -> memref<624x128xf32, #tpu.memory_space<vmem_shared>>
        tpu.wait_dma2 semaphore(%run_scoped3A_288 : memref<!tpu.dma_semaphore, #tpu.memory_space<semaphore_mem>>) src(%dma_wait3A_298 : memref<624x128xf32, #tpu.memory_space<vmem_shared>>) dst(%dma_wait3A_296 : memref<624x128xf32, #tpu.memory_space<hbm>>)
        tpu.yield
      }) : () -> ()
    } else {
    }
    %eq3A_279 = arith.constant 15 : i32
    %eq3A_280 = arith.cmpi eq, %arg1, %eq3A_279 : i32
    %convert_element_type3A_281 = arith.extui %eq3A_280 : i1 to i32
    %cond3A_282 = arith.constant 0 : i32
    %cond3A_283 = arith.cmpi ne, %convert_element_type3A_281, %cond3A_282 : i32
    scf.if %cond3A_283 {
      "tpu.region"() ({
        %run_scoped3A_284 = tpu.sem_alloc : memref<!tpu.dma_semaphore, #tpu.memory_space<semaphore_mem>>
        %dma_start3A_285 = arith.constant 9360 : i32
        %dma_start3A_286 = arith.constant 0 : i32
        %dma_start3A_287 = tpu.memref_slice %arg6[%arg0, %dma_start3A_285, %dma_start3A_286] : memref<2x10008x128xf32, #tpu.memory_space<hbm>> -> memref<1x648x128xf32, #tpu.memory_space<hbm>>
        %dma_start3A_288 = tpu.memref_squeeze %dma_start3A_287 : memref<1x648x128xf32, #tpu.memory_space<hbm>> -> memref<648x128xf32, #tpu.memory_space<hbm>>
        %dma_start3A_289 = arith.constant 9360 : i32
        %dma_start3A_290 = arith.constant 0 : i32
        %dma_start3A_291 = tpu.memref_slice %arg10[%dma_start3A_289, %dma_start3A_290] : memref<10008x128xf32, #tpu.memory_space<vmem_shared>> -> memref<648x128xf32, #tpu.memory_space<vmem_shared>>
        tpu.enqueue_dma source(%dma_start3A_291 : memref<648x128xf32, #tpu.memory_space<vmem_shared>>) target(%dma_start3A_288 : memref<648x128xf32, #tpu.memory_space<hbm>>) target_semaphore(%run_scoped3A_284 : memref<!tpu.dma_semaphore, #tpu.memory_space<semaphore_mem>>)
        %dma_wait3A_292 = arith.constant 9360 : i32
        %dma_wait3A_293 = arith.constant 0 : i32
        %dma_wait3A_294 = tpu.memref_slice %arg6[%arg0, %dma_wait3A_292, %dma_wait3A_293] : memref<2x10008x128xf32, #tpu.memory_space<hbm>> -> memref<1x648x128xf32, #tpu.memory_space<hbm>>
        %dma_wait3A_295 = tpu.memref_squeeze %dma_wait3A_294 : memref<1x648x128xf32, #tpu.memory_space<hbm>> -> memref<648x128xf32, #tpu.memory_space<hbm>>
        %dma_wait3A_296 = arith.constant 9360 : i32
        %dma_wait3A_297 = arith.constant 0 : i32
        %dma_wait3A_298 = tpu.memref_slice %arg10[%dma_wait3A_296, %dma_wait3A_297] : memref<10008x128xf32, #tpu.memory_space<vmem_shared>> -> memref<648x128xf32, #tpu.memory_space<vmem_shared>>
        tpu.wait_dma2 semaphore(%run_scoped3A_284 : memref<!tpu.dma_semaphore, #tpu.memory_space<semaphore_mem>>) src(%dma_wait3A_298 : memref<648x128xf32, #tpu.memory_space<vmem_shared>>) dst(%dma_wait3A_295 : memref<648x128xf32, #tpu.memory_space<hbm>>)
        tpu.yield
      }) : () -> ()
    } else {
    }
    return
  }
}

module attributes {stable_mosaic.version = 14 : i64} {
  func.func @_stage_a_body(%arg0: i32, %arg1: memref<1000x128xf32, #tpu.memory_space<vmem>>, %arg2: memref<128x128xf32, #tpu.memory_space<vmem>>, %arg3: memref<1x128xf32, #tpu.memory_space<vmem>>, %arg4: memref<128x128xf32, #tpu.memory_space<vmem>>, %arg5: memref<1000x128xf32, #tpu.memory_space<vmem>>, %arg6: memref<1000x128xf32, #tpu.memory_space<vmem>>) attributes {dimension_semantics = [#tpu.dimension_semantics<arbitrary>], iteration_bounds = array<i64: 10>, scalar_prefetch = 0 : i64, scratch_operands = 0 : i64, tpu.core_type = #tpu.core_type<tc>, window_params = [{transform_indices = @transform_0, window_bounds = array<i64: 1000, 128>}, {pipeline_mode = #tpu.pipeline_mode<synchronous>, transform_indices = @transform_1, window_bounds = array<i64: 128, 128>}, {pipeline_mode = #tpu.pipeline_mode<synchronous>, transform_indices = @transform_2, window_bounds = array<i64: 1, 128>}, {pipeline_mode = #tpu.pipeline_mode<synchronous>, transform_indices = @transform_3, window_bounds = array<i64: 128, 128>}, {transform_indices = @transform_4, window_bounds = array<i64: 1000, 128>}, {transform_indices = @transform_5, window_bounds = array<i64: 1000, 128>}]} {
    %get3A = arith.constant 0 : index
    %get3A_0 = arith.constant 0 : index
    %get3A_1 = vector.load %arg1[%get3A, %get3A_0] : memref<1000x128xf32, #tpu.memory_space<vmem>>, vector<1000x128xf32>
    %get3A_2 = arith.constant 0 : index
    %get3A_3 = arith.constant 0 : index
    %get3A_4 = vector.load %arg2[%get3A_2, %get3A_3] : memref<128x128xf32, #tpu.memory_space<vmem>>, vector<128x128xf32>
    %dot_general3A = arith.constant dense<0.000000e+00> : vector<1000x128xf32>
    %dot_general3A_5 = tpu.matmul %get3A_1, %get3A_4, %dot_general3A {dimension_numbers = #tpu.dot_dimension_numbers<[1], [0], [0], [1], [0, 0, 1, 1], [], []>, transpose_lhs_hint = false} : vector<1000x128xf32>, vector<128x128xf32>, vector<1000x128xf32> -> vector<1000x128xf32>
    %get3A_6 = arith.constant 0 : index
    %get3A_7 = arith.constant 0 : index
    %get3A_8 = vector.load %arg3[%get3A_6, %get3A_7] : memref<1x128xf32, #tpu.memory_space<vmem>>, vector<1x128xf32>
    %add3A = vector.broadcast %get3A_8 : vector<1x128xf32> to vector<1000x128xf32>
    %add3A_9 = arith.addf %dot_general3A_5, %add3A : vector<1000x128xf32>
    %swap3A = arith.constant 0 : index
    %swap3A_10 = arith.constant 0 : index
    %swap3A_11 = vector.load %arg5[%swap3A, %swap3A_10] : memref<1000x128xf32, #tpu.memory_space<vmem>>, vector<1000x128xf32>
    tpu.vector_store %arg5[%swap3A, %swap3A_10], %add3A_9 {strides = array<i32>} : memref<1000x128xf32, #tpu.memory_space<vmem>>, vector<1000x128xf32>,
    %get3A_12 = arith.constant 0 : index
    %get3A_13 = arith.constant 0 : index
    %get3A_14 = vector.load %arg4[%get3A_12, %get3A_13] : memref<128x128xf32, #tpu.memory_space<vmem>>, vector<128x128xf32>
    %dot_general3A_15 = arith.constant dense<0.000000e+00> : vector<1000x128xf32>
    %dot_general3A_16 = tpu.matmul %add3A_9, %get3A_14, %dot_general3A_15 {dimension_numbers = #tpu.dot_dimension_numbers<[1], [0], [0], [1], [0, 0, 1, 1], [], []>, transpose_lhs_hint = false} : vector<1000x128xf32>, vector<128x128xf32>, vector<1000x128xf32> -> vector<1000x128xf32>
    %swap3A_17 = arith.constant 0 : index
    %swap3A_18 = arith.constant 0 : index
    %swap3A_19 = vector.load %arg6[%swap3A_17, %swap3A_18] : memref<1000x128xf32, #tpu.memory_space<vmem>>, vector<1000x128xf32>
    tpu.vector_store %arg6[%swap3A_17, %swap3A_18], %dot_general3A_16 {strides = array<i32>} : memref<1000x128xf32, #tpu.memory_space<vmem>>, vector<1000x128xf32>,
    return
  }
  func.func @transform_0(%arg0: i32) -> (i32, i32) {
    %c0_i32 = arith.constant 0 : i32
    %c0_i32_0 = arith.constant 0 : i32
    return %arg0, %c0_i32 : i32, i32
  }
  func.func @transform_1(%arg0: i32) -> (i32, i32) {
    %c0_i32 = arith.constant 0 : i32
    %c0_i32_0 = arith.constant 0 : i32
    %c0_i32_1 = arith.constant 0 : i32
    return %c0_i32, %c0_i32_0 : i32, i32
  }
  func.func @transform_2(%arg0: i32) -> (i32, i32) {
    %c0_i32 = arith.constant 0 : i32
    %c0_i32_0 = arith.constant 0 : i32
    %c0_i32_1 = arith.constant 0 : i32
    return %c0_i32, %c0_i32_0 : i32, i32
  }
  func.func @transform_3(%arg0: i32) -> (i32, i32) {
    %c0_i32 = arith.constant 0 : i32
    %c0_i32_0 = arith.constant 0 : i32
    %c0_i32_1 = arith.constant 0 : i32
    return %c0_i32, %c0_i32_0 : i32, i32
  }
  func.func @transform_4(%arg0: i32) -> (i32, i32) {
    %c0_i32 = arith.constant 0 : i32
    %c0_i32_0 = arith.constant 0 : i32
    return %arg0, %c0_i32 : i32, i32
  }
  func.func @transform_5(%arg0: i32) -> (i32, i32) {
    %c0_i32 = arith.constant 0 : i32
    %c0_i32_0 = arith.constant 0 : i32
    return %arg0, %c0_i32 : i32, i32
  }
}

module attributes {stable_mosaic.version = 14 : i64} {
  func.func @_stage_b_body(%arg0: i32, %arg1: memref<1x1000x128xf32, #tpu.memory_space<vmem>>, %arg2: memref<1x1000x128xf32, #tpu.memory_space<vmem>>, %arg3: memref<1000x128xf32, #tpu.memory_space<vmem>>, %arg4: memref<128x384xf32, #tpu.memory_space<vmem>>, %arg5: memref<128x384xf32, #tpu.memory_space<vmem>>, %arg6: memref<1x384xf32, #tpu.memory_space<vmem>>, %arg7: memref<1x384xf32, #tpu.memory_space<vmem>>, %arg8: memref<128x128xf32, #tpu.memory_space<vmem>>, %arg9: memref<1000x128xf32, #tpu.memory_space<vmem>>, %arg10: memref<1000x128xf32, #tpu.memory_space<vmem>>) attributes {dimension_semantics = [#tpu.dimension_semantics<arbitrary>], iteration_bounds = array<i64: 10>, scalar_prefetch = 0 : i64, scratch_operands = 0 : i64, tpu.core_type = #tpu.core_type<tc>, window_params = [{transform_indices = @transform_0, window_bounds = array<i64: 1, 1000, 128>}, {transform_indices = @transform_1, window_bounds = array<i64: 1, 1000, 128>}, {transform_indices = @transform_2, window_bounds = array<i64: 1000, 128>}, {pipeline_mode = #tpu.pipeline_mode<synchronous>, transform_indices = @transform_3, window_bounds = array<i64: 128, 384>}, {pipeline_mode = #tpu.pipeline_mode<synchronous>, transform_indices = @transform_4, window_bounds = array<i64: 128, 384>}, {pipeline_mode = #tpu.pipeline_mode<synchronous>, transform_indices = @transform_5, window_bounds = array<i64: 1, 384>}, {pipeline_mode = #tpu.pipeline_mode<synchronous>, transform_indices = @transform_6, window_bounds = array<i64: 1, 384>}, {pipeline_mode = #tpu.pipeline_mode<synchronous>, transform_indices = @transform_7, window_bounds = array<i64: 128, 128>}, {transform_indices = @transform_8, window_bounds = array<i64: 1000, 128>}, {transform_indices = @transform_9, window_bounds = array<i64: 1000, 128>}]} {
    %get3A = arith.constant 0 : index
    %get3A_0 = arith.constant 0 : index
    %get3A_1 = arith.constant 0 : index
    %get3A_2 = vector.load %arg1[%get3A, %get3A_0, %get3A_1] : memref<1x1000x128xf32, #tpu.memory_space<vmem>>, vector<1x1000x128xf32>
    %get3A_3 = vector.shape_cast %get3A_2 : vector<1x1000x128xf32> to vector<1000x128xf32>
    %get3A_4 = arith.constant 0 : index
    %get3A_5 = arith.constant 0 : index
    %get3A_6 = arith.constant 0 : index
    %get3A_7 = vector.load %arg2[%get3A_4, %get3A_5, %get3A_6] : memref<1x1000x128xf32, #tpu.memory_space<vmem>>, vector<1x1000x128xf32>
    %get3A_8 = vector.shape_cast %get3A_7 : vector<1x1000x128xf32> to vector<1000x128xf32>
    %add3A = arith.addf %get3A_3, %get3A_8 : vector<1000x128xf32>
    %get3A_9 = arith.constant 0 : index
    %get3A_10 = arith.constant 0 : index
    %get3A_11 = vector.load %arg3[%get3A_9, %get3A_10] : memref<1000x128xf32, #tpu.memory_space<vmem>>, vector<1000x128xf32>
    %get3A_12 = arith.constant 0 : index
    %get3A_13 = arith.constant 0 : index
    %get3A_14 = vector.load %arg4[%get3A_12, %get3A_13] : memref<128x384xf32, #tpu.memory_space<vmem>>, vector<128x384xf32>
    %get3A_15 = arith.constant 0 : index
    %get3A_16 = arith.constant 0 : index
    %get3A_17 = vector.load %arg5[%get3A_15, %get3A_16] : memref<128x384xf32, #tpu.memory_space<vmem>>, vector<128x384xf32>
    %get3A_18 = arith.constant 0 : index
    %get3A_19 = arith.constant 0 : index
    %get3A_20 = vector.load %arg6[%get3A_18, %get3A_19] : memref<1x384xf32, #tpu.memory_space<vmem>>, vector<1x384xf32>
    %get3A_21 = arith.constant 0 : index
    %get3A_22 = arith.constant 0 : index
    %get3A_23 = vector.load %arg7[%get3A_21, %get3A_22] : memref<1x384xf32, #tpu.memory_space<vmem>>, vector<1x384xf32>
    %dot_general3A = arith.constant dense<0.000000e+00> : vector<1000x384xf32>
    %dot_general3A_24 = tpu.matmul %add3A, %get3A_14, %dot_general3A {dimension_numbers = #tpu.dot_dimension_numbers<[1], [0], [0], [1], [0, 0, 1, 1], [], []>, transpose_lhs_hint = false} : vector<1000x128xf32>, vector<128x384xf32>, vector<1000x384xf32> -> vector<1000x384xf32>
    %add3A_25 = vector.broadcast %get3A_20 : vector<1x384xf32> to vector<1000x384xf32>
    %add3A_26 = arith.addf %dot_general3A_24, %add3A_25 : vector<1000x384xf32>
    %dot_general3A_27 = arith.constant dense<0.000000e+00> : vector<1000x384xf32>
    %dot_general3A_28 = tpu.matmul %get3A_11, %get3A_17, %dot_general3A_27 {dimension_numbers = #tpu.dot_dimension_numbers<[1], [0], [0], [1], [0, 0, 1, 1], [], []>, transpose_lhs_hint = false} : vector<1000x128xf32>, vector<128x384xf32>, vector<1000x384xf32> -> vector<1000x384xf32>
    %add3A_29 = vector.broadcast %get3A_23 : vector<1x384xf32> to vector<1000x384xf32>
    %add3A_30 = arith.addf %dot_general3A_28, %add3A_29 : vector<1000x384xf32>
    %slice3A = vector.extract_strided_slice %add3A_26 {offsets = [0, 0], sizes = [1000, 128], strides = [1, 1]} : vector<1000x384xf32> to vector<1000x128xf32>
    %slice3A_31 = vector.extract_strided_slice %add3A_30 {offsets = [0, 0], sizes = [1000, 128], strides = [1, 1]} : vector<1000x384xf32> to vector<1000x128xf32>
    %add3A_32 = arith.addf %slice3A, %slice3A_31 : vector<1000x128xf32>
    %neg3A = arith.constant 0.000000e+00 : f32
    %neg3A_33 = vector.broadcast %neg3A : f32 to vector<1000x128xf32>
    %neg3A_34 = arith.subf %neg3A_33, %add3A_32 : vector<1000x128xf32>
    %exp3A = math.exp %neg3A_34 : vector<1000x128xf32>
    %add3A_35 = arith.constant 1.000000e+00 : f32
    %add3A_36 = vector.broadcast %add3A_35 : f32 to vector<1000x128xf32>
    %add3A_37 = arith.addf %add3A_36, %exp3A : vector<1000x128xf32>
    %div3A = arith.constant 1.000000e+00 : f32
    %div3A_38 = vector.broadcast %div3A : f32 to vector<1000x128xf32>
    %div3A_39 = arith.divf %div3A_38, %add3A_37 : vector<1000x128xf32>
    %slice3A_40 = vector.extract_strided_slice %add3A_26 {offsets = [0, 128], sizes = [1000, 128], strides = [1, 1]} : vector<1000x384xf32> to vector<1000x128xf32>
    %slice3A_41 = vector.extract_strided_slice %add3A_30 {offsets = [0, 128], sizes = [1000, 128], strides = [1, 1]} : vector<1000x384xf32> to vector<1000x128xf32>
    %add3A_42 = arith.addf %slice3A_40, %slice3A_41 : vector<1000x128xf32>
    %neg3A_43 = arith.constant 0.000000e+00 : f32
    %neg3A_44 = vector.broadcast %neg3A_43 : f32 to vector<1000x128xf32>
    %neg3A_45 = arith.subf %neg3A_44, %add3A_42 : vector<1000x128xf32>
    %exp3A_46 = math.exp %neg3A_45 : vector<1000x128xf32>
    %add3A_47 = arith.constant 1.000000e+00 : f32
    %add3A_48 = vector.broadcast %add3A_47 : f32 to vector<1000x128xf32>
    %add3A_49 = arith.addf %add3A_48, %exp3A_46 : vector<1000x128xf32>
    %div3A_50 = arith.constant 1.000000e+00 : f32
    %div3A_51 = vector.broadcast %div3A_50 : f32 to vector<1000x128xf32>
    %div3A_52 = arith.divf %div3A_51, %add3A_49 : vector<1000x128xf32>
    %slice3A_53 = vector.extract_strided_slice %add3A_26 {offsets = [0, 256], sizes = [1000, 128], strides = [1, 1]} : vector<1000x384xf32> to vector<1000x128xf32>
    %slice3A_54 = vector.extract_strided_slice %add3A_30 {offsets = [0, 256], sizes = [1000, 128], strides = [1, 1]} : vector<1000x384xf32> to vector<1000x128xf32>
    %mul3A = arith.mulf %div3A_39, %slice3A_54 : vector<1000x128xf32>
    %add3A_55 = arith.addf %slice3A_53, %mul3A : vector<1000x128xf32>
    %tanh3A = math.tanh %add3A_55 : vector<1000x128xf32>
    %sub3A = arith.constant 1.000000e+00 : f32
    %sub3A_56 = vector.broadcast %sub3A : f32 to vector<1000x128xf32>
    %sub3A_57 = arith.subf %sub3A_56, %div3A_52 : vector<1000x128xf32>
    %mul3A_58 = arith.mulf %sub3A_57, %tanh3A : vector<1000x128xf32>
    %mul3A_59 = arith.mulf %div3A_52, %get3A_11 : vector<1000x128xf32>
    %add3A_60 = arith.addf %mul3A_58, %mul3A_59 : vector<1000x128xf32>
    %swap3A = arith.constant 0 : index
    %swap3A_61 = arith.constant 0 : index
    %swap3A_62 = vector.load %arg9[%swap3A, %swap3A_61] : memref<1000x128xf32, #tpu.memory_space<vmem>>, vector<1000x128xf32>
    tpu.vector_store %arg9[%swap3A, %swap3A_61], %add3A_60 {strides = array<i32>} : memref<1000x128xf32, #tpu.memory_space<vmem>>, vector<1000x128xf32>,
    %get3A_63 = arith.constant 0 : index
    %get3A_64 = arith.constant 0 : index
    %get3A_65 = vector.load %arg8[%get3A_63, %get3A_64] : memref<128x128xf32, #tpu.memory_space<vmem>>, vector<128x128xf32>
    %dot_general3A_66 = arith.constant dense<0.000000e+00> : vector<1000x128xf32>
    %dot_general3A_67 = tpu.matmul %add3A_60, %get3A_65, %dot_general3A_66 {dimension_numbers = #tpu.dot_dimension_numbers<[1], [0], [0], [1], [0, 0, 1, 1], [], []>, transpose_lhs_hint = false} : vector<1000x128xf32>, vector<128x128xf32>, vector<1000x128xf32> -> vector<1000x128xf32>
    %swap3A_68 = arith.constant 0 : index
    %swap3A_69 = arith.constant 0 : index
    %swap3A_70 = vector.load %arg10[%swap3A_68, %swap3A_69] : memref<1000x128xf32, #tpu.memory_space<vmem>>, vector<1000x128xf32>
    tpu.vector_store %arg10[%swap3A_68, %swap3A_69], %dot_general3A_67 {strides = array<i32>} : memref<1000x128xf32, #tpu.memory_space<vmem>>, vector<1000x128xf32>,
    return
  }
  func.func @transform_0(%arg0: i32) -> (i32, i32, i32) {
    %c0_i32 = arith.constant 0 : i32
    %c0_i32_0 = arith.constant 0 : i32
    %c0_i32_1 = arith.constant 0 : i32
    return %c0_i32, %arg0, %c0_i32_0 : i32, i32, i32
  }
  func.func @transform_1(%arg0: i32) -> (i32, i32, i32) {
    %c1_i32 = arith.constant 1 : i32
    %c0_i32 = arith.constant 0 : i32
    %c0_i32_0 = arith.constant 0 : i32
    return %c1_i32, %arg0, %c0_i32 : i32, i32, i32
  }
  func.func @transform_2(%arg0: i32) -> (i32, i32) {
    %c0_i32 = arith.constant 0 : i32
    %c0_i32_0 = arith.constant 0 : i32
    return %arg0, %c0_i32 : i32, i32
  }
  func.func @transform_3(%arg0: i32) -> (i32, i32) {
    %c0_i32 = arith.constant 0 : i32
    %c0_i32_0 = arith.constant 0 : i32
    %c0_i32_1 = arith.constant 0 : i32
    return %c0_i32, %c0_i32_0 : i32, i32
  }
  func.func @transform_4(%arg0: i32) -> (i32, i32) {
    %c0_i32 = arith.constant 0 : i32
    %c0_i32_0 = arith.constant 0 : i32
    %c0_i32_1 = arith.constant 0 : i32
    return %c0_i32, %c0_i32_0 : i32, i32
  }
  func.func @transform_5(%arg0: i32) -> (i32, i32) {
    %c0_i32 = arith.constant 0 : i32
    %c0_i32_0 = arith.constant 0 : i32
    %c0_i32_1 = arith.constant 0 : i32
    return %c0_i32, %c0_i32_0 : i32, i32
  }
  func.func @transform_6(%arg0: i32) -> (i32, i32) {
    %c0_i32 = arith.constant 0 : i32
    %c0_i32_0 = arith.constant 0 : i32
    %c0_i32_1 = arith.constant 0 : i32
    return %c0_i32, %c0_i32_0 : i32, i32
  }
  func.func @transform_7(%arg0: i32) -> (i32, i32) {
    %c0_i32 = arith.constant 0 : i32
    %c0_i32_0 = arith.constant 0 : i32
    %c0_i32_1 = arith.constant 0 : i32
    return %c0_i32, %c0_i32_0 : i32, i32
  }
  func.func @transform_8(%arg0: i32) -> (i32, i32) {
    %c0_i32 = arith.constant 0 : i32
    %c0_i32_0 = arith.constant 0 : i32
    return %arg0, %c0_i32 : i32, i32
  }
  func.func @transform_9(%arg0: i32) -> (i32, i32) {
    %c0_i32 = arith.constant 0 : i32
    %c0_i32_0 = arith.constant 0 : i32
    return %arg0, %c0_i32 : i32, i32
  }
}

module attributes {stable_mosaic.version = 14 : i64} {
  func.func @_stage_c_body(%arg0: i32, %arg1: memref<1x1000x128xf32, #tpu.memory_space<vmem>>, %arg2: memref<1x1000x128xf32, #tpu.memory_space<vmem>>, %arg3: memref<1000x128xf32, #tpu.memory_space<vmem>>, %arg4: memref<128x384xf32, #tpu.memory_space<vmem>>, %arg5: memref<128x384xf32, #tpu.memory_space<vmem>>, %arg6: memref<1x384xf32, #tpu.memory_space<vmem>>, %arg7: memref<1x384xf32, #tpu.memory_space<vmem>>, %arg8: memref<128x128xf32, #tpu.memory_space<vmem>>, %arg9: memref<1x128xf32, #tpu.memory_space<vmem>>, %arg10: memref<1000x128xf32, #tpu.memory_space<vmem>>) attributes {dimension_semantics = [#tpu.dimension_semantics<arbitrary>], iteration_bounds = array<i64: 10>, scalar_prefetch = 0 : i64, scratch_operands = 0 : i64, tpu.core_type = #tpu.core_type<tc>, window_params = [{transform_indices = @transform_0, window_bounds = array<i64: 1, 1000, 128>}, {transform_indices = @transform_1, window_bounds = array<i64: 1, 1000, 128>}, {transform_indices = @transform_2, window_bounds = array<i64: 1000, 128>}, {pipeline_mode = #tpu.pipeline_mode<synchronous>, transform_indices = @transform_3, window_bounds = array<i64: 128, 384>}, {pipeline_mode = #tpu.pipeline_mode<synchronous>, transform_indices = @transform_4, window_bounds = array<i64: 128, 384>}, {pipeline_mode = #tpu.pipeline_mode<synchronous>, transform_indices = @transform_5, window_bounds = array<i64: 1, 384>}, {pipeline_mode = #tpu.pipeline_mode<synchronous>, transform_indices = @transform_6, window_bounds = array<i64: 1, 384>}, {pipeline_mode = #tpu.pipeline_mode<synchronous>, transform_indices = @transform_7, window_bounds = array<i64: 128, 128>}, {pipeline_mode = #tpu.pipeline_mode<synchronous>, transform_indices = @transform_8, window_bounds = array<i64: 1, 128>}, {transform_indices = @transform_9, window_bounds = array<i64: 1000, 128>}]} {
    %get3A = arith.constant 0 : index
    %get3A_0 = arith.constant 0 : index
    %get3A_1 = arith.constant 0 : index
    %get3A_2 = vector.load %arg1[%get3A, %get3A_0, %get3A_1] : memref<1x1000x128xf32, #tpu.memory_space<vmem>>, vector<1x1000x128xf32>
    %get3A_3 = vector.shape_cast %get3A_2 : vector<1x1000x128xf32> to vector<1000x128xf32>
    %get3A_4 = arith.constant 0 : index
    %get3A_5 = arith.constant 0 : index
    %get3A_6 = arith.constant 0 : index
    %get3A_7 = vector.load %arg2[%get3A_4, %get3A_5, %get3A_6] : memref<1x1000x128xf32, #tpu.memory_space<vmem>>, vector<1x1000x128xf32>
    %get3A_8 = vector.shape_cast %get3A_7 : vector<1x1000x128xf32> to vector<1000x128xf32>
    %add3A = arith.addf %get3A_3, %get3A_8 : vector<1000x128xf32>
    %get3A_9 = arith.constant 0 : index
    %get3A_10 = arith.constant 0 : index
    %get3A_11 = vector.load %arg3[%get3A_9, %get3A_10] : memref<1000x128xf32, #tpu.memory_space<vmem>>, vector<1000x128xf32>
    %get3A_12 = arith.constant 0 : index
    %get3A_13 = arith.constant 0 : index
    %get3A_14 = vector.load %arg4[%get3A_12, %get3A_13] : memref<128x384xf32, #tpu.memory_space<vmem>>, vector<128x384xf32>
    %get3A_15 = arith.constant 0 : index
    %get3A_16 = arith.constant 0 : index
    %get3A_17 = vector.load %arg5[%get3A_15, %get3A_16] : memref<128x384xf32, #tpu.memory_space<vmem>>, vector<128x384xf32>
    %get3A_18 = arith.constant 0 : index
    %get3A_19 = arith.constant 0 : index
    %get3A_20 = vector.load %arg6[%get3A_18, %get3A_19] : memref<1x384xf32, #tpu.memory_space<vmem>>, vector<1x384xf32>
    %get3A_21 = arith.constant 0 : index
    %get3A_22 = arith.constant 0 : index
    %get3A_23 = vector.load %arg7[%get3A_21, %get3A_22] : memref<1x384xf32, #tpu.memory_space<vmem>>, vector<1x384xf32>
    %dot_general3A = arith.constant dense<0.000000e+00> : vector<1000x384xf32>
    %dot_general3A_24 = tpu.matmul %add3A, %get3A_14, %dot_general3A {dimension_numbers = #tpu.dot_dimension_numbers<[1], [0], [0], [1], [0, 0, 1, 1], [], []>, transpose_lhs_hint = false} : vector<1000x128xf32>, vector<128x384xf32>, vector<1000x384xf32> -> vector<1000x384xf32>
    %add3A_25 = vector.broadcast %get3A_20 : vector<1x384xf32> to vector<1000x384xf32>
    %add3A_26 = arith.addf %dot_general3A_24, %add3A_25 : vector<1000x384xf32>
    %dot_general3A_27 = arith.constant dense<0.000000e+00> : vector<1000x384xf32>
    %dot_general3A_28 = tpu.matmul %get3A_11, %get3A_17, %dot_general3A_27 {dimension_numbers = #tpu.dot_dimension_numbers<[1], [0], [0], [1], [0, 0, 1, 1], [], []>, transpose_lhs_hint = false} : vector<1000x128xf32>, vector<128x384xf32>, vector<1000x384xf32> -> vector<1000x384xf32>
    %add3A_29 = vector.broadcast %get3A_23 : vector<1x384xf32> to vector<1000x384xf32>
    %add3A_30 = arith.addf %dot_general3A_28, %add3A_29 : vector<1000x384xf32>
    %slice3A = vector.extract_strided_slice %add3A_26 {offsets = [0, 0], sizes = [1000, 128], strides = [1, 1]} : vector<1000x384xf32> to vector<1000x128xf32>
    %slice3A_31 = vector.extract_strided_slice %add3A_30 {offsets = [0, 0], sizes = [1000, 128], strides = [1, 1]} : vector<1000x384xf32> to vector<1000x128xf32>
    %add3A_32 = arith.addf %slice3A, %slice3A_31 : vector<1000x128xf32>
    %neg3A = arith.constant 0.000000e+00 : f32
    %neg3A_33 = vector.broadcast %neg3A : f32 to vector<1000x128xf32>
    %neg3A_34 = arith.subf %neg3A_33, %add3A_32 : vector<1000x128xf32>
    %exp3A = math.exp %neg3A_34 : vector<1000x128xf32>
    %add3A_35 = arith.constant 1.000000e+00 : f32
    %add3A_36 = vector.broadcast %add3A_35 : f32 to vector<1000x128xf32>
    %add3A_37 = arith.addf %add3A_36, %exp3A : vector<1000x128xf32>
    %div3A = arith.constant 1.000000e+00 : f32
    %div3A_38 = vector.broadcast %div3A : f32 to vector<1000x128xf32>
    %div3A_39 = arith.divf %div3A_38, %add3A_37 : vector<1000x128xf32>
    %slice3A_40 = vector.extract_strided_slice %add3A_26 {offsets = [0, 128], sizes = [1000, 128], strides = [1, 1]} : vector<1000x384xf32> to vector<1000x128xf32>
    %slice3A_41 = vector.extract_strided_slice %add3A_30 {offsets = [0, 128], sizes = [1000, 128], strides = [1, 1]} : vector<1000x384xf32> to vector<1000x128xf32>
    %add3A_42 = arith.addf %slice3A_40, %slice3A_41 : vector<1000x128xf32>
    %neg3A_43 = arith.constant 0.000000e+00 : f32
    %neg3A_44 = vector.broadcast %neg3A_43 : f32 to vector<1000x128xf32>
    %neg3A_45 = arith.subf %neg3A_44, %add3A_42 : vector<1000x128xf32>
    %exp3A_46 = math.exp %neg3A_45 : vector<1000x128xf32>
    %add3A_47 = arith.constant 1.000000e+00 : f32
    %add3A_48 = vector.broadcast %add3A_47 : f32 to vector<1000x128xf32>
    %add3A_49 = arith.addf %add3A_48, %exp3A_46 : vector<1000x128xf32>
    %div3A_50 = arith.constant 1.000000e+00 : f32
    %div3A_51 = vector.broadcast %div3A_50 : f32 to vector<1000x128xf32>
    %div3A_52 = arith.divf %div3A_51, %add3A_49 : vector<1000x128xf32>
    %slice3A_53 = vector.extract_strided_slice %add3A_26 {offsets = [0, 256], sizes = [1000, 128], strides = [1, 1]} : vector<1000x384xf32> to vector<1000x128xf32>
    %slice3A_54 = vector.extract_strided_slice %add3A_30 {offsets = [0, 256], sizes = [1000, 128], strides = [1, 1]} : vector<1000x384xf32> to vector<1000x128xf32>
    %mul3A = arith.mulf %div3A_39, %slice3A_54 : vector<1000x128xf32>
    %add3A_55 = arith.addf %slice3A_53, %mul3A : vector<1000x128xf32>
    %tanh3A = math.tanh %add3A_55 : vector<1000x128xf32>
    %sub3A = arith.constant 1.000000e+00 : f32
    %sub3A_56 = vector.broadcast %sub3A : f32 to vector<1000x128xf32>
    %sub3A_57 = arith.subf %sub3A_56, %div3A_52 : vector<1000x128xf32>
    %mul3A_58 = arith.mulf %sub3A_57, %tanh3A : vector<1000x128xf32>
    %mul3A_59 = arith.mulf %div3A_52, %get3A_11 : vector<1000x128xf32>
    %add3A_60 = arith.addf %mul3A_58, %mul3A_59 : vector<1000x128xf32>
    %max3A = arith.constant 0.000000e+00 : f32
    %max3A_61 = vector.broadcast %max3A : f32 to vector<1000x128xf32>
    %max3A_62 = arith.maximumf %add3A_60, %max3A_61 : vector<1000x128xf32>
    %get3A_63 = arith.constant 0 : index
    %get3A_64 = arith.constant 0 : index
    %get3A_65 = vector.load %arg8[%get3A_63, %get3A_64] : memref<128x128xf32, #tpu.memory_space<vmem>>, vector<128x128xf32>
    %dot_general3A_66 = arith.constant dense<0.000000e+00> : vector<1000x128xf32>
    %dot_general3A_67 = tpu.matmul %max3A_62, %get3A_65, %dot_general3A_66 {dimension_numbers = #tpu.dot_dimension_numbers<[1], [0], [0], [1], [0, 0, 1, 1], [], []>, transpose_lhs_hint = false} : vector<1000x128xf32>, vector<128x128xf32>, vector<1000x128xf32> -> vector<1000x128xf32>
    %get3A_68 = arith.constant 0 : index
    %get3A_69 = arith.constant 0 : index
    %get3A_70 = vector.load %arg9[%get3A_68, %get3A_69] : memref<1x128xf32, #tpu.memory_space<vmem>>, vector<1x128xf32>
    %add3A_71 = vector.broadcast %get3A_70 : vector<1x128xf32> to vector<1000x128xf32>
    %add3A_72 = arith.addf %dot_general3A_67, %add3A_71 : vector<1000x128xf32>
    %reduce_max3A = arith.constant dense<0xFF800000> : vector<1000xf32>
    %reduce_max3A_73 = vector.multi_reduction <maximumf>, %add3A_72, %reduce_max3A [1] : vector<1000x128xf32> to vector<1000xf32>
    %broadcast_in_dim3A = vector.shape_cast %reduce_max3A_73 : vector<1000xf32> to vector<1000x1xf32>
    %sub3A_74 = vector.broadcast %broadcast_in_dim3A : vector<1000x1xf32> to vector<1000x128xf32>
    %sub3A_75 = arith.subf %add3A_72, %sub3A_74 : vector<1000x128xf32>
    %exp3A_76 = math.exp %sub3A_75 : vector<1000x128xf32>
    %reduce_sum3A = arith.constant dense<0.000000e+00> : vector<1000xf32>
    %reduce_sum3A_77 = vector.multi_reduction <add>, %exp3A_76, %reduce_sum3A [1] : vector<1000x128xf32> to vector<1000xf32>
    %broadcast_in_dim3A_78 = vector.shape_cast %reduce_sum3A_77 : vector<1000xf32> to vector<1000x1xf32>
    %log3A = math.log %broadcast_in_dim3A_78 : vector<1000x1xf32>
    %add3A_79 = arith.addf %log3A, %broadcast_in_dim3A : vector<1000x1xf32>
    %sub3A_80 = vector.broadcast %add3A_79 : vector<1000x1xf32> to vector<1000x128xf32>
    %sub3A_81 = arith.subf %add3A_72, %sub3A_80 : vector<1000x128xf32>
    %swap3A = arith.constant 0 : index
    %swap3A_82 = arith.constant 0 : index
    %swap3A_83 = vector.load %arg10[%swap3A, %swap3A_82] : memref<1000x128xf32, #tpu.memory_space<vmem>>, vector<1000x128xf32>
    tpu.vector_store %arg10[%swap3A, %swap3A_82], %sub3A_81 {strides = array<i32>} : memref<1000x128xf32, #tpu.memory_space<vmem>>, vector<1000x128xf32>,
    return
  }
  func.func @transform_0(%arg0: i32) -> (i32, i32, i32) {
    %c0_i32 = arith.constant 0 : i32
    %c0_i32_0 = arith.constant 0 : i32
    %c0_i32_1 = arith.constant 0 : i32
    return %c0_i32, %arg0, %c0_i32_0 : i32, i32, i32
  }
  func.func @transform_1(%arg0: i32) -> (i32, i32, i32) {
    %c1_i32 = arith.constant 1 : i32
    %c0_i32 = arith.constant 0 : i32
    %c0_i32_0 = arith.constant 0 : i32
    return %c1_i32, %arg0, %c0_i32 : i32, i32, i32
  }
  func.func @transform_2(%arg0: i32) -> (i32, i32) {
    %c0_i32 = arith.constant 0 : i32
    %c0_i32_0 = arith.constant 0 : i32
    return %arg0, %c0_i32 : i32, i32
  }
  func.func @transform_3(%arg0: i32) -> (i32, i32) {
    %c0_i32 = arith.constant 0 : i32
    %c0_i32_0 = arith.constant 0 : i32
    %c0_i32_1 = arith.constant 0 : i32
    return %c0_i32, %c0_i32_0 : i32, i32
  }
  func.func @transform_4(%arg0: i32) -> (i32, i32) {
    %c0_i32 = arith.constant 0 : i32
    %c0_i32_0 = arith.constant 0 : i32
    %c0_i32_1 = arith.constant 0 : i32
    return %c0_i32, %c0_i32_0 : i32, i32
  }
  func.func @transform_5(%arg0: i32) -> (i32, i32) {
    %c0_i32 = arith.constant 0 : i32
    %c0_i32_0 = arith.constant 0 : i32
    %c0_i32_1 = arith.constant 0 : i32
    return %c0_i32, %c0_i32_0 : i32, i32
  }
  func.func @transform_6(%arg0: i32) -> (i32, i32) {
    %c0_i32 = arith.constant 0 : i32
    %c0_i32_0 = arith.constant 0 : i32
    %c0_i32_1 = arith.constant 0 : i32
    return %c0_i32, %c0_i32_0 : i32, i32
  }
  func.func @transform_7(%arg0: i32) -> (i32, i32) {
    %c0_i32 = arith.constant 0 : i32
    %c0_i32_0 = arith.constant 0 : i32
    %c0_i32_1 = arith.constant 0 : i32
    return %c0_i32, %c0_i32_0 : i32, i32
  }
  func.func @transform_8(%arg0: i32) -> (i32, i32) {
    %c0_i32 = arith.constant 0 : i32
    %c0_i32_0 = arith.constant 0 : i32
    %c0_i32_1 = arith.constant 0 : i32
    return %c0_i32, %c0_i32_0 : i32, i32
  }
  func.func @transform_9(%arg0: i32) -> (i32, i32) {
    %c0_i32 = arith.constant 0 : i32
    %c0_i32_0 = arith.constant 0 : i32
    return %arg0, %c0_i32 : i32, i32
  }
}

</mosaic_0001>

<sc_bundles>
// kernel: kernel.10.cloned.1.call-start
scs
__scs_entry_jumppad:
0x0: {  	(pc) =	sbr.rel $0x88, $3  }
0x1: {  	(tag) =	ssettag $0x0;
	lr =	simm.s32 $0x1  }
0x2: {  	[smem:$0x3F96] =	sst lr;
	_ =	strace $0xD0000000  }
0x3: {  	_ = 	snop  }
0x4: {  	_ = 	snop  }
0x5: {  	_ = 	snop  }
0x6: {  	_ = 	snop  }
0x7: {  	_ = 	snop  }
__scs_overlays_trampoline_lowered:
0x8: {  	[smem:$0x3FA5] =	sst s0  }
0x9: {  	[smem:$0x3FA6] =	sst s1  }
0xa: {  	[smem:$0x3FA7] =	sst s2  }
0xb: {  	[smem:$0x3FA8] =	sst s3  }
0xc: {  	[smem:$0x3FA9] =	sst s4  }
0xd: {  	[smem:$0x3FAA] =	sst s5  }
0xe: {  	[smem:$0x3FAB] =	sst s6  }
0xf: {  	[smem:$0x3FAC] =	sst s7  }
0x10: {  	[smem:$0x3FAD] =	sst s8  }
0x11: {  	[smem:$0x3FAE] =	sst s9;
	s0 =	simm.s32 @!p0 $0x0  }
0x12: {  	s1 =	sld [smem:$0x3F94];
	s0 =	simm.s32 @p0 $0x1  }
0x13: {  	[smem:$0x3FAF] =	sst s0;
	s0 =	simm.s32 @!p1 $0x0  }
0x14: {  	s2 =	sld [smem:$0x3F93];
	s0 =	simm.s32 @p1 $0x1  }
0x15: {  	[smem:$0x3FB0] =	sst s0;
	s0 =	simm.s32 @!p2 $0x0  }
0x16: {  	s3 =	sld [smem:$0x3FDB];
	s0 =	simm.s32 @p2 $0x1  }
0x17: {  	s4 =	simm.s32 $0x1BF5;
	[smem:$0x3FB2] =	sst s0  }
0x18: {  	s0 =	sld [smem:$0x3F95];
	_ =	swait.ge [sflag:s4], $0x0  }
0x19: {  	s7 =	sld [smem:$0x3F96]  }
0x1a: {  	s8 =	sadd.s32 $0xFFFFE003, lr  }
0x1b: {  	s9 =	sadd.s32 $0xFFFFFEF7, lr;
	s5 =	simm.s32 $0xFFFFFFFF;
	p2 =	slt.u32 s8, $0xFFFFF086  }
0x1c: {  	p1 =	slt.u32 s9, $0xF7A;
	s5 =	simm.s32 @!p2 $0x0  }
0x1d: {  	s5 =	simm.s32 @p1 $0x1;
	p0 =	seq.s32 s7, s2  }
0x1e: {  	s7 =	smul.u32 @!p0 $0xF7A, s2;
	p2 =	seq.s32 @!p0 s5, $0x0  }
0x1f: {  	s9 =	smul.u32 $0xF7A, s1;
	s8 =	simm.s32 @!p0 $0x1BF5;
	p2 =	por !p2, p0  }
0x20: {  	[sflag:s8] =	ssyncset.s32 @!p0 $0xFFFFF086;
	s6 =	sadd.s32 @!p0 s3, s7;
	s7 =	simm.s32 @!p0 $0x108  }
0x21: {  	s3 =	sadd.s32 s3, s9;
	s6 =	sadd.s32 @!p0 $0x88, s6;
	s7 =	simm.s32 @p2 $0x1082  }
0x22: {  	[simem:s7], [sflag:s8] =	dma.local @!p0 [hbm:s6], $0xF7A  }
0x23: {  	s9 =	sor.u32 $0xD0000000, s2;
	s6 =	simm.s32 $0x108;
	_ =	swait.ge @!p0 [sflag:s8], $0x0  }
0x24: {  	s3 =	sadd.s32 $0x88, s3;
	s6 =	simm.s32 @!p1 $0x1082;
	[sflag:s4] =	ssyncset.s32 $0xFFFFF086  }
0x25: {  	[simem:s6], [sflag:s4] =	dma.local [hbm:s3], $0xF7A  }
0x26: {  	[smem:$0x3F96] =	sst s1;
	(tag) =	ssettag s2;
	_ =	strace s9  }
0x27: {  	s1 =	sld [smem:$0x3FA6]  }
0x28: {  	s2 =	sld [smem:$0x3FA7]  }
0x29: {  	s4 =	sld [smem:$0x3FA9]  }
0x2a: {  	p0 =	seq.s32 s5, $0x0;
	s5 =	sld [smem:$0x3FAA]  }
0x2b: {  	s6 =	sld [smem:$0x3FAB]  }
0x2c: {  	s7 =	sld [smem:$0x3FAC]  }
0x2d: {  	s3 =	simm.s32 $0x108;
	s8 =	sld [smem:$0x3FAD]  }
0x2e: {  	s3 =	simm.s32 @!p0 $0x1082;
	s9 =	sld [smem:$0x3FAE]  }
0x2f: {  	lr =	sadd.s32 s0, s3;
	s0 =	sld [smem:$0x3FA5]  }
0x30: {  	s3 =	sld [smem:$0x3FA8]  }
0x31: {  	[smem:$0x3FB1] =	sst s10  }
0x32: {  	s10 =	sld [smem:$0x3FAF];
	_ =	sdelay $0x3  }
0x33: {  	p0 =	seq.s32 s10, $0x1;
	s10 =	sld [smem:$0x3FB1];
	_ =	sdelay $0x3  }
0x34: {  	[smem:$0x3FB1] =	sst s10  }
0x35: {  	s10 =	sld [smem:$0x3FB0];
	_ =	sdelay $0x3  }
0x36: {  	p1 =	seq.s32 s10, $0x1;
	s10 =	sld [smem:$0x3FB1];
	_ =	sdelay $0x3  }
0x37: {  	[smem:$0x3FB1] =	sst s10  }
0x38: {  	s10 =	sld [smem:$0x3FB2]  }
0x39: {  	_ = 	snop;
	(pc) =	sbr.ind lr, $3  }
0x3a: {  	_ = 	snop  }
0x3b: {  	_ = 	snop  }
0x3c: {  	p2 =	seq.s32 s10, $0x1;
	s10 =	sld [smem:$0x3FB1]  }
0x3d: {  	_ =	shalt  }
0x3e: {  	_ =	shalt  }
0x3f: {  	_ =	shalt  }
0x40: {  	_ =	shalt  }
0x41: {  	_ =	shalt  }
0x42: {  	_ =	shalt  }
0x43: {  	_ =	shalt  }
0x44: {  	_ =	shalt  }
0x45: {  	_ =	shalt  }
0x46: {  	_ =	shalt  }
0x47: {  	_ =	shalt  }
0x48: {  	_ =	shalt  }
0x49: {  	_ =	shalt  }
0x4a: {  	_ =	shalt  }
0x4b: {  	_ =	shalt  }
0x4c: {  	_ =	shalt  }
0x4d: {  	_ =	shalt  }
0x4e: {  	_ =	shalt  }
0x4f: {  	_ =	shalt  }
0x50: {  	_ =	shalt  }
0x51: {  	_ =	shalt  }
0x52: {  	_ =	shalt  }
0x53: {  	_ =	shalt  }
0x54: {  	_ =	shalt  }
0x55: {  	_ =	shalt  }
0x56: {  	_ =	shalt  }
0x57: {  	_ =	shalt  }
0x58: {  	_ =	shalt  }
0x59: {  	_ =	shalt  }
0x5a: {  	_ =	shalt  }
0x5b: {  	_ =	shalt  }
0x5c: {  	_ =	shalt  }
0x5d: {  	_ =	shalt  }
0x5e: {  	_ =	shalt  }
0x5f: {  	_ =	shalt  }
0x60: {  	_ =	shalt  }
0x61: {  	_ =	shalt  }
0x62: {  	_ =	shalt  }
0x63: {  	_ =	shalt  }
0x64: {  	_ =	shalt  }
0x65: {  	_ =	shalt  }
0x66: {  	_ =	shalt  }
0x67: {  	_ =	shalt  }
0x68: {  	_ =	shalt  }
0x69: {  	_ =	shalt  }
0x6a: {  	_ =	shalt  }
0x6b: {  	_ =	shalt  }
0x6c: {  	_ =	shalt  }
0x6d: {  	_ =	shalt  }
0x6e: {  	_ =	shalt  }
0x6f: {  	_ =	shalt  }
0x70: {  	_ =	shalt  }
0x71: {  	_ =	shalt  }
0x72: {  	_ =	shalt  }
0x73: {  	_ =	shalt  }
0x74: {  	_ =	shalt  }
0x75: {  	_ =	shalt  }
0x76: {  	_ =	shalt  }
0x77: {  	_ =	shalt  }
0x78: {  	_ =	shalt  }
0x79: {  	_ =	shalt  }
0x7a: {  	_ =	shalt  }
0x7b: {  	_ =	shalt  }
0x7c: {  	_ =	shalt  }
0x7d: {  	_ =	shalt  }
0x7e: {  	_ =	shalt  }
0x7f: {  	_ =	shalt  }
0x80: {  	_ =	shalt  }
0x81: {  	_ =	shalt  }
0x82: {  	_ =	shalt  }
0x83: {  	_ =	shalt  }
0x84: {  	_ =	shalt  }
0x85: {  	_ =	shalt  }
0x86: {  	_ =	shalt  }
0x87: {  	_ =	shalt  }
.Lfunc_end0:
.L_simem_size_0:
called_computation.1_lowered:
.L_overlay_start_0:
0x88: {  	s2 =	sld [smem:$0x3FD9]  }
0x89: {  	s3 =	sld [smem:$0x3FFE];
	_ =	sdelay $0x1  }
0x8a: {  	s1 =	srdreg.scid  }
0x8b: {  	s0 =	sand.u32 $0x1, s1  }
0x8c: {  	s17 =	sshll.u32 s0, $0xA;
	s2 =	sadd.s32 s3, s2  }
0x8d: {  	s2 =	sadd.s32 s2, s17  }
0x8e: {  	[smem:$0x3FBD] =	sst s2  }
0x8f: {  	_ = 	snop  }
0x90: {  	s2 =	sld [smem:$0x3FD0];
	(tm) =	ssettm $0x1  }
0x91: {  	s18 =	sld [smem:$0x3FFB];
	_ =	sdelay $0x3  }
0x92: {  	_ =	strace s18  }
0x93: {  	s3 =	sld [smem:$0x3FFC];
	_ =	sdelay $0x3  }
0x94: {  	_ =	strace s3  }
0x95: {  	s3 =	sld [smem:$0x3FFD];
	_ =	sdelay $0x3  }
0x96: {  	_ =	strace s3  }
0x97: {  	_ =	strace $0x8FFFFFFF  }
0x98: {  	s19 =	sld [smem:$0x3FDB];
	_ =	sdelay $0x1  }
0x99: {  	s4 =	simm.s32 $_scs_section_size  }
0x9a: {  	s5 =	simm.s32 $_size__tile_overlayer_lowered;
	s6 =	simm.s32 $_tile_overlayer_lowered  }
0x9b: {  	s22 =	simm.s32 $0x1BFF;
	s21 =	sshll.u32 s6, $0x1;
	s3 =	sadd.s32 s4, s19  }
0x9c: {  	s7 =	simm.s32 $0x0;
	s20 =	sshll.u32 s5, $0x1;
	s5 =	sadd.s32 s21, s3  }
0x9d: {  	[timem:s7], [sflag:s22] =	dma.local [hbm:s5], s20  }
0x9e: {  	_ =	swait.ge [sflag:s22], s20  }
0x9f: {  	s4 =	ssub.s32 $0x0, s20;
	[sflag:s22] =	ssyncset.done $0x0  }
0xa0: {  	[sflag:s22] =	ssyncadd.s32 s4;
	_ =	sdelay $0x1  }
0xa1: {  	s23 =	simm.s32 $0x1B8B  }
0xa2: {  	_ =	swait.ge [sflag:s23], $0x1  }
0xa3: {  	[sflag:s23] =	ssyncset.done $0x0  }
0xa4: {  	s25 =	simm.s32 $0x1B8E;
	s24 =	sld [smem:$0x3FFE];
	[sflag:s23] =	ssyncadd.s32 $0xFFFFFFFF  }
0xa5: {  	s26 =	simm.s32 $execute0_lowered;
	[smem:$0x3FD2] =	sst s25  }
0xa6: {  	s5 =	sshll.u32 s26, $0x1;
	_ =	strace $0x80000049;
	[dreg:$0x1] =	wrdreg $0xFFFFFFFF  }
0xa7: {  	s28 =	simm.s32 $_size_execute0_lowered;
	s3 =	sadd.s32 s3, s5;
	[dreg:$0x0] =	wrdreg $0x0  }
0xa8: {  	s5 =	sshll.u32 s28, $0x1;
	[dreg:$0x2] =	wrdreg s3  }
0xa9: {  	[dreg:$0x3] =	wrdreg s5  }
0xaa: {  	[dreg:$0x4] =	wrdreg $0xC0  }
0xab: {  	_ =	task [dreg:s7], $0x5FFFF  }
0xac: {  	[dreg:$0x1] =	wrdreg $0xFFFFFFFF  }
0xad: {  	[dreg:$0x0] =	wrdreg $0x60  }
0xae: {  	[dreg:$0x2] =	wrdreg s2  }
0xaf: {  	[dreg:$0x3] =	wrdreg s24  }
0xb0: {  	[dreg:$0x4] =	wrdreg $0x70000  }
0xb1: {  	[dreg:$0x5] =	wrdreg $0x9  }
0xb2: {  	_ =	task.clear_ibuf [dreg:s7], $0x6FFFF;
	_ =	strace $0x90000049  }
0xb3: {  	s29 =	simm.s32 $0x9;
	_ =	strace $0x8000004B  }
0xb4: {  	_ =	swait.ge [sflag:s29], $0x1  }
0xb5: {  	[sflag:s29] =	ssyncadd.s32 $0xFFFFFFFF  }
0xb6: {  	_ =	strace $0x9000004B  }
0xb7: {  	_ =	sfence  }
0xb8: {  	s30 =	sld [smem:$0x0];
	_ =	sdelay $0x2  }
0xb9: {  	s31 =	sshll.u32 s1, $0xD;
	s1 =	sshrl.u32 s1, $0x2  }
0xba: {  	s3 =	sand.u32 $0x4000, s31;
	s1 =	sadd.s32 s1, s30  }
0xbb: {  	s0 =	sor.u32 s3, s0;
	s1 =	sshll.u32 s1, $0x11  }
0xbc: {  	s0 =	sor.u32 s1, s0  }
0xbd: {  	s0 =	sadd.s32 $0x8F2B, s0  }
0xbe: {  	[sflag:s0] =	ssyncadd.remote.s32 $0x1  }
0xbf: {  	_ =	sfence.sel $0xFFFF  }
0xc0: {  	[dreg:$0x0] =	wrdreg $0xFFFFFFFF;
	(pc) =	sbr.abs _section_cstart, $3  }
0xc1: {  	[dreg:$0x1] =	wrdreg $0xFFFFFFFF  }
0xc2: {  	_ =	task.clear_ibuf [dreg:s7], $0x2FFFF;
	_ =	strace $0x9FFFFFFF  }
0xc3: {  	(tm) =	ssettm $0x7FFFFFFF  }
tec
execute0_lowered:
.L_overlay_start_1:
0x0: {  	(tag) =	ssettag $0x1  }
0x1: {  	s1 =	rddreg [dreg:$0x0]  }
0x2: {  	s0 =	rddreg [dreg:$0x1]  }
0x3: {  	s3 =	rddreg [dreg:$0x2]  }
0x4: {  	s4 =	simm.s32 $0x0;
	s20 =	stileid.u32;
	s2 =	srdreg.scid  }
0x5: {  	s28 =	simm.s32 $0x1F00;
	s29 =	simm.s32 $0x1F80;
	s31 =	simm.s32 $0x0  }
0x6: {  	[smem:$0x7FF] =	sst s4;
	s5 =	smul.u32 $0x2700, s20;
	s2 =	sand.u32 $0x1, s2  }
0x7: {  	s6 =	sadd.s32 $0x2200, s0;
	s8 =	smul.u32 $0x4E000, s20;
	s16 =	sadd.s32 $0x12200, s0  }
0x8: {  	s17 =	sadd.s32 $0x49400, s0;
	s15 =	sshll.u32 s20, $0xC;
	s21 =	sadd.s32 $0x124800, s3  }
0x9: {  	p0 =	seq.s32 s20, $0xF;
	_ =	strace $0x8000004A;
	s7 =	ssub.s32 $0x2, s2  }
0xa: {  	s18 =	sshll.u32 s2, $0xB;
	[dreg:$0x6] =	wrdreg s21;
	s2 =	smul.u32 $0x138C00, s2  }
0xb: {  	s21 =	simm.s32 $0x1000;
	s5 =	sadd.s32 s5, s0;
	s9 =	sshrl.u32 s7, $0x1  }
0xc: {  	s14 =	sshrl.u32 s8, $0x2;
	s22 =	sor.u32 s18, s15;
	s8 =	sadd.s32 $0x46B00, s0  }
0xd: {  	s18 =	smul.u32 $0x13800, s20;
	s20 =	simm.s32 $0x2;
	s19 =	ssub.s32 s7, s9  }
0xe: {  	s7 =	sadd.s32 s14, s3;
	s5 =	sadd.s32 $0x22200, s5;
	s9 =	sadd.s32 s6, s22  }
0xf: {  	s23 =	sor.u32 $0x200, s22;
	s10 =	sadd.s32 s16, s22;
	s24 =	sor.u32 $0x400, s22  }
0x10: {  	s25 =	sor.u32 $0x600, s22;
	s22 =	simm.s32 $0x50;
	[dreg:$0x4] =	wrdreg s7  }
0x11: {  	[dreg:$0x5] =	wrdreg s5;
	s11 =	sadd.s32 s6, s23;
	s12 =	sadd.s32 s16, s23  }
0x12: {  	s13 =	sadd.s32 s6, s24;
	s14 =	sadd.s32 s16, s24;
	s15 =	sadd.s32 s6, s25  }
0x13: {  	s26 =	sadd.s32 s18, s2;
	s2 =	sshrl.u32 s2, $0x3;
	s16 =	sadd.s32 s16, s25  }
0x14: {  	s19 =	smax.u32 s19, $0x1;
	s23 =	simm.s32 $0x2000;
	s24 =	simm.s32 $0x80  }
0x15: {  	s25 =	simm.s32 $0x4800;
	s30 =	sshrl.u32 s26, $0x3;
	s2 =	sadd.s32 s17, s2  }
0x16: {  	s26 =	simm.s32 $0x1;
	s17 =	sadd.s32 s17, s30;
	s18 =	sadd.s32 $0x24900, s2  }
.LBB2_1:
0x17: {  	s0 =	rddreg [dreg:$0x6]  }
0x18: {  	s2 =	simm.s32 @p0 $0x1FC2;
	s0 =	sshrl.u32 @p0 s0, $0x3  }
0x19: {  	[spmem:s0], [sflag:s2] =	dma.local @p0 [hbm:s8], $0x2880  }
0x1a: {  	s2 =	simm.s32 @p0 $0x2  }
0x1b: {  	_ =	swait.ge @p0 [sflag:s2], $0x2880  }
0x1c: {  	s5 =	stileid.u32;
	[sflag:s2] =	ssyncset.done @p0 $0x0  }
0x1d: {  	s5 =	sshll.u32 @!p0 s5, $0x6;
	[sflag:s2] =	ssyncadd.s32 @p0 $0xFFFFD780;
	s2 =	rddreg [dreg:$0x4]  }
0x1e: {  	s30 =	sor.u32 @!p0 $0x1C02, s5;
	s5 =	rddreg [dreg:$0x5];
	s2 =	sshrl.u32 @!p0 s2, $0x3  }
0x1f: {  	[spmem:s2], [sflag:s30] =	dma.local @!p0 [hbm:s5], $0x2700  }
0x20: {  	s5 =	simm.s32 @!p0 $0x2  }
0x21: {  	_ =	swait.ge @!p0 [sflag:s5], $0x2700  }
0x22: {  	[sflag:s5] =	ssyncset.done @!p0 $0x0  }
0x23: {  	[sflag:s5] =	ssyncadd.s32 @!p0 $0xFFFFD900  }
0x24: {  	[bflag:$0x0] =	sbarrier.arrive $0xFFFF  }
0x25: {  	[tilespmem:s4], [sflag:$0x2] =	stream.linear.gather [hbm4b:s9+s4], $0x1000, $0x38;
	[tilespmem:$0x1A8C0] =	vst v63  }
0x26: {  	_ =	swait.ge [sflag:s20], $0x1000  }
0x27: {  	[sflag:s20] =	ssyncset.done $0x0  }
0x28: {  	[sflag:s20] =	ssyncadd.s32 $0xFFFFF000  }
0x29: {  	[tilespmem:s21], [sflag:$0x2] =	stream.linear.gather [hbm4b:s10+s4], $0x1000, $0x38;
	[tilespmem:$0x1A8C0] =	vst v63  }
0x2a: {  	_ =	swait.ge [sflag:s20], $0x1000  }
0x2b: {  	[sflag:s20] =	ssyncset.done $0x0  }
0x2c: {  	[sflag:s20] =	ssyncadd.s32 $0xFFFFF000  }
0x2d: {  	[tilespmem:s23], [sflag:$0x1] =	stream.indirect.gather [hbm4b:s1+s22], $0x80, s4, s22, $0xb8;
	[tilespmem:$0x1A8C0] =	vst v63  }
0x2e: {  	_ = 	snop  }
0x2f: {  	[tilespmem:s25], [sflag:$0x1] =	stream.indirect.gather [hbm4b:s1+s22], $0x80, s24, s22, $0xb8;
	[tilespmem:$0x1A8C0] =	vst v63  }
0x30: {  	_ =	swait.ge [sflag:s26], $0x2800  }
0x31: {  	[sflag:s26] =	ssyncset.done $0x0  }
0x32: {  	s7 =	simm.s32 $0x1000;
	[sflag:s26] =	ssyncadd.s32 $0xFFFFD800  }
0x33: {  	[spmem:s3] =	stream.indirect.scatter.add.f32 [tilespmem:s23], [sflag:$0x2], $0x80, s7, s22, $0xb8;
	[tilespmem:$0x1A8C0] =	vst v63  }
0x34: {  	_ =	swait.ge [sflag:s20], $0x2800  }
0x35: {  	[sflag:s20] =	ssyncset.done $0x0  }
0x36: {  	s6 =	simm.s32 $0x100;
	[sflag:s20] =	ssyncadd.s32 $0xFFFFD800  }
0x37: {  	[tilespmem:s23], [sflag:$0x1] =	stream.indirect.gather [hbm4b:s1+s22], $0x80, s6, s22, $0xb8;
	[tilespmem:$0x1A8C0] =	vst v63  }
0x38: {  	_ =	swait.ge [sflag:s26], $0x2800  }
0x39: {  	[sflag:s26] =	ssyncset.done $0x0  }
0x3a: {  	s7 =	simm.s32 $0x1080;
	[sflag:s26] =	ssyncadd.s32 $0xFFFFD800  }
0x3b: {  	[spmem:s3] =	stream.indirect.scatter.add.f32 [tilespmem:s25], [sflag:$0x2], $0x80, s7, s22, $0xb8;
	[tilespmem:$0x1A8C0] =	vst v63  }
0x3c: {  	_ =	swait.ge [sflag:s20], $0x2800  }
0x3d: {  	[sflag:s20] =	ssyncset.done $0x0  }
0x3e: {  	s5 =	simm.s32 $0x400;
	s6 =	simm.s32 $0x180;
	[sflag:s20] =	ssyncadd.s32 $0xFFFFD800  }
.LBB2_2:
0x3f: {  	[tilespmem:s25], [sflag:$0x1] =	stream.indirect.gather [hbm4b:s1+s22], $0x80, s6, s22, $0xb8;
	[tilespmem:$0x1A8C0] =	vst v63  }
0x40: {  	s6 =	smov.u32 s5  }
0x41: {  	p1 =	sne.s32 s5, $0x3800;
	s5 =	sadd.s32 $0x400, s5;
	_ =	swait.ge [sflag:s26], $0x2800  }
0x42: {  	s6 =	sshra.s32 s6, $0x2;
	[sflag:s26] =	ssyncset.done $0x0  }
0x43: {  	s7 =	sadd.s32 $0x1000, s6;
	[sflag:s26] =	ssyncadd.s32 $0xFFFFD800  }
0x44: {  	[spmem:s3] =	stream.indirect.scatter.add.f32 [tilespmem:s23], [sflag:$0x2], $0x80, s7, s22, $0xb8;
	[tilespmem:$0x1A8C0] =	vst v63  }
0x45: {  	_ =	swait.ge [sflag:s20], $0x2800  }
0x46: {  	[sflag:s20] =	ssyncset.done $0x0  }
0x47: {  	s7 =	sadd.s32 $0x100, s6;
	[sflag:s20] =	ssyncadd.s32 $0xFFFFD800  }
0x48: {  	[tilespmem:s23], [sflag:$0x1] =	stream.indirect.gather [hbm4b:s1+s22], $0x80, s7, s22, $0xb8;
	[tilespmem:$0x1A8C0] =	vst v63  }
0x49: {  	_ =	swait.ge [sflag:s26], $0x2800  }
0x4a: {  	[sflag:s26] =	ssyncset.done $0x0  }
.Ltmp0:
0x4b: {  	s7 =	sadd.s32 $0x1080, s6;
	[sflag:s26] =	ssyncadd.s32 $0xFFFFD800;
	(pc) =	sbr.rel @p1 .LBB2_2-.Ltmp0, $4  }
0x4c: {  	[spmem:s3] =	stream.indirect.scatter.add.f32 [tilespmem:s25], [sflag:$0x2], $0x80, s7, s22, $0xb8;
	[tilespmem:$0x1A8C0] =	vst v63  }
0x4d: {  	_ =	swait.ge [sflag:s20], $0x2800  }
0x4e: {  	[sflag:s20] =	ssyncset.done $0x0  }
0x4f: {  	s6 =	sadd.s32 $0x180, s6;
	[sflag:s20] =	ssyncadd.s32 $0xFFFFD800  }
0x50: {  	[tilespmem:s25], [sflag:$0x1] =	stream.indirect.gather [hbm4b:s1+s22], $0x80, s6, s22, $0xb8;
	[tilespmem:$0x1A8C0] =	vst v63  }
0x51: {  	_ =	swait.ge [sflag:s26], $0x2800  }
0x52: {  	[sflag:s26] =	ssyncset.done $0x0  }
0x53: {  	[sflag:s26] =	ssyncadd.s32 $0xFFFFD800  }
0x54: {  	[spmem:s3] =	stream.indirect.scatter.add.f32 [tilespmem:s23], [sflag:$0x2], $0x80, s28, s22, $0xb8;
	[tilespmem:$0x1A8C0] =	vst v63  }
0x55: {  	_ =	swait.ge [sflag:s20], $0x2800  }
0x56: {  	[sflag:s20] =	ssyncset.done $0x0  }
0x57: {  	[sflag:s20] =	ssyncadd.s32 $0xFFFFD800  }
0x58: {  	_ =	swait.ge [sflag:s26], $0x2800  }
0x59: {  	[sflag:s26] =	ssyncset.done $0x0  }
0x5a: {  	[sflag:s26] =	ssyncadd.s32 $0xFFFFD800  }
0x5b: {  	[spmem:s3] =	stream.indirect.scatter.add.f32 [tilespmem:s25], [sflag:$0x2], $0x80, s29, s22, $0xb8;
	[tilespmem:$0x1A8C0] =	vst v63  }
0x5c: {  	_ =	swait.ge [sflag:s20], $0x2800  }
0x5d: {  	[sflag:s20] =	ssyncset.done $0x0  }
0x5e: {  	s5 =	simm.s32 $0x0;
	[sflag:s20] =	ssyncadd.s32 $0xFFFFD800  }
0x5f: {  	[tilespmem:s5], [sflag:$0x2] =	stream.linear.gather [hbm4b:s11+s5], $0x1000, $0x38;
	[tilespmem:$0x1A8C0] =	vst v63  }
0x60: {  	_ =	swait.ge [sflag:s20], $0x1000  }
0x61: {  	[sflag:s20] =	ssyncset.done $0x0  }
0x62: {  	[sflag:s20] =	ssyncadd.s32 $0xFFFFF000  }
0x63: {  	[tilespmem:s21], [sflag:$0x2] =	stream.linear.gather [hbm4b:s12+s5], $0x1000, $0x38;
	[tilespmem:$0x1A8C0] =	vst v63  }
0x64: {  	_ =	swait.ge [sflag:s20], $0x1000  }
0x65: {  	[sflag:s20] =	ssyncset.done $0x0  }
0x66: {  	[sflag:s20] =	ssyncadd.s32 $0xFFFFF000  }
0x67: {  	[tilespmem:s23], [sflag:$0x1] =	stream.indirect.gather [hbm4b:s1+s22], $0x80, s5, s22, $0xb8;
	[tilespmem:$0x1A8C0] =	vst v63  }
0x68: {  	_ = 	snop  }
0x69: {  	[tilespmem:s25], [sflag:$0x1] =	stream.indirect.gather [hbm4b:s1+s22], $0x80, s24, s22, $0xb8;
	[tilespmem:$0x1A8C0] =	vst v63  }
0x6a: {  	_ =	swait.ge [sflag:s26], $0x2800  }
0x6b: {  	[sflag:s26] =	ssyncset.done $0x0  }
0x6c: {  	s7 =	simm.s32 $0x1000;
	[sflag:s26] =	ssyncadd.s32 $0xFFFFD800  }
0x6d: {  	[spmem:s3] =	stream.indirect.scatter.add.f32 [tilespmem:s23], [sflag:$0x2], $0x80, s7, s22, $0xb8;
	[tilespmem:$0x1A8C0] =	vst v63  }
0x6e: {  	_ =	swait.ge [sflag:s20], $0x2800  }
0x6f: {  	[sflag:s20] =	ssyncset.done $0x0  }
0x70: {  	s6 =	simm.s32 $0x100;
	[sflag:s20] =	ssyncadd.s32 $0xFFFFD800  }
0x71: {  	[tilespmem:s23], [sflag:$0x1] =	stream.indirect.gather [hbm4b:s1+s22], $0x80, s6, s22, $0xb8;
	[tilespmem:$0x1A8C0] =	vst v63  }
0x72: {  	_ =	swait.ge [sflag:s26], $0x2800  }
0x73: {  	[sflag:s26] =	ssyncset.done $0x0  }
0x74: {  	s7 =	simm.s32 $0x1080;
	[sflag:s26] =	ssyncadd.s32 $0xFFFFD800  }
0x75: {  	[spmem:s3] =	stream.indirect.scatter.add.f32 [tilespmem:s25], [sflag:$0x2], $0x80, s7, s22, $0xb8;
	[tilespmem:$0x1A8C0] =	vst v63  }
0x76: {  	_ =	swait.ge [sflag:s20], $0x2800  }
0x77: {  	[sflag:s20] =	ssyncset.done $0x0  }
0x78: {  	s5 =	simm.s32 $0x400;
	s6 =	simm.s32 $0x180;
	[sflag:s20] =	ssyncadd.s32 $0xFFFFD800  }
.LBB2_4:
0x79: {  	[tilespmem:s25], [sflag:$0x1] =	stream.indirect.gather [hbm4b:s1+s22], $0x80, s6, s22, $0xb8;
	[tilespmem:$0x1A8C0] =	vst v63  }
0x7a: {  	s6 =	smov.u32 s5  }
0x7b: {  	p1 =	sne.s32 s5, $0x3800;
	s5 =	sadd.s32 $0x400, s5;
	_ =	swait.ge [sflag:s26], $0x2800  }
0x7c: {  	s6 =	sshra.s32 s6, $0x2;
	[sflag:s26] =	ssyncset.done $0x0  }
0x7d: {  	s7 =	sadd.s32 $0x1000, s6;
	[sflag:s26] =	ssyncadd.s32 $0xFFFFD800  }
0x7e: {  	[spmem:s3] =	stream.indirect.scatter.add.f32 [tilespmem:s23], [sflag:$0x2], $0x80, s7, s22, $0xb8;
	[tilespmem:$0x1A8C0] =	vst v63  }
0x7f: {  	_ =	swait.ge [sflag:s20], $0x2800  }
0x80: {  	[sflag:s20] =	ssyncset.done $0x0  }
0x81: {  	s7 =	sadd.s32 $0x100, s6;
	[sflag:s20] =	ssyncadd.s32 $0xFFFFD800  }
0x82: {  	[tilespmem:s23], [sflag:$0x1] =	stream.indirect.gather [hbm4b:s1+s22], $0x80, s7, s22, $0xb8;
	[tilespmem:$0x1A8C0] =	vst v63  }
0x83: {  	_ =	swait.ge [sflag:s26], $0x2800  }
0x84: {  	[sflag:s26] =	ssyncset.done $0x0  }
.Ltmp1:
0x85: {  	s7 =	sadd.s32 $0x1080, s6;
	[sflag:s26] =	ssyncadd.s32 $0xFFFFD800;
	(pc) =	sbr.rel @p1 .LBB2_4-.Ltmp1, $4  }
0x86: {  	[spmem:s3] =	stream.indirect.scatter.add.f32 [tilespmem:s25], [sflag:$0x2], $0x80, s7, s22, $0xb8;
	[tilespmem:$0x1A8C0] =	vst v63  }
0x87: {  	_ =	swait.ge [sflag:s20], $0x2800  }
0x88: {  	[sflag:s20] =	ssyncset.done $0x0  }
0x89: {  	s6 =	sadd.s32 $0x180, s6;
	[sflag:s20] =	ssyncadd.s32 $0xFFFFD800  }
0x8a: {  	[tilespmem:s25], [sflag:$0x1] =	stream.indirect.gather [hbm4b:s1+s22], $0x80, s6, s22, $0xb8;
	[tilespmem:$0x1A8C0] =	vst v63  }
0x8b: {  	_ =	swait.ge [sflag:s26], $0x2800  }
0x8c: {  	[sflag:s26] =	ssyncset.done $0x0  }
0x8d: {  	[sflag:s26] =	ssyncadd.s32 $0xFFFFD800  }
0x8e: {  	[spmem:s3] =	stream.indirect.scatter.add.f32 [tilespmem:s23], [sflag:$0x2], $0x80, s28, s22, $0xb8;
	[tilespmem:$0x1A8C0] =	vst v63  }
0x8f: {  	_ =	swait.ge [sflag:s20], $0x2800  }
0x90: {  	[sflag:s20] =	ssyncset.done $0x0  }
0x91: {  	[sflag:s20] =	ssyncadd.s32 $0xFFFFD800  }
0x92: {  	_ =	swait.ge [sflag:s26], $0x2800  }
0x93: {  	[sflag:s26] =	ssyncset.done $0x0  }
0x94: {  	[sflag:s26] =	ssyncadd.s32 $0xFFFFD800  }
0x95: {  	[spmem:s3] =	stream.indirect.scatter.add.f32 [tilespmem:s25], [sflag:$0x2], $0x80, s29, s22, $0xb8;
	[tilespmem:$0x1A8C0] =	vst v63  }
0x96: {  	_ =	swait.ge [sflag:s20], $0x2800  }
0x97: {  	[sflag:s20] =	ssyncset.done $0x0  }
0x98: {  	s5 =	simm.s32 $0x0;
	[sflag:s20] =	ssyncadd.s32 $0xFFFFD800  }
0x99: {  	[tilespmem:s5], [sflag:$0x2] =	stream.linear.gather [hbm4b:s13+s5], $0x1000, $0x38;
	[tilespmem:$0x1A8C0] =	vst v63  }
0x9a: {  	_ =	swait.ge [sflag:s20], $0x1000  }
0x9b: {  	[sflag:s20] =	ssyncset.done $0x0  }
0x9c: {  	[sflag:s20] =	ssyncadd.s32 $0xFFFFF000  }
0x9d: {  	[tilespmem:s21], [sflag:$0x2] =	stream.linear.gather [hbm4b:s14+s5], $0x1000, $0x38;
	[tilespmem:$0x1A8C0] =	vst v63  }
0x9e: {  	_ =	swait.ge [sflag:s20], $0x1000  }
0x9f: {  	[sflag:s20] =	ssyncset.done $0x0  }
0xa0: {  	[sflag:s20] =	ssyncadd.s32 $0xFFFFF000  }
0xa1: {  	[tilespmem:s23], [sflag:$0x1] =	stream.indirect.gather [hbm4b:s1+s22], $0x80, s5, s22, $0xb8;
	[tilespmem:$0x1A8C0] =	vst v63  }
0xa2: {  	_ = 	snop  }
0xa3: {  	[tilespmem:s25], [sflag:$0x1] =	stream.indirect.gather [hbm4b:s1+s22], $0x80, s24, s22, $0xb8;
	[tilespmem:$0x1A8C0] =	vst v63  }
0xa4: {  	_ =	swait.ge [sflag:s26], $0x2800  }
0xa5: {  	[sflag:s26] =	ssyncset.done $0x0  }
0xa6: {  	s7 =	simm.s32 $0x1000;
	[sflag:s26] =	ssyncadd.s32 $0xFFFFD800  }
0xa7: {  	[spmem:s3] =	stream.indirect.scatter.add.f32 [tilespmem:s23], [sflag:$0x2], $0x80, s7, s22, $0xb8;
	[tilespmem:$0x1A8C0] =	vst v63  }
0xa8: {  	_ =	swait.ge [sflag:s20], $0x2800  }
0xa9: {  	[sflag:s20] =	ssyncset.done $0x0  }
0xaa: {  	s6 =	simm.s32 $0x100;
	[sflag:s20] =	ssyncadd.s32 $0xFFFFD800  }
0xab: {  	[tilespmem:s23], [sflag:$0x1] =	stream.indirect.gather [hbm4b:s1+s22], $0x80, s6, s22, $0xb8;
	[tilespmem:$0x1A8C0] =	vst v63  }
0xac: {  	_ =	swait.ge [sflag:s26], $0x2800  }
0xad: {  	[sflag:s26] =	ssyncset.done $0x0  }
0xae: {  	s7 =	simm.s32 $0x1080;
	[sflag:s26] =	ssyncadd.s32 $0xFFFFD800  }
0xaf: {  	[spmem:s3] =	stream.indirect.scatter.add.f32 [tilespmem:s25], [sflag:$0x2], $0x80, s7, s22, $0xb8;
	[tilespmem:$0x1A8C0] =	vst v63  }
0xb0: {  	_ =	swait.ge [sflag:s20], $0x2800  }
0xb1: {  	[sflag:s20] =	ssyncset.done $0x0  }
0xb2: {  	s5 =	simm.s32 $0x400;
	s6 =	simm.s32 $0x180;
	[sflag:s20] =	ssyncadd.s32 $0xFFFFD800  }
.LBB2_6:
0xb3: {  	[tilespmem:s25], [sflag:$0x1] =	stream.indirect.gather [hbm4b:s1+s22], $0x80, s6, s22, $0xb8;
	[tilespmem:$0x1A8C0] =	vst v63  }
0xb4: {  	s6 =	smov.u32 s5  }
0xb5: {  	p1 =	sne.s32 s5, $0x3800;
	s5 =	sadd.s32 $0x400, s5;
	_ =	swait.ge [sflag:s26], $0x2800  }
0xb6: {  	s6 =	sshra.s32 s6, $0x2;
	[sflag:s26] =	ssyncset.done $0x0  }
0xb7: {  	s7 =	sadd.s32 $0x1000, s6;
	[sflag:s26] =	ssyncadd.s32 $0xFFFFD800  }
0xb8: {  	[spmem:s3] =	stream.indirect.scatter.add.f32 [tilespmem:s23], [sflag:$0x2], $0x80, s7, s22, $0xb8;
	[tilespmem:$0x1A8C0] =	vst v63  }
0xb9: {  	_ =	swait.ge [sflag:s20], $0x2800  }
0xba: {  	[sflag:s20] =	ssyncset.done $0x0  }
0xbb: {  	s7 =	sadd.s32 $0x100, s6;
	[sflag:s20] =	ssyncadd.s32 $0xFFFFD800  }
0xbc: {  	[tilespmem:s23], [sflag:$0x1] =	stream.indirect.gather [hbm4b:s1+s22], $0x80, s7, s22, $0xb8;
	[tilespmem:$0x1A8C0] =	vst v63  }
0xbd: {  	_ =	swait.ge [sflag:s26], $0x2800  }
0xbe: {  	[sflag:s26] =	ssyncset.done $0x0  }
.Ltmp2:
0xbf: {  	s7 =	sadd.s32 $0x1080, s6;
	[sflag:s26] =	ssyncadd.s32 $0xFFFFD800;
	(pc) =	sbr.rel @p1 .LBB2_6-.Ltmp2, $4  }
0xc0: {  	[spmem:s3] =	stream.indirect.scatter.add.f32 [tilespmem:s25], [sflag:$0x2], $0x80, s7, s22, $0xb8;
	[tilespmem:$0x1A8C0] =	vst v63  }
0xc1: {  	_ =	swait.ge [sflag:s20], $0x2800  }
0xc2: {  	[sflag:s20] =	ssyncset.done $0x0  }
0xc3: {  	s6 =	sadd.s32 $0x180, s6;
	[sflag:s20] =	ssyncadd.s32 $0xFFFFD800  }
0xc4: {  	[tilespmem:s25], [sflag:$0x1] =	stream.indirect.gather [hbm4b:s1+s22], $0x80, s6, s22, $0xb8;
	[tilespmem:$0x1A8C0] =	vst v63  }
0xc5: {  	_ =	swait.ge [sflag:s26], $0x2800  }
0xc6: {  	[sflag:s26] =	ssyncset.done $0x0  }
0xc7: {  	[sflag:s26] =	ssyncadd.s32 $0xFFFFD800  }
0xc8: {  	[spmem:s3] =	stream.indirect.scatter.add.f32 [tilespmem:s23], [sflag:$0x2], $0x80, s28, s22, $0xb8;
	[tilespmem:$0x1A8C0] =	vst v63  }
0xc9: {  	_ =	swait.ge [sflag:s20], $0x2800  }
0xca: {  	[sflag:s20] =	ssyncset.done $0x0  }
0xcb: {  	[sflag:s20] =	ssyncadd.s32 $0xFFFFD800  }
0xcc: {  	_ =	swait.ge [sflag:s26], $0x2800  }
0xcd: {  	[sflag:s26] =	ssyncset.done $0x0  }
0xce: {  	[sflag:s26] =	ssyncadd.s32 $0xFFFFD800  }
0xcf: {  	[spmem:s3] =	stream.indirect.scatter.add.f32 [tilespmem:s25], [sflag:$0x2], $0x80, s29, s22, $0xb8;
	[tilespmem:$0x1A8C0] =	vst v63  }
0xd0: {  	_ =	swait.ge [sflag:s20], $0x2800  }
0xd1: {  	[sflag:s20] =	ssyncset.done $0x0  }
0xd2: {  	s5 =	simm.s32 $0x0;
	[sflag:s20] =	ssyncadd.s32 $0xFFFFD800  }
0xd3: {  	[tilespmem:s5], [sflag:$0x2] =	stream.linear.gather [hbm4b:s15+s5], $0x1000, $0x38;
	[tilespmem:$0x1A8C0] =	vst v63  }
0xd4: {  	_ =	swait.ge [sflag:s20], $0x1000  }
0xd5: {  	[sflag:s20] =	ssyncset.done $0x0  }
0xd6: {  	[sflag:s20] =	ssyncadd.s32 $0xFFFFF000  }
0xd7: {  	[tilespmem:s21], [sflag:$0x2] =	stream.linear.gather [hbm4b:s16+s5], $0x1000, $0x38;
	[tilespmem:$0x1A8C0] =	vst v63  }
0xd8: {  	_ =	swait.ge [sflag:s20], $0x1000  }
0xd9: {  	[sflag:s20] =	ssyncset.done $0x0  }
0xda: {  	[sflag:s20] =	ssyncadd.s32 $0xFFFFF000  }
0xdb: {  	[tilespmem:s23], [sflag:$0x1] =	stream.indirect.gather [hbm4b:s1+s22], $0x80, s5, s22, $0xb8;
	[tilespmem:$0x1A8C0] =	vst v63  }
0xdc: {  	_ = 	snop  }
0xdd: {  	[tilespmem:s25], [sflag:$0x1] =	stream.indirect.gather [hbm4b:s1+s22], $0x80, s24, s22, $0xb8;
	[tilespmem:$0x1A8C0] =	vst v63  }
0xde: {  	_ =	swait.ge [sflag:s26], $0x2800  }
0xdf: {  	[sflag:s26] =	ssyncset.done $0x0  }
0xe0: {  	s7 =	simm.s32 $0x1000;
	[sflag:s26] =	ssyncadd.s32 $0xFFFFD800  }
0xe1: {  	[spmem:s3] =	stream.indirect.scatter.add.f32 [tilespmem:s23], [sflag:$0x2], $0x80, s7, s22, $0xb8;
	[tilespmem:$0x1A8C0] =	vst v63  }
0xe2: {  	_ =	swait.ge [sflag:s20], $0x2800  }
0xe3: {  	[sflag:s20] =	ssyncset.done $0x0  }
0xe4: {  	s6 =	simm.s32 $0x100;
	[sflag:s20] =	ssyncadd.s32 $0xFFFFD800  }
0xe5: {  	[tilespmem:s23], [sflag:$0x1] =	stream.indirect.gather [hbm4b:s1+s22], $0x80, s6, s22, $0xb8;
	[tilespmem:$0x1A8C0] =	vst v63  }
0xe6: {  	_ =	swait.ge [sflag:s26], $0x2800  }
0xe7: {  	[sflag:s26] =	ssyncset.done $0x0  }
0xe8: {  	s7 =	simm.s32 $0x1080;
	[sflag:s26] =	ssyncadd.s32 $0xFFFFD800  }
0xe9: {  	[spmem:s3] =	stream.indirect.scatter.add.f32 [tilespmem:s25], [sflag:$0x2], $0x80, s7, s22, $0xb8;
	[tilespmem:$0x1A8C0] =	vst v63  }
0xea: {  	_ =	swait.ge [sflag:s20], $0x2800  }
0xeb: {  	[sflag:s20] =	ssyncset.done $0x0  }
0xec: {  	s5 =	simm.s32 $0x400;
	s6 =	simm.s32 $0x180;
	[sflag:s20] =	ssyncadd.s32 $0xFFFFD800  }
.LBB2_8:
0xed: {  	[tilespmem:s25], [sflag:$0x1] =	stream.indirect.gather [hbm4b:s1+s22], $0x80, s6, s22, $0xb8;
	[tilespmem:$0x1A8C0] =	vst v63  }
0xee: {  	s6 =	smov.u32 s5  }
0xef: {  	p1 =	sne.s32 s5, $0x3000;
	s5 =	sadd.s32 $0x400, s5;
	_ =	swait.ge [sflag:s26], $0x2800  }
0xf0: {  	s6 =	sshra.s32 s6, $0x2;
	[sflag:s26] =	ssyncset.done $0x0  }
0xf1: {  	s7 =	sadd.s32 $0x1000, s6;
	[sflag:s26] =	ssyncadd.s32 $0xFFFFD800  }
0xf2: {  	[spmem:s3] =	stream.indirect.scatter.add.f32 [tilespmem:s23], [sflag:$0x2], $0x80, s7, s22, $0xb8;
	[tilespmem:$0x1A8C0] =	vst v63  }
0xf3: {  	_ =	swait.ge [sflag:s20], $0x2800  }
0xf4: {  	[sflag:s20] =	ssyncset.done $0x0  }
0xf5: {  	s7 =	sadd.s32 $0x100, s6;
	[sflag:s20] =	ssyncadd.s32 $0xFFFFD800  }
0xf6: {  	[tilespmem:s23], [sflag:$0x1] =	stream.indirect.gather [hbm4b:s1+s22], $0x80, s7, s22, $0xb8;
	[tilespmem:$0x1A8C0] =	vst v63  }
0xf7: {  	_ =	swait.ge [sflag:s26], $0x2800  }
0xf8: {  	[sflag:s26] =	ssyncset.done $0x0  }
.Ltmp3:
0xf9: {  	s7 =	sadd.s32 $0x1080, s6;
	[sflag:s26] =	ssyncadd.s32 $0xFFFFD800;
	(pc) =	sbr.rel @p1 .LBB2_8-.Ltmp3, $4  }
0xfa: {  	[spmem:s3] =	stream.indirect.scatter.add.f32 [tilespmem:s25], [sflag:$0x2], $0x80, s7, s22, $0xb8;
	[tilespmem:$0x1A8C0] =	vst v63  }
0xfb: {  	_ =	swait.ge [sflag:s20], $0x2800  }
0xfc: {  	[sflag:s20] =	ssyncset.done $0x0  }
0xfd: {  	s6 =	sadd.s32 $0x180, s6;
	[sflag:s20] =	ssyncadd.s32 $0xFFFFD800  }
0xfe: {  	[tilespmem:s25], [sflag:$0x1] =	stream.indirect.gather [hbm4b:s1+s22], $0x80, s6, s22, $0xb8;
	[tilespmem:$0x1A8C0] =	vst v63  }
0xff: {  	_ =	swait.ge [sflag:s26], $0x2800  }
0x100: {  	[sflag:s26] =	ssyncset.done $0x0  }
0x101: {  	s5 =	simm.s32 $0x1D00;
	[sflag:s26] =	ssyncadd.s32 $0xFFFFD800  }
0x102: {  	[spmem:s3] =	stream.indirect.scatter.add.f32 [tilespmem:s23], [sflag:$0x2], $0x80, s5, s22, $0xb8;
	[tilespmem:$0x1A8C0] =	vst v63  }
0x103: {  	_ =	swait.ge [sflag:s20], $0x2800  }
0x104: {  	[sflag:s20] =	ssyncset.done $0x0  }
0x105: {  	s7 =	simm.s32 $0xE00;
	[sflag:s20] =	ssyncadd.s32 $0xFFFFD800  }
0x106: {  	[tilespmem:s23], [sflag:$0x1] =	stream.indirect.gather [hbm4b:s1+s22], $0x80, s7, s22, $0xb8;
	[tilespmem:$0x1A8C0] =	vst v63  }
0x107: {  	_ =	swait.ge [sflag:s26], $0x2800  }
0x108: {  	[sflag:s26] =	ssyncset.done $0x0  }
0x109: {  	s6 =	simm.s32 $0x1D80;
	[sflag:s26] =	ssyncadd.s32 $0xFFFFD800  }
0x10a: {  	[spmem:s3] =	stream.indirect.scatter.add.f32 [tilespmem:s25], [sflag:$0x2], $0x80, s6, s22, $0xb8;
	[tilespmem:$0x1A8C0] =	vst v63  }
0x10b: {  	_ =	swait.ge [sflag:s20], $0x2800  }
0x10c: {  	[sflag:s20] =	ssyncset.done $0x0  }
0x10d: {  	[sflag:s20] =	ssyncadd.s32 $0xFFFFD800  }
0x10e: {  	_ =	swait.ge [sflag:s26], $0x2800  }
0x10f: {  	[sflag:s26] =	ssyncset.done $0x0  }
0x110: {  	s7 =	simm.s32 $0x1E00;
	[sflag:s26] =	ssyncadd.s32 $0xFFFFD800  }
0x111: {  	[spmem:s3] =	stream.indirect.scatter.add.f32 [tilespmem:s23], [sflag:$0x2], $0x80, s7, s22, $0xb8;
	[tilespmem:$0x1A8C0] =	vst v63  }
0x112: {  	_ =	swait.ge [sflag:s20], $0x2800  }
0x113: {  	[sflag:s20] =	ssyncset.done $0x0  }
0x114: {  	[sflag:s20] =	ssyncadd.s32 $0xFFFFD800  }
0x115: {  	s5 =	simm.s32 @p0 $0x1FC2;
	[bflag:$0x0] =	sbarrier.arrive $0xFFFF  }
0x116: {  	[hbm:s18], [sflag:s5] =	dma.local @p0 [spmem:s0], $0x2880  }
0x117: {  	s0 =	simm.s32 @p0 $0x2  }
0x118: {  	s31 =	sadd.s32 $0x1, s31;
	_ =	swait.ge @p0 [sflag:s0], $0x2880  }
0x119: {  	p1 =	sne.s32 s31, s19;
	[sflag:s0] =	ssyncset.done @p0 $0x0  }
.Ltmp4:
0x11a: {  	[sflag:s0] =	ssyncadd.s32 @p0 $0xFFFFD780;
	s0 =	simm.s32 @!p0 $0x2;
	(pc) =	sbr.rel @p1 .LBB2_1-.Ltmp4, $4  }
0x11b: {  	[hbm:s17], [sflag:s30] =	dma.local @!p0 [spmem:s2], $0x2700  }
0x11c: {  	_ =	swait.ge @!p0 [sflag:s0], $0x2700  }
0x11d: {  	[sflag:s0] =	ssyncset.done @!p0 $0x0  }
0x11e: {  	[sflag:s0] =	ssyncadd.s32 @!p0 $0xFFFFD900  }
0x11f: {  	_ =	sfence.sel $0x180000  }
0x120: {  	[bflag:$0x0] =	sbarrier.arrive $0xFFFF  }
0x121: {  	_ =	strace $0x9000004A  }
0x122: {  	s0 =	stileid.u32;
	[bflag:$0x2] =	sbarrier.arrive $0xFFFF  }
0x123: {  	p0 =	sne.s32 s0, $0x0;
	s0 =	rddreg [dreg:$0x3]  }
0x124: {  	s0 =	sadd.s32 @!p0 $0x100000, s0  }
0x125: {  	[sflag:s0] =	ssyncadd.tile.s32 @!p0 $0x1;
	_ =	shalt  }
.Lfunc_end2:
_tile_overlayer_lowered:
.L_overlay_start_2:
0x126: {  	(tag) =	ssettag $0x2  }
0x127: {  	s0 =	rddreg [dreg:$0x0];
	s2 =	stileid.u32  }
0x128: {  	s1 =	rddreg [dreg:$0x1];
	p0 =	sne.s32 s2, $0x0  }
0x129: {  	s3 =	rddreg [dreg:$0x2];
	[bflag:$0x3] =	sbarrier.arrive $0xFFFF;
	s2 =	simm.s32 @!p0 $0x1C02  }
0x12a: {  	[timem:s3], [sflag:s2] =	dma.local @!p0 [hbm:s0], s1  }
0x12b: {  	s0 =	simm.s32 @!p0 $0x2  }
0x12c: {  	_ =	swait.ge @!p0 [sflag:s0], s1  }
0x12d: {  	s1 =	ssub.s32 @!p0 $0x0, s1;
	[sflag:s0] =	ssyncset.done @!p0 $0x0  }
0x12e: {  	[sflag:s0] =	ssyncadd.s32 @!p0 s1  }
0x12f: {  	[bflag:$0x3] =	sbarrier.arrive $0xFFFF  }
0x130: {  	_ =	shalt  }

// kernel: kernel.7.cloned.1.call-start
scs
__scs_entry_jumppad:
0x0: {  	(pc) =	sbr.rel $0x88, $3  }
0x1: {  	(tag) =	ssettag $0x0;
	lr =	simm.s32 $0x1  }
0x2: {  	[smem:$0x3F96] =	sst lr;
	_ =	strace $0xD0000000  }
0x3: {  	_ = 	snop  }
0x4: {  	_ = 	snop  }
0x5: {  	_ = 	snop  }
0x6: {  	_ = 	snop  }
0x7: {  	_ = 	snop  }
__scs_overlays_trampoline_lowered:
0x8: {  	[smem:$0x3FA5] =	sst s0  }
0x9: {  	[smem:$0x3FA6] =	sst s1  }
0xa: {  	[smem:$0x3FA7] =	sst s2  }
0xb: {  	[smem:$0x3FA8] =	sst s3  }
0xc: {  	[smem:$0x3FA9] =	sst s4  }
0xd: {  	[smem:$0x3FAA] =	sst s5  }
0xe: {  	[smem:$0x3FAB] =	sst s6  }
0xf: {  	[smem:$0x3FAC] =	sst s7  }
0x10: {  	[smem:$0x3FAD] =	sst s8  }
0x11: {  	[smem:$0x3FAE] =	sst s9;
	s0 =	simm.s32 @!p0 $0x0  }
0x12: {  	s1 =	sld [smem:$0x3F94];
	s0 =	simm.s32 @p0 $0x1  }
0x13: {  	[smem:$0x3FAF] =	sst s0;
	s0 =	simm.s32 @!p1 $0x0  }
0x14: {  	s2 =	sld [smem:$0x3F93];
	s0 =	simm.s32 @p1 $0x1  }
0x15: {  	[smem:$0x3FB0] =	sst s0;
	s0 =	simm.s32 @!p2 $0x0  }
0x16: {  	s3 =	sld [smem:$0x3FDB];
	s0 =	simm.s32 @p2 $0x1  }
0x17: {  	s4 =	simm.s32 $0x1BF5;
	[smem:$0x3FB2] =	sst s0  }
0x18: {  	s0 =	sld [smem:$0x3F95];
	_ =	swait.ge [sflag:s4], $0x0  }
0x19: {  	s7 =	sld [smem:$0x3F96]  }
0x1a: {  	s8 =	sadd.s32 $0xFFFFE003, lr  }
0x1b: {  	s9 =	sadd.s32 $0xFFFFFEF7, lr;
	s5 =	simm.s32 $0xFFFFFFFF;
	p2 =	slt.u32 s8, $0xFFFFF086  }
0x1c: {  	p1 =	slt.u32 s9, $0xF7A;
	s5 =	simm.s32 @!p2 $0x0  }
0x1d: {  	s5 =	simm.s32 @p1 $0x1;
	p0 =	seq.s32 s7, s2  }
0x1e: {  	s7 =	smul.u32 @!p0 $0xF7A, s2;
	p2 =	seq.s32 @!p0 s5, $0x0  }
0x1f: {  	s9 =	smul.u32 $0xF7A, s1;
	s8 =	simm.s32 @!p0 $0x1BF5;
	p2 =	por !p2, p0  }
0x20: {  	[sflag:s8] =	ssyncset.s32 @!p0 $0xFFFFF086;
	s6 =	sadd.s32 @!p0 s3, s7;
	s7 =	simm.s32 @!p0 $0x108  }
0x21: {  	s3 =	sadd.s32 s3, s9;
	s6 =	sadd.s32 @!p0 $0x88, s6;
	s7 =	simm.s32 @p2 $0x1082  }
0x22: {  	[simem:s7], [sflag:s8] =	dma.local @!p0 [hbm:s6], $0xF7A  }
0x23: {  	s9 =	sor.u32 $0xD0000000, s2;
	s6 =	simm.s32 $0x108;
	_ =	swait.ge @!p0 [sflag:s8], $0x0  }
0x24: {  	s3 =	sadd.s32 $0x88, s3;
	s6 =	simm.s32 @!p1 $0x1082;
	[sflag:s4] =	ssyncset.s32 $0xFFFFF086  }
0x25: {  	[simem:s6], [sflag:s4] =	dma.local [hbm:s3], $0xF7A  }
0x26: {  	[smem:$0x3F96] =	sst s1;
	(tag) =	ssettag s2;
	_ =	strace s9  }
0x27: {  	s1 =	sld [smem:$0x3FA6]  }
0x28: {  	s2 =	sld [smem:$0x3FA7]  }
0x29: {  	s4 =	sld [smem:$0x3FA9]  }
0x2a: {  	p0 =	seq.s32 s5, $0x0;
	s5 =	sld [smem:$0x3FAA]  }
0x2b: {  	s6 =	sld [smem:$0x3FAB]  }
0x2c: {  	s7 =	sld [smem:$0x3FAC]  }
0x2d: {  	s3 =	simm.s32 $0x108;
	s8 =	sld [smem:$0x3FAD]  }
0x2e: {  	s3 =	simm.s32 @!p0 $0x1082;
	s9 =	sld [smem:$0x3FAE]  }
0x2f: {  	lr =	sadd.s32 s0, s3;
	s0 =	sld [smem:$0x3FA5]  }
0x30: {  	s3 =	sld [smem:$0x3FA8]  }
0x31: {  	[smem:$0x3FB1] =	sst s10  }
0x32: {  	s10 =	sld [smem:$0x3FAF];
	_ =	sdelay $0x3  }
0x33: {  	p0 =	seq.s32 s10, $0x1;
	s10 =	sld [smem:$0x3FB1];
	_ =	sdelay $0x3  }
0x34: {  	[smem:$0x3FB1] =	sst s10  }
0x35: {  	s10 =	sld [smem:$0x3FB0];
	_ =	sdelay $0x3  }
0x36: {  	p1 =	seq.s32 s10, $0x1;
	s10 =	sld [smem:$0x3FB1];
	_ =	sdelay $0x3  }
0x37: {  	[smem:$0x3FB1] =	sst s10  }
0x38: {  	s10 =	sld [smem:$0x3FB2]  }
0x39: {  	_ = 	snop;
	(pc) =	sbr.ind lr, $3  }
0x3a: {  	_ = 	snop  }
0x3b: {  	_ = 	snop  }
0x3c: {  	p2 =	seq.s32 s10, $0x1;
	s10 =	sld [smem:$0x3FB1]  }
0x3d: {  	_ =	shalt  }
0x3e: {  	_ =	shalt  }
0x3f: {  	_ =	shalt  }
0x40: {  	_ =	shalt  }
0x41: {  	_ =	shalt  }
0x42: {  	_ =	shalt  }
0x43: {  	_ =	shalt  }
0x44: {  	_ =	shalt  }
0x45: {  	_ =	shalt  }
0x46: {  	_ =	shalt  }
0x47: {  	_ =	shalt  }
0x48: {  	_ =	shalt  }
0x49: {  	_ =	shalt  }
0x4a: {  	_ =	shalt  }
0x4b: {  	_ =	shalt  }
0x4c: {  	_ =	shalt  }
0x4d: {  	_ =	shalt  }
0x4e: {  	_ =	shalt  }
0x4f: {  	_ =	shalt  }
0x50: {  	_ =	shalt  }
0x51: {  	_ =	shalt  }
0x52: {  	_ =	shalt  }
0x53: {  	_ =	shalt  }
0x54: {  	_ =	shalt  }
0x55: {  	_ =	shalt  }
0x56: {  	_ =	shalt  }
0x57: {  	_ =	shalt  }
0x58: {  	_ =	shalt  }
0x59: {  	_ =	shalt  }
0x5a: {  	_ =	shalt  }
0x5b: {  	_ =	shalt  }
0x5c: {  	_ =	shalt  }
0x5d: {  	_ =	shalt  }
0x5e: {  	_ =	shalt  }
0x5f: {  	_ =	shalt  }
0x60: {  	_ =	shalt  }
0x61: {  	_ =	shalt  }
0x62: {  	_ =	shalt  }
0x63: {  	_ =	shalt  }
0x64: {  	_ =	shalt  }
0x65: {  	_ =	shalt  }
0x66: {  	_ =	shalt  }
0x67: {  	_ =	shalt  }
0x68: {  	_ =	shalt  }
0x69: {  	_ =	shalt  }
0x6a: {  	_ =	shalt  }
0x6b: {  	_ =	shalt  }
0x6c: {  	_ =	shalt  }
0x6d: {  	_ =	shalt  }
0x6e: {  	_ =	shalt  }
0x6f: {  	_ =	shalt  }
0x70: {  	_ =	shalt  }
0x71: {  	_ =	shalt  }
0x72: {  	_ =	shalt  }
0x73: {  	_ =	shalt  }
0x74: {  	_ =	shalt  }
0x75: {  	_ =	shalt  }
0x76: {  	_ =	shalt  }
0x77: {  	_ =	shalt  }
0x78: {  	_ =	shalt  }
0x79: {  	_ =	shalt  }
0x7a: {  	_ =	shalt  }
0x7b: {  	_ =	shalt  }
0x7c: {  	_ =	shalt  }
0x7d: {  	_ =	shalt  }
0x7e: {  	_ =	shalt  }
0x7f: {  	_ =	shalt  }
0x80: {  	_ =	shalt  }
0x81: {  	_ =	shalt  }
0x82: {  	_ =	shalt  }
0x83: {  	_ =	shalt  }
0x84: {  	_ =	shalt  }
0x85: {  	_ =	shalt  }
0x86: {  	_ =	shalt  }
0x87: {  	_ =	shalt  }
.Lfunc_end0:
.L_simem_size_0:
called_computation_lowered:
.L_overlay_start_0:
0x88: {  	s2 =	sld [smem:$0x3FD9]  }
0x89: {  	s3 =	sld [smem:$0x3FFE];
	_ =	sdelay $0x1  }
0x8a: {  	s1 =	srdreg.scid  }
0x8b: {  	s0 =	sand.u32 $0x1, s1  }
0x8c: {  	s17 =	sshll.u32 s0, $0xA;
	s2 =	sadd.s32 s3, s2  }
0x8d: {  	s2 =	sadd.s32 s2, s17  }
0x8e: {  	[smem:$0x3FBD] =	sst s2  }
0x8f: {  	_ = 	snop  }
0x90: {  	s2 =	sld [smem:$0x3FD0];
	(tm) =	ssettm $0x1  }
0x91: {  	s18 =	sld [smem:$0x3FFB];
	_ =	sdelay $0x3  }
0x92: {  	_ =	strace s18  }
0x93: {  	s3 =	sld [smem:$0x3FFC];
	_ =	sdelay $0x3  }
0x94: {  	_ =	strace s3  }
0x95: {  	s3 =	sld [smem:$0x3FFD];
	_ =	sdelay $0x3  }
0x96: {  	_ =	strace s3  }
0x97: {  	_ =	strace $0x8FFFFFFF  }
0x98: {  	s19 =	sld [smem:$0x3FDB];
	_ =	sdelay $0x1  }
0x99: {  	s4 =	simm.s32 $_scs_section_size  }
0x9a: {  	s5 =	simm.s32 $_size__tile_overlayer_lowered;
	s6 =	simm.s32 $_tile_overlayer_lowered  }
0x9b: {  	s22 =	simm.s32 $0x1BFF;
	s21 =	sshll.u32 s6, $0x1;
	s3 =	sadd.s32 s4, s19  }
0x9c: {  	s7 =	simm.s32 $0x0;
	s20 =	sshll.u32 s5, $0x1;
	s5 =	sadd.s32 s21, s3  }
0x9d: {  	[timem:s7], [sflag:s22] =	dma.local [hbm:s5], s20  }
0x9e: {  	_ =	swait.ge [sflag:s22], s20  }
0x9f: {  	s4 =	ssub.s32 $0x0, s20;
	[sflag:s22] =	ssyncset.done $0x0  }
0xa0: {  	[sflag:s22] =	ssyncadd.s32 s4;
	_ =	sdelay $0x1  }
0xa1: {  	s23 =	simm.s32 $0x1B8B  }
0xa2: {  	_ =	swait.ge [sflag:s23], $0x1  }
0xa3: {  	[sflag:s23] =	ssyncset.done $0x0  }
0xa4: {  	s25 =	simm.s32 $0x1B8E;
	s24 =	sld [smem:$0x3FFE];
	[sflag:s23] =	ssyncadd.s32 $0xFFFFFFFF  }
0xa5: {  	s26 =	simm.s32 $execute0_lowered;
	[smem:$0x3FD2] =	sst s25  }
0xa6: {  	s5 =	sshll.u32 s26, $0x1;
	_ =	strace $0x80000046;
	[dreg:$0x1] =	wrdreg $0xFFFFFFFF  }
0xa7: {  	s28 =	simm.s32 $_size_execute0_lowered;
	s3 =	sadd.s32 s3, s5;
	[dreg:$0x0] =	wrdreg $0x0  }
0xa8: {  	s5 =	sshll.u32 s28, $0x1;
	[dreg:$0x2] =	wrdreg s3  }
0xa9: {  	[dreg:$0x3] =	wrdreg s5  }
0xaa: {  	[dreg:$0x4] =	wrdreg $0xC0  }
0xab: {  	_ =	task [dreg:s7], $0x5FFFF  }
0xac: {  	[dreg:$0x1] =	wrdreg $0xFFFFFFFF  }
0xad: {  	[dreg:$0x0] =	wrdreg $0x60  }
0xae: {  	[dreg:$0x2] =	wrdreg s2  }
0xaf: {  	[dreg:$0x3] =	wrdreg s24  }
0xb0: {  	[dreg:$0x4] =	wrdreg $0x70000  }
0xb1: {  	[dreg:$0x5] =	wrdreg $0x9  }
0xb2: {  	_ =	task.clear_ibuf [dreg:s7], $0x6FFFF;
	_ =	strace $0x90000046  }
0xb3: {  	s29 =	simm.s32 $0x9;
	_ =	strace $0x80000048  }
0xb4: {  	_ =	swait.ge [sflag:s29], $0x1  }
0xb5: {  	[sflag:s29] =	ssyncadd.s32 $0xFFFFFFFF  }
0xb6: {  	_ =	strace $0x90000048  }
0xb7: {  	_ =	sfence  }
0xb8: {  	s30 =	sld [smem:$0x0];
	_ =	sdelay $0x2  }
0xb9: {  	s31 =	sshll.u32 s1, $0xD;
	s1 =	sshrl.u32 s1, $0x2  }
0xba: {  	s3 =	sand.u32 $0x4000, s31;
	s1 =	sadd.s32 s1, s30  }
0xbb: {  	s0 =	sor.u32 s3, s0;
	s1 =	sshll.u32 s1, $0x11  }
0xbc: {  	s0 =	sor.u32 s1, s0  }
0xbd: {  	s0 =	sadd.s32 $0x8F2B, s0  }
0xbe: {  	[sflag:s0] =	ssyncadd.remote.s32 $0x1  }
0xbf: {  	_ =	sfence.sel $0xFFFF  }
0xc0: {  	[dreg:$0x0] =	wrdreg $0xFFFFFFFF;
	(pc) =	sbr.abs _section_cstart, $3  }
0xc1: {  	[dreg:$0x1] =	wrdreg $0xFFFFFFFF  }
0xc2: {  	_ =	task.clear_ibuf [dreg:s7], $0x2FFFF;
	_ =	strace $0x9FFFFFFF  }
0xc3: {  	(tm) =	ssettm $0x7FFFFFFF  }
tec
execute0_lowered:
.L_overlay_start_1:
0x0: {  	(tag) =	ssettag $0x1  }
0x1: {  	s1 =	rddreg [dreg:$0x0]  }
0x2: {  	s0 =	rddreg [dreg:$0x1]  }
0x3: {  	s3 =	rddreg [dreg:$0x2]  }
0x4: {  	s4 =	simm.s32 $0x0;
	s20 =	stileid.u32;
	s2 =	srdreg.scid  }
0x5: {  	s28 =	simm.s32 $0x1F00;
	s29 =	simm.s32 $0x1F80;
	s31 =	simm.s32 $0x0  }
0x6: {  	[smem:$0x7FF] =	sst s4;
	s5 =	smul.u32 $0x2700, s20;
	s2 =	sand.u32 $0x1, s2  }
0x7: {  	s6 =	sadd.s32 $0x2200, s0;
	s8 =	smul.u32 $0x4E000, s20;
	s16 =	sadd.s32 $0x12200, s0  }
0x8: {  	s17 =	sadd.s32 $0x49400, s0;
	s15 =	sshll.u32 s20, $0xC;
	s21 =	sadd.s32 $0x124800, s3  }
0x9: {  	p0 =	seq.s32 s20, $0xF;
	_ =	strace $0x80000047;
	s7 =	ssub.s32 $0x2, s2  }
0xa: {  	s18 =	sshll.u32 s2, $0xB;
	[dreg:$0x6] =	wrdreg s21;
	s2 =	smul.u32 $0x138C00, s2  }
0xb: {  	s21 =	simm.s32 $0x1000;
	s5 =	sadd.s32 s5, s0;
	s9 =	sshrl.u32 s7, $0x1  }
0xc: {  	s14 =	sshrl.u32 s8, $0x2;
	s22 =	sor.u32 s18, s15;
	s8 =	sadd.s32 $0x46B00, s0  }
0xd: {  	s18 =	smul.u32 $0x13800, s20;
	s20 =	simm.s32 $0x2;
	s19 =	ssub.s32 s7, s9  }
0xe: {  	s7 =	sadd.s32 s14, s3;
	s5 =	sadd.s32 $0x22200, s5;
	s9 =	sadd.s32 s6, s22  }
0xf: {  	s23 =	sor.u32 $0x200, s22;
	s10 =	sadd.s32 s16, s22;
	s24 =	sor.u32 $0x400, s22  }
0x10: {  	s25 =	sor.u32 $0x600, s22;
	s22 =	simm.s32 $0x50;
	[dreg:$0x4] =	wrdreg s7  }
0x11: {  	[dreg:$0x5] =	wrdreg s5;
	s11 =	sadd.s32 s6, s23;
	s12 =	sadd.s32 s16, s23  }
0x12: {  	s13 =	sadd.s32 s6, s24;
	s14 =	sadd.s32 s16, s24;
	s15 =	sadd.s32 s6, s25  }
0x13: {  	s26 =	sadd.s32 s18, s2;
	s2 =	sshrl.u32 s2, $0x3;
	s16 =	sadd.s32 s16, s25  }
0x14: {  	s19 =	smax.u32 s19, $0x1;
	s23 =	simm.s32 $0x2000;
	s24 =	simm.s32 $0x80  }
0x15: {  	s25 =	simm.s32 $0x4800;
	s30 =	sshrl.u32 s26, $0x3;
	s2 =	sadd.s32 s17, s2  }
0x16: {  	s26 =	simm.s32 $0x1;
	s17 =	sadd.s32 s17, s30;
	s18 =	sadd.s32 $0x24900, s2  }
.LBB2_1:
0x17: {  	s0 =	rddreg [dreg:$0x6]  }
0x18: {  	s2 =	simm.s32 @p0 $0x1FC2;
	s0 =	sshrl.u32 @p0 s0, $0x3  }
0x19: {  	[spmem:s0], [sflag:s2] =	dma.local @p0 [hbm:s8], $0x2880  }
0x1a: {  	s2 =	simm.s32 @p0 $0x2  }
0x1b: {  	_ =	swait.ge @p0 [sflag:s2], $0x2880  }
0x1c: {  	s5 =	stileid.u32;
	[sflag:s2] =	ssyncset.done @p0 $0x0  }
0x1d: {  	s5 =	sshll.u32 @!p0 s5, $0x6;
	[sflag:s2] =	ssyncadd.s32 @p0 $0xFFFFD780;
	s2 =	rddreg [dreg:$0x4]  }
0x1e: {  	s30 =	sor.u32 @!p0 $0x1C02, s5;
	s5 =	rddreg [dreg:$0x5];
	s2 =	sshrl.u32 @!p0 s2, $0x3  }
0x1f: {  	[spmem:s2], [sflag:s30] =	dma.local @!p0 [hbm:s5], $0x2700  }
0x20: {  	s5 =	simm.s32 @!p0 $0x2  }
0x21: {  	_ =	swait.ge @!p0 [sflag:s5], $0x2700  }
0x22: {  	[sflag:s5] =	ssyncset.done @!p0 $0x0  }
0x23: {  	[sflag:s5] =	ssyncadd.s32 @!p0 $0xFFFFD900  }
0x24: {  	[bflag:$0x0] =	sbarrier.arrive $0xFFFF  }
0x25: {  	[tilespmem:s4], [sflag:$0x2] =	stream.linear.gather [hbm4b:s9+s4], $0x1000, $0x38;
	[tilespmem:$0x1A8C0] =	vst v63  }
0x26: {  	_ =	swait.ge [sflag:s20], $0x1000  }
0x27: {  	[sflag:s20] =	ssyncset.done $0x0  }
0x28: {  	[sflag:s20] =	ssyncadd.s32 $0xFFFFF000  }
0x29: {  	[tilespmem:s21], [sflag:$0x2] =	stream.linear.gather [hbm4b:s10+s4], $0x1000, $0x38;
	[tilespmem:$0x1A8C0] =	vst v63  }
0x2a: {  	_ =	swait.ge [sflag:s20], $0x1000  }
0x2b: {  	[sflag:s20] =	ssyncset.done $0x0  }
0x2c: {  	[sflag:s20] =	ssyncadd.s32 $0xFFFFF000  }
0x2d: {  	[tilespmem:s23], [sflag:$0x1] =	stream.indirect.gather [hbm4b:s1+s22], $0x80, s4, s22, $0xb8;
	[tilespmem:$0x1A8C0] =	vst v63  }
0x2e: {  	_ = 	snop  }
0x2f: {  	[tilespmem:s25], [sflag:$0x1] =	stream.indirect.gather [hbm4b:s1+s22], $0x80, s24, s22, $0xb8;
	[tilespmem:$0x1A8C0] =	vst v63  }
0x30: {  	_ =	swait.ge [sflag:s26], $0x2800  }
0x31: {  	[sflag:s26] =	ssyncset.done $0x0  }
0x32: {  	s7 =	simm.s32 $0x1000;
	[sflag:s26] =	ssyncadd.s32 $0xFFFFD800  }
0x33: {  	[spmem:s3] =	stream.indirect.scatter.add.f32 [tilespmem:s23], [sflag:$0x2], $0x80, s7, s22, $0xb8;
	[tilespmem:$0x1A8C0] =	vst v63  }
0x34: {  	_ =	swait.ge [sflag:s20], $0x2800  }
0x35: {  	[sflag:s20] =	ssyncset.done $0x0  }
0x36: {  	s6 =	simm.s32 $0x100;
	[sflag:s20] =	ssyncadd.s32 $0xFFFFD800  }
0x37: {  	[tilespmem:s23], [sflag:$0x1] =	stream.indirect.gather [hbm4b:s1+s22], $0x80, s6, s22, $0xb8;
	[tilespmem:$0x1A8C0] =	vst v63  }
0x38: {  	_ =	swait.ge [sflag:s26], $0x2800  }
0x39: {  	[sflag:s26] =	ssyncset.done $0x0  }
0x3a: {  	s7 =	simm.s32 $0x1080;
	[sflag:s26] =	ssyncadd.s32 $0xFFFFD800  }
0x3b: {  	[spmem:s3] =	stream.indirect.scatter.add.f32 [tilespmem:s25], [sflag:$0x2], $0x80, s7, s22, $0xb8;
	[tilespmem:$0x1A8C0] =	vst v63  }
0x3c: {  	_ =	swait.ge [sflag:s20], $0x2800  }
0x3d: {  	[sflag:s20] =	ssyncset.done $0x0  }
0x3e: {  	s5 =	simm.s32 $0x400;
	s6 =	simm.s32 $0x180;
	[sflag:s20] =	ssyncadd.s32 $0xFFFFD800  }
.LBB2_2:
0x3f: {  	[tilespmem:s25], [sflag:$0x1] =	stream.indirect.gather [hbm4b:s1+s22], $0x80, s6, s22, $0xb8;
	[tilespmem:$0x1A8C0] =	vst v63  }
0x40: {  	s6 =	smov.u32 s5  }
0x41: {  	p1 =	sne.s32 s5, $0x3800;
	s5 =	sadd.s32 $0x400, s5;
	_ =	swait.ge [sflag:s26], $0x2800  }
0x42: {  	s6 =	sshra.s32 s6, $0x2;
	[sflag:s26] =	ssyncset.done $0x0  }
0x43: {  	s7 =	sadd.s32 $0x1000, s6;
	[sflag:s26] =	ssyncadd.s32 $0xFFFFD800  }
0x44: {  	[spmem:s3] =	stream.indirect.scatter.add.f32 [tilespmem:s23], [sflag:$0x2], $0x80, s7, s22, $0xb8;
	[tilespmem:$0x1A8C0] =	vst v63  }
0x45: {  	_ =	swait.ge [sflag:s20], $0x2800  }
0x46: {  	[sflag:s20] =	ssyncset.done $0x0  }
0x47: {  	s7 =	sadd.s32 $0x100, s6;
	[sflag:s20] =	ssyncadd.s32 $0xFFFFD800  }
0x48: {  	[tilespmem:s23], [sflag:$0x1] =	stream.indirect.gather [hbm4b:s1+s22], $0x80, s7, s22, $0xb8;
	[tilespmem:$0x1A8C0] =	vst v63  }
0x49: {  	_ =	swait.ge [sflag:s26], $0x2800  }
0x4a: {  	[sflag:s26] =	ssyncset.done $0x0  }
.Ltmp0:
0x4b: {  	s7 =	sadd.s32 $0x1080, s6;
	[sflag:s26] =	ssyncadd.s32 $0xFFFFD800;
	(pc) =	sbr.rel @p1 .LBB2_2-.Ltmp0, $4  }
0x4c: {  	[spmem:s3] =	stream.indirect.scatter.add.f32 [tilespmem:s25], [sflag:$0x2], $0x80, s7, s22, $0xb8;
	[tilespmem:$0x1A8C0] =	vst v63  }
0x4d: {  	_ =	swait.ge [sflag:s20], $0x2800  }
0x4e: {  	[sflag:s20] =	ssyncset.done $0x0  }
0x4f: {  	s6 =	sadd.s32 $0x180, s6;
	[sflag:s20] =	ssyncadd.s32 $0xFFFFD800  }
0x50: {  	[tilespmem:s25], [sflag:$0x1] =	stream.indirect.gather [hbm4b:s1+s22], $0x80, s6, s22, $0xb8;
	[tilespmem:$0x1A8C0] =	vst v63  }
0x51: {  	_ =	swait.ge [sflag:s26], $0x2800  }
0x52: {  	[sflag:s26] =	ssyncset.done $0x0  }
0x53: {  	[sflag:s26] =	ssyncadd.s32 $0xFFFFD800  }
0x54: {  	[spmem:s3] =	stream.indirect.scatter.add.f32 [tilespmem:s23], [sflag:$0x2], $0x80, s28, s22, $0xb8;
	[tilespmem:$0x1A8C0] =	vst v63  }
0x55: {  	_ =	swait.ge [sflag:s20], $0x2800  }
0x56: {  	[sflag:s20] =	ssyncset.done $0x0  }
0x57: {  	[sflag:s20] =	ssyncadd.s32 $0xFFFFD800  }
0x58: {  	_ =	swait.ge [sflag:s26], $0x2800  }
0x59: {  	[sflag:s26] =	ssyncset.done $0x0  }
0x5a: {  	[sflag:s26] =	ssyncadd.s32 $0xFFFFD800  }
0x5b: {  	[spmem:s3] =	stream.indirect.scatter.add.f32 [tilespmem:s25], [sflag:$0x2], $0x80, s29, s22, $0xb8;
	[tilespmem:$0x1A8C0] =	vst v63  }
0x5c: {  	_ =	swait.ge [sflag:s20], $0x2800  }
0x5d: {  	[sflag:s20] =	ssyncset.done $0x0  }
0x5e: {  	s5 =	simm.s32 $0x0;
	[sflag:s20] =	ssyncadd.s32 $0xFFFFD800  }
0x5f: {  	[tilespmem:s5], [sflag:$0x2] =	stream.linear.gather [hbm4b:s11+s5], $0x1000, $0x38;
	[tilespmem:$0x1A8C0] =	vst v63  }
0x60: {  	_ =	swait.ge [sflag:s20], $0x1000  }
0x61: {  	[sflag:s20] =	ssyncset.done $0x0  }
0x62: {  	[sflag:s20] =	ssyncadd.s32 $0xFFFFF000  }
0x63: {  	[tilespmem:s21], [sflag:$0x2] =	stream.linear.gather [hbm4b:s12+s5], $0x1000, $0x38;
	[tilespmem:$0x1A8C0] =	vst v63  }
0x64: {  	_ =	swait.ge [sflag:s20], $0x1000  }
0x65: {  	[sflag:s20] =	ssyncset.done $0x0  }
0x66: {  	[sflag:s20] =	ssyncadd.s32 $0xFFFFF000  }
0x67: {  	[tilespmem:s23], [sflag:$0x1] =	stream.indirect.gather [hbm4b:s1+s22], $0x80, s5, s22, $0xb8;
	[tilespmem:$0x1A8C0] =	vst v63  }
0x68: {  	_ = 	snop  }
0x69: {  	[tilespmem:s25], [sflag:$0x1] =	stream.indirect.gather [hbm4b:s1+s22], $0x80, s24, s22, $0xb8;
	[tilespmem:$0x1A8C0] =	vst v63  }
0x6a: {  	_ =	swait.ge [sflag:s26], $0x2800  }
0x6b: {  	[sflag:s26] =	ssyncset.done $0x0  }
0x6c: {  	s7 =	simm.s32 $0x1000;
	[sflag:s26] =	ssyncadd.s32 $0xFFFFD800  }
0x6d: {  	[spmem:s3] =	stream.indirect.scatter.add.f32 [tilespmem:s23], [sflag:$0x2], $0x80, s7, s22, $0xb8;
	[tilespmem:$0x1A8C0] =	vst v63  }
0x6e: {  	_ =	swait.ge [sflag:s20], $0x2800  }
0x6f: {  	[sflag:s20] =	ssyncset.done $0x0  }
0x70: {  	s6 =	simm.s32 $0x100;
	[sflag:s20] =	ssyncadd.s32 $0xFFFFD800  }
0x71: {  	[tilespmem:s23], [sflag:$0x1] =	stream.indirect.gather [hbm4b:s1+s22], $0x80, s6, s22, $0xb8;
	[tilespmem:$0x1A8C0] =	vst v63  }
0x72: {  	_ =	swait.ge [sflag:s26], $0x2800  }
0x73: {  	[sflag:s26] =	ssyncset.done $0x0  }
0x74: {  	s7 =	simm.s32 $0x1080;
	[sflag:s26] =	ssyncadd.s32 $0xFFFFD800  }
0x75: {  	[spmem:s3] =	stream.indirect.scatter.add.f32 [tilespmem:s25], [sflag:$0x2], $0x80, s7, s22, $0xb8;
	[tilespmem:$0x1A8C0] =	vst v63  }
0x76: {  	_ =	swait.ge [sflag:s20], $0x2800  }
0x77: {  	[sflag:s20] =	ssyncset.done $0x0  }
0x78: {  	s5 =	simm.s32 $0x400;
	s6 =	simm.s32 $0x180;
	[sflag:s20] =	ssyncadd.s32 $0xFFFFD800  }
.LBB2_4:
0x79: {  	[tilespmem:s25], [sflag:$0x1] =	stream.indirect.gather [hbm4b:s1+s22], $0x80, s6, s22, $0xb8;
	[tilespmem:$0x1A8C0] =	vst v63  }
0x7a: {  	s6 =	smov.u32 s5  }
0x7b: {  	p1 =	sne.s32 s5, $0x3800;
	s5 =	sadd.s32 $0x400, s5;
	_ =	swait.ge [sflag:s26], $0x2800  }
0x7c: {  	s6 =	sshra.s32 s6, $0x2;
	[sflag:s26] =	ssyncset.done $0x0  }
0x7d: {  	s7 =	sadd.s32 $0x1000, s6;
	[sflag:s26] =	ssyncadd.s32 $0xFFFFD800  }
0x7e: {  	[spmem:s3] =	stream.indirect.scatter.add.f32 [tilespmem:s23], [sflag:$0x2], $0x80, s7, s22, $0xb8;
	[tilespmem:$0x1A8C0] =	vst v63  }
0x7f: {  	_ =	swait.ge [sflag:s20], $0x2800  }
0x80: {  	[sflag:s20] =	ssyncset.done $0x0  }
0x81: {  	s7 =	sadd.s32 $0x100, s6;
	[sflag:s20] =	ssyncadd.s32 $0xFFFFD800  }
0x82: {  	[tilespmem:s23], [sflag:$0x1] =	stream.indirect.gather [hbm4b:s1+s22], $0x80, s7, s22, $0xb8;
	[tilespmem:$0x1A8C0] =	vst v63  }
0x83: {  	_ =	swait.ge [sflag:s26], $0x2800  }
0x84: {  	[sflag:s26] =	ssyncset.done $0x0  }
.Ltmp1:
0x85: {  	s7 =	sadd.s32 $0x1080, s6;
	[sflag:s26] =	ssyncadd.s32 $0xFFFFD800;
	(pc) =	sbr.rel @p1 .LBB2_4-.Ltmp1, $4  }
0x86: {  	[spmem:s3] =	stream.indirect.scatter.add.f32 [tilespmem:s25], [sflag:$0x2], $0x80, s7, s22, $0xb8;
	[tilespmem:$0x1A8C0] =	vst v63  }
0x87: {  	_ =	swait.ge [sflag:s20], $0x2800  }
0x88: {  	[sflag:s20] =	ssyncset.done $0x0  }
0x89: {  	s6 =	sadd.s32 $0x180, s6;
	[sflag:s20] =	ssyncadd.s32 $0xFFFFD800  }
0x8a: {  	[tilespmem:s25], [sflag:$0x1] =	stream.indirect.gather [hbm4b:s1+s22], $0x80, s6, s22, $0xb8;
	[tilespmem:$0x1A8C0] =	vst v63  }
0x8b: {  	_ =	swait.ge [sflag:s26], $0x2800  }
0x8c: {  	[sflag:s26] =	ssyncset.done $0x0  }
0x8d: {  	[sflag:s26] =	ssyncadd.s32 $0xFFFFD800  }
0x8e: {  	[spmem:s3] =	stream.indirect.scatter.add.f32 [tilespmem:s23], [sflag:$0x2], $0x80, s28, s22, $0xb8;
	[tilespmem:$0x1A8C0] =	vst v63  }
0x8f: {  	_ =	swait.ge [sflag:s20], $0x2800  }
0x90: {  	[sflag:s20] =	ssyncset.done $0x0  }
0x91: {  	[sflag:s20] =	ssyncadd.s32 $0xFFFFD800  }
0x92: {  	_ =	swait.ge [sflag:s26], $0x2800  }
0x93: {  	[sflag:s26] =	ssyncset.done $0x0  }
0x94: {  	[sflag:s26] =	ssyncadd.s32 $0xFFFFD800  }
0x95: {  	[spmem:s3] =	stream.indirect.scatter.add.f32 [tilespmem:s25], [sflag:$0x2], $0x80, s29, s22, $0xb8;
	[tilespmem:$0x1A8C0] =	vst v63  }
0x96: {  	_ =	swait.ge [sflag:s20], $0x2800  }
0x97: {  	[sflag:s20] =	ssyncset.done $0x0  }
0x98: {  	s5 =	simm.s32 $0x0;
	[sflag:s20] =	ssyncadd.s32 $0xFFFFD800  }
0x99: {  	[tilespmem:s5], [sflag:$0x2] =	stream.linear.gather [hbm4b:s13+s5], $0x1000, $0x38;
	[tilespmem:$0x1A8C0] =	vst v63  }
0x9a: {  	_ =	swait.ge [sflag:s20], $0x1000  }
0x9b: {  	[sflag:s20] =	ssyncset.done $0x0  }
0x9c: {  	[sflag:s20] =	ssyncadd.s32 $0xFFFFF000  }
0x9d: {  	[tilespmem:s21], [sflag:$0x2] =	stream.linear.gather [hbm4b:s14+s5], $0x1000, $0x38;
	[tilespmem:$0x1A8C0] =	vst v63  }
0x9e: {  	_ =	swait.ge [sflag:s20], $0x1000  }
0x9f: {  	[sflag:s20] =	ssyncset.done $0x0  }
0xa0: {  	[sflag:s20] =	ssyncadd.s32 $0xFFFFF000  }
0xa1: {  	[tilespmem:s23], [sflag:$0x1] =	stream.indirect.gather [hbm4b:s1+s22], $0x80, s5, s22, $0xb8;
	[tilespmem:$0x1A8C0] =	vst v63  }
0xa2: {  	_ = 	snop  }
0xa3: {  	[tilespmem:s25], [sflag:$0x1] =	stream.indirect.gather [hbm4b:s1+s22], $0x80, s24, s22, $0xb8;
	[tilespmem:$0x1A8C0] =	vst v63  }
0xa4: {  	_ =	swait.ge [sflag:s26], $0x2800  }
0xa5: {  	[sflag:s26] =	ssyncset.done $0x0  }
0xa6: {  	s7 =	simm.s32 $0x1000;
	[sflag:s26] =	ssyncadd.s32 $0xFFFFD800  }
0xa7: {  	[spmem:s3] =	stream.indirect.scatter.add.f32 [tilespmem:s23], [sflag:$0x2], $0x80, s7, s22, $0xb8;
	[tilespmem:$0x1A8C0] =	vst v63  }
0xa8: {  	_ =	swait.ge [sflag:s20], $0x2800  }
0xa9: {  	[sflag:s20] =	ssyncset.done $0x0  }
0xaa: {  	s6 =	simm.s32 $0x100;
	[sflag:s20] =	ssyncadd.s32 $0xFFFFD800  }
0xab: {  	[tilespmem:s23], [sflag:$0x1] =	stream.indirect.gather [hbm4b:s1+s22], $0x80, s6, s22, $0xb8;
	[tilespmem:$0x1A8C0] =	vst v63  }
0xac: {  	_ =	swait.ge [sflag:s26], $0x2800  }
0xad: {  	[sflag:s26] =	ssyncset.done $0x0  }
0xae: {  	s7 =	simm.s32 $0x1080;
	[sflag:s26] =	ssyncadd.s32 $0xFFFFD800  }
0xaf: {  	[spmem:s3] =	stream.indirect.scatter.add.f32 [tilespmem:s25], [sflag:$0x2], $0x80, s7, s22, $0xb8;
	[tilespmem:$0x1A8C0] =	vst v63  }
0xb0: {  	_ =	swait.ge [sflag:s20], $0x2800  }
0xb1: {  	[sflag:s20] =	ssyncset.done $0x0  }
0xb2: {  	s5 =	simm.s32 $0x400;
	s6 =	simm.s32 $0x180;
	[sflag:s20] =	ssyncadd.s32 $0xFFFFD800  }
.LBB2_6:
0xb3: {  	[tilespmem:s25], [sflag:$0x1] =	stream.indirect.gather [hbm4b:s1+s22], $0x80, s6, s22, $0xb8;
	[tilespmem:$0x1A8C0] =	vst v63  }
0xb4: {  	s6 =	smov.u32 s5  }
0xb5: {  	p1 =	sne.s32 s5, $0x3800;
	s5 =	sadd.s32 $0x400, s5;
	_ =	swait.ge [sflag:s26], $0x2800  }
0xb6: {  	s6 =	sshra.s32 s6, $0x2;
	[sflag:s26] =	ssyncset.done $0x0  }
0xb7: {  	s7 =	sadd.s32 $0x1000, s6;
	[sflag:s26] =	ssyncadd.s32 $0xFFFFD800  }
0xb8: {  	[spmem:s3] =	stream.indirect.scatter.add.f32 [tilespmem:s23], [sflag:$0x2], $0x80, s7, s22, $0xb8;
	[tilespmem:$0x1A8C0] =	vst v63  }
0xb9: {  	_ =	swait.ge [sflag:s20], $0x2800  }
0xba: {  	[sflag:s20] =	ssyncset.done $0x0  }
0xbb: {  	s7 =	sadd.s32 $0x100, s6;
	[sflag:s20] =	ssyncadd.s32 $0xFFFFD800  }
0xbc: {  	[tilespmem:s23], [sflag:$0x1] =	stream.indirect.gather [hbm4b:s1+s22], $0x80, s7, s22, $0xb8;
	[tilespmem:$0x1A8C0] =	vst v63  }
0xbd: {  	_ =	swait.ge [sflag:s26], $0x2800  }
0xbe: {  	[sflag:s26] =	ssyncset.done $0x0  }
.Ltmp2:
0xbf: {  	s7 =	sadd.s32 $0x1080, s6;
	[sflag:s26] =	ssyncadd.s32 $0xFFFFD800;
	(pc) =	sbr.rel @p1 .LBB2_6-.Ltmp2, $4  }
0xc0: {  	[spmem:s3] =	stream.indirect.scatter.add.f32 [tilespmem:s25], [sflag:$0x2], $0x80, s7, s22, $0xb8;
	[tilespmem:$0x1A8C0] =	vst v63  }
0xc1: {  	_ =	swait.ge [sflag:s20], $0x2800  }
0xc2: {  	[sflag:s20] =	ssyncset.done $0x0  }
0xc3: {  	s6 =	sadd.s32 $0x180, s6;
	[sflag:s20] =	ssyncadd.s32 $0xFFFFD800  }
0xc4: {  	[tilespmem:s25], [sflag:$0x1] =	stream.indirect.gather [hbm4b:s1+s22], $0x80, s6, s22, $0xb8;
	[tilespmem:$0x1A8C0] =	vst v63  }
0xc5: {  	_ =	swait.ge [sflag:s26], $0x2800  }
0xc6: {  	[sflag:s26] =	ssyncset.done $0x0  }
0xc7: {  	[sflag:s26] =	ssyncadd.s32 $0xFFFFD800  }
0xc8: {  	[spmem:s3] =	stream.indirect.scatter.add.f32 [tilespmem:s23], [sflag:$0x2], $0x80, s28, s22, $0xb8;
	[tilespmem:$0x1A8C0] =	vst v63  }
0xc9: {  	_ =	swait.ge [sflag:s20], $0x2800  }
0xca: {  	[sflag:s20] =	ssyncset.done $0x0  }
0xcb: {  	[sflag:s20] =	ssyncadd.s32 $0xFFFFD800  }
0xcc: {  	_ =	swait.ge [sflag:s26], $0x2800  }
0xcd: {  	[sflag:s26] =	ssyncset.done $0x0  }
0xce: {  	[sflag:s26] =	ssyncadd.s32 $0xFFFFD800  }
0xcf: {  	[spmem:s3] =	stream.indirect.scatter.add.f32 [tilespmem:s25], [sflag:$0x2], $0x80, s29, s22, $0xb8;
	[tilespmem:$0x1A8C0] =	vst v63  }
0xd0: {  	_ =	swait.ge [sflag:s20], $0x2800  }
0xd1: {  	[sflag:s20] =	ssyncset.done $0x0  }
0xd2: {  	s5 =	simm.s32 $0x0;
	[sflag:s20] =	ssyncadd.s32 $0xFFFFD800  }
0xd3: {  	[tilespmem:s5], [sflag:$0x2] =	stream.linear.gather [hbm4b:s15+s5], $0x1000, $0x38;
	[tilespmem:$0x1A8C0] =	vst v63  }
0xd4: {  	_ =	swait.ge [sflag:s20], $0x1000  }
0xd5: {  	[sflag:s20] =	ssyncset.done $0x0  }
0xd6: {  	[sflag:s20] =	ssyncadd.s32 $0xFFFFF000  }
0xd7: {  	[tilespmem:s21], [sflag:$0x2] =	stream.linear.gather [hbm4b:s16+s5], $0x1000, $0x38;
	[tilespmem:$0x1A8C0] =	vst v63  }
0xd8: {  	_ =	swait.ge [sflag:s20], $0x1000  }
0xd9: {  	[sflag:s20] =	ssyncset.done $0x0  }
0xda: {  	[sflag:s20] =	ssyncadd.s32 $0xFFFFF000  }
0xdb: {  	[tilespmem:s23], [sflag:$0x1] =	stream.indirect.gather [hbm4b:s1+s22], $0x80, s5, s22, $0xb8;
	[tilespmem:$0x1A8C0] =	vst v63  }
0xdc: {  	_ = 	snop  }
0xdd: {  	[tilespmem:s25], [sflag:$0x1] =	stream.indirect.gather [hbm4b:s1+s22], $0x80, s24, s22, $0xb8;
	[tilespmem:$0x1A8C0] =	vst v63  }
0xde: {  	_ =	swait.ge [sflag:s26], $0x2800  }
0xdf: {  	[sflag:s26] =	ssyncset.done $0x0  }
0xe0: {  	s7 =	simm.s32 $0x1000;
	[sflag:s26] =	ssyncadd.s32 $0xFFFFD800  }
0xe1: {  	[spmem:s3] =	stream.indirect.scatter.add.f32 [tilespmem:s23], [sflag:$0x2], $0x80, s7, s22, $0xb8;
	[tilespmem:$0x1A8C0] =	vst v63  }
0xe2: {  	_ =	swait.ge [sflag:s20], $0x2800  }
0xe3: {  	[sflag:s20] =	ssyncset.done $0x0  }
0xe4: {  	s6 =	simm.s32 $0x100;
	[sflag:s20] =	ssyncadd.s32 $0xFFFFD800  }
0xe5: {  	[tilespmem:s23], [sflag:$0x1] =	stream.indirect.gather [hbm4b:s1+s22], $0x80, s6, s22, $0xb8;
	[tilespmem:$0x1A8C0] =	vst v63  }
0xe6: {  	_ =	swait.ge [sflag:s26], $0x2800  }
0xe7: {  	[sflag:s26] =	ssyncset.done $0x0  }
0xe8: {  	s7 =	simm.s32 $0x1080;
	[sflag:s26] =	ssyncadd.s32 $0xFFFFD800  }
0xe9: {  	[spmem:s3] =	stream.indirect.scatter.add.f32 [tilespmem:s25], [sflag:$0x2], $0x80, s7, s22, $0xb8;
	[tilespmem:$0x1A8C0] =	vst v63  }
0xea: {  	_ =	swait.ge [sflag:s20], $0x2800  }
0xeb: {  	[sflag:s20] =	ssyncset.done $0x0  }
0xec: {  	s5 =	simm.s32 $0x400;
	s6 =	simm.s32 $0x180;
	[sflag:s20] =	ssyncadd.s32 $0xFFFFD800  }
.LBB2_8:
0xed: {  	[tilespmem:s25], [sflag:$0x1] =	stream.indirect.gather [hbm4b:s1+s22], $0x80, s6, s22, $0xb8;
	[tilespmem:$0x1A8C0] =	vst v63  }
0xee: {  	s6 =	smov.u32 s5  }
0xef: {  	p1 =	sne.s32 s5, $0x3000;
	s5 =	sadd.s32 $0x400, s5;
	_ =	swait.ge [sflag:s26], $0x2800  }
0xf0: {  	s6 =	sshra.s32 s6, $0x2;
	[sflag:s26] =	ssyncset.done $0x0  }
0xf1: {  	s7 =	sadd.s32 $0x1000, s6;
	[sflag:s26] =	ssyncadd.s32 $0xFFFFD800  }
0xf2: {  	[spmem:s3] =	stream.indirect.scatter.add.f32 [tilespmem:s23], [sflag:$0x2], $0x80, s7, s22, $0xb8;
	[tilespmem:$0x1A8C0] =	vst v63  }
0xf3: {  	_ =	swait.ge [sflag:s20], $0x2800  }
0xf4: {  	[sflag:s20] =	ssyncset.done $0x0  }
0xf5: {  	s7 =	sadd.s32 $0x100, s6;
	[sflag:s20] =	ssyncadd.s32 $0xFFFFD800  }
0xf6: {  	[tilespmem:s23], [sflag:$0x1] =	stream.indirect.gather [hbm4b:s1+s22], $0x80, s7, s22, $0xb8;
	[tilespmem:$0x1A8C0] =	vst v63  }
0xf7: {  	_ =	swait.ge [sflag:s26], $0x2800  }
0xf8: {  	[sflag:s26] =	ssyncset.done $0x0  }
.Ltmp3:
0xf9: {  	s7 =	sadd.s32 $0x1080, s6;
	[sflag:s26] =	ssyncadd.s32 $0xFFFFD800;
	(pc) =	sbr.rel @p1 .LBB2_8-.Ltmp3, $4  }
0xfa: {  	[spmem:s3] =	stream.indirect.scatter.add.f32 [tilespmem:s25], [sflag:$0x2], $0x80, s7, s22, $0xb8;
	[tilespmem:$0x1A8C0] =	vst v63  }
0xfb: {  	_ =	swait.ge [sflag:s20], $0x2800  }
0xfc: {  	[sflag:s20] =	ssyncset.done $0x0  }
0xfd: {  	s6 =	sadd.s32 $0x180, s6;
	[sflag:s20] =	ssyncadd.s32 $0xFFFFD800  }
0xfe: {  	[tilespmem:s25], [sflag:$0x1] =	stream.indirect.gather [hbm4b:s1+s22], $0x80, s6, s22, $0xb8;
	[tilespmem:$0x1A8C0] =	vst v63  }
0xff: {  	_ =	swait.ge [sflag:s26], $0x2800  }
0x100: {  	[sflag:s26] =	ssyncset.done $0x0  }
0x101: {  	s5 =	simm.s32 $0x1D00;
	[sflag:s26] =	ssyncadd.s32 $0xFFFFD800  }
0x102: {  	[spmem:s3] =	stream.indirect.scatter.add.f32 [tilespmem:s23], [sflag:$0x2], $0x80, s5, s22, $0xb8;
	[tilespmem:$0x1A8C0] =	vst v63  }
0x103: {  	_ =	swait.ge [sflag:s20], $0x2800  }
0x104: {  	[sflag:s20] =	ssyncset.done $0x0  }
0x105: {  	s7 =	simm.s32 $0xE00;
	[sflag:s20] =	ssyncadd.s32 $0xFFFFD800  }
0x106: {  	[tilespmem:s23], [sflag:$0x1] =	stream.indirect.gather [hbm4b:s1+s22], $0x80, s7, s22, $0xb8;
	[tilespmem:$0x1A8C0] =	vst v63  }
0x107: {  	_ =	swait.ge [sflag:s26], $0x2800  }
0x108: {  	[sflag:s26] =	ssyncset.done $0x0  }
0x109: {  	s6 =	simm.s32 $0x1D80;
	[sflag:s26] =	ssyncadd.s32 $0xFFFFD800  }
0x10a: {  	[spmem:s3] =	stream.indirect.scatter.add.f32 [tilespmem:s25], [sflag:$0x2], $0x80, s6, s22, $0xb8;
	[tilespmem:$0x1A8C0] =	vst v63  }
0x10b: {  	_ =	swait.ge [sflag:s20], $0x2800  }
0x10c: {  	[sflag:s20] =	ssyncset.done $0x0  }
0x10d: {  	[sflag:s20] =	ssyncadd.s32 $0xFFFFD800  }
0x10e: {  	_ =	swait.ge [sflag:s26], $0x2800  }
0x10f: {  	[sflag:s26] =	ssyncset.done $0x0  }
0x110: {  	s7 =	simm.s32 $0x1E00;
	[sflag:s26] =	ssyncadd.s32 $0xFFFFD800  }
0x111: {  	[spmem:s3] =	stream.indirect.scatter.add.f32 [tilespmem:s23], [sflag:$0x2], $0x80, s7, s22, $0xb8;
	[tilespmem:$0x1A8C0] =	vst v63  }
0x112: {  	_ =	swait.ge [sflag:s20], $0x2800  }
0x113: {  	[sflag:s20] =	ssyncset.done $0x0  }
0x114: {  	[sflag:s20] =	ssyncadd.s32 $0xFFFFD800  }
0x115: {  	s5 =	simm.s32 @p0 $0x1FC2;
	[bflag:$0x0] =	sbarrier.arrive $0xFFFF  }
0x116: {  	[hbm:s18], [sflag:s5] =	dma.local @p0 [spmem:s0], $0x2880  }
0x117: {  	s0 =	simm.s32 @p0 $0x2  }
0x118: {  	s31 =	sadd.s32 $0x1, s31;
	_ =	swait.ge @p0 [sflag:s0], $0x2880  }
0x119: {  	p1 =	sne.s32 s31, s19;
	[sflag:s0] =	ssyncset.done @p0 $0x0  }
.Ltmp4:
0x11a: {  	[sflag:s0] =	ssyncadd.s32 @p0 $0xFFFFD780;
	s0 =	simm.s32 @!p0 $0x2;
	(pc) =	sbr.rel @p1 .LBB2_1-.Ltmp4, $4  }
0x11b: {  	[hbm:s17], [sflag:s30] =	dma.local @!p0 [spmem:s2], $0x2700  }
0x11c: {  	_ =	swait.ge @!p0 [sflag:s0], $0x2700  }
0x11d: {  	[sflag:s0] =	ssyncset.done @!p0 $0x0  }
0x11e: {  	[sflag:s0] =	ssyncadd.s32 @!p0 $0xFFFFD900  }
0x11f: {  	_ =	sfence.sel $0x180000  }
0x120: {  	[bflag:$0x0] =	sbarrier.arrive $0xFFFF  }
0x121: {  	_ =	strace $0x90000047  }
0x122: {  	s0 =	stileid.u32;
	[bflag:$0x2] =	sbarrier.arrive $0xFFFF  }
0x123: {  	p0 =	sne.s32 s0, $0x0;
	s0 =	rddreg [dreg:$0x3]  }
0x124: {  	s0 =	sadd.s32 @!p0 $0x100000, s0  }
0x125: {  	[sflag:s0] =	ssyncadd.tile.s32 @!p0 $0x1;
	_ =	shalt  }
.Lfunc_end2:
_tile_overlayer_lowered:
.L_overlay_start_2:
0x126: {  	(tag) =	ssettag $0x2  }
0x127: {  	s0 =	rddreg [dreg:$0x0];
	s2 =	stileid.u32  }
0x128: {  	s1 =	rddreg [dreg:$0x1];
	p0 =	sne.s32 s2, $0x0  }
0x129: {  	s3 =	rddreg [dreg:$0x2];
	[bflag:$0x3] =	sbarrier.arrive $0xFFFF;
	s2 =	simm.s32 @!p0 $0x1C02  }
0x12a: {  	[timem:s3], [sflag:s2] =	dma.local @!p0 [hbm:s0], s1  }
0x12b: {  	s0 =	simm.s32 @!p0 $0x2  }
0x12c: {  	_ =	swait.ge @!p0 [sflag:s0], s1  }
0x12d: {  	s1 =	ssub.s32 @!p0 $0x0, s1;
	[sflag:s0] =	ssyncset.done @!p0 $0x0  }
0x12e: {  	[sflag:s0] =	ssyncadd.s32 @!p0 s1  }
0x12f: {  	[bflag:$0x3] =	sbarrier.arrive $0xFFFF  }
0x130: {  	_ =	shalt  }

</sc_bundles>
